<compile_context>
chip_gen: v7x
topology: tpu7x:2x2x1
jax: 0.10.2.dev20260603
libtpu: 0.0.44.dev20260713+nightly
codegen_flags: <defaults>
</compile_context>

<pallas_src>
import functools

import jax
import jax.numpy as jnp
from jax import lax
from jax.experimental import pallas as pl
from jax.experimental.pallas import tpu as pltpu
from jax.experimental.pallas import tpu_sc as plsc

_B = 16384
_H = 64


def _make_gather_kernel():
    info = plsc.get_sparse_core_info()
    nc, ns = info.num_cores, info.num_subcores
    nw = nc * ns
    bpw = _B // nw

    mesh = plsc.VectorSubcoreMesh(core_axis_name="c", subcore_axis_name="s")

    @functools.partial(
        pl.kernel,
        mesh=mesh,
        out_type=[
            jax.ShapeDtypeStruct((_B, _H), jnp.float32),
            jax.ShapeDtypeStruct((_B, _H), jnp.float32),
        ],
        scratch_types=[
            pltpu.VMEM((bpw,), jnp.int32),
            pltpu.VMEM((bpw,), jnp.int32),
            pltpu.VMEM((128, _H), jnp.float32),
            pltpu.VMEM((128, _H), jnp.float32),
            pltpu.VMEM((128, _H), jnp.float32),
            pltpu.VMEM((128, _H), jnp.float32),
            pltpu.SemaphoreType.DMA,
            pltpu.SemaphoreType.DMA,
            pltpu.SemaphoreType.DMA,
            pltpu.SemaphoreType.DMA,
            pltpu.SemaphoreType.DMA,
            pltpu.SemaphoreType.DMA,
            pltpu.SemaphoreType.DMA,
            pltpu.SemaphoreType.DMA,
        ],
    )
    def gk(mem_hbm, s_hbm, d_hbm, es_hbm, ed_hbm,
           sidx_v, didx_v, buf0, buf1, buf2, buf3,
           g0, g1, g2, g3, w0, w1, w2, w3):
        wid = lax.axis_index("s") * nc + lax.axis_index("c")
        base = wid * bpw
        ch = 128
        bufs = (buf0, buf1, buf2, buf3)
        gsems = (g0, g1, g2, g3)
        wsems = (w0, w1, w2, w3)

        pltpu.sync_copy(s_hbm.at[pl.ds(base, bpw)], sidx_v)
        pltpu.sync_copy(d_hbm.at[pl.ds(base, bpw)], didx_v)

        def fire_chunk(idx_ref, off, buf, sem):
            def fire(g, carry):
                j0 = g * 16
                v = idx_ref[pl.ds(off + j0, 16)]
                tv = lax.shift_right_logical(v, 3)
                rv = lax.bitwise_and(v, 7)
                for lane in range(16):
                    pltpu.make_async_copy(
                        mem_hbm.at[tv[lane], pl.ds(rv[lane], 1), :],
                        buf.at[pl.ds(j0 + lane, 1), :], sem).start()
                return carry
            lax.fori_loop(0, ch // 16, fire, 0)

        nch = bpw // ch
        writes = [None] * 4

        def drain_and_write(c):
            b = c % 4
            if c < nch:
                off, dst = c * ch, es_hbm
            else:
                off, dst = (c - nch) * ch, ed_hbm
            pltpu.make_async_copy(
                es_hbm.at[pl.ds(0, ch)], bufs[b], gsems[b]).wait()
            writes[b] = pltpu.async_copy(
                bufs[b], dst.at[pl.ds(base + off, ch)], wsems[b])

        for c in range(2 * nch):
            b = c % 4
            if c >= 4:
                writes[b].wait()
            if c < nch:
                idx_ref, off = sidx_v, c * ch
            else:
                idx_ref, off = didx_v, (c - nch) * ch
            fire_chunk(idx_ref, off, bufs[b], gsems[b])
            if c >= 1:
                drain_and_write(c - 1)
        drain_and_write(2 * nch - 1)
        for b in range(4):
            writes[b].wait()

    return gk


_gather = _make_gather_kernel()


def _mlp_body(es_ref, ed_ref, w1a_ref, w1b_ref, b1_ref, w2_ref, b2_ref,
              out_ref):
    x = (jnp.dot(es_ref[...], w1a_ref[...],
                 preferred_element_type=jnp.float32)
         + jnp.dot(ed_ref[...], w1b_ref[...],
                   preferred_element_type=jnp.float32))
    h = jnp.maximum(x + b1_ref[...], 0.0)
    out_ref[...] = (jnp.dot(h, w2_ref[...],
                            preferred_element_type=jnp.float32)
                    + b2_ref[0, 0])


def _mlp_tc(es, ed, w1a, w1b, b1r, w2c, b2s):
    blk = 8192
    g = _B // blk
    out = pl.pallas_call(
        _mlp_body,
        grid=(g,),
        in_specs=[
            pl.BlockSpec((blk, _H), lambda i: (i, 0)),
            pl.BlockSpec((blk, _H), lambda i: (i, 0)),
            pl.BlockSpec((_H, _H), lambda i: (0, 0)),
            pl.BlockSpec((_H, _H), lambda i: (0, 0)),
            pl.BlockSpec((1, _H), lambda i: (0, 0)),
            pl.BlockSpec((_H, 1), lambda i: (0, 0)),
            pl.BlockSpec((1, 1), lambda i: (0, 0)),
        ],
        out_specs=pl.BlockSpec((blk, 1), lambda i: (i, 0)),
        out_shape=jax.ShapeDtypeStruct((_B, 1), jnp.float32),
    )(es, ed, w1a, w1b, b1r, w2c, b2s)
    return out.reshape(_B)


def kernel(mem, W1, b1, W2, b2, s, d):
    s32 = s.astype(jnp.int32)
    d32 = d.astype(jnp.int32)
    mem3 = mem.reshape(mem.shape[0] // 8, 8, _H)
    es, ed = _gather(mem3, s32, d32)
    w1a = W1[:_H]
    w1b = W1[_H:]
    b1r = b1.reshape(1, _H)
    b2s = b2.reshape(1, 1)
    return _mlp_tc(es, ed, w1a, w1b, b1r, W2, b2s)

# --- scband reference (transcript-rebuilt; emitter-appended) ---
"""Pipeline reference for scband-tgnviol-42614665511109 (READ-ONLY COPY).

The authoritative reference and input builder live on the scoring server;
editing this copy changes nothing except your own understanding.
"""

import jax, jax.numpy as jnp
import numpy as np

N = 1000000
H = 64
B = 16384

def setup_inputs(seed: int = 0) -> dict:
    key = jax.random.key(seed)
    k1, k2, k3, k4, k5, k6, k7 = jax.random.split(key, 7)
    mem = jax.random.normal(k1, (N, H), dtype=jnp.float32)
    # clf: Linear(2h -> h), ReLU, Dropout(eval=identity), Linear(h -> 1)
    W1 = jax.random.normal(k2, (2 * H, H), dtype=jnp.float32) * (1.0 / np.sqrt(2 * H))
    b1 = jax.random.normal(k3, (H,), dtype=jnp.float32) * 0.01
    W2 = jax.random.normal(k4, (H, 1), dtype=jnp.float32) * (1.0 / np.sqrt(H))
    b2 = jax.random.normal(k5, (1,), dtype=jnp.float32) * 0.01
    s = jax.random.randint(k6, (B,), 0, N, dtype=jnp.int64) if jax.config.jax_enable_x64 else jax.random.randint(k6, (B,), 0, N).astype(jnp.int32)
    d = jax.random.randint(k7, (B,), 0, N).astype(s.dtype)
    return {"mem": mem, "W1": W1, "b1": b1, "W2": W2, "b2": b2, "s": s, "d": d}

def reference(mem, W1, b1, W2, b2, s, d):
    # forward: clf(cat([mem(s), mem(d)], -1)).squeeze(-1)
    es = jnp.take(mem, s, axis=0)
    ed = jnp.take(mem, d, axis=0)
    x = jnp.concatenate([es, ed], axis=-1)
    h1 = jax.nn.relu(x @ W1 + b1)
    # Dropout(0.3) is identity in eval mode
    out = h1 @ W2 + b2
    return jnp.squeeze(out, axis=-1)

if __name__ == "__main__":
    import jax
    _d = setup_inputs()
    print(jax.jit(kernel)(*tuple(_d.values())))

</pallas_src>

<mosaic_0001>
#map = affine_map<(d0, d1) -> (0, 0, 0)>
#map1 = affine_map<(d0, d1) -> (0)>
#map2 = affine_map<(d0, d1) -> (0, 0)>
module attributes {stable_mosaic.version = 14 : i64} {
  func.func @gk(%arg0: i32, %arg1: i32, %arg2: memref<125000x8x64xf32, #tpu.memory_space<hbm>>, %arg3: memref<16384xi32, #tpu.memory_space<hbm>>, %arg4: memref<16384xi32, #tpu.memory_space<hbm>>, %arg5: memref<16384x64xf32, #tpu.memory_space<hbm>>, %arg6: memref<16384x64xf32, #tpu.memory_space<hbm>>, %arg7: memref<512xi32, #tpu.memory_space<vmem>>, %arg8: memref<512xi32, #tpu.memory_space<vmem>>, %arg9: memref<128x64xf32, #tpu.memory_space<vmem>>, %arg10: memref<128x64xf32, #tpu.memory_space<vmem>>, %arg11: memref<128x64xf32, #tpu.memory_space<vmem>>, %arg12: memref<128x64xf32, #tpu.memory_space<vmem>>, %arg13: memref<!tpu.dma_semaphore, #tpu.memory_space<semaphore_mem>>, %arg14: memref<!tpu.dma_semaphore, #tpu.memory_space<semaphore_mem>>, %arg15: memref<!tpu.dma_semaphore, #tpu.memory_space<semaphore_mem>>, %arg16: memref<!tpu.dma_semaphore, #tpu.memory_space<semaphore_mem>>, %arg17: memref<!tpu.dma_semaphore, #tpu.memory_space<semaphore_mem>>, %arg18: memref<!tpu.dma_semaphore, #tpu.memory_space<semaphore_mem>>, %arg19: memref<!tpu.dma_semaphore, #tpu.memory_space<semaphore_mem>>, %arg20: memref<!tpu.dma_semaphore, #tpu.memory_space<semaphore_mem>>) attributes {dimension_semantics = [#tpu.dimension_semantics<core_parallel>, #tpu.dimension_semantics<subcore_parallel>], iteration_bounds = array<i64: 2, 16>, scalar_prefetch = 0 : i64, scratch_operands = 14 : i64, tpu.core_type = #tpu.core_type<sc_vector_subcore>, window_params = [{transform_indices = #map}, {transform_indices = #map1}, {transform_indices = #map1}, {transform_indices = #map2}, {transform_indices = #map2}]} {
    %mul3A = arith.constant 2 : i32
    %mul3A_0 = arith.muli %arg1, %mul3A : i32
    %add3A = arith.addi %mul3A_0, %arg0 : i32
    %mul3A_1 = arith.constant 512 : i32
    %mul3A_2 = arith.muli %add3A, %mul3A_1 : i32
    "tpu.region"() ({
      %run_scoped3A = tpu.sem_alloc : memref<!tpu.dma_semaphore, #tpu.memory_space<semaphore_mem>>
      %dma_start3A_176 = tpu.memref_slice %arg3[%mul3A_2] : memref<16384xi32, #tpu.memory_space<hbm>> -> memref<512xi32, #tpu.memory_space<hbm>>
      %dma_start3A_177 = tpu.memref_slice %arg3[%mul3A_2] : memref<16384xi32, #tpu.memory_space<hbm>> -> memref<512xi32, #tpu.memory_space<hbm>>
      tpu.enqueue_dma source(%dma_start3A_177 : memref<512xi32, #tpu.memory_space<hbm>>) target(%arg7 : memref<512xi32, #tpu.memory_space<vmem>>) target_semaphore(%run_scoped3A : memref<!tpu.dma_semaphore, #tpu.memory_space<semaphore_mem>>)
      %dma_wait3A_178 = tpu.memref_slice %arg3[%mul3A_2] : memref<16384xi32, #tpu.memory_space<hbm>> -> memref<512xi32, #tpu.memory_space<hbm>>
      %dma_wait3A_179 = tpu.memref_slice %arg3[%mul3A_2] : memref<16384xi32, #tpu.memory_space<hbm>> -> memref<512xi32, #tpu.memory_space<hbm>>
      tpu.wait_dma2 semaphore(%run_scoped3A : memref<!tpu.dma_semaphore, #tpu.memory_space<semaphore_mem>>) src(%dma_wait3A_179 : memref<512xi32, #tpu.memory_space<hbm>>) dst(%arg7 : memref<512xi32, #tpu.memory_space<vmem>>)
      tpu.yield
    }) : () -> ()
    "tpu.region"() ({
      %run_scoped3A = tpu.sem_alloc : memref<!tpu.dma_semaphore, #tpu.memory_space<semaphore_mem>>
      %dma_start3A_176 = tpu.memref_slice %arg4[%mul3A_2] : memref<16384xi32, #tpu.memory_space<hbm>> -> memref<512xi32, #tpu.memory_space<hbm>>
      %dma_start3A_177 = tpu.memref_slice %arg4[%mul3A_2] : memref<16384xi32, #tpu.memory_space<hbm>> -> memref<512xi32, #tpu.memory_space<hbm>>
      tpu.enqueue_dma source(%dma_start3A_177 : memref<512xi32, #tpu.memory_space<hbm>>) target(%arg8 : memref<512xi32, #tpu.memory_space<vmem>>) target_semaphore(%run_scoped3A : memref<!tpu.dma_semaphore, #tpu.memory_space<semaphore_mem>>)
      %dma_wait3A_178 = tpu.memref_slice %arg4[%mul3A_2] : memref<16384xi32, #tpu.memory_space<hbm>> -> memref<512xi32, #tpu.memory_space<hbm>>
      %dma_wait3A_179 = tpu.memref_slice %arg4[%mul3A_2] : memref<16384xi32, #tpu.memory_space<hbm>> -> memref<512xi32, #tpu.memory_space<hbm>>
      tpu.wait_dma2 semaphore(%run_scoped3A : memref<!tpu.dma_semaphore, #tpu.memory_space<semaphore_mem>>) src(%dma_wait3A_179 : memref<512xi32, #tpu.memory_space<hbm>>) dst(%arg8 : memref<512xi32, #tpu.memory_space<vmem>>)
      tpu.yield
    }) : () -> ()
    %scan3A = arith.constant 0 : i32
    %scan3A_3 = arith.constant 0 : i32
    %scan3A_4 = arith.constant 8 : i32
    %scan3A_5 = arith.addi %scan3A_3, %scan3A_4 : i32
    %scan3A_6 = arith.constant 1 : i32
    scf.for %scan3A_176 = %scan3A_3 to %scan3A_5 step %scan3A_6  : i32 {
      %mul3A_177 = arith.constant 16 : i32
      %mul3A_178 = arith.muli %scan3A_176, %mul3A_177 : i32
      %add3A_179 = arith.constant 0 : i32
      %add3A_180 = arith.addi %add3A_179, %mul3A_178 : i32
      %get3A = arith.index_cast %add3A_180 : i32 to index
      %get3A_181 = tpu.vector_load %arg7[%get3A] {strides = array<i32>} : memref<512xi32, #tpu.memory_space<vmem>>, vector<16xi32>,
      %get3A_182 = vector.shape_cast %get3A_181 : vector<16xi32> to vector<16xi32>
      %shift_right_logical3A = arith.constant 3 : i32
      %shift_right_logical3A_183 = vector.broadcast %shift_right_logical3A : i32 to vector<16xi32>
      %shift_right_logical3A_184 = arith.shrui %get3A_182, %shift_right_logical3A_183 : vector<16xi32>
      %and3A = arith.constant 7 : i32
      %and3A_185 = vector.broadcast %and3A : i32 to vector<16xi32>
      %and3A_186 = arith.andi %get3A_182, %and3A_185 : vector<16xi32>
      %slice3A = vector.extract_strided_slice %shift_right_logical3A_184 {offsets = [0], sizes = [1], strides = [1]} : vector<16xi32> to vector<1xi32>
      %squeeze3A = vector.extract %slice3A[0] : i32 from vector<1xi32>
      %slice3A_187 = vector.extract_strided_slice %and3A_186 {offsets = [0], sizes = [1], strides = [1]} : vector<16xi32> to vector<1xi32>
      %squeeze3A_188 = vector.extract %slice3A_187[0] : i32 from vector<1xi32>
      %add3A_189 = arith.constant 0 : i32
      %add3A_190 = arith.addi %mul3A_178, %add3A_189 : i32
      %dma_start3A_191 = arith.constant 0 : i32
      %dma_start3A_192 = tpu.memref_slice %arg9[%add3A_190, %dma_start3A_191] : memref<128x64xf32, #tpu.memory_space<vmem>> -> memref<1x64xf32, #tpu.memory_space<vmem>>
      %dma_start3A_193 = arith.constant 0 : i32
      %dma_start3A_194 = tpu.memref_slice %arg2[%squeeze3A, %squeeze3A_188, %dma_start3A_193] : memref<125000x8x64xf32, #tpu.memory_space<hbm>> -> memref<1x1x64xf32, #tpu.memory_space<hbm>>
      %dma_start3A_195 = tpu.memref_squeeze %dma_start3A_194 : memref<1x1x64xf32, #tpu.memory_space<hbm>> -> memref<1x64xf32, #tpu.memory_space<hbm>>
      %dma_start3A_196 = arith.constant 0 : i32
      %dma_start3A_197 = tpu.memref_slice %arg9[%add3A_190, %dma_start3A_196] : memref<128x64xf32, #tpu.memory_space<vmem>> -> memref<1x64xf32, #tpu.memory_space<vmem>>
      %dma_start3A_198 = arith.constant 0 : i32
      %dma_start3A_199 = tpu.memref_slice %arg2[%squeeze3A, %squeeze3A_188, %dma_start3A_198] : memref<125000x8x64xf32, #tpu.memory_space<hbm>> -> memref<1x1x64xf32, #tpu.memory_space<hbm>>
      %dma_start3A_200 = tpu.memref_squeeze %dma_start3A_199 : memref<1x1x64xf32, #tpu.memory_space<hbm>> -> memref<1x64xf32, #tpu.memory_space<hbm>>
      tpu.enqueue_dma source(%dma_start3A_200 : memref<1x64xf32, #tpu.memory_space<hbm>>) target(%dma_start3A_197 : memref<1x64xf32, #tpu.memory_space<vmem>>) target_semaphore(%arg13 : memref<!tpu.dma_semaphore, #tpu.memory_space<semaphore_mem>>)
      %slice3A_201 = vector.extract_strided_slice %shift_right_logical3A_184 {offsets = [1], sizes = [1], strides = [1]} : vector<16xi32> to vector<1xi32>
      %squeeze3A_202 = vector.extract %slice3A_201[0] : i32 from vector<1xi32>
      %slice3A_203 = vector.extract_strided_slice %and3A_186 {offsets = [1], sizes = [1], strides = [1]} : vector<16xi32> to vector<1xi32>
      %squeeze3A_204 = vector.extract %slice3A_203[0] : i32 from vector<1xi32>
      %add3A_205 = arith.constant 1 : i32
      %add3A_206 = arith.addi %mul3A_178, %add3A_205 : i32
      %dma_start3A_207 = arith.constant 0 : i32
      %dma_start3A_208 = tpu.memref_slice %arg9[%add3A_206, %dma_start3A_207] : memref<128x64xf32, #tpu.memory_space<vmem>> -> memref<1x64xf32, #tpu.memory_space<vmem>>
      %dma_start3A_209 = arith.constant 0 : i32
      %dma_start3A_210 = tpu.memref_slice %arg2[%squeeze3A_202, %squeeze3A_204, %dma_start3A_209] : memref<125000x8x64xf32, #tpu.memory_space<hbm>> -> memref<1x1x64xf32, #tpu.memory_space<hbm>>
      %dma_start3A_211 = tpu.memref_squeeze %dma_start3A_210 : memref<1x1x64xf32, #tpu.memory_space<hbm>> -> memref<1x64xf32, #tpu.memory_space<hbm>>
      %dma_start3A_212 = arith.constant 0 : i32
      %dma_start3A_213 = tpu.memref_slice %arg9[%add3A_206, %dma_start3A_212] : memref<128x64xf32, #tpu.memory_space<vmem>> -> memref<1x64xf32, #tpu.memory_space<vmem>>
      %dma_start3A_214 = arith.constant 0 : i32
      %dma_start3A_215 = tpu.memref_slice %arg2[%squeeze3A_202, %squeeze3A_204, %dma_start3A_214] : memref<125000x8x64xf32, #tpu.memory_space<hbm>> -> memref<1x1x64xf32, #tpu.memory_space<hbm>>
      %dma_start3A_216 = tpu.memref_squeeze %dma_start3A_215 : memref<1x1x64xf32, #tpu.memory_space<hbm>> -> memref<1x64xf32, #tpu.memory_space<hbm>>
      tpu.enqueue_dma source(%dma_start3A_216 : memref<1x64xf32, #tpu.memory_space<hbm>>) target(%dma_start3A_213 : memref<1x64xf32, #tpu.memory_space<vmem>>) target_semaphore(%arg13 : memref<!tpu.dma_semaphore, #tpu.memory_space<semaphore_mem>>)
      %slice3A_217 = vector.extract_strided_slice %shift_right_logical3A_184 {offsets = [2], sizes = [1], strides = [1]} : vector<16xi32> to vector<1xi32>
      %squeeze3A_218 = vector.extract %slice3A_217[0] : i32 from vector<1xi32>
      %slice3A_219 = vector.extract_strided_slice %and3A_186 {offsets = [2], sizes = [1], strides = [1]} : vector<16xi32> to vector<1xi32>
      %squeeze3A_220 = vector.extract %slice3A_219[0] : i32 from vector<1xi32>
      %add3A_221 = arith.constant 2 : i32
      %add3A_222 = arith.addi %mul3A_178, %add3A_221 : i32
      %dma_start3A_223 = arith.constant 0 : i32
      %dma_start3A_224 = tpu.memref_slice %arg9[%add3A_222, %dma_start3A_223] : memref<128x64xf32, #tpu.memory_space<vmem>> -> memref<1x64xf32, #tpu.memory_space<vmem>>
      %dma_start3A_225 = arith.constant 0 : i32
      %dma_start3A_226 = tpu.memref_slice %arg2[%squeeze3A_218, %squeeze3A_220, %dma_start3A_225] : memref<125000x8x64xf32, #tpu.memory_space<hbm>> -> memref<1x1x64xf32, #tpu.memory_space<hbm>>
      %dma_start3A_227 = tpu.memref_squeeze %dma_start3A_226 : memref<1x1x64xf32, #tpu.memory_space<hbm>> -> memref<1x64xf32, #tpu.memory_space<hbm>>
      %dma_start3A_228 = arith.constant 0 : i32
      %dma_start3A_229 = tpu.memref_slice %arg9[%add3A_222, %dma_start3A_228] : memref<128x64xf32, #tpu.memory_space<vmem>> -> memref<1x64xf32, #tpu.memory_space<vmem>>
      %dma_start3A_230 = arith.constant 0 : i32
      %dma_start3A_231 = tpu.memref_slice %arg2[%squeeze3A_218, %squeeze3A_220, %dma_start3A_230] : memref<125000x8x64xf32, #tpu.memory_space<hbm>> -> memref<1x1x64xf32, #tpu.memory_space<hbm>>
      %dma_start3A_232 = tpu.memref_squeeze %dma_start3A_231 : memref<1x1x64xf32, #tpu.memory_space<hbm>> -> memref<1x64xf32, #tpu.memory_space<hbm>>
      tpu.enqueue_dma source(%dma_start3A_232 : memref<1x64xf32, #tpu.memory_space<hbm>>) target(%dma_start3A_229 : memref<1x64xf32, #tpu.memory_space<vmem>>) target_semaphore(%arg13 : memref<!tpu.dma_semaphore, #tpu.memory_space<semaphore_mem>>)
      %slice3A_233 = vector.extract_strided_slice %shift_right_logical3A_184 {offsets = [3], sizes = [1], strides = [1]} : vector<16xi32> to vector<1xi32>
      %squeeze3A_234 = vector.extract %slice3A_233[0] : i32 from vector<1xi32>
      %slice3A_235 = vector.extract_strided_slice %and3A_186 {offsets = [3], sizes = [1], strides = [1]} : vector<16xi32> to vector<1xi32>
      %squeeze3A_236 = vector.extract %slice3A_235[0] : i32 from vector<1xi32>
      %add3A_237 = arith.constant 3 : i32
      %add3A_238 = arith.addi %mul3A_178, %add3A_237 : i32
      %dma_start3A_239 = arith.constant 0 : i32
      %dma_start3A_240 = tpu.memref_slice %arg9[%add3A_238, %dma_start3A_239] : memref<128x64xf32, #tpu.memory_space<vmem>> -> memref<1x64xf32, #tpu.memory_space<vmem>>
      %dma_start3A_241 = arith.constant 0 : i32
      %dma_start3A_242 = tpu.memref_slice %arg2[%squeeze3A_234, %squeeze3A_236, %dma_start3A_241] : memref<125000x8x64xf32, #tpu.memory_space<hbm>> -> memref<1x1x64xf32, #tpu.memory_space<hbm>>
      %dma_start3A_243 = tpu.memref_squeeze %dma_start3A_242 : memref<1x1x64xf32, #tpu.memory_space<hbm>> -> memref<1x64xf32, #tpu.memory_space<hbm>>
      %dma_start3A_244 = arith.constant 0 : i32
      %dma_start3A_245 = tpu.memref_slice %arg9[%add3A_238, %dma_start3A_244] : memref<128x64xf32, #tpu.memory_space<vmem>> -> memref<1x64xf32, #tpu.memory_space<vmem>>
      %dma_start3A_246 = arith.constant 0 : i32
      %dma_start3A_247 = tpu.memref_slice %arg2[%squeeze3A_234, %squeeze3A_236, %dma_start3A_246] : memref<125000x8x64xf32, #tpu.memory_space<hbm>> -> memref<1x1x64xf32, #tpu.memory_space<hbm>>
      %dma_start3A_248 = tpu.memref_squeeze %dma_start3A_247 : memref<1x1x64xf32, #tpu.memory_space<hbm>> -> memref<1x64xf32, #tpu.memory_space<hbm>>
      tpu.enqueue_dma source(%dma_start3A_248 : memref<1x64xf32, #tpu.memory_space<hbm>>) target(%dma_start3A_245 : memref<1x64xf32, #tpu.memory_space<vmem>>) target_semaphore(%arg13 : memref<!tpu.dma_semaphore, #tpu.memory_space<semaphore_mem>>)
      %slice3A_249 = vector.extract_strided_slice %shift_right_logical3A_184 {offsets = [4], sizes = [1], strides = [1]} : vector<16xi32> to vector<1xi32>
      %squeeze3A_250 = vector.extract %slice3A_249[0] : i32 from vector<1xi32>
      %slice3A_251 = vector.extract_strided_slice %and3A_186 {offsets = [4], sizes = [1], strides = [1]} : vector<16xi32> to vector<1xi32>
      %squeeze3A_252 = vector.extract %slice3A_251[0] : i32 from vector<1xi32>
      %add3A_253 = arith.constant 4 : i32
      %add3A_254 = arith.addi %mul3A_178, %add3A_253 : i32
      %dma_start3A_255 = arith.constant 0 : i32
      %dma_start3A_256 = tpu.memref_slice %arg9[%add3A_254, %dma_start3A_255] : memref<128x64xf32, #tpu.memory_space<vmem>> -> memref<1x64xf32, #tpu.memory_space<vmem>>
      %dma_start3A_257 = arith.constant 0 : i32
      %dma_start3A_258 = tpu.memref_slice %arg2[%squeeze3A_250, %squeeze3A_252, %dma_start3A_257] : memref<125000x8x64xf32, #tpu.memory_space<hbm>> -> memref<1x1x64xf32, #tpu.memory_space<hbm>>
      %dma_start3A_259 = tpu.memref_squeeze %dma_start3A_258 : memref<1x1x64xf32, #tpu.memory_space<hbm>> -> memref<1x64xf32, #tpu.memory_space<hbm>>
      %dma_start3A_260 = arith.constant 0 : i32
      %dma_start3A_261 = tpu.memref_slice %arg9[%add3A_254, %dma_start3A_260] : memref<128x64xf32, #tpu.memory_space<vmem>> -> memref<1x64xf32, #tpu.memory_space<vmem>>
      %dma_start3A_262 = arith.constant 0 : i32
      %dma_start3A_263 = tpu.memref_slice %arg2[%squeeze3A_250, %squeeze3A_252, %dma_start3A_262] : memref<125000x8x64xf32, #tpu.memory_space<hbm>> -> memref<1x1x64xf32, #tpu.memory_space<hbm>>
      %dma_start3A_264 = tpu.memref_squeeze %dma_start3A_263 : memref<1x1x64xf32, #tpu.memory_space<hbm>> -> memref<1x64xf32, #tpu.memory_space<hbm>>
      tpu.enqueue_dma source(%dma_start3A_264 : memref<1x64xf32, #tpu.memory_space<hbm>>) target(%dma_start3A_261 : memref<1x64xf32, #tpu.memory_space<vmem>>) target_semaphore(%arg13 : memref<!tpu.dma_semaphore, #tpu.memory_space<semaphore_mem>>)
      %slice3A_265 = vector.extract_strided_slice %shift_right_logical3A_184 {offsets = [5], sizes = [1], strides = [1]} : vector<16xi32> to vector<1xi32>
      %squeeze3A_266 = vector.extract %slice3A_265[0] : i32 from vector<1xi32>
      %slice3A_267 = vector.extract_strided_slice %and3A_186 {offsets = [5], sizes = [1], strides = [1]} : vector<16xi32> to vector<1xi32>
      %squeeze3A_268 = vector.extract %slice3A_267[0] : i32 from vector<1xi32>
      %add3A_269 = arith.constant 5 : i32
      %add3A_270 = arith.addi %mul3A_178, %add3A_269 : i32
      %dma_start3A_271 = arith.constant 0 : i32
      %dma_start3A_272 = tpu.memref_slice %arg9[%add3A_270, %dma_start3A_271] : memref<128x64xf32, #tpu.memory_space<vmem>> -> memref<1x64xf32, #tpu.memory_space<vmem>>
      %dma_start3A_273 = arith.constant 0 : i32
      %dma_start3A_274 = tpu.memref_slice %arg2[%squeeze3A_266, %squeeze3A_268, %dma_start3A_273] : memref<125000x8x64xf32, #tpu.memory_space<hbm>> -> memref<1x1x64xf32, #tpu.memory_space<hbm>>
      %dma_start3A_275 = tpu.memref_squeeze %dma_start3A_274 : memref<1x1x64xf32, #tpu.memory_space<hbm>> -> memref<1x64xf32, #tpu.memory_space<hbm>>
      %dma_start3A_276 = arith.constant 0 : i32
      %dma_start3A_277 = tpu.memref_slice %arg9[%add3A_270, %dma_start3A_276] : memref<128x64xf32, #tpu.memory_space<vmem>> -> memref<1x64xf32, #tpu.memory_space<vmem>>
      %dma_start3A_278 = arith.constant 0 : i32
      %dma_start3A_279 = tpu.memref_slice %arg2[%squeeze3A_266, %squeeze3A_268, %dma_start3A_278] : memref<125000x8x64xf32, #tpu.memory_space<hbm>> -> memref<1x1x64xf32, #tpu.memory_space<hbm>>
      %dma_start3A_280 = tpu.memref_squeeze %dma_start3A_279 : memref<1x1x64xf32, #tpu.memory_space<hbm>> -> memref<1x64xf32, #tpu.memory_space<hbm>>
      tpu.enqueue_dma source(%dma_start3A_280 : memref<1x64xf32, #tpu.memory_space<hbm>>) target(%dma_start3A_277 : memref<1x64xf32, #tpu.memory_space<vmem>>) target_semaphore(%arg13 : memref<!tpu.dma_semaphore, #tpu.memory_space<semaphore_mem>>)
      %slice3A_281 = vector.extract_strided_slice %shift_right_logical3A_184 {offsets = [6], sizes = [1], strides = [1]} : vector<16xi32> to vector<1xi32>
      %squeeze3A_282 = vector.extract %slice3A_281[0] : i32 from vector<1xi32>
      %slice3A_283 = vector.extract_strided_slice %and3A_186 {offsets = [6], sizes = [1], strides = [1]} : vector<16xi32> to vector<1xi32>
      %squeeze3A_284 = vector.extract %slice3A_283[0] : i32 from vector<1xi32>
      %add3A_285 = arith.constant 6 : i32
      %add3A_286 = arith.addi %mul3A_178, %add3A_285 : i32
      %dma_start3A_287 = arith.constant 0 : i32
      %dma_start3A_288 = tpu.memref_slice %arg9[%add3A_286, %dma_start3A_287] : memref<128x64xf32, #tpu.memory_space<vmem>> -> memref<1x64xf32, #tpu.memory_space<vmem>>
      %dma_start3A_289 = arith.constant 0 : i32
      %dma_start3A_290 = tpu.memref_slice %arg2[%squeeze3A_282, %squeeze3A_284, %dma_start3A_289] : memref<125000x8x64xf32, #tpu.memory_space<hbm>> -> memref<1x1x64xf32, #tpu.memory_space<hbm>>
      %dma_start3A_291 = tpu.memref_squeeze %dma_start3A_290 : memref<1x1x64xf32, #tpu.memory_space<hbm>> -> memref<1x64xf32, #tpu.memory_space<hbm>>
      %dma_start3A_292 = arith.constant 0 : i32
      %dma_start3A_293 = tpu.memref_slice %arg9[%add3A_286, %dma_start3A_292] : memref<128x64xf32, #tpu.memory_space<vmem>> -> memref<1x64xf32, #tpu.memory_space<vmem>>
      %dma_start3A_294 = arith.constant 0 : i32
      %dma_start3A_295 = tpu.memref_slice %arg2[%squeeze3A_282, %squeeze3A_284, %dma_start3A_294] : memref<125000x8x64xf32, #tpu.memory_space<hbm>> -> memref<1x1x64xf32, #tpu.memory_space<hbm>>
      %dma_start3A_296 = tpu.memref_squeeze %dma_start3A_295 : memref<1x1x64xf32, #tpu.memory_space<hbm>> -> memref<1x64xf32, #tpu.memory_space<hbm>>
      tpu.enqueue_dma source(%dma_start3A_296 : memref<1x64xf32, #tpu.memory_space<hbm>>) target(%dma_start3A_293 : memref<1x64xf32, #tpu.memory_space<vmem>>) target_semaphore(%arg13 : memref<!tpu.dma_semaphore, #tpu.memory_space<semaphore_mem>>)
      %slice3A_297 = vector.extract_strided_slice %shift_right_logical3A_184 {offsets = [7], sizes = [1], strides = [1]} : vector<16xi32> to vector<1xi32>
      %squeeze3A_298 = vector.extract %slice3A_297[0] : i32 from vector<1xi32>
      %slice3A_299 = vector.extract_strided_slice %and3A_186 {offsets = [7], sizes = [1], strides = [1]} : vector<16xi32> to vector<1xi32>
      %squeeze3A_300 = vector.extract %slice3A_299[0] : i32 from vector<1xi32>
      %add3A_301 = arith.constant 7 : i32
      %add3A_302 = arith.addi %mul3A_178, %add3A_301 : i32
      %dma_start3A_303 = arith.constant 0 : i32
      %dma_start3A_304 = tpu.memref_slice %arg9[%add3A_302, %dma_start3A_303] : memref<128x64xf32, #tpu.memory_space<vmem>> -> memref<1x64xf32, #tpu.memory_space<vmem>>
      %dma_start3A_305 = arith.constant 0 : i32
      %dma_start3A_306 = tpu.memref_slice %arg2[%squeeze3A_298, %squeeze3A_300, %dma_start3A_305] : memref<125000x8x64xf32, #tpu.memory_space<hbm>> -> memref<1x1x64xf32, #tpu.memory_space<hbm>>
      %dma_start3A_307 = tpu.memref_squeeze %dma_start3A_306 : memref<1x1x64xf32, #tpu.memory_space<hbm>> -> memref<1x64xf32, #tpu.memory_space<hbm>>
      %dma_start3A_308 = arith.constant 0 : i32
      %dma_start3A_309 = tpu.memref_slice %arg9[%add3A_302, %dma_start3A_308] : memref<128x64xf32, #tpu.memory_space<vmem>> -> memref<1x64xf32, #tpu.memory_space<vmem>>
      %dma_start3A_310 = arith.constant 0 : i32
      %dma_start3A_311 = tpu.memref_slice %arg2[%squeeze3A_298, %squeeze3A_300, %dma_start3A_310] : memref<125000x8x64xf32, #tpu.memory_space<hbm>> -> memref<1x1x64xf32, #tpu.memory_space<hbm>>
      %dma_start3A_312 = tpu.memref_squeeze %dma_start3A_311 : memref<1x1x64xf32, #tpu.memory_space<hbm>> -> memref<1x64xf32, #tpu.memory_space<hbm>>
      tpu.enqueue_dma source(%dma_start3A_312 : memref<1x64xf32, #tpu.memory_space<hbm>>) target(%dma_start3A_309 : memref<1x64xf32, #tpu.memory_space<vmem>>) target_semaphore(%arg13 : memref<!tpu.dma_semaphore, #tpu.memory_space<semaphore_mem>>)
      %slice3A_313 = vector.extract_strided_slice %shift_right_logical3A_184 {offsets = [8], sizes = [1], strides = [1]} : vector<16xi32> to vector<1xi32>
      %squeeze3A_314 = vector.extract %slice3A_313[0] : i32 from vector<1xi32>
      %slice3A_315 = vector.extract_strided_slice %and3A_186 {offsets = [8], sizes = [1], strides = [1]} : vector<16xi32> to vector<1xi32>
      %squeeze3A_316 = vector.extract %slice3A_315[0] : i32 from vector<1xi32>
      %add3A_317 = arith.constant 8 : i32
      %add3A_318 = arith.addi %mul3A_178, %add3A_317 : i32
      %dma_start3A_319 = arith.constant 0 : i32
      %dma_start3A_320 = tpu.memref_slice %arg9[%add3A_318, %dma_start3A_319] : memref<128x64xf32, #tpu.memory_space<vmem>> -> memref<1x64xf32, #tpu.memory_space<vmem>>
      %dma_start3A_321 = arith.constant 0 : i32
      %dma_start3A_322 = tpu.memref_slice %arg2[%squeeze3A_314, %squeeze3A_316, %dma_start3A_321] : memref<125000x8x64xf32, #tpu.memory_space<hbm>> -> memref<1x1x64xf32, #tpu.memory_space<hbm>>
      %dma_start3A_323 = tpu.memref_squeeze %dma_start3A_322 : memref<1x1x64xf32, #tpu.memory_space<hbm>> -> memref<1x64xf32, #tpu.memory_space<hbm>>
      %dma_start3A_324 = arith.constant 0 : i32
      %dma_start3A_325 = tpu.memref_slice %arg9[%add3A_318, %dma_start3A_324] : memref<128x64xf32, #tpu.memory_space<vmem>> -> memref<1x64xf32, #tpu.memory_space<vmem>>
      %dma_start3A_326 = arith.constant 0 : i32
      %dma_start3A_327 = tpu.memref_slice %arg2[%squeeze3A_314, %squeeze3A_316, %dma_start3A_326] : memref<125000x8x64xf32, #tpu.memory_space<hbm>> -> memref<1x1x64xf32, #tpu.memory_space<hbm>>
      %dma_start3A_328 = tpu.memref_squeeze %dma_start3A_327 : memref<1x1x64xf32, #tpu.memory_space<hbm>> -> memref<1x64xf32, #tpu.memory_space<hbm>>
      tpu.enqueue_dma source(%dma_start3A_328 : memref<1x64xf32, #tpu.memory_space<hbm>>) target(%dma_start3A_325 : memref<1x64xf32, #tpu.memory_space<vmem>>) target_semaphore(%arg13 : memref<!tpu.dma_semaphore, #tpu.memory_space<semaphore_mem>>)
      %slice3A_329 = vector.extract_strided_slice %shift_right_logical3A_184 {offsets = [9], sizes = [1], strides = [1]} : vector<16xi32> to vector<1xi32>
      %squeeze3A_330 = vector.extract %slice3A_329[0] : i32 from vector<1xi32>
      %slice3A_331 = vector.extract_strided_slice %and3A_186 {offsets = [9], sizes = [1], strides = [1]} : vector<16xi32> to vector<1xi32>
      %squeeze3A_332 = vector.extract %slice3A_331[0] : i32 from vector<1xi32>
      %add3A_333 = arith.constant 9 : i32
      %add3A_334 = arith.addi %mul3A_178, %add3A_333 : i32
      %dma_start3A_335 = arith.constant 0 : i32
      %dma_start3A_336 = tpu.memref_slice %arg9[%add3A_334, %dma_start3A_335] : memref<128x64xf32, #tpu.memory_space<vmem>> -> memref<1x64xf32, #tpu.memory_space<vmem>>
      %dma_start3A_337 = arith.constant 0 : i32
      %dma_start3A_338 = tpu.memref_slice %arg2[%squeeze3A_330, %squeeze3A_332, %dma_start3A_337] : memref<125000x8x64xf32, #tpu.memory_space<hbm>> -> memref<1x1x64xf32, #tpu.memory_space<hbm>>
      %dma_start3A_339 = tpu.memref_squeeze %dma_start3A_338 : memref<1x1x64xf32, #tpu.memory_space<hbm>> -> memref<1x64xf32, #tpu.memory_space<hbm>>
      %dma_start3A_340 = arith.constant 0 : i32
      %dma_start3A_341 = tpu.memref_slice %arg9[%add3A_334, %dma_start3A_340] : memref<128x64xf32, #tpu.memory_space<vmem>> -> memref<1x64xf32, #tpu.memory_space<vmem>>
      %dma_start3A_342 = arith.constant 0 : i32
      %dma_start3A_343 = tpu.memref_slice %arg2[%squeeze3A_330, %squeeze3A_332, %dma_start3A_342] : memref<125000x8x64xf32, #tpu.memory_space<hbm>> -> memref<1x1x64xf32, #tpu.memory_space<hbm>>
      %dma_start3A_344 = tpu.memref_squeeze %dma_start3A_343 : memref<1x1x64xf32, #tpu.memory_space<hbm>> -> memref<1x64xf32, #tpu.memory_space<hbm>>
      tpu.enqueue_dma source(%dma_start3A_344 : memref<1x64xf32, #tpu.memory_space<hbm>>) target(%dma_start3A_341 : memref<1x64xf32, #tpu.memory_space<vmem>>) target_semaphore(%arg13 : memref<!tpu.dma_semaphore, #tpu.memory_space<semaphore_mem>>)
      %slice3A_345 = vector.extract_strided_slice %shift_right_logical3A_184 {offsets = [10], sizes = [1], strides = [1]} : vector<16xi32> to vector<1xi32>
      %squeeze3A_346 = vector.extract %slice3A_345[0] : i32 from vector<1xi32>
      %slice3A_347 = vector.extract_strided_slice %and3A_186 {offsets = [10], sizes = [1], strides = [1]} : vector<16xi32> to vector<1xi32>
      %squeeze3A_348 = vector.extract %slice3A_347[0] : i32 from vector<1xi32>
      %add3A_349 = arith.constant 10 : i32
      %add3A_350 = arith.addi %mul3A_178, %add3A_349 : i32
      %dma_start3A_351 = arith.constant 0 : i32
      %dma_start3A_352 = tpu.memref_slice %arg9[%add3A_350, %dma_start3A_351] : memref<128x64xf32, #tpu.memory_space<vmem>> -> memref<1x64xf32, #tpu.memory_space<vmem>>
      %dma_start3A_353 = arith.constant 0 : i32
      %dma_start3A_354 = tpu.memref_slice %arg2[%squeeze3A_346, %squeeze3A_348, %dma_start3A_353] : memref<125000x8x64xf32, #tpu.memory_space<hbm>> -> memref<1x1x64xf32, #tpu.memory_space<hbm>>
      %dma_start3A_355 = tpu.memref_squeeze %dma_start3A_354 : memref<1x1x64xf32, #tpu.memory_space<hbm>> -> memref<1x64xf32, #tpu.memory_space<hbm>>
      %dma_start3A_356 = arith.constant 0 : i32
      %dma_start3A_357 = tpu.memref_slice %arg9[%add3A_350, %dma_start3A_356] : memref<128x64xf32, #tpu.memory_space<vmem>> -> memref<1x64xf32, #tpu.memory_space<vmem>>
      %dma_start3A_358 = arith.constant 0 : i32
      %dma_start3A_359 = tpu.memref_slice %arg2[%squeeze3A_346, %squeeze3A_348, %dma_start3A_358] : memref<125000x8x64xf32, #tpu.memory_space<hbm>> -> memref<1x1x64xf32, #tpu.memory_space<hbm>>
      %dma_start3A_360 = tpu.memref_squeeze %dma_start3A_359 : memref<1x1x64xf32, #tpu.memory_space<hbm>> -> memref<1x64xf32, #tpu.memory_space<hbm>>
      tpu.enqueue_dma source(%dma_start3A_360 : memref<1x64xf32, #tpu.memory_space<hbm>>) target(%dma_start3A_357 : memref<1x64xf32, #tpu.memory_space<vmem>>) target_semaphore(%arg13 : memref<!tpu.dma_semaphore, #tpu.memory_space<semaphore_mem>>)
      %slice3A_361 = vector.extract_strided_slice %shift_right_logical3A_184 {offsets = [11], sizes = [1], strides = [1]} : vector<16xi32> to vector<1xi32>
      %squeeze3A_362 = vector.extract %slice3A_361[0] : i32 from vector<1xi32>
      %slice3A_363 = vector.extract_strided_slice %and3A_186 {offsets = [11], sizes = [1], strides = [1]} : vector<16xi32> to vector<1xi32>
      %squeeze3A_364 = vector.extract %slice3A_363[0] : i32 from vector<1xi32>
      %add3A_365 = arith.constant 11 : i32
      %add3A_366 = arith.addi %mul3A_178, %add3A_365 : i32
      %dma_start3A_367 = arith.constant 0 : i32
      %dma_start3A_368 = tpu.memref_slice %arg9[%add3A_366, %dma_start3A_367] : memref<128x64xf32, #tpu.memory_space<vmem>> -> memref<1x64xf32, #tpu.memory_space<vmem>>
      %dma_start3A_369 = arith.constant 0 : i32
      %dma_start3A_370 = tpu.memref_slice %arg2[%squeeze3A_362, %squeeze3A_364, %dma_start3A_369] : memref<125000x8x64xf32, #tpu.memory_space<hbm>> -> memref<1x1x64xf32, #tpu.memory_space<hbm>>
      %dma_start3A_371 = tpu.memref_squeeze %dma_start3A_370 : memref<1x1x64xf32, #tpu.memory_space<hbm>> -> memref<1x64xf32, #tpu.memory_space<hbm>>
      %dma_start3A_372 = arith.constant 0 : i32
      %dma_start3A_373 = tpu.memref_slice %arg9[%add3A_366, %dma_start3A_372] : memref<128x64xf32, #tpu.memory_space<vmem>> -> memref<1x64xf32, #tpu.memory_space<vmem>>
      %dma_start3A_374 = arith.constant 0 : i32
      %dma_start3A_375 = tpu.memref_slice %arg2[%squeeze3A_362, %squeeze3A_364, %dma_start3A_374] : memref<125000x8x64xf32, #tpu.memory_space<hbm>> -> memref<1x1x64xf32, #tpu.memory_space<hbm>>
      %dma_start3A_376 = tpu.memref_squeeze %dma_start3A_375 : memref<1x1x64xf32, #tpu.memory_space<hbm>> -> memref<1x64xf32, #tpu.memory_space<hbm>>
      tpu.enqueue_dma source(%dma_start3A_376 : memref<1x64xf32, #tpu.memory_space<hbm>>) target(%dma_start3A_373 : memref<1x64xf32, #tpu.memory_space<vmem>>) target_semaphore(%arg13 : memref<!tpu.dma_semaphore, #tpu.memory_space<semaphore_mem>>)
      %slice3A_377 = vector.extract_strided_slice %shift_right_logical3A_184 {offsets = [12], sizes = [1], strides = [1]} : vector<16xi32> to vector<1xi32>
      %squeeze3A_378 = vector.extract %slice3A_377[0] : i32 from vector<1xi32>
      %slice3A_379 = vector.extract_strided_slice %and3A_186 {offsets = [12], sizes = [1], strides = [1]} : vector<16xi32> to vector<1xi32>
      %squeeze3A_380 = vector.extract %slice3A_379[0] : i32 from vector<1xi32>
      %add3A_381 = arith.constant 12 : i32
      %add3A_382 = arith.addi %mul3A_178, %add3A_381 : i32
      %dma_start3A_383 = arith.constant 0 : i32
      %dma_start3A_384 = tpu.memref_slice %arg9[%add3A_382, %dma_start3A_383] : memref<128x64xf32, #tpu.memory_space<vmem>> -> memref<1x64xf32, #tpu.memory_space<vmem>>
      %dma_start3A_385 = arith.constant 0 : i32
      %dma_start3A_386 = tpu.memref_slice %arg2[%squeeze3A_378, %squeeze3A_380, %dma_start3A_385] : memref<125000x8x64xf32, #tpu.memory_space<hbm>> -> memref<1x1x64xf32, #tpu.memory_space<hbm>>
      %dma_start3A_387 = tpu.memref_squeeze %dma_start3A_386 : memref<1x1x64xf32, #tpu.memory_space<hbm>> -> memref<1x64xf32, #tpu.memory_space<hbm>>
      %dma_start3A_388 = arith.constant 0 : i32
      %dma_start3A_389 = tpu.memref_slice %arg9[%add3A_382, %dma_start3A_388] : memref<128x64xf32, #tpu.memory_space<vmem>> -> memref<1x64xf32, #tpu.memory_space<vmem>>
      %dma_start3A_390 = arith.constant 0 : i32
      %dma_start3A_391 = tpu.memref_slice %arg2[%squeeze3A_378, %squeeze3A_380, %dma_start3A_390] : memref<125000x8x64xf32, #tpu.memory_space<hbm>> -> memref<1x1x64xf32, #tpu.memory_space<hbm>>
      %dma_start3A_392 = tpu.memref_squeeze %dma_start3A_391 : memref<1x1x64xf32, #tpu.memory_space<hbm>> -> memref<1x64xf32, #tpu.memory_space<hbm>>
      tpu.enqueue_dma source(%dma_start3A_392 : memref<1x64xf32, #tpu.memory_space<hbm>>) target(%dma_start3A_389 : memref<1x64xf32, #tpu.memory_space<vmem>>) target_semaphore(%arg13 : memref<!tpu.dma_semaphore, #tpu.memory_space<semaphore_mem>>)
      %slice3A_393 = vector.extract_strided_slice %shift_right_logical3A_184 {offsets = [13], sizes = [1], strides = [1]} : vector<16xi32> to vector<1xi32>
      %squeeze3A_394 = vector.extract %slice3A_393[0] : i32 from vector<1xi32>
      %slice3A_395 = vector.extract_strided_slice %and3A_186 {offsets = [13], sizes = [1], strides = [1]} : vector<16xi32> to vector<1xi32>
      %squeeze3A_396 = vector.extract %slice3A_395[0] : i32 from vector<1xi32>
      %add3A_397 = arith.constant 13 : i32
      %add3A_398 = arith.addi %mul3A_178, %add3A_397 : i32
      %dma_start3A_399 = arith.constant 0 : i32
      %dma_start3A_400 = tpu.memref_slice %arg9[%add3A_398, %dma_start3A_399] : memref<128x64xf32, #tpu.memory_space<vmem>> -> memref<1x64xf32, #tpu.memory_space<vmem>>
      %dma_start3A_401 = arith.constant 0 : i32
      %dma_start3A_402 = tpu.memref_slice %arg2[%squeeze3A_394, %squeeze3A_396, %dma_start3A_401] : memref<125000x8x64xf32, #tpu.memory_space<hbm>> -> memref<1x1x64xf32, #tpu.memory_space<hbm>>
      %dma_start3A_403 = tpu.memref_squeeze %dma_start3A_402 : memref<1x1x64xf32, #tpu.memory_space<hbm>> -> memref<1x64xf32, #tpu.memory_space<hbm>>
      %dma_start3A_404 = arith.constant 0 : i32
      %dma_start3A_405 = tpu.memref_slice %arg9[%add3A_398, %dma_start3A_404] : memref<128x64xf32, #tpu.memory_space<vmem>> -> memref<1x64xf32, #tpu.memory_space<vmem>>
      %dma_start3A_406 = arith.constant 0 : i32
      %dma_start3A_407 = tpu.memref_slice %arg2[%squeeze3A_394, %squeeze3A_396, %dma_start3A_406] : memref<125000x8x64xf32, #tpu.memory_space<hbm>> -> memref<1x1x64xf32, #tpu.memory_space<hbm>>
      %dma_start3A_408 = tpu.memref_squeeze %dma_start3A_407 : memref<1x1x64xf32, #tpu.memory_space<hbm>> -> memref<1x64xf32, #tpu.memory_space<hbm>>
      tpu.enqueue_dma source(%dma_start3A_408 : memref<1x64xf32, #tpu.memory_space<hbm>>) target(%dma_start3A_405 : memref<1x64xf32, #tpu.memory_space<vmem>>) target_semaphore(%arg13 : memref<!tpu.dma_semaphore, #tpu.memory_space<semaphore_mem>>)
      %slice3A_409 = vector.extract_strided_slice %shift_right_logical3A_184 {offsets = [14], sizes = [1], strides = [1]} : vector<16xi32> to vector<1xi32>
      %squeeze3A_410 = vector.extract %slice3A_409[0] : i32 from vector<1xi32>
      %slice3A_411 = vector.extract_strided_slice %and3A_186 {offsets = [14], sizes = [1], strides = [1]} : vector<16xi32> to vector<1xi32>
      %squeeze3A_412 = vector.extract %slice3A_411[0] : i32 from vector<1xi32>
      %add3A_413 = arith.constant 14 : i32
      %add3A_414 = arith.addi %mul3A_178, %add3A_413 : i32
      %dma_start3A_415 = arith.constant 0 : i32
      %dma_start3A_416 = tpu.memref_slice %arg9[%add3A_414, %dma_start3A_415] : memref<128x64xf32, #tpu.memory_space<vmem>> -> memref<1x64xf32, #tpu.memory_space<vmem>>
      %dma_start3A_417 = arith.constant 0 : i32
      %dma_start3A_418 = tpu.memref_slice %arg2[%squeeze3A_410, %squeeze3A_412, %dma_start3A_417] : memref<125000x8x64xf32, #tpu.memory_space<hbm>> -> memref<1x1x64xf32, #tpu.memory_space<hbm>>
      %dma_start3A_419 = tpu.memref_squeeze %dma_start3A_418 : memref<1x1x64xf32, #tpu.memory_space<hbm>> -> memref<1x64xf32, #tpu.memory_space<hbm>>
      %dma_start3A_420 = arith.constant 0 : i32
      %dma_start3A_421 = tpu.memref_slice %arg9[%add3A_414, %dma_start3A_420] : memref<128x64xf32, #tpu.memory_space<vmem>> -> memref<1x64xf32, #tpu.memory_space<vmem>>
      %dma_start3A_422 = arith.constant 0 : i32
      %dma_start3A_423 = tpu.memref_slice %arg2[%squeeze3A_410, %squeeze3A_412, %dma_start3A_422] : memref<125000x8x64xf32, #tpu.memory_space<hbm>> -> memref<1x1x64xf32, #tpu.memory_space<hbm>>
      %dma_start3A_424 = tpu.memref_squeeze %dma_start3A_423 : memref<1x1x64xf32, #tpu.memory_space<hbm>> -> memref<1x64xf32, #tpu.memory_space<hbm>>
      tpu.enqueue_dma source(%dma_start3A_424 : memref<1x64xf32, #tpu.memory_space<hbm>>) target(%dma_start3A_421 : memref<1x64xf32, #tpu.memory_space<vmem>>) target_semaphore(%arg13 : memref<!tpu.dma_semaphore, #tpu.memory_space<semaphore_mem>>)
      %slice3A_425 = vector.extract_strided_slice %shift_right_logical3A_184 {offsets = [15], sizes = [1], strides = [1]} : vector<16xi32> to vector<1xi32>
      %squeeze3A_426 = vector.extract %slice3A_425[0] : i32 from vector<1xi32>
      %slice3A_427 = vector.extract_strided_slice %and3A_186 {offsets = [15], sizes = [1], strides = [1]} : vector<16xi32> to vector<1xi32>
      %squeeze3A_428 = vector.extract %slice3A_427[0] : i32 from vector<1xi32>
      %add3A_429 = arith.constant 15 : i32
      %add3A_430 = arith.addi %mul3A_178, %add3A_429 : i32
      %dma_start3A_431 = arith.constant 0 : i32
      %dma_start3A_432 = tpu.memref_slice %arg9[%add3A_430, %dma_start3A_431] : memref<128x64xf32, #tpu.memory_space<vmem>> -> memref<1x64xf32, #tpu.memory_space<vmem>>
      %dma_start3A_433 = arith.constant 0 : i32
      %dma_start3A_434 = tpu.memref_slice %arg2[%squeeze3A_426, %squeeze3A_428, %dma_start3A_433] : memref<125000x8x64xf32, #tpu.memory_space<hbm>> -> memref<1x1x64xf32, #tpu.memory_space<hbm>>
      %dma_start3A_435 = tpu.memref_squeeze %dma_start3A_434 : memref<1x1x64xf32, #tpu.memory_space<hbm>> -> memref<1x64xf32, #tpu.memory_space<hbm>>
      %dma_start3A_436 = arith.constant 0 : i32
      %dma_start3A_437 = tpu.memref_slice %arg9[%add3A_430, %dma_start3A_436] : memref<128x64xf32, #tpu.memory_space<vmem>> -> memref<1x64xf32, #tpu.memory_space<vmem>>
      %dma_start3A_438 = arith.constant 0 : i32
      %dma_start3A_439 = tpu.memref_slice %arg2[%squeeze3A_426, %squeeze3A_428, %dma_start3A_438] : memref<125000x8x64xf32, #tpu.memory_space<hbm>> -> memref<1x1x64xf32, #tpu.memory_space<hbm>>
      %dma_start3A_440 = tpu.memref_squeeze %dma_start3A_439 : memref<1x1x64xf32, #tpu.memory_space<hbm>> -> memref<1x64xf32, #tpu.memory_space<hbm>>
      tpu.enqueue_dma source(%dma_start3A_440 : memref<1x64xf32, #tpu.memory_space<hbm>>) target(%dma_start3A_437 : memref<1x64xf32, #tpu.memory_space<vmem>>) target_semaphore(%arg13 : memref<!tpu.dma_semaphore, #tpu.memory_space<semaphore_mem>>)
    }
    %scan3A_7 = arith.constant 8 : i32
    %scan3A_8 = arith.constant 0 : i32
    %scan3A_9 = arith.constant 0 : i32
    %scan3A_10 = arith.constant 8 : i32
    %scan3A_11 = arith.addi %scan3A_9, %scan3A_10 : i32
    %scan3A_12 = arith.constant 1 : i32
    scf.for %scan3A_176 = %scan3A_9 to %scan3A_11 step %scan3A_12  : i32 {
      %mul3A_177 = arith.constant 16 : i32
      %mul3A_178 = arith.muli %scan3A_176, %mul3A_177 : i32
      %add3A_179 = arith.constant 128 : i32
      %add3A_180 = arith.addi %add3A_179, %mul3A_178 : i32
      %get3A = arith.index_cast %add3A_180 : i32 to index
      %get3A_181 = tpu.vector_load %arg7[%get3A] {strides = array<i32>} : memref<512xi32, #tpu.memory_space<vmem>>, vector<16xi32>,
      %get3A_182 = vector.shape_cast %get3A_181 : vector<16xi32> to vector<16xi32>
      %shift_right_logical3A = arith.constant 3 : i32
      %shift_right_logical3A_183 = vector.broadcast %shift_right_logical3A : i32 to vector<16xi32>
      %shift_right_logical3A_184 = arith.shrui %get3A_182, %shift_right_logical3A_183 : vector<16xi32>
      %and3A = arith.constant 7 : i32
      %and3A_185 = vector.broadcast %and3A : i32 to vector<16xi32>
      %and3A_186 = arith.andi %get3A_182, %and3A_185 : vector<16xi32>
      %slice3A = vector.extract_strided_slice %shift_right_logical3A_184 {offsets = [0], sizes = [1], strides = [1]} : vector<16xi32> to vector<1xi32>
      %squeeze3A = vector.extract %slice3A[0] : i32 from vector<1xi32>
      %slice3A_187 = vector.extract_strided_slice %and3A_186 {offsets = [0], sizes = [1], strides = [1]} : vector<16xi32> to vector<1xi32>
      %squeeze3A_188 = vector.extract %slice3A_187[0] : i32 from vector<1xi32>
      %add3A_189 = arith.constant 0 : i32
      %add3A_190 = arith.addi %mul3A_178, %add3A_189 : i32
      %dma_start3A_191 = arith.constant 0 : i32
      %dma_start3A_192 = tpu.memref_slice %arg10[%add3A_190, %dma_start3A_191] : memref<128x64xf32, #tpu.memory_space<vmem>> -> memref<1x64xf32, #tpu.memory_space<vmem>>
      %dma_start3A_193 = arith.constant 0 : i32
      %dma_start3A_194 = tpu.memref_slice %arg2[%squeeze3A, %squeeze3A_188, %dma_start3A_193] : memref<125000x8x64xf32, #tpu.memory_space<hbm>> -> memref<1x1x64xf32, #tpu.memory_space<hbm>>
      %dma_start3A_195 = tpu.memref_squeeze %dma_start3A_194 : memref<1x1x64xf32, #tpu.memory_space<hbm>> -> memref<1x64xf32, #tpu.memory_space<hbm>>
      %dma_start3A_196 = arith.constant 0 : i32
      %dma_start3A_197 = tpu.memref_slice %arg10[%add3A_190, %dma_start3A_196] : memref<128x64xf32, #tpu.memory_space<vmem>> -> memref<1x64xf32, #tpu.memory_space<vmem>>
      %dma_start3A_198 = arith.constant 0 : i32
      %dma_start3A_199 = tpu.memref_slice %arg2[%squeeze3A, %squeeze3A_188, %dma_start3A_198] : memref<125000x8x64xf32, #tpu.memory_space<hbm>> -> memref<1x1x64xf32, #tpu.memory_space<hbm>>
      %dma_start3A_200 = tpu.memref_squeeze %dma_start3A_199 : memref<1x1x64xf32, #tpu.memory_space<hbm>> -> memref<1x64xf32, #tpu.memory_space<hbm>>
      tpu.enqueue_dma source(%dma_start3A_200 : memref<1x64xf32, #tpu.memory_space<hbm>>) target(%dma_start3A_197 : memref<1x64xf32, #tpu.memory_space<vmem>>) target_semaphore(%arg14 : memref<!tpu.dma_semaphore, #tpu.memory_space<semaphore_mem>>)
      %slice3A_201 = vector.extract_strided_slice %shift_right_logical3A_184 {offsets = [1], sizes = [1], strides = [1]} : vector<16xi32> to vector<1xi32>
      %squeeze3A_202 = vector.extract %slice3A_201[0] : i32 from vector<1xi32>
      %slice3A_203 = vector.extract_strided_slice %and3A_186 {offsets = [1], sizes = [1], strides = [1]} : vector<16xi32> to vector<1xi32>
      %squeeze3A_204 = vector.extract %slice3A_203[0] : i32 from vector<1xi32>
      %add3A_205 = arith.constant 1 : i32
      %add3A_206 = arith.addi %mul3A_178, %add3A_205 : i32
      %dma_start3A_207 = arith.constant 0 : i32
      %dma_start3A_208 = tpu.memref_slice %arg10[%add3A_206, %dma_start3A_207] : memref<128x64xf32, #tpu.memory_space<vmem>> -> memref<1x64xf32, #tpu.memory_space<vmem>>
      %dma_start3A_209 = arith.constant 0 : i32
      %dma_start3A_210 = tpu.memref_slice %arg2[%squeeze3A_202, %squeeze3A_204, %dma_start3A_209] : memref<125000x8x64xf32, #tpu.memory_space<hbm>> -> memref<1x1x64xf32, #tpu.memory_space<hbm>>
      %dma_start3A_211 = tpu.memref_squeeze %dma_start3A_210 : memref<1x1x64xf32, #tpu.memory_space<hbm>> -> memref<1x64xf32, #tpu.memory_space<hbm>>
      %dma_start3A_212 = arith.constant 0 : i32
      %dma_start3A_213 = tpu.memref_slice %arg10[%add3A_206, %dma_start3A_212] : memref<128x64xf32, #tpu.memory_space<vmem>> -> memref<1x64xf32, #tpu.memory_space<vmem>>
      %dma_start3A_214 = arith.constant 0 : i32
      %dma_start3A_215 = tpu.memref_slice %arg2[%squeeze3A_202, %squeeze3A_204, %dma_start3A_214] : memref<125000x8x64xf32, #tpu.memory_space<hbm>> -> memref<1x1x64xf32, #tpu.memory_space<hbm>>
      %dma_start3A_216 = tpu.memref_squeeze %dma_start3A_215 : memref<1x1x64xf32, #tpu.memory_space<hbm>> -> memref<1x64xf32, #tpu.memory_space<hbm>>
      tpu.enqueue_dma source(%dma_start3A_216 : memref<1x64xf32, #tpu.memory_space<hbm>>) target(%dma_start3A_213 : memref<1x64xf32, #tpu.memory_space<vmem>>) target_semaphore(%arg14 : memref<!tpu.dma_semaphore, #tpu.memory_space<semaphore_mem>>)
      %slice3A_217 = vector.extract_strided_slice %shift_right_logical3A_184 {offsets = [2], sizes = [1], strides = [1]} : vector<16xi32> to vector<1xi32>
      %squeeze3A_218 = vector.extract %slice3A_217[0] : i32 from vector<1xi32>
      %slice3A_219 = vector.extract_strided_slice %and3A_186 {offsets = [2], sizes = [1], strides = [1]} : vector<16xi32> to vector<1xi32>
      %squeeze3A_220 = vector.extract %slice3A_219[0] : i32 from vector<1xi32>
      %add3A_221 = arith.constant 2 : i32
      %add3A_222 = arith.addi %mul3A_178, %add3A_221 : i32
      %dma_start3A_223 = arith.constant 0 : i32
      %dma_start3A_224 = tpu.memref_slice %arg10[%add3A_222, %dma_start3A_223] : memref<128x64xf32, #tpu.memory_space<vmem>> -> memref<1x64xf32, #tpu.memory_space<vmem>>
      %dma_start3A_225 = arith.constant 0 : i32
      %dma_start3A_226 = tpu.memref_slice %arg2[%squeeze3A_218, %squeeze3A_220, %dma_start3A_225] : memref<125000x8x64xf32, #tpu.memory_space<hbm>> -> memref<1x1x64xf32, #tpu.memory_space<hbm>>
      %dma_start3A_227 = tpu.memref_squeeze %dma_start3A_226 : memref<1x1x64xf32, #tpu.memory_space<hbm>> -> memref<1x64xf32, #tpu.memory_space<hbm>>
      %dma_start3A_228 = arith.constant 0 : i32
      %dma_start3A_229 = tpu.memref_slice %arg10[%add3A_222, %dma_start3A_228] : memref<128x64xf32, #tpu.memory_space<vmem>> -> memref<1x64xf32, #tpu.memory_space<vmem>>
      %dma_start3A_230 = arith.constant 0 : i32
      %dma_start3A_231 = tpu.memref_slice %arg2[%squeeze3A_218, %squeeze3A_220, %dma_start3A_230] : memref<125000x8x64xf32, #tpu.memory_space<hbm>> -> memref<1x1x64xf32, #tpu.memory_space<hbm>>
      %dma_start3A_232 = tpu.memref_squeeze %dma_start3A_231 : memref<1x1x64xf32, #tpu.memory_space<hbm>> -> memref<1x64xf32, #tpu.memory_space<hbm>>
      tpu.enqueue_dma source(%dma_start3A_232 : memref<1x64xf32, #tpu.memory_space<hbm>>) target(%dma_start3A_229 : memref<1x64xf32, #tpu.memory_space<vmem>>) target_semaphore(%arg14 : memref<!tpu.dma_semaphore, #tpu.memory_space<semaphore_mem>>)
      %slice3A_233 = vector.extract_strided_slice %shift_right_logical3A_184 {offsets = [3], sizes = [1], strides = [1]} : vector<16xi32> to vector<1xi32>
      %squeeze3A_234 = vector.extract %slice3A_233[0] : i32 from vector<1xi32>
      %slice3A_235 = vector.extract_strided_slice %and3A_186 {offsets = [3], sizes = [1], strides = [1]} : vector<16xi32> to vector<1xi32>
      %squeeze3A_236 = vector.extract %slice3A_235[0] : i32 from vector<1xi32>
      %add3A_237 = arith.constant 3 : i32
      %add3A_238 = arith.addi %mul3A_178, %add3A_237 : i32
      %dma_start3A_239 = arith.constant 0 : i32
      %dma_start3A_240 = tpu.memref_slice %arg10[%add3A_238, %dma_start3A_239] : memref<128x64xf32, #tpu.memory_space<vmem>> -> memref<1x64xf32, #tpu.memory_space<vmem>>
      %dma_start3A_241 = arith.constant 0 : i32
      %dma_start3A_242 = tpu.memref_slice %arg2[%squeeze3A_234, %squeeze3A_236, %dma_start3A_241] : memref<125000x8x64xf32, #tpu.memory_space<hbm>> -> memref<1x1x64xf32, #tpu.memory_space<hbm>>
      %dma_start3A_243 = tpu.memref_squeeze %dma_start3A_242 : memref<1x1x64xf32, #tpu.memory_space<hbm>> -> memref<1x64xf32, #tpu.memory_space<hbm>>
      %dma_start3A_244 = arith.constant 0 : i32
      %dma_start3A_245 = tpu.memref_slice %arg10[%add3A_238, %dma_start3A_244] : memref<128x64xf32, #tpu.memory_space<vmem>> -> memref<1x64xf32, #tpu.memory_space<vmem>>
      %dma_start3A_246 = arith.constant 0 : i32
      %dma_start3A_247 = tpu.memref_slice %arg2[%squeeze3A_234, %squeeze3A_236, %dma_start3A_246] : memref<125000x8x64xf32, #tpu.memory_space<hbm>> -> memref<1x1x64xf32, #tpu.memory_space<hbm>>
      %dma_start3A_248 = tpu.memref_squeeze %dma_start3A_247 : memref<1x1x64xf32, #tpu.memory_space<hbm>> -> memref<1x64xf32, #tpu.memory_space<hbm>>
      tpu.enqueue_dma source(%dma_start3A_248 : memref<1x64xf32, #tpu.memory_space<hbm>>) target(%dma_start3A_245 : memref<1x64xf32, #tpu.memory_space<vmem>>) target_semaphore(%arg14 : memref<!tpu.dma_semaphore, #tpu.memory_space<semaphore_mem>>)
      %slice3A_249 = vector.extract_strided_slice %shift_right_logical3A_184 {offsets = [4], sizes = [1], strides = [1]} : vector<16xi32> to vector<1xi32>
      %squeeze3A_250 = vector.extract %slice3A_249[0] : i32 from vector<1xi32>
      %slice3A_251 = vector.extract_strided_slice %and3A_186 {offsets = [4], sizes = [1], strides = [1]} : vector<16xi32> to vector<1xi32>
      %squeeze3A_252 = vector.extract %slice3A_251[0] : i32 from vector<1xi32>
      %add3A_253 = arith.constant 4 : i32
      %add3A_254 = arith.addi %mul3A_178, %add3A_253 : i32
      %dma_start3A_255 = arith.constant 0 : i32
      %dma_start3A_256 = tpu.memref_slice %arg10[%add3A_254, %dma_start3A_255] : memref<128x64xf32, #tpu.memory_space<vmem>> -> memref<1x64xf32, #tpu.memory_space<vmem>>
      %dma_start3A_257 = arith.constant 0 : i32
      %dma_start3A_258 = tpu.memref_slice %arg2[%squeeze3A_250, %squeeze3A_252, %dma_start3A_257] : memref<125000x8x64xf32, #tpu.memory_space<hbm>> -> memref<1x1x64xf32, #tpu.memory_space<hbm>>
      %dma_start3A_259 = tpu.memref_squeeze %dma_start3A_258 : memref<1x1x64xf32, #tpu.memory_space<hbm>> -> memref<1x64xf32, #tpu.memory_space<hbm>>
      %dma_start3A_260 = arith.constant 0 : i32
      %dma_start3A_261 = tpu.memref_slice %arg10[%add3A_254, %dma_start3A_260] : memref<128x64xf32, #tpu.memory_space<vmem>> -> memref<1x64xf32, #tpu.memory_space<vmem>>
      %dma_start3A_262 = arith.constant 0 : i32
      %dma_start3A_263 = tpu.memref_slice %arg2[%squeeze3A_250, %squeeze3A_252, %dma_start3A_262] : memref<125000x8x64xf32, #tpu.memory_space<hbm>> -> memref<1x1x64xf32, #tpu.memory_space<hbm>>
      %dma_start3A_264 = tpu.memref_squeeze %dma_start3A_263 : memref<1x1x64xf32, #tpu.memory_space<hbm>> -> memref<1x64xf32, #tpu.memory_space<hbm>>
      tpu.enqueue_dma source(%dma_start3A_264 : memref<1x64xf32, #tpu.memory_space<hbm>>) target(%dma_start3A_261 : memref<1x64xf32, #tpu.memory_space<vmem>>) target_semaphore(%arg14 : memref<!tpu.dma_semaphore, #tpu.memory_space<semaphore_mem>>)
      %slice3A_265 = vector.extract_strided_slice %shift_right_logical3A_184 {offsets = [5], sizes = [1], strides = [1]} : vector<16xi32> to vector<1xi32>
      %squeeze3A_266 = vector.extract %slice3A_265[0] : i32 from vector<1xi32>
      %slice3A_267 = vector.extract_strided_slice %and3A_186 {offsets = [5], sizes = [1], strides = [1]} : vector<16xi32> to vector<1xi32>
      %squeeze3A_268 = vector.extract %slice3A_267[0] : i32 from vector<1xi32>
      %add3A_269 = arith.constant 5 : i32
      %add3A_270 = arith.addi %mul3A_178, %add3A_269 : i32
      %dma_start3A_271 = arith.constant 0 : i32
      %dma_start3A_272 = tpu.memref_slice %arg10[%add3A_270, %dma_start3A_271] : memref<128x64xf32, #tpu.memory_space<vmem>> -> memref<1x64xf32, #tpu.memory_space<vmem>>
      %dma_start3A_273 = arith.constant 0 : i32
      %dma_start3A_274 = tpu.memref_slice %arg2[%squeeze3A_266, %squeeze3A_268, %dma_start3A_273] : memref<125000x8x64xf32, #tpu.memory_space<hbm>> -> memref<1x1x64xf32, #tpu.memory_space<hbm>>
      %dma_start3A_275 = tpu.memref_squeeze %dma_start3A_274 : memref<1x1x64xf32, #tpu.memory_space<hbm>> -> memref<1x64xf32, #tpu.memory_space<hbm>>
      %dma_start3A_276 = arith.constant 0 : i32
      %dma_start3A_277 = tpu.memref_slice %arg10[%add3A_270, %dma_start3A_276] : memref<128x64xf32, #tpu.memory_space<vmem>> -> memref<1x64xf32, #tpu.memory_space<vmem>>
      %dma_start3A_278 = arith.constant 0 : i32
      %dma_start3A_279 = tpu.memref_slice %arg2[%squeeze3A_266, %squeeze3A_268, %dma_start3A_278] : memref<125000x8x64xf32, #tpu.memory_space<hbm>> -> memref<1x1x64xf32, #tpu.memory_space<hbm>>
      %dma_start3A_280 = tpu.memref_squeeze %dma_start3A_279 : memref<1x1x64xf32, #tpu.memory_space<hbm>> -> memref<1x64xf32, #tpu.memory_space<hbm>>
      tpu.enqueue_dma source(%dma_start3A_280 : memref<1x64xf32, #tpu.memory_space<hbm>>) target(%dma_start3A_277 : memref<1x64xf32, #tpu.memory_space<vmem>>) target_semaphore(%arg14 : memref<!tpu.dma_semaphore, #tpu.memory_space<semaphore_mem>>)
      %slice3A_281 = vector.extract_strided_slice %shift_right_logical3A_184 {offsets = [6], sizes = [1], strides = [1]} : vector<16xi32> to vector<1xi32>
      %squeeze3A_282 = vector.extract %slice3A_281[0] : i32 from vector<1xi32>
      %slice3A_283 = vector.extract_strided_slice %and3A_186 {offsets = [6], sizes = [1], strides = [1]} : vector<16xi32> to vector<1xi32>
      %squeeze3A_284 = vector.extract %slice3A_283[0] : i32 from vector<1xi32>
      %add3A_285 = arith.constant 6 : i32
      %add3A_286 = arith.addi %mul3A_178, %add3A_285 : i32
      %dma_start3A_287 = arith.constant 0 : i32
      %dma_start3A_288 = tpu.memref_slice %arg10[%add3A_286, %dma_start3A_287] : memref<128x64xf32, #tpu.memory_space<vmem>> -> memref<1x64xf32, #tpu.memory_space<vmem>>
      %dma_start3A_289 = arith.constant 0 : i32
      %dma_start3A_290 = tpu.memref_slice %arg2[%squeeze3A_282, %squeeze3A_284, %dma_start3A_289] : memref<125000x8x64xf32, #tpu.memory_space<hbm>> -> memref<1x1x64xf32, #tpu.memory_space<hbm>>
      %dma_start3A_291 = tpu.memref_squeeze %dma_start3A_290 : memref<1x1x64xf32, #tpu.memory_space<hbm>> -> memref<1x64xf32, #tpu.memory_space<hbm>>
      %dma_start3A_292 = arith.constant 0 : i32
      %dma_start3A_293 = tpu.memref_slice %arg10[%add3A_286, %dma_start3A_292] : memref<128x64xf32, #tpu.memory_space<vmem>> -> memref<1x64xf32, #tpu.memory_space<vmem>>
      %dma_start3A_294 = arith.constant 0 : i32
      %dma_start3A_295 = tpu.memref_slice %arg2[%squeeze3A_282, %squeeze3A_284, %dma_start3A_294] : memref<125000x8x64xf32, #tpu.memory_space<hbm>> -> memref<1x1x64xf32, #tpu.memory_space<hbm>>
      %dma_start3A_296 = tpu.memref_squeeze %dma_start3A_295 : memref<1x1x64xf32, #tpu.memory_space<hbm>> -> memref<1x64xf32, #tpu.memory_space<hbm>>
      tpu.enqueue_dma source(%dma_start3A_296 : memref<1x64xf32, #tpu.memory_space<hbm>>) target(%dma_start3A_293 : memref<1x64xf32, #tpu.memory_space<vmem>>) target_semaphore(%arg14 : memref<!tpu.dma_semaphore, #tpu.memory_space<semaphore_mem>>)
      %slice3A_297 = vector.extract_strided_slice %shift_right_logical3A_184 {offsets = [7], sizes = [1], strides = [1]} : vector<16xi32> to vector<1xi32>
      %squeeze3A_298 = vector.extract %slice3A_297[0] : i32 from vector<1xi32>
      %slice3A_299 = vector.extract_strided_slice %and3A_186 {offsets = [7], sizes = [1], strides = [1]} : vector<16xi32> to vector<1xi32>
      %squeeze3A_300 = vector.extract %slice3A_299[0] : i32 from vector<1xi32>
      %add3A_301 = arith.constant 7 : i32
      %add3A_302 = arith.addi %mul3A_178, %add3A_301 : i32
      %dma_start3A_303 = arith.constant 0 : i32
      %dma_start3A_304 = tpu.memref_slice %arg10[%add3A_302, %dma_start3A_303] : memref<128x64xf32, #tpu.memory_space<vmem>> -> memref<1x64xf32, #tpu.memory_space<vmem>>
      %dma_start3A_305 = arith.constant 0 : i32
      %dma_start3A_306 = tpu.memref_slice %arg2[%squeeze3A_298, %squeeze3A_300, %dma_start3A_305] : memref<125000x8x64xf32, #tpu.memory_space<hbm>> -> memref<1x1x64xf32, #tpu.memory_space<hbm>>
      %dma_start3A_307 = tpu.memref_squeeze %dma_start3A_306 : memref<1x1x64xf32, #tpu.memory_space<hbm>> -> memref<1x64xf32, #tpu.memory_space<hbm>>
      %dma_start3A_308 = arith.constant 0 : i32
      %dma_start3A_309 = tpu.memref_slice %arg10[%add3A_302, %dma_start3A_308] : memref<128x64xf32, #tpu.memory_space<vmem>> -> memref<1x64xf32, #tpu.memory_space<vmem>>
      %dma_start3A_310 = arith.constant 0 : i32
      %dma_start3A_311 = tpu.memref_slice %arg2[%squeeze3A_298, %squeeze3A_300, %dma_start3A_310] : memref<125000x8x64xf32, #tpu.memory_space<hbm>> -> memref<1x1x64xf32, #tpu.memory_space<hbm>>
      %dma_start3A_312 = tpu.memref_squeeze %dma_start3A_311 : memref<1x1x64xf32, #tpu.memory_space<hbm>> -> memref<1x64xf32, #tpu.memory_space<hbm>>
      tpu.enqueue_dma source(%dma_start3A_312 : memref<1x64xf32, #tpu.memory_space<hbm>>) target(%dma_start3A_309 : memref<1x64xf32, #tpu.memory_space<vmem>>) target_semaphore(%arg14 : memref<!tpu.dma_semaphore, #tpu.memory_space<semaphore_mem>>)
      %slice3A_313 = vector.extract_strided_slice %shift_right_logical3A_184 {offsets = [8], sizes = [1], strides = [1]} : vector<16xi32> to vector<1xi32>
      %squeeze3A_314 = vector.extract %slice3A_313[0] : i32 from vector<1xi32>
      %slice3A_315 = vector.extract_strided_slice %and3A_186 {offsets = [8], sizes = [1], strides = [1]} : vector<16xi32> to vector<1xi32>
      %squeeze3A_316 = vector.extract %slice3A_315[0] : i32 from vector<1xi32>
      %add3A_317 = arith.constant 8 : i32
      %add3A_318 = arith.addi %mul3A_178, %add3A_317 : i32
      %dma_start3A_319 = arith.constant 0 : i32
      %dma_start3A_320 = tpu.memref_slice %arg10[%add3A_318, %dma_start3A_319] : memref<128x64xf32, #tpu.memory_space<vmem>> -> memref<1x64xf32, #tpu.memory_space<vmem>>
      %dma_start3A_321 = arith.constant 0 : i32
      %dma_start3A_322 = tpu.memref_slice %arg2[%squeeze3A_314, %squeeze3A_316, %dma_start3A_321] : memref<125000x8x64xf32, #tpu.memory_space<hbm>> -> memref<1x1x64xf32, #tpu.memory_space<hbm>>
      %dma_start3A_323 = tpu.memref_squeeze %dma_start3A_322 : memref<1x1x64xf32, #tpu.memory_space<hbm>> -> memref<1x64xf32, #tpu.memory_space<hbm>>
      %dma_start3A_324 = arith.constant 0 : i32
      %dma_start3A_325 = tpu.memref_slice %arg10[%add3A_318, %dma_start3A_324] : memref<128x64xf32, #tpu.memory_space<vmem>> -> memref<1x64xf32, #tpu.memory_space<vmem>>
      %dma_start3A_326 = arith.constant 0 : i32
      %dma_start3A_327 = tpu.memref_slice %arg2[%squeeze3A_314, %squeeze3A_316, %dma_start3A_326] : memref<125000x8x64xf32, #tpu.memory_space<hbm>> -> memref<1x1x64xf32, #tpu.memory_space<hbm>>
      %dma_start3A_328 = tpu.memref_squeeze %dma_start3A_327 : memref<1x1x64xf32, #tpu.memory_space<hbm>> -> memref<1x64xf32, #tpu.memory_space<hbm>>
      tpu.enqueue_dma source(%dma_start3A_328 : memref<1x64xf32, #tpu.memory_space<hbm>>) target(%dma_start3A_325 : memref<1x64xf32, #tpu.memory_space<vmem>>) target_semaphore(%arg14 : memref<!tpu.dma_semaphore, #tpu.memory_space<semaphore_mem>>)
      %slice3A_329 = vector.extract_strided_slice %shift_right_logical3A_184 {offsets = [9], sizes = [1], strides = [1]} : vector<16xi32> to vector<1xi32>
      %squeeze3A_330 = vector.extract %slice3A_329[0] : i32 from vector<1xi32>
      %slice3A_331 = vector.extract_strided_slice %and3A_186 {offsets = [9], sizes = [1], strides = [1]} : vector<16xi32> to vector<1xi32>
      %squeeze3A_332 = vector.extract %slice3A_331[0] : i32 from vector<1xi32>
      %add3A_333 = arith.constant 9 : i32
      %add3A_334 = arith.addi %mul3A_178, %add3A_333 : i32
      %dma_start3A_335 = arith.constant 0 : i32
      %dma_start3A_336 = tpu.memref_slice %arg10[%add3A_334, %dma_start3A_335] : memref<128x64xf32, #tpu.memory_space<vmem>> -> memref<1x64xf32, #tpu.memory_space<vmem>>
      %dma_start3A_337 = arith.constant 0 : i32
      %dma_start3A_338 = tpu.memref_slice %arg2[%squeeze3A_330, %squeeze3A_332, %dma_start3A_337] : memref<125000x8x64xf32, #tpu.memory_space<hbm>> -> memref<1x1x64xf32, #tpu.memory_space<hbm>>
      %dma_start3A_339 = tpu.memref_squeeze %dma_start3A_338 : memref<1x1x64xf32, #tpu.memory_space<hbm>> -> memref<1x64xf32, #tpu.memory_space<hbm>>
      %dma_start3A_340 = arith.constant 0 : i32
      %dma_start3A_341 = tpu.memref_slice %arg10[%add3A_334, %dma_start3A_340] : memref<128x64xf32, #tpu.memory_space<vmem>> -> memref<1x64xf32, #tpu.memory_space<vmem>>
      %dma_start3A_342 = arith.constant 0 : i32
      %dma_start3A_343 = tpu.memref_slice %arg2[%squeeze3A_330, %squeeze3A_332, %dma_start3A_342] : memref<125000x8x64xf32, #tpu.memory_space<hbm>> -> memref<1x1x64xf32, #tpu.memory_space<hbm>>
      %dma_start3A_344 = tpu.memref_squeeze %dma_start3A_343 : memref<1x1x64xf32, #tpu.memory_space<hbm>> -> memref<1x64xf32, #tpu.memory_space<hbm>>
      tpu.enqueue_dma source(%dma_start3A_344 : memref<1x64xf32, #tpu.memory_space<hbm>>) target(%dma_start3A_341 : memref<1x64xf32, #tpu.memory_space<vmem>>) target_semaphore(%arg14 : memref<!tpu.dma_semaphore, #tpu.memory_space<semaphore_mem>>)
      %slice3A_345 = vector.extract_strided_slice %shift_right_logical3A_184 {offsets = [10], sizes = [1], strides = [1]} : vector<16xi32> to vector<1xi32>
      %squeeze3A_346 = vector.extract %slice3A_345[0] : i32 from vector<1xi32>
      %slice3A_347 = vector.extract_strided_slice %and3A_186 {offsets = [10], sizes = [1], strides = [1]} : vector<16xi32> to vector<1xi32>
      %squeeze3A_348 = vector.extract %slice3A_347[0] : i32 from vector<1xi32>
      %add3A_349 = arith.constant 10 : i32
      %add3A_350 = arith.addi %mul3A_178, %add3A_349 : i32
      %dma_start3A_351 = arith.constant 0 : i32
      %dma_start3A_352 = tpu.memref_slice %arg10[%add3A_350, %dma_start3A_351] : memref<128x64xf32, #tpu.memory_space<vmem>> -> memref<1x64xf32, #tpu.memory_space<vmem>>
      %dma_start3A_353 = arith.constant 0 : i32
      %dma_start3A_354 = tpu.memref_slice %arg2[%squeeze3A_346, %squeeze3A_348, %dma_start3A_353] : memref<125000x8x64xf32, #tpu.memory_space<hbm>> -> memref<1x1x64xf32, #tpu.memory_space<hbm>>
      %dma_start3A_355 = tpu.memref_squeeze %dma_start3A_354 : memref<1x1x64xf32, #tpu.memory_space<hbm>> -> memref<1x64xf32, #tpu.memory_space<hbm>>
      %dma_start3A_356 = arith.constant 0 : i32
      %dma_start3A_357 = tpu.memref_slice %arg10[%add3A_350, %dma_start3A_356] : memref<128x64xf32, #tpu.memory_space<vmem>> -> memref<1x64xf32, #tpu.memory_space<vmem>>
      %dma_start3A_358 = arith.constant 0 : i32
      %dma_start3A_359 = tpu.memref_slice %arg2[%squeeze3A_346, %squeeze3A_348, %dma_start3A_358] : memref<125000x8x64xf32, #tpu.memory_space<hbm>> -> memref<1x1x64xf32, #tpu.memory_space<hbm>>
      %dma_start3A_360 = tpu.memref_squeeze %dma_start3A_359 : memref<1x1x64xf32, #tpu.memory_space<hbm>> -> memref<1x64xf32, #tpu.memory_space<hbm>>
      tpu.enqueue_dma source(%dma_start3A_360 : memref<1x64xf32, #tpu.memory_space<hbm>>) target(%dma_start3A_357 : memref<1x64xf32, #tpu.memory_space<vmem>>) target_semaphore(%arg14 : memref<!tpu.dma_semaphore, #tpu.memory_space<semaphore_mem>>)
      %slice3A_361 = vector.extract_strided_slice %shift_right_logical3A_184 {offsets = [11], sizes = [1], strides = [1]} : vector<16xi32> to vector<1xi32>
      %squeeze3A_362 = vector.extract %slice3A_361[0] : i32 from vector<1xi32>
      %slice3A_363 = vector.extract_strided_slice %and3A_186 {offsets = [11], sizes = [1], strides = [1]} : vector<16xi32> to vector<1xi32>
      %squeeze3A_364 = vector.extract %slice3A_363[0] : i32 from vector<1xi32>
      %add3A_365 = arith.constant 11 : i32
      %add3A_366 = arith.addi %mul3A_178, %add3A_365 : i32
      %dma_start3A_367 = arith.constant 0 : i32
      %dma_start3A_368 = tpu.memref_slice %arg10[%add3A_366, %dma_start3A_367] : memref<128x64xf32, #tpu.memory_space<vmem>> -> memref<1x64xf32, #tpu.memory_space<vmem>>
      %dma_start3A_369 = arith.constant 0 : i32
      %dma_start3A_370 = tpu.memref_slice %arg2[%squeeze3A_362, %squeeze3A_364, %dma_start3A_369] : memref<125000x8x64xf32, #tpu.memory_space<hbm>> -> memref<1x1x64xf32, #tpu.memory_space<hbm>>
      %dma_start3A_371 = tpu.memref_squeeze %dma_start3A_370 : memref<1x1x64xf32, #tpu.memory_space<hbm>> -> memref<1x64xf32, #tpu.memory_space<hbm>>
      %dma_start3A_372 = arith.constant 0 : i32
      %dma_start3A_373 = tpu.memref_slice %arg10[%add3A_366, %dma_start3A_372] : memref<128x64xf32, #tpu.memory_space<vmem>> -> memref<1x64xf32, #tpu.memory_space<vmem>>
      %dma_start3A_374 = arith.constant 0 : i32
      %dma_start3A_375 = tpu.memref_slice %arg2[%squeeze3A_362, %squeeze3A_364, %dma_start3A_374] : memref<125000x8x64xf32, #tpu.memory_space<hbm>> -> memref<1x1x64xf32, #tpu.memory_space<hbm>>
      %dma_start3A_376 = tpu.memref_squeeze %dma_start3A_375 : memref<1x1x64xf32, #tpu.memory_space<hbm>> -> memref<1x64xf32, #tpu.memory_space<hbm>>
      tpu.enqueue_dma source(%dma_start3A_376 : memref<1x64xf32, #tpu.memory_space<hbm>>) target(%dma_start3A_373 : memref<1x64xf32, #tpu.memory_space<vmem>>) target_semaphore(%arg14 : memref<!tpu.dma_semaphore, #tpu.memory_space<semaphore_mem>>)
      %slice3A_377 = vector.extract_strided_slice %shift_right_logical3A_184 {offsets = [12], sizes = [1], strides = [1]} : vector<16xi32> to vector<1xi32>
      %squeeze3A_378 = vector.extract %slice3A_377[0] : i32 from vector<1xi32>
      %slice3A_379 = vector.extract_strided_slice %and3A_186 {offsets = [12], sizes = [1], strides = [1]} : vector<16xi32> to vector<1xi32>
      %squeeze3A_380 = vector.extract %slice3A_379[0] : i32 from vector<1xi32>
      %add3A_381 = arith.constant 12 : i32
      %add3A_382 = arith.addi %mul3A_178, %add3A_381 : i32
      %dma_start3A_383 = arith.constant 0 : i32
      %dma_start3A_384 = tpu.memref_slice %arg10[%add3A_382, %dma_start3A_383] : memref<128x64xf32, #tpu.memory_space<vmem>> -> memref<1x64xf32, #tpu.memory_space<vmem>>
      %dma_start3A_385 = arith.constant 0 : i32
      %dma_start3A_386 = tpu.memref_slice %arg2[%squeeze3A_378, %squeeze3A_380, %dma_start3A_385] : memref<125000x8x64xf32, #tpu.memory_space<hbm>> -> memref<1x1x64xf32, #tpu.memory_space<hbm>>
      %dma_start3A_387 = tpu.memref_squeeze %dma_start3A_386 : memref<1x1x64xf32, #tpu.memory_space<hbm>> -> memref<1x64xf32, #tpu.memory_space<hbm>>
      %dma_start3A_388 = arith.constant 0 : i32
      %dma_start3A_389 = tpu.memref_slice %arg10[%add3A_382, %dma_start3A_388] : memref<128x64xf32, #tpu.memory_space<vmem>> -> memref<1x64xf32, #tpu.memory_space<vmem>>
      %dma_start3A_390 = arith.constant 0 : i32
      %dma_start3A_391 = tpu.memref_slice %arg2[%squeeze3A_378, %squeeze3A_380, %dma_start3A_390] : memref<125000x8x64xf32, #tpu.memory_space<hbm>> -> memref<1x1x64xf32, #tpu.memory_space<hbm>>
      %dma_start3A_392 = tpu.memref_squeeze %dma_start3A_391 : memref<1x1x64xf32, #tpu.memory_space<hbm>> -> memref<1x64xf32, #tpu.memory_space<hbm>>
      tpu.enqueue_dma source(%dma_start3A_392 : memref<1x64xf32, #tpu.memory_space<hbm>>) target(%dma_start3A_389 : memref<1x64xf32, #tpu.memory_space<vmem>>) target_semaphore(%arg14 : memref<!tpu.dma_semaphore, #tpu.memory_space<semaphore_mem>>)
      %slice3A_393 = vector.extract_strided_slice %shift_right_logical3A_184 {offsets = [13], sizes = [1], strides = [1]} : vector<16xi32> to vector<1xi32>
      %squeeze3A_394 = vector.extract %slice3A_393[0] : i32 from vector<1xi32>
      %slice3A_395 = vector.extract_strided_slice %and3A_186 {offsets = [13], sizes = [1], strides = [1]} : vector<16xi32> to vector<1xi32>
      %squeeze3A_396 = vector.extract %slice3A_395[0] : i32 from vector<1xi32>
      %add3A_397 = arith.constant 13 : i32
      %add3A_398 = arith.addi %mul3A_178, %add3A_397 : i32
      %dma_start3A_399 = arith.constant 0 : i32
      %dma_start3A_400 = tpu.memref_slice %arg10[%add3A_398, %dma_start3A_399] : memref<128x64xf32, #tpu.memory_space<vmem>> -> memref<1x64xf32, #tpu.memory_space<vmem>>
      %dma_start3A_401 = arith.constant 0 : i32
      %dma_start3A_402 = tpu.memref_slice %arg2[%squeeze3A_394, %squeeze3A_396, %dma_start3A_401] : memref<125000x8x64xf32, #tpu.memory_space<hbm>> -> memref<1x1x64xf32, #tpu.memory_space<hbm>>
      %dma_start3A_403 = tpu.memref_squeeze %dma_start3A_402 : memref<1x1x64xf32, #tpu.memory_space<hbm>> -> memref<1x64xf32, #tpu.memory_space<hbm>>
      %dma_start3A_404 = arith.constant 0 : i32
      %dma_start3A_405 = tpu.memref_slice %arg10[%add3A_398, %dma_start3A_404] : memref<128x64xf32, #tpu.memory_space<vmem>> -> memref<1x64xf32, #tpu.memory_space<vmem>>
      %dma_start3A_406 = arith.constant 0 : i32
      %dma_start3A_407 = tpu.memref_slice %arg2[%squeeze3A_394, %squeeze3A_396, %dma_start3A_406] : memref<125000x8x64xf32, #tpu.memory_space<hbm>> -> memref<1x1x64xf32, #tpu.memory_space<hbm>>
      %dma_start3A_408 = tpu.memref_squeeze %dma_start3A_407 : memref<1x1x64xf32, #tpu.memory_space<hbm>> -> memref<1x64xf32, #tpu.memory_space<hbm>>
      tpu.enqueue_dma source(%dma_start3A_408 : memref<1x64xf32, #tpu.memory_space<hbm>>) target(%dma_start3A_405 : memref<1x64xf32, #tpu.memory_space<vmem>>) target_semaphore(%arg14 : memref<!tpu.dma_semaphore, #tpu.memory_space<semaphore_mem>>)
      %slice3A_409 = vector.extract_strided_slice %shift_right_logical3A_184 {offsets = [14], sizes = [1], strides = [1]} : vector<16xi32> to vector<1xi32>
      %squeeze3A_410 = vector.extract %slice3A_409[0] : i32 from vector<1xi32>
      %slice3A_411 = vector.extract_strided_slice %and3A_186 {offsets = [14], sizes = [1], strides = [1]} : vector<16xi32> to vector<1xi32>
      %squeeze3A_412 = vector.extract %slice3A_411[0] : i32 from vector<1xi32>
      %add3A_413 = arith.constant 14 : i32
      %add3A_414 = arith.addi %mul3A_178, %add3A_413 : i32
      %dma_start3A_415 = arith.constant 0 : i32
      %dma_start3A_416 = tpu.memref_slice %arg10[%add3A_414, %dma_start3A_415] : memref<128x64xf32, #tpu.memory_space<vmem>> -> memref<1x64xf32, #tpu.memory_space<vmem>>
      %dma_start3A_417 = arith.constant 0 : i32
      %dma_start3A_418 = tpu.memref_slice %arg2[%squeeze3A_410, %squeeze3A_412, %dma_start3A_417] : memref<125000x8x64xf32, #tpu.memory_space<hbm>> -> memref<1x1x64xf32, #tpu.memory_space<hbm>>
      %dma_start3A_419 = tpu.memref_squeeze %dma_start3A_418 : memref<1x1x64xf32, #tpu.memory_space<hbm>> -> memref<1x64xf32, #tpu.memory_space<hbm>>
      %dma_start3A_420 = arith.constant 0 : i32
      %dma_start3A_421 = tpu.memref_slice %arg10[%add3A_414, %dma_start3A_420] : memref<128x64xf32, #tpu.memory_space<vmem>> -> memref<1x64xf32, #tpu.memory_space<vmem>>
      %dma_start3A_422 = arith.constant 0 : i32
      %dma_start3A_423 = tpu.memref_slice %arg2[%squeeze3A_410, %squeeze3A_412, %dma_start3A_422] : memref<125000x8x64xf32, #tpu.memory_space<hbm>> -> memref<1x1x64xf32, #tpu.memory_space<hbm>>
      %dma_start3A_424 = tpu.memref_squeeze %dma_start3A_423 : memref<1x1x64xf32, #tpu.memory_space<hbm>> -> memref<1x64xf32, #tpu.memory_space<hbm>>
      tpu.enqueue_dma source(%dma_start3A_424 : memref<1x64xf32, #tpu.memory_space<hbm>>) target(%dma_start3A_421 : memref<1x64xf32, #tpu.memory_space<vmem>>) target_semaphore(%arg14 : memref<!tpu.dma_semaphore, #tpu.memory_space<semaphore_mem>>)
      %slice3A_425 = vector.extract_strided_slice %shift_right_logical3A_184 {offsets = [15], sizes = [1], strides = [1]} : vector<16xi32> to vector<1xi32>
      %squeeze3A_426 = vector.extract %slice3A_425[0] : i32 from vector<1xi32>
      %slice3A_427 = vector.extract_strided_slice %and3A_186 {offsets = [15], sizes = [1], strides = [1]} : vector<16xi32> to vector<1xi32>
      %squeeze3A_428 = vector.extract %slice3A_427[0] : i32 from vector<1xi32>
      %add3A_429 = arith.constant 15 : i32
      %add3A_430 = arith.addi %mul3A_178, %add3A_429 : i32
      %dma_start3A_431 = arith.constant 0 : i32
      %dma_start3A_432 = tpu.memref_slice %arg10[%add3A_430, %dma_start3A_431] : memref<128x64xf32, #tpu.memory_space<vmem>> -> memref<1x64xf32, #tpu.memory_space<vmem>>
      %dma_start3A_433 = arith.constant 0 : i32
      %dma_start3A_434 = tpu.memref_slice %arg2[%squeeze3A_426, %squeeze3A_428, %dma_start3A_433] : memref<125000x8x64xf32, #tpu.memory_space<hbm>> -> memref<1x1x64xf32, #tpu.memory_space<hbm>>
      %dma_start3A_435 = tpu.memref_squeeze %dma_start3A_434 : memref<1x1x64xf32, #tpu.memory_space<hbm>> -> memref<1x64xf32, #tpu.memory_space<hbm>>
      %dma_start3A_436 = arith.constant 0 : i32
      %dma_start3A_437 = tpu.memref_slice %arg10[%add3A_430, %dma_start3A_436] : memref<128x64xf32, #tpu.memory_space<vmem>> -> memref<1x64xf32, #tpu.memory_space<vmem>>
      %dma_start3A_438 = arith.constant 0 : i32
      %dma_start3A_439 = tpu.memref_slice %arg2[%squeeze3A_426, %squeeze3A_428, %dma_start3A_438] : memref<125000x8x64xf32, #tpu.memory_space<hbm>> -> memref<1x1x64xf32, #tpu.memory_space<hbm>>
      %dma_start3A_440 = tpu.memref_squeeze %dma_start3A_439 : memref<1x1x64xf32, #tpu.memory_space<hbm>> -> memref<1x64xf32, #tpu.memory_space<hbm>>
      tpu.enqueue_dma source(%dma_start3A_440 : memref<1x64xf32, #tpu.memory_space<hbm>>) target(%dma_start3A_437 : memref<1x64xf32, #tpu.memory_space<vmem>>) target_semaphore(%arg14 : memref<!tpu.dma_semaphore, #tpu.memory_space<semaphore_mem>>)
    }
    %scan3A_13 = arith.constant 8 : i32
    %dma_wait3A = arith.constant 0 : i32
    %dma_wait3A_14 = arith.constant 0 : i32
    %dma_wait3A_15 = tpu.memref_slice %arg5[%dma_wait3A, %dma_wait3A_14] : memref<16384x64xf32, #tpu.memory_space<hbm>> -> memref<128x64xf32, #tpu.memory_space<hbm>>
    %dma_wait3A_16 = arith.constant 0 : i32
    %dma_wait3A_17 = arith.constant 0 : i32
    %dma_wait3A_18 = tpu.memref_slice %arg5[%dma_wait3A_16, %dma_wait3A_17] : memref<16384x64xf32, #tpu.memory_space<hbm>> -> memref<128x64xf32, #tpu.memory_space<hbm>>
    tpu.wait_dma2 semaphore(%arg13 : memref<!tpu.dma_semaphore, #tpu.memory_space<semaphore_mem>>) src(%dma_wait3A_18 : memref<128x64xf32, #tpu.memory_space<hbm>>) dst(%arg9 : memref<128x64xf32, #tpu.memory_space<vmem>>)
    %add3A_19 = arith.constant 0 : i32
    %add3A_20 = arith.addi %mul3A_2, %add3A_19 : i32
    %dma_start3A = arith.constant 0 : i32
    %dma_start3A_21 = tpu.memref_slice %arg5[%add3A_20, %dma_start3A] : memref<16384x64xf32, #tpu.memory_space<hbm>> -> memref<128x64xf32, #tpu.memory_space<hbm>>
    %dma_start3A_22 = arith.constant 0 : i32
    %dma_start3A_23 = tpu.memref_slice %arg5[%add3A_20, %dma_start3A_22] : memref<16384x64xf32, #tpu.memory_space<hbm>> -> memref<128x64xf32, #tpu.memory_space<hbm>>
    tpu.enqueue_dma source(%arg9 : memref<128x64xf32, #tpu.memory_space<vmem>>) target(%dma_start3A_23 : memref<128x64xf32, #tpu.memory_space<hbm>>) target_semaphore(%arg17 : memref<!tpu.dma_semaphore, #tpu.memory_space<semaphore_mem>>)
    %scan3A_24 = arith.constant 0 : i32
    %scan3A_25 = arith.constant 0 : i32
    %scan3A_26 = arith.constant 8 : i32
    %scan3A_27 = arith.addi %scan3A_25, %scan3A_26 : i32
    %scan3A_28 = arith.constant 1 : i32
    scf.for %scan3A_176 = %scan3A_25 to %scan3A_27 step %scan3A_28  : i32 {
      %mul3A_177 = arith.constant 16 : i32
      %mul3A_178 = arith.muli %scan3A_176, %mul3A_177 : i32
      %add3A_179 = arith.constant 256 : i32
      %add3A_180 = arith.addi %add3A_179, %mul3A_178 : i32
      %get3A = arith.index_cast %add3A_180 : i32 to index
      %get3A_181 = tpu.vector_load %arg7[%get3A] {strides = array<i32>} : memref<512xi32, #tpu.memory_space<vmem>>, vector<16xi32>,
      %get3A_182 = vector.shape_cast %get3A_181 : vector<16xi32> to vector<16xi32>
      %shift_right_logical3A = arith.constant 3 : i32
      %shift_right_logical3A_183 = vector.broadcast %shift_right_logical3A : i32 to vector<16xi32>
      %shift_right_logical3A_184 = arith.shrui %get3A_182, %shift_right_logical3A_183 : vector<16xi32>
      %and3A = arith.constant 7 : i32
      %and3A_185 = vector.broadcast %and3A : i32 to vector<16xi32>
      %and3A_186 = arith.andi %get3A_182, %and3A_185 : vector<16xi32>
      %slice3A = vector.extract_strided_slice %shift_right_logical3A_184 {offsets = [0], sizes = [1], strides = [1]} : vector<16xi32> to vector<1xi32>
      %squeeze3A = vector.extract %slice3A[0] : i32 from vector<1xi32>
      %slice3A_187 = vector.extract_strided_slice %and3A_186 {offsets = [0], sizes = [1], strides = [1]} : vector<16xi32> to vector<1xi32>
      %squeeze3A_188 = vector.extract %slice3A_187[0] : i32 from vector<1xi32>
      %add3A_189 = arith.constant 0 : i32
      %add3A_190 = arith.addi %mul3A_178, %add3A_189 : i32
      %dma_start3A_191 = arith.constant 0 : i32
      %dma_start3A_192 = tpu.memref_slice %arg11[%add3A_190, %dma_start3A_191] : memref<128x64xf32, #tpu.memory_space<vmem>> -> memref<1x64xf32, #tpu.memory_space<vmem>>
      %dma_start3A_193 = arith.constant 0 : i32
      %dma_start3A_194 = tpu.memref_slice %arg2[%squeeze3A, %squeeze3A_188, %dma_start3A_193] : memref<125000x8x64xf32, #tpu.memory_space<hbm>> -> memref<1x1x64xf32, #tpu.memory_space<hbm>>
      %dma_start3A_195 = tpu.memref_squeeze %dma_start3A_194 : memref<1x1x64xf32, #tpu.memory_space<hbm>> -> memref<1x64xf32, #tpu.memory_space<hbm>>
      %dma_start3A_196 = arith.constant 0 : i32
      %dma_start3A_197 = tpu.memref_slice %arg11[%add3A_190, %dma_start3A_196] : memref<128x64xf32, #tpu.memory_space<vmem>> -> memref<1x64xf32, #tpu.memory_space<vmem>>
      %dma_start3A_198 = arith.constant 0 : i32
      %dma_start3A_199 = tpu.memref_slice %arg2[%squeeze3A, %squeeze3A_188, %dma_start3A_198] : memref<125000x8x64xf32, #tpu.memory_space<hbm>> -> memref<1x1x64xf32, #tpu.memory_space<hbm>>
      %dma_start3A_200 = tpu.memref_squeeze %dma_start3A_199 : memref<1x1x64xf32, #tpu.memory_space<hbm>> -> memref<1x64xf32, #tpu.memory_space<hbm>>
      tpu.enqueue_dma source(%dma_start3A_200 : memref<1x64xf32, #tpu.memory_space<hbm>>) target(%dma_start3A_197 : memref<1x64xf32, #tpu.memory_space<vmem>>) target_semaphore(%arg15 : memref<!tpu.dma_semaphore, #tpu.memory_space<semaphore_mem>>)
      %slice3A_201 = vector.extract_strided_slice %shift_right_logical3A_184 {offsets = [1], sizes = [1], strides = [1]} : vector<16xi32> to vector<1xi32>
      %squeeze3A_202 = vector.extract %slice3A_201[0] : i32 from vector<1xi32>
      %slice3A_203 = vector.extract_strided_slice %and3A_186 {offsets = [1], sizes = [1], strides = [1]} : vector<16xi32> to vector<1xi32>
      %squeeze3A_204 = vector.extract %slice3A_203[0] : i32 from vector<1xi32>
      %add3A_205 = arith.constant 1 : i32
      %add3A_206 = arith.addi %mul3A_178, %add3A_205 : i32
      %dma_start3A_207 = arith.constant 0 : i32
      %dma_start3A_208 = tpu.memref_slice %arg11[%add3A_206, %dma_start3A_207] : memref<128x64xf32, #tpu.memory_space<vmem>> -> memref<1x64xf32, #tpu.memory_space<vmem>>
      %dma_start3A_209 = arith.constant 0 : i32
      %dma_start3A_210 = tpu.memref_slice %arg2[%squeeze3A_202, %squeeze3A_204, %dma_start3A_209] : memref<125000x8x64xf32, #tpu.memory_space<hbm>> -> memref<1x1x64xf32, #tpu.memory_space<hbm>>
      %dma_start3A_211 = tpu.memref_squeeze %dma_start3A_210 : memref<1x1x64xf32, #tpu.memory_space<hbm>> -> memref<1x64xf32, #tpu.memory_space<hbm>>
      %dma_start3A_212 = arith.constant 0 : i32
      %dma_start3A_213 = tpu.memref_slice %arg11[%add3A_206, %dma_start3A_212] : memref<128x64xf32, #tpu.memory_space<vmem>> -> memref<1x64xf32, #tpu.memory_space<vmem>>
      %dma_start3A_214 = arith.constant 0 : i32
      %dma_start3A_215 = tpu.memref_slice %arg2[%squeeze3A_202, %squeeze3A_204, %dma_start3A_214] : memref<125000x8x64xf32, #tpu.memory_space<hbm>> -> memref<1x1x64xf32, #tpu.memory_space<hbm>>
      %dma_start3A_216 = tpu.memref_squeeze %dma_start3A_215 : memref<1x1x64xf32, #tpu.memory_space<hbm>> -> memref<1x64xf32, #tpu.memory_space<hbm>>
      tpu.enqueue_dma source(%dma_start3A_216 : memref<1x64xf32, #tpu.memory_space<hbm>>) target(%dma_start3A_213 : memref<1x64xf32, #tpu.memory_space<vmem>>) target_semaphore(%arg15 : memref<!tpu.dma_semaphore, #tpu.memory_space<semaphore_mem>>)
      %slice3A_217 = vector.extract_strided_slice %shift_right_logical3A_184 {offsets = [2], sizes = [1], strides = [1]} : vector<16xi32> to vector<1xi32>
      %squeeze3A_218 = vector.extract %slice3A_217[0] : i32 from vector<1xi32>
      %slice3A_219 = vector.extract_strided_slice %and3A_186 {offsets = [2], sizes = [1], strides = [1]} : vector<16xi32> to vector<1xi32>
      %squeeze3A_220 = vector.extract %slice3A_219[0] : i32 from vector<1xi32>
      %add3A_221 = arith.constant 2 : i32
      %add3A_222 = arith.addi %mul3A_178, %add3A_221 : i32
      %dma_start3A_223 = arith.constant 0 : i32
      %dma_start3A_224 = tpu.memref_slice %arg11[%add3A_222, %dma_start3A_223] : memref<128x64xf32, #tpu.memory_space<vmem>> -> memref<1x64xf32, #tpu.memory_space<vmem>>
      %dma_start3A_225 = arith.constant 0 : i32
      %dma_start3A_226 = tpu.memref_slice %arg2[%squeeze3A_218, %squeeze3A_220, %dma_start3A_225] : memref<125000x8x64xf32, #tpu.memory_space<hbm>> -> memref<1x1x64xf32, #tpu.memory_space<hbm>>
      %dma_start3A_227 = tpu.memref_squeeze %dma_start3A_226 : memref<1x1x64xf32, #tpu.memory_space<hbm>> -> memref<1x64xf32, #tpu.memory_space<hbm>>
      %dma_start3A_228 = arith.constant 0 : i32
      %dma_start3A_229 = tpu.memref_slice %arg11[%add3A_222, %dma_start3A_228] : memref<128x64xf32, #tpu.memory_space<vmem>> -> memref<1x64xf32, #tpu.memory_space<vmem>>
      %dma_start3A_230 = arith.constant 0 : i32
      %dma_start3A_231 = tpu.memref_slice %arg2[%squeeze3A_218, %squeeze3A_220, %dma_start3A_230] : memref<125000x8x64xf32, #tpu.memory_space<hbm>> -> memref<1x1x64xf32, #tpu.memory_space<hbm>>
      %dma_start3A_232 = tpu.memref_squeeze %dma_start3A_231 : memref<1x1x64xf32, #tpu.memory_space<hbm>> -> memref<1x64xf32, #tpu.memory_space<hbm>>
      tpu.enqueue_dma source(%dma_start3A_232 : memref<1x64xf32, #tpu.memory_space<hbm>>) target(%dma_start3A_229 : memref<1x64xf32, #tpu.memory_space<vmem>>) target_semaphore(%arg15 : memref<!tpu.dma_semaphore, #tpu.memory_space<semaphore_mem>>)
      %slice3A_233 = vector.extract_strided_slice %shift_right_logical3A_184 {offsets = [3], sizes = [1], strides = [1]} : vector<16xi32> to vector<1xi32>
      %squeeze3A_234 = vector.extract %slice3A_233[0] : i32 from vector<1xi32>
      %slice3A_235 = vector.extract_strided_slice %and3A_186 {offsets = [3], sizes = [1], strides = [1]} : vector<16xi32> to vector<1xi32>
      %squeeze3A_236 = vector.extract %slice3A_235[0] : i32 from vector<1xi32>
      %add3A_237 = arith.constant 3 : i32
      %add3A_238 = arith.addi %mul3A_178, %add3A_237 : i32
      %dma_start3A_239 = arith.constant 0 : i32
      %dma_start3A_240 = tpu.memref_slice %arg11[%add3A_238, %dma_start3A_239] : memref<128x64xf32, #tpu.memory_space<vmem>> -> memref<1x64xf32, #tpu.memory_space<vmem>>
      %dma_start3A_241 = arith.constant 0 : i32
      %dma_start3A_242 = tpu.memref_slice %arg2[%squeeze3A_234, %squeeze3A_236, %dma_start3A_241] : memref<125000x8x64xf32, #tpu.memory_space<hbm>> -> memref<1x1x64xf32, #tpu.memory_space<hbm>>
      %dma_start3A_243 = tpu.memref_squeeze %dma_start3A_242 : memref<1x1x64xf32, #tpu.memory_space<hbm>> -> memref<1x64xf32, #tpu.memory_space<hbm>>
      %dma_start3A_244 = arith.constant 0 : i32
      %dma_start3A_245 = tpu.memref_slice %arg11[%add3A_238, %dma_start3A_244] : memref<128x64xf32, #tpu.memory_space<vmem>> -> memref<1x64xf32, #tpu.memory_space<vmem>>
      %dma_start3A_246 = arith.constant 0 : i32
      %dma_start3A_247 = tpu.memref_slice %arg2[%squeeze3A_234, %squeeze3A_236, %dma_start3A_246] : memref<125000x8x64xf32, #tpu.memory_space<hbm>> -> memref<1x1x64xf32, #tpu.memory_space<hbm>>
      %dma_start3A_248 = tpu.memref_squeeze %dma_start3A_247 : memref<1x1x64xf32, #tpu.memory_space<hbm>> -> memref<1x64xf32, #tpu.memory_space<hbm>>
      tpu.enqueue_dma source(%dma_start3A_248 : memref<1x64xf32, #tpu.memory_space<hbm>>) target(%dma_start3A_245 : memref<1x64xf32, #tpu.memory_space<vmem>>) target_semaphore(%arg15 : memref<!tpu.dma_semaphore, #tpu.memory_space<semaphore_mem>>)
      %slice3A_249 = vector.extract_strided_slice %shift_right_logical3A_184 {offsets = [4], sizes = [1], strides = [1]} : vector<16xi32> to vector<1xi32>
      %squeeze3A_250 = vector.extract %slice3A_249[0] : i32 from vector<1xi32>
      %slice3A_251 = vector.extract_strided_slice %and3A_186 {offsets = [4], sizes = [1], strides = [1]} : vector<16xi32> to vector<1xi32>
      %squeeze3A_252 = vector.extract %slice3A_251[0] : i32 from vector<1xi32>
      %add3A_253 = arith.constant 4 : i32
      %add3A_254 = arith.addi %mul3A_178, %add3A_253 : i32
      %dma_start3A_255 = arith.constant 0 : i32
      %dma_start3A_256 = tpu.memref_slice %arg11[%add3A_254, %dma_start3A_255] : memref<128x64xf32, #tpu.memory_space<vmem>> -> memref<1x64xf32, #tpu.memory_space<vmem>>
      %dma_start3A_257 = arith.constant 0 : i32
      %dma_start3A_258 = tpu.memref_slice %arg2[%squeeze3A_250, %squeeze3A_252, %dma_start3A_257] : memref<125000x8x64xf32, #tpu.memory_space<hbm>> -> memref<1x1x64xf32, #tpu.memory_space<hbm>>
      %dma_start3A_259 = tpu.memref_squeeze %dma_start3A_258 : memref<1x1x64xf32, #tpu.memory_space<hbm>> -> memref<1x64xf32, #tpu.memory_space<hbm>>
      %dma_start3A_260 = arith.constant 0 : i32
      %dma_start3A_261 = tpu.memref_slice %arg11[%add3A_254, %dma_start3A_260] : memref<128x64xf32, #tpu.memory_space<vmem>> -> memref<1x64xf32, #tpu.memory_space<vmem>>
      %dma_start3A_262 = arith.constant 0 : i32
      %dma_start3A_263 = tpu.memref_slice %arg2[%squeeze3A_250, %squeeze3A_252, %dma_start3A_262] : memref<125000x8x64xf32, #tpu.memory_space<hbm>> -> memref<1x1x64xf32, #tpu.memory_space<hbm>>
      %dma_start3A_264 = tpu.memref_squeeze %dma_start3A_263 : memref<1x1x64xf32, #tpu.memory_space<hbm>> -> memref<1x64xf32, #tpu.memory_space<hbm>>
      tpu.enqueue_dma source(%dma_start3A_264 : memref<1x64xf32, #tpu.memory_space<hbm>>) target(%dma_start3A_261 : memref<1x64xf32, #tpu.memory_space<vmem>>) target_semaphore(%arg15 : memref<!tpu.dma_semaphore, #tpu.memory_space<semaphore_mem>>)
      %slice3A_265 = vector.extract_strided_slice %shift_right_logical3A_184 {offsets = [5], sizes = [1], strides = [1]} : vector<16xi32> to vector<1xi32>
      %squeeze3A_266 = vector.extract %slice3A_265[0] : i32 from vector<1xi32>
      %slice3A_267 = vector.extract_strided_slice %and3A_186 {offsets = [5], sizes = [1], strides = [1]} : vector<16xi32> to vector<1xi32>
      %squeeze3A_268 = vector.extract %slice3A_267[0] : i32 from vector<1xi32>
      %add3A_269 = arith.constant 5 : i32
      %add3A_270 = arith.addi %mul3A_178, %add3A_269 : i32
      %dma_start3A_271 = arith.constant 0 : i32
      %dma_start3A_272 = tpu.memref_slice %arg11[%add3A_270, %dma_start3A_271] : memref<128x64xf32, #tpu.memory_space<vmem>> -> memref<1x64xf32, #tpu.memory_space<vmem>>
      %dma_start3A_273 = arith.constant 0 : i32
      %dma_start3A_274 = tpu.memref_slice %arg2[%squeeze3A_266, %squeeze3A_268, %dma_start3A_273] : memref<125000x8x64xf32, #tpu.memory_space<hbm>> -> memref<1x1x64xf32, #tpu.memory_space<hbm>>
      %dma_start3A_275 = tpu.memref_squeeze %dma_start3A_274 : memref<1x1x64xf32, #tpu.memory_space<hbm>> -> memref<1x64xf32, #tpu.memory_space<hbm>>
      %dma_start3A_276 = arith.constant 0 : i32
      %dma_start3A_277 = tpu.memref_slice %arg11[%add3A_270, %dma_start3A_276] : memref<128x64xf32, #tpu.memory_space<vmem>> -> memref<1x64xf32, #tpu.memory_space<vmem>>
      %dma_start3A_278 = arith.constant 0 : i32
      %dma_start3A_279 = tpu.memref_slice %arg2[%squeeze3A_266, %squeeze3A_268, %dma_start3A_278] : memref<125000x8x64xf32, #tpu.memory_space<hbm>> -> memref<1x1x64xf32, #tpu.memory_space<hbm>>
      %dma_start3A_280 = tpu.memref_squeeze %dma_start3A_279 : memref<1x1x64xf32, #tpu.memory_space<hbm>> -> memref<1x64xf32, #tpu.memory_space<hbm>>
      tpu.enqueue_dma source(%dma_start3A_280 : memref<1x64xf32, #tpu.memory_space<hbm>>) target(%dma_start3A_277 : memref<1x64xf32, #tpu.memory_space<vmem>>) target_semaphore(%arg15 : memref<!tpu.dma_semaphore, #tpu.memory_space<semaphore_mem>>)
      %slice3A_281 = vector.extract_strided_slice %shift_right_logical3A_184 {offsets = [6], sizes = [1], strides = [1]} : vector<16xi32> to vector<1xi32>
      %squeeze3A_282 = vector.extract %slice3A_281[0] : i32 from vector<1xi32>
      %slice3A_283 = vector.extract_strided_slice %and3A_186 {offsets = [6], sizes = [1], strides = [1]} : vector<16xi32> to vector<1xi32>
      %squeeze3A_284 = vector.extract %slice3A_283[0] : i32 from vector<1xi32>
      %add3A_285 = arith.constant 6 : i32
      %add3A_286 = arith.addi %mul3A_178, %add3A_285 : i32
      %dma_start3A_287 = arith.constant 0 : i32
      %dma_start3A_288 = tpu.memref_slice %arg11[%add3A_286, %dma_start3A_287] : memref<128x64xf32, #tpu.memory_space<vmem>> -> memref<1x64xf32, #tpu.memory_space<vmem>>
      %dma_start3A_289 = arith.constant 0 : i32
      %dma_start3A_290 = tpu.memref_slice %arg2[%squeeze3A_282, %squeeze3A_284, %dma_start3A_289] : memref<125000x8x64xf32, #tpu.memory_space<hbm>> -> memref<1x1x64xf32, #tpu.memory_space<hbm>>
      %dma_start3A_291 = tpu.memref_squeeze %dma_start3A_290 : memref<1x1x64xf32, #tpu.memory_space<hbm>> -> memref<1x64xf32, #tpu.memory_space<hbm>>
      %dma_start3A_292 = arith.constant 0 : i32
      %dma_start3A_293 = tpu.memref_slice %arg11[%add3A_286, %dma_start3A_292] : memref<128x64xf32, #tpu.memory_space<vmem>> -> memref<1x64xf32, #tpu.memory_space<vmem>>
      %dma_start3A_294 = arith.constant 0 : i32
      %dma_start3A_295 = tpu.memref_slice %arg2[%squeeze3A_282, %squeeze3A_284, %dma_start3A_294] : memref<125000x8x64xf32, #tpu.memory_space<hbm>> -> memref<1x1x64xf32, #tpu.memory_space<hbm>>
      %dma_start3A_296 = tpu.memref_squeeze %dma_start3A_295 : memref<1x1x64xf32, #tpu.memory_space<hbm>> -> memref<1x64xf32, #tpu.memory_space<hbm>>
      tpu.enqueue_dma source(%dma_start3A_296 : memref<1x64xf32, #tpu.memory_space<hbm>>) target(%dma_start3A_293 : memref<1x64xf32, #tpu.memory_space<vmem>>) target_semaphore(%arg15 : memref<!tpu.dma_semaphore, #tpu.memory_space<semaphore_mem>>)
      %slice3A_297 = vector.extract_strided_slice %shift_right_logical3A_184 {offsets = [7], sizes = [1], strides = [1]} : vector<16xi32> to vector<1xi32>
      %squeeze3A_298 = vector.extract %slice3A_297[0] : i32 from vector<1xi32>
      %slice3A_299 = vector.extract_strided_slice %and3A_186 {offsets = [7], sizes = [1], strides = [1]} : vector<16xi32> to vector<1xi32>
      %squeeze3A_300 = vector.extract %slice3A_299[0] : i32 from vector<1xi32>
      %add3A_301 = arith.constant 7 : i32
      %add3A_302 = arith.addi %mul3A_178, %add3A_301 : i32
      %dma_start3A_303 = arith.constant 0 : i32
      %dma_start3A_304 = tpu.memref_slice %arg11[%add3A_302, %dma_start3A_303] : memref<128x64xf32, #tpu.memory_space<vmem>> -> memref<1x64xf32, #tpu.memory_space<vmem>>
      %dma_start3A_305 = arith.constant 0 : i32
      %dma_start3A_306 = tpu.memref_slice %arg2[%squeeze3A_298, %squeeze3A_300, %dma_start3A_305] : memref<125000x8x64xf32, #tpu.memory_space<hbm>> -> memref<1x1x64xf32, #tpu.memory_space<hbm>>
      %dma_start3A_307 = tpu.memref_squeeze %dma_start3A_306 : memref<1x1x64xf32, #tpu.memory_space<hbm>> -> memref<1x64xf32, #tpu.memory_space<hbm>>
      %dma_start3A_308 = arith.constant 0 : i32
      %dma_start3A_309 = tpu.memref_slice %arg11[%add3A_302, %dma_start3A_308] : memref<128x64xf32, #tpu.memory_space<vmem>> -> memref<1x64xf32, #tpu.memory_space<vmem>>
      %dma_start3A_310 = arith.constant 0 : i32
      %dma_start3A_311 = tpu.memref_slice %arg2[%squeeze3A_298, %squeeze3A_300, %dma_start3A_310] : memref<125000x8x64xf32, #tpu.memory_space<hbm>> -> memref<1x1x64xf32, #tpu.memory_space<hbm>>
      %dma_start3A_312 = tpu.memref_squeeze %dma_start3A_311 : memref<1x1x64xf32, #tpu.memory_space<hbm>> -> memref<1x64xf32, #tpu.memory_space<hbm>>
      tpu.enqueue_dma source(%dma_start3A_312 : memref<1x64xf32, #tpu.memory_space<hbm>>) target(%dma_start3A_309 : memref<1x64xf32, #tpu.memory_space<vmem>>) target_semaphore(%arg15 : memref<!tpu.dma_semaphore, #tpu.memory_space<semaphore_mem>>)
      %slice3A_313 = vector.extract_strided_slice %shift_right_logical3A_184 {offsets = [8], sizes = [1], strides = [1]} : vector<16xi32> to vector<1xi32>
      %squeeze3A_314 = vector.extract %slice3A_313[0] : i32 from vector<1xi32>
      %slice3A_315 = vector.extract_strided_slice %and3A_186 {offsets = [8], sizes = [1], strides = [1]} : vector<16xi32> to vector<1xi32>
      %squeeze3A_316 = vector.extract %slice3A_315[0] : i32 from vector<1xi32>
      %add3A_317 = arith.constant 8 : i32
      %add3A_318 = arith.addi %mul3A_178, %add3A_317 : i32
      %dma_start3A_319 = arith.constant 0 : i32
      %dma_start3A_320 = tpu.memref_slice %arg11[%add3A_318, %dma_start3A_319] : memref<128x64xf32, #tpu.memory_space<vmem>> -> memref<1x64xf32, #tpu.memory_space<vmem>>
      %dma_start3A_321 = arith.constant 0 : i32
      %dma_start3A_322 = tpu.memref_slice %arg2[%squeeze3A_314, %squeeze3A_316, %dma_start3A_321] : memref<125000x8x64xf32, #tpu.memory_space<hbm>> -> memref<1x1x64xf32, #tpu.memory_space<hbm>>
      %dma_start3A_323 = tpu.memref_squeeze %dma_start3A_322 : memref<1x1x64xf32, #tpu.memory_space<hbm>> -> memref<1x64xf32, #tpu.memory_space<hbm>>
      %dma_start3A_324 = arith.constant 0 : i32
      %dma_start3A_325 = tpu.memref_slice %arg11[%add3A_318, %dma_start3A_324] : memref<128x64xf32, #tpu.memory_space<vmem>> -> memref<1x64xf32, #tpu.memory_space<vmem>>
      %dma_start3A_326 = arith.constant 0 : i32
      %dma_start3A_327 = tpu.memref_slice %arg2[%squeeze3A_314, %squeeze3A_316, %dma_start3A_326] : memref<125000x8x64xf32, #tpu.memory_space<hbm>> -> memref<1x1x64xf32, #tpu.memory_space<hbm>>
      %dma_start3A_328 = tpu.memref_squeeze %dma_start3A_327 : memref<1x1x64xf32, #tpu.memory_space<hbm>> -> memref<1x64xf32, #tpu.memory_space<hbm>>
      tpu.enqueue_dma source(%dma_start3A_328 : memref<1x64xf32, #tpu.memory_space<hbm>>) target(%dma_start3A_325 : memref<1x64xf32, #tpu.memory_space<vmem>>) target_semaphore(%arg15 : memref<!tpu.dma_semaphore, #tpu.memory_space<semaphore_mem>>)
      %slice3A_329 = vector.extract_strided_slice %shift_right_logical3A_184 {offsets = [9], sizes = [1], strides = [1]} : vector<16xi32> to vector<1xi32>
      %squeeze3A_330 = vector.extract %slice3A_329[0] : i32 from vector<1xi32>
      %slice3A_331 = vector.extract_strided_slice %and3A_186 {offsets = [9], sizes = [1], strides = [1]} : vector<16xi32> to vector<1xi32>
      %squeeze3A_332 = vector.extract %slice3A_331[0] : i32 from vector<1xi32>
      %add3A_333 = arith.constant 9 : i32
      %add3A_334 = arith.addi %mul3A_178, %add3A_333 : i32
      %dma_start3A_335 = arith.constant 0 : i32
      %dma_start3A_336 = tpu.memref_slice %arg11[%add3A_334, %dma_start3A_335] : memref<128x64xf32, #tpu.memory_space<vmem>> -> memref<1x64xf32, #tpu.memory_space<vmem>>
      %dma_start3A_337 = arith.constant 0 : i32
      %dma_start3A_338 = tpu.memref_slice %arg2[%squeeze3A_330, %squeeze3A_332, %dma_start3A_337] : memref<125000x8x64xf32, #tpu.memory_space<hbm>> -> memref<1x1x64xf32, #tpu.memory_space<hbm>>
      %dma_start3A_339 = tpu.memref_squeeze %dma_start3A_338 : memref<1x1x64xf32, #tpu.memory_space<hbm>> -> memref<1x64xf32, #tpu.memory_space<hbm>>
      %dma_start3A_340 = arith.constant 0 : i32
      %dma_start3A_341 = tpu.memref_slice %arg11[%add3A_334, %dma_start3A_340] : memref<128x64xf32, #tpu.memory_space<vmem>> -> memref<1x64xf32, #tpu.memory_space<vmem>>
      %dma_start3A_342 = arith.constant 0 : i32
      %dma_start3A_343 = tpu.memref_slice %arg2[%squeeze3A_330, %squeeze3A_332, %dma_start3A_342] : memref<125000x8x64xf32, #tpu.memory_space<hbm>> -> memref<1x1x64xf32, #tpu.memory_space<hbm>>
      %dma_start3A_344 = tpu.memref_squeeze %dma_start3A_343 : memref<1x1x64xf32, #tpu.memory_space<hbm>> -> memref<1x64xf32, #tpu.memory_space<hbm>>
      tpu.enqueue_dma source(%dma_start3A_344 : memref<1x64xf32, #tpu.memory_space<hbm>>) target(%dma_start3A_341 : memref<1x64xf32, #tpu.memory_space<vmem>>) target_semaphore(%arg15 : memref<!tpu.dma_semaphore, #tpu.memory_space<semaphore_mem>>)
      %slice3A_345 = vector.extract_strided_slice %shift_right_logical3A_184 {offsets = [10], sizes = [1], strides = [1]} : vector<16xi32> to vector<1xi32>
      %squeeze3A_346 = vector.extract %slice3A_345[0] : i32 from vector<1xi32>
      %slice3A_347 = vector.extract_strided_slice %and3A_186 {offsets = [10], sizes = [1], strides = [1]} : vector<16xi32> to vector<1xi32>
      %squeeze3A_348 = vector.extract %slice3A_347[0] : i32 from vector<1xi32>
      %add3A_349 = arith.constant 10 : i32
      %add3A_350 = arith.addi %mul3A_178, %add3A_349 : i32
      %dma_start3A_351 = arith.constant 0 : i32
      %dma_start3A_352 = tpu.memref_slice %arg11[%add3A_350, %dma_start3A_351] : memref<128x64xf32, #tpu.memory_space<vmem>> -> memref<1x64xf32, #tpu.memory_space<vmem>>
      %dma_start3A_353 = arith.constant 0 : i32
      %dma_start3A_354 = tpu.memref_slice %arg2[%squeeze3A_346, %squeeze3A_348, %dma_start3A_353] : memref<125000x8x64xf32, #tpu.memory_space<hbm>> -> memref<1x1x64xf32, #tpu.memory_space<hbm>>
      %dma_start3A_355 = tpu.memref_squeeze %dma_start3A_354 : memref<1x1x64xf32, #tpu.memory_space<hbm>> -> memref<1x64xf32, #tpu.memory_space<hbm>>
      %dma_start3A_356 = arith.constant 0 : i32
      %dma_start3A_357 = tpu.memref_slice %arg11[%add3A_350, %dma_start3A_356] : memref<128x64xf32, #tpu.memory_space<vmem>> -> memref<1x64xf32, #tpu.memory_space<vmem>>
      %dma_start3A_358 = arith.constant 0 : i32
      %dma_start3A_359 = tpu.memref_slice %arg2[%squeeze3A_346, %squeeze3A_348, %dma_start3A_358] : memref<125000x8x64xf32, #tpu.memory_space<hbm>> -> memref<1x1x64xf32, #tpu.memory_space<hbm>>
      %dma_start3A_360 = tpu.memref_squeeze %dma_start3A_359 : memref<1x1x64xf32, #tpu.memory_space<hbm>> -> memref<1x64xf32, #tpu.memory_space<hbm>>
      tpu.enqueue_dma source(%dma_start3A_360 : memref<1x64xf32, #tpu.memory_space<hbm>>) target(%dma_start3A_357 : memref<1x64xf32, #tpu.memory_space<vmem>>) target_semaphore(%arg15 : memref<!tpu.dma_semaphore, #tpu.memory_space<semaphore_mem>>)
      %slice3A_361 = vector.extract_strided_slice %shift_right_logical3A_184 {offsets = [11], sizes = [1], strides = [1]} : vector<16xi32> to vector<1xi32>
      %squeeze3A_362 = vector.extract %slice3A_361[0] : i32 from vector<1xi32>
      %slice3A_363 = vector.extract_strided_slice %and3A_186 {offsets = [11], sizes = [1], strides = [1]} : vector<16xi32> to vector<1xi32>
      %squeeze3A_364 = vector.extract %slice3A_363[0] : i32 from vector<1xi32>
      %add3A_365 = arith.constant 11 : i32
      %add3A_366 = arith.addi %mul3A_178, %add3A_365 : i32
      %dma_start3A_367 = arith.constant 0 : i32
      %dma_start3A_368 = tpu.memref_slice %arg11[%add3A_366, %dma_start3A_367] : memref<128x64xf32, #tpu.memory_space<vmem>> -> memref<1x64xf32, #tpu.memory_space<vmem>>
      %dma_start3A_369 = arith.constant 0 : i32
      %dma_start3A_370 = tpu.memref_slice %arg2[%squeeze3A_362, %squeeze3A_364, %dma_start3A_369] : memref<125000x8x64xf32, #tpu.memory_space<hbm>> -> memref<1x1x64xf32, #tpu.memory_space<hbm>>
      %dma_start3A_371 = tpu.memref_squeeze %dma_start3A_370 : memref<1x1x64xf32, #tpu.memory_space<hbm>> -> memref<1x64xf32, #tpu.memory_space<hbm>>
      %dma_start3A_372 = arith.constant 0 : i32
      %dma_start3A_373 = tpu.memref_slice %arg11[%add3A_366, %dma_start3A_372] : memref<128x64xf32, #tpu.memory_space<vmem>> -> memref<1x64xf32, #tpu.memory_space<vmem>>
      %dma_start3A_374 = arith.constant 0 : i32
      %dma_start3A_375 = tpu.memref_slice %arg2[%squeeze3A_362, %squeeze3A_364, %dma_start3A_374] : memref<125000x8x64xf32, #tpu.memory_space<hbm>> -> memref<1x1x64xf32, #tpu.memory_space<hbm>>
      %dma_start3A_376 = tpu.memref_squeeze %dma_start3A_375 : memref<1x1x64xf32, #tpu.memory_space<hbm>> -> memref<1x64xf32, #tpu.memory_space<hbm>>
      tpu.enqueue_dma source(%dma_start3A_376 : memref<1x64xf32, #tpu.memory_space<hbm>>) target(%dma_start3A_373 : memref<1x64xf32, #tpu.memory_space<vmem>>) target_semaphore(%arg15 : memref<!tpu.dma_semaphore, #tpu.memory_space<semaphore_mem>>)
      %slice3A_377 = vector.extract_strided_slice %shift_right_logical3A_184 {offsets = [12], sizes = [1], strides = [1]} : vector<16xi32> to vector<1xi32>
      %squeeze3A_378 = vector.extract %slice3A_377[0] : i32 from vector<1xi32>
      %slice3A_379 = vector.extract_strided_slice %and3A_186 {offsets = [12], sizes = [1], strides = [1]} : vector<16xi32> to vector<1xi32>
      %squeeze3A_380 = vector.extract %slice3A_379[0] : i32 from vector<1xi32>
      %add3A_381 = arith.constant 12 : i32
      %add3A_382 = arith.addi %mul3A_178, %add3A_381 : i32
      %dma_start3A_383 = arith.constant 0 : i32
      %dma_start3A_384 = tpu.memref_slice %arg11[%add3A_382, %dma_start3A_383] : memref<128x64xf32, #tpu.memory_space<vmem>> -> memref<1x64xf32, #tpu.memory_space<vmem>>
      %dma_start3A_385 = arith.constant 0 : i32
      %dma_start3A_386 = tpu.memref_slice %arg2[%squeeze3A_378, %squeeze3A_380, %dma_start3A_385] : memref<125000x8x64xf32, #tpu.memory_space<hbm>> -> memref<1x1x64xf32, #tpu.memory_space<hbm>>
      %dma_start3A_387 = tpu.memref_squeeze %dma_start3A_386 : memref<1x1x64xf32, #tpu.memory_space<hbm>> -> memref<1x64xf32, #tpu.memory_space<hbm>>
      %dma_start3A_388 = arith.constant 0 : i32
      %dma_start3A_389 = tpu.memref_slice %arg11[%add3A_382, %dma_start3A_388] : memref<128x64xf32, #tpu.memory_space<vmem>> -> memref<1x64xf32, #tpu.memory_space<vmem>>
      %dma_start3A_390 = arith.constant 0 : i32
      %dma_start3A_391 = tpu.memref_slice %arg2[%squeeze3A_378, %squeeze3A_380, %dma_start3A_390] : memref<125000x8x64xf32, #tpu.memory_space<hbm>> -> memref<1x1x64xf32, #tpu.memory_space<hbm>>
      %dma_start3A_392 = tpu.memref_squeeze %dma_start3A_391 : memref<1x1x64xf32, #tpu.memory_space<hbm>> -> memref<1x64xf32, #tpu.memory_space<hbm>>
      tpu.enqueue_dma source(%dma_start3A_392 : memref<1x64xf32, #tpu.memory_space<hbm>>) target(%dma_start3A_389 : memref<1x64xf32, #tpu.memory_space<vmem>>) target_semaphore(%arg15 : memref<!tpu.dma_semaphore, #tpu.memory_space<semaphore_mem>>)
      %slice3A_393 = vector.extract_strided_slice %shift_right_logical3A_184 {offsets = [13], sizes = [1], strides = [1]} : vector<16xi32> to vector<1xi32>
      %squeeze3A_394 = vector.extract %slice3A_393[0] : i32 from vector<1xi32>
      %slice3A_395 = vector.extract_strided_slice %and3A_186 {offsets = [13], sizes = [1], strides = [1]} : vector<16xi32> to vector<1xi32>
      %squeeze3A_396 = vector.extract %slice3A_395[0] : i32 from vector<1xi32>
      %add3A_397 = arith.constant 13 : i32
      %add3A_398 = arith.addi %mul3A_178, %add3A_397 : i32
      %dma_start3A_399 = arith.constant 0 : i32
      %dma_start3A_400 = tpu.memref_slice %arg11[%add3A_398, %dma_start3A_399] : memref<128x64xf32, #tpu.memory_space<vmem>> -> memref<1x64xf32, #tpu.memory_space<vmem>>
      %dma_start3A_401 = arith.constant 0 : i32
      %dma_start3A_402 = tpu.memref_slice %arg2[%squeeze3A_394, %squeeze3A_396, %dma_start3A_401] : memref<125000x8x64xf32, #tpu.memory_space<hbm>> -> memref<1x1x64xf32, #tpu.memory_space<hbm>>
      %dma_start3A_403 = tpu.memref_squeeze %dma_start3A_402 : memref<1x1x64xf32, #tpu.memory_space<hbm>> -> memref<1x64xf32, #tpu.memory_space<hbm>>
      %dma_start3A_404 = arith.constant 0 : i32
      %dma_start3A_405 = tpu.memref_slice %arg11[%add3A_398, %dma_start3A_404] : memref<128x64xf32, #tpu.memory_space<vmem>> -> memref<1x64xf32, #tpu.memory_space<vmem>>
      %dma_start3A_406 = arith.constant 0 : i32
      %dma_start3A_407 = tpu.memref_slice %arg2[%squeeze3A_394, %squeeze3A_396, %dma_start3A_406] : memref<125000x8x64xf32, #tpu.memory_space<hbm>> -> memref<1x1x64xf32, #tpu.memory_space<hbm>>
      %dma_start3A_408 = tpu.memref_squeeze %dma_start3A_407 : memref<1x1x64xf32, #tpu.memory_space<hbm>> -> memref<1x64xf32, #tpu.memory_space<hbm>>
      tpu.enqueue_dma source(%dma_start3A_408 : memref<1x64xf32, #tpu.memory_space<hbm>>) target(%dma_start3A_405 : memref<1x64xf32, #tpu.memory_space<vmem>>) target_semaphore(%arg15 : memref<!tpu.dma_semaphore, #tpu.memory_space<semaphore_mem>>)
      %slice3A_409 = vector.extract_strided_slice %shift_right_logical3A_184 {offsets = [14], sizes = [1], strides = [1]} : vector<16xi32> to vector<1xi32>
      %squeeze3A_410 = vector.extract %slice3A_409[0] : i32 from vector<1xi32>
      %slice3A_411 = vector.extract_strided_slice %and3A_186 {offsets = [14], sizes = [1], strides = [1]} : vector<16xi32> to vector<1xi32>
      %squeeze3A_412 = vector.extract %slice3A_411[0] : i32 from vector<1xi32>
      %add3A_413 = arith.constant 14 : i32
      %add3A_414 = arith.addi %mul3A_178, %add3A_413 : i32
      %dma_start3A_415 = arith.constant 0 : i32
      %dma_start3A_416 = tpu.memref_slice %arg11[%add3A_414, %dma_start3A_415] : memref<128x64xf32, #tpu.memory_space<vmem>> -> memref<1x64xf32, #tpu.memory_space<vmem>>
      %dma_start3A_417 = arith.constant 0 : i32
      %dma_start3A_418 = tpu.memref_slice %arg2[%squeeze3A_410, %squeeze3A_412, %dma_start3A_417] : memref<125000x8x64xf32, #tpu.memory_space<hbm>> -> memref<1x1x64xf32, #tpu.memory_space<hbm>>
      %dma_start3A_419 = tpu.memref_squeeze %dma_start3A_418 : memref<1x1x64xf32, #tpu.memory_space<hbm>> -> memref<1x64xf32, #tpu.memory_space<hbm>>
      %dma_start3A_420 = arith.constant 0 : i32
      %dma_start3A_421 = tpu.memref_slice %arg11[%add3A_414, %dma_start3A_420] : memref<128x64xf32, #tpu.memory_space<vmem>> -> memref<1x64xf32, #tpu.memory_space<vmem>>
      %dma_start3A_422 = arith.constant 0 : i32
      %dma_start3A_423 = tpu.memref_slice %arg2[%squeeze3A_410, %squeeze3A_412, %dma_start3A_422] : memref<125000x8x64xf32, #tpu.memory_space<hbm>> -> memref<1x1x64xf32, #tpu.memory_space<hbm>>
      %dma_start3A_424 = tpu.memref_squeeze %dma_start3A_423 : memref<1x1x64xf32, #tpu.memory_space<hbm>> -> memref<1x64xf32, #tpu.memory_space<hbm>>
      tpu.enqueue_dma source(%dma_start3A_424 : memref<1x64xf32, #tpu.memory_space<hbm>>) target(%dma_start3A_421 : memref<1x64xf32, #tpu.memory_space<vmem>>) target_semaphore(%arg15 : memref<!tpu.dma_semaphore, #tpu.memory_space<semaphore_mem>>)
      %slice3A_425 = vector.extract_strided_slice %shift_right_logical3A_184 {offsets = [15], sizes = [1], strides = [1]} : vector<16xi32> to vector<1xi32>
      %squeeze3A_426 = vector.extract %slice3A_425[0] : i32 from vector<1xi32>
      %slice3A_427 = vector.extract_strided_slice %and3A_186 {offsets = [15], sizes = [1], strides = [1]} : vector<16xi32> to vector<1xi32>
      %squeeze3A_428 = vector.extract %slice3A_427[0] : i32 from vector<1xi32>
      %add3A_429 = arith.constant 15 : i32
      %add3A_430 = arith.addi %mul3A_178, %add3A_429 : i32
      %dma_start3A_431 = arith.constant 0 : i32
      %dma_start3A_432 = tpu.memref_slice %arg11[%add3A_430, %dma_start3A_431] : memref<128x64xf32, #tpu.memory_space<vmem>> -> memref<1x64xf32, #tpu.memory_space<vmem>>
      %dma_start3A_433 = arith.constant 0 : i32
      %dma_start3A_434 = tpu.memref_slice %arg2[%squeeze3A_426, %squeeze3A_428, %dma_start3A_433] : memref<125000x8x64xf32, #tpu.memory_space<hbm>> -> memref<1x1x64xf32, #tpu.memory_space<hbm>>
      %dma_start3A_435 = tpu.memref_squeeze %dma_start3A_434 : memref<1x1x64xf32, #tpu.memory_space<hbm>> -> memref<1x64xf32, #tpu.memory_space<hbm>>
      %dma_start3A_436 = arith.constant 0 : i32
      %dma_start3A_437 = tpu.memref_slice %arg11[%add3A_430, %dma_start3A_436] : memref<128x64xf32, #tpu.memory_space<vmem>> -> memref<1x64xf32, #tpu.memory_space<vmem>>
      %dma_start3A_438 = arith.constant 0 : i32
      %dma_start3A_439 = tpu.memref_slice %arg2[%squeeze3A_426, %squeeze3A_428, %dma_start3A_438] : memref<125000x8x64xf32, #tpu.memory_space<hbm>> -> memref<1x1x64xf32, #tpu.memory_space<hbm>>
      %dma_start3A_440 = tpu.memref_squeeze %dma_start3A_439 : memref<1x1x64xf32, #tpu.memory_space<hbm>> -> memref<1x64xf32, #tpu.memory_space<hbm>>
      tpu.enqueue_dma source(%dma_start3A_440 : memref<1x64xf32, #tpu.memory_space<hbm>>) target(%dma_start3A_437 : memref<1x64xf32, #tpu.memory_space<vmem>>) target_semaphore(%arg15 : memref<!tpu.dma_semaphore, #tpu.memory_space<semaphore_mem>>)
    }
    %scan3A_29 = arith.constant 8 : i32
    %dma_wait3A_30 = arith.constant 0 : i32
    %dma_wait3A_31 = arith.constant 0 : i32
    %dma_wait3A_32 = tpu.memref_slice %arg5[%dma_wait3A_30, %dma_wait3A_31] : memref<16384x64xf32, #tpu.memory_space<hbm>> -> memref<128x64xf32, #tpu.memory_space<hbm>>
    %dma_wait3A_33 = arith.constant 0 : i32
    %dma_wait3A_34 = arith.constant 0 : i32
    %dma_wait3A_35 = tpu.memref_slice %arg5[%dma_wait3A_33, %dma_wait3A_34] : memref<16384x64xf32, #tpu.memory_space<hbm>> -> memref<128x64xf32, #tpu.memory_space<hbm>>
    tpu.wait_dma2 semaphore(%arg14 : memref<!tpu.dma_semaphore, #tpu.memory_space<semaphore_mem>>) src(%dma_wait3A_35 : memref<128x64xf32, #tpu.memory_space<hbm>>) dst(%arg10 : memref<128x64xf32, #tpu.memory_space<vmem>>)
    %add3A_36 = arith.constant 128 : i32
    %add3A_37 = arith.addi %mul3A_2, %add3A_36 : i32
    %dma_start3A_38 = arith.constant 0 : i32
    %dma_start3A_39 = tpu.memref_slice %arg5[%add3A_37, %dma_start3A_38] : memref<16384x64xf32, #tpu.memory_space<hbm>> -> memref<128x64xf32, #tpu.memory_space<hbm>>
    %dma_start3A_40 = arith.constant 0 : i32
    %dma_start3A_41 = tpu.memref_slice %arg5[%add3A_37, %dma_start3A_40] : memref<16384x64xf32, #tpu.memory_space<hbm>> -> memref<128x64xf32, #tpu.memory_space<hbm>>
    tpu.enqueue_dma source(%arg10 : memref<128x64xf32, #tpu.memory_space<vmem>>) target(%dma_start3A_41 : memref<128x64xf32, #tpu.memory_space<hbm>>) target_semaphore(%arg18 : memref<!tpu.dma_semaphore, #tpu.memory_space<semaphore_mem>>)
    %scan3A_42 = arith.constant 0 : i32
    %scan3A_43 = arith.constant 0 : i32
    %scan3A_44 = arith.constant 8 : i32
    %scan3A_45 = arith.addi %scan3A_43, %scan3A_44 : i32
    %scan3A_46 = arith.constant 1 : i32
    scf.for %scan3A_176 = %scan3A_43 to %scan3A_45 step %scan3A_46  : i32 {
      %mul3A_177 = arith.constant 16 : i32
      %mul3A_178 = arith.muli %scan3A_176, %mul3A_177 : i32
      %add3A_179 = arith.constant 384 : i32
      %add3A_180 = arith.addi %add3A_179, %mul3A_178 : i32
      %get3A = arith.index_cast %add3A_180 : i32 to index
      %get3A_181 = tpu.vector_load %arg7[%get3A] {strides = array<i32>} : memref<512xi32, #tpu.memory_space<vmem>>, vector<16xi32>,
      %get3A_182 = vector.shape_cast %get3A_181 : vector<16xi32> to vector<16xi32>
      %shift_right_logical3A = arith.constant 3 : i32
      %shift_right_logical3A_183 = vector.broadcast %shift_right_logical3A : i32 to vector<16xi32>
      %shift_right_logical3A_184 = arith.shrui %get3A_182, %shift_right_logical3A_183 : vector<16xi32>
      %and3A = arith.constant 7 : i32
      %and3A_185 = vector.broadcast %and3A : i32 to vector<16xi32>
      %and3A_186 = arith.andi %get3A_182, %and3A_185 : vector<16xi32>
      %slice3A = vector.extract_strided_slice %shift_right_logical3A_184 {offsets = [0], sizes = [1], strides = [1]} : vector<16xi32> to vector<1xi32>
      %squeeze3A = vector.extract %slice3A[0] : i32 from vector<1xi32>
      %slice3A_187 = vector.extract_strided_slice %and3A_186 {offsets = [0], sizes = [1], strides = [1]} : vector<16xi32> to vector<1xi32>
      %squeeze3A_188 = vector.extract %slice3A_187[0] : i32 from vector<1xi32>
      %add3A_189 = arith.constant 0 : i32
      %add3A_190 = arith.addi %mul3A_178, %add3A_189 : i32
      %dma_start3A_191 = arith.constant 0 : i32
      %dma_start3A_192 = tpu.memref_slice %arg12[%add3A_190, %dma_start3A_191] : memref<128x64xf32, #tpu.memory_space<vmem>> -> memref<1x64xf32, #tpu.memory_space<vmem>>
      %dma_start3A_193 = arith.constant 0 : i32
      %dma_start3A_194 = tpu.memref_slice %arg2[%squeeze3A, %squeeze3A_188, %dma_start3A_193] : memref<125000x8x64xf32, #tpu.memory_space<hbm>> -> memref<1x1x64xf32, #tpu.memory_space<hbm>>
      %dma_start3A_195 = tpu.memref_squeeze %dma_start3A_194 : memref<1x1x64xf32, #tpu.memory_space<hbm>> -> memref<1x64xf32, #tpu.memory_space<hbm>>
      %dma_start3A_196 = arith.constant 0 : i32
      %dma_start3A_197 = tpu.memref_slice %arg12[%add3A_190, %dma_start3A_196] : memref<128x64xf32, #tpu.memory_space<vmem>> -> memref<1x64xf32, #tpu.memory_space<vmem>>
      %dma_start3A_198 = arith.constant 0 : i32
      %dma_start3A_199 = tpu.memref_slice %arg2[%squeeze3A, %squeeze3A_188, %dma_start3A_198] : memref<125000x8x64xf32, #tpu.memory_space<hbm>> -> memref<1x1x64xf32, #tpu.memory_space<hbm>>
      %dma_start3A_200 = tpu.memref_squeeze %dma_start3A_199 : memref<1x1x64xf32, #tpu.memory_space<hbm>> -> memref<1x64xf32, #tpu.memory_space<hbm>>
      tpu.enqueue_dma source(%dma_start3A_200 : memref<1x64xf32, #tpu.memory_space<hbm>>) target(%dma_start3A_197 : memref<1x64xf32, #tpu.memory_space<vmem>>) target_semaphore(%arg16 : memref<!tpu.dma_semaphore, #tpu.memory_space<semaphore_mem>>)
      %slice3A_201 = vector.extract_strided_slice %shift_right_logical3A_184 {offsets = [1], sizes = [1], strides = [1]} : vector<16xi32> to vector<1xi32>
      %squeeze3A_202 = vector.extract %slice3A_201[0] : i32 from vector<1xi32>
      %slice3A_203 = vector.extract_strided_slice %and3A_186 {offsets = [1], sizes = [1], strides = [1]} : vector<16xi32> to vector<1xi32>
      %squeeze3A_204 = vector.extract %slice3A_203[0] : i32 from vector<1xi32>
      %add3A_205 = arith.constant 1 : i32
      %add3A_206 = arith.addi %mul3A_178, %add3A_205 : i32
      %dma_start3A_207 = arith.constant 0 : i32
      %dma_start3A_208 = tpu.memref_slice %arg12[%add3A_206, %dma_start3A_207] : memref<128x64xf32, #tpu.memory_space<vmem>> -> memref<1x64xf32, #tpu.memory_space<vmem>>
      %dma_start3A_209 = arith.constant 0 : i32
      %dma_start3A_210 = tpu.memref_slice %arg2[%squeeze3A_202, %squeeze3A_204, %dma_start3A_209] : memref<125000x8x64xf32, #tpu.memory_space<hbm>> -> memref<1x1x64xf32, #tpu.memory_space<hbm>>
      %dma_start3A_211 = tpu.memref_squeeze %dma_start3A_210 : memref<1x1x64xf32, #tpu.memory_space<hbm>> -> memref<1x64xf32, #tpu.memory_space<hbm>>
      %dma_start3A_212 = arith.constant 0 : i32
      %dma_start3A_213 = tpu.memref_slice %arg12[%add3A_206, %dma_start3A_212] : memref<128x64xf32, #tpu.memory_space<vmem>> -> memref<1x64xf32, #tpu.memory_space<vmem>>
      %dma_start3A_214 = arith.constant 0 : i32
      %dma_start3A_215 = tpu.memref_slice %arg2[%squeeze3A_202, %squeeze3A_204, %dma_start3A_214] : memref<125000x8x64xf32, #tpu.memory_space<hbm>> -> memref<1x1x64xf32, #tpu.memory_space<hbm>>
      %dma_start3A_216 = tpu.memref_squeeze %dma_start3A_215 : memref<1x1x64xf32, #tpu.memory_space<hbm>> -> memref<1x64xf32, #tpu.memory_space<hbm>>
      tpu.enqueue_dma source(%dma_start3A_216 : memref<1x64xf32, #tpu.memory_space<hbm>>) target(%dma_start3A_213 : memref<1x64xf32, #tpu.memory_space<vmem>>) target_semaphore(%arg16 : memref<!tpu.dma_semaphore, #tpu.memory_space<semaphore_mem>>)
      %slice3A_217 = vector.extract_strided_slice %shift_right_logical3A_184 {offsets = [2], sizes = [1], strides = [1]} : vector<16xi32> to vector<1xi32>
      %squeeze3A_218 = vector.extract %slice3A_217[0] : i32 from vector<1xi32>
      %slice3A_219 = vector.extract_strided_slice %and3A_186 {offsets = [2], sizes = [1], strides = [1]} : vector<16xi32> to vector<1xi32>
      %squeeze3A_220 = vector.extract %slice3A_219[0] : i32 from vector<1xi32>
      %add3A_221 = arith.constant 2 : i32
      %add3A_222 = arith.addi %mul3A_178, %add3A_221 : i32
      %dma_start3A_223 = arith.constant 0 : i32
      %dma_start3A_224 = tpu.memref_slice %arg12[%add3A_222, %dma_start3A_223] : memref<128x64xf32, #tpu.memory_space<vmem>> -> memref<1x64xf32, #tpu.memory_space<vmem>>
      %dma_start3A_225 = arith.constant 0 : i32
      %dma_start3A_226 = tpu.memref_slice %arg2[%squeeze3A_218, %squeeze3A_220, %dma_start3A_225] : memref<125000x8x64xf32, #tpu.memory_space<hbm>> -> memref<1x1x64xf32, #tpu.memory_space<hbm>>
      %dma_start3A_227 = tpu.memref_squeeze %dma_start3A_226 : memref<1x1x64xf32, #tpu.memory_space<hbm>> -> memref<1x64xf32, #tpu.memory_space<hbm>>
      %dma_start3A_228 = arith.constant 0 : i32
      %dma_start3A_229 = tpu.memref_slice %arg12[%add3A_222, %dma_start3A_228] : memref<128x64xf32, #tpu.memory_space<vmem>> -> memref<1x64xf32, #tpu.memory_space<vmem>>
      %dma_start3A_230 = arith.constant 0 : i32
      %dma_start3A_231 = tpu.memref_slice %arg2[%squeeze3A_218, %squeeze3A_220, %dma_start3A_230] : memref<125000x8x64xf32, #tpu.memory_space<hbm>> -> memref<1x1x64xf32, #tpu.memory_space<hbm>>
      %dma_start3A_232 = tpu.memref_squeeze %dma_start3A_231 : memref<1x1x64xf32, #tpu.memory_space<hbm>> -> memref<1x64xf32, #tpu.memory_space<hbm>>
      tpu.enqueue_dma source(%dma_start3A_232 : memref<1x64xf32, #tpu.memory_space<hbm>>) target(%dma_start3A_229 : memref<1x64xf32, #tpu.memory_space<vmem>>) target_semaphore(%arg16 : memref<!tpu.dma_semaphore, #tpu.memory_space<semaphore_mem>>)
      %slice3A_233 = vector.extract_strided_slice %shift_right_logical3A_184 {offsets = [3], sizes = [1], strides = [1]} : vector<16xi32> to vector<1xi32>
      %squeeze3A_234 = vector.extract %slice3A_233[0] : i32 from vector<1xi32>
      %slice3A_235 = vector.extract_strided_slice %and3A_186 {offsets = [3], sizes = [1], strides = [1]} : vector<16xi32> to vector<1xi32>
      %squeeze3A_236 = vector.extract %slice3A_235[0] : i32 from vector<1xi32>
      %add3A_237 = arith.constant 3 : i32
      %add3A_238 = arith.addi %mul3A_178, %add3A_237 : i32
      %dma_start3A_239 = arith.constant 0 : i32
      %dma_start3A_240 = tpu.memref_slice %arg12[%add3A_238, %dma_start3A_239] : memref<128x64xf32, #tpu.memory_space<vmem>> -> memref<1x64xf32, #tpu.memory_space<vmem>>
      %dma_start3A_241 = arith.constant 0 : i32
      %dma_start3A_242 = tpu.memref_slice %arg2[%squeeze3A_234, %squeeze3A_236, %dma_start3A_241] : memref<125000x8x64xf32, #tpu.memory_space<hbm>> -> memref<1x1x64xf32, #tpu.memory_space<hbm>>
      %dma_start3A_243 = tpu.memref_squeeze %dma_start3A_242 : memref<1x1x64xf32, #tpu.memory_space<hbm>> -> memref<1x64xf32, #tpu.memory_space<hbm>>
      %dma_start3A_244 = arith.constant 0 : i32
      %dma_start3A_245 = tpu.memref_slice %arg12[%add3A_238, %dma_start3A_244] : memref<128x64xf32, #tpu.memory_space<vmem>> -> memref<1x64xf32, #tpu.memory_space<vmem>>
      %dma_start3A_246 = arith.constant 0 : i32
      %dma_start3A_247 = tpu.memref_slice %arg2[%squeeze3A_234, %squeeze3A_236, %dma_start3A_246] : memref<125000x8x64xf32, #tpu.memory_space<hbm>> -> memref<1x1x64xf32, #tpu.memory_space<hbm>>
      %dma_start3A_248 = tpu.memref_squeeze %dma_start3A_247 : memref<1x1x64xf32, #tpu.memory_space<hbm>> -> memref<1x64xf32, #tpu.memory_space<hbm>>
      tpu.enqueue_dma source(%dma_start3A_248 : memref<1x64xf32, #tpu.memory_space<hbm>>) target(%dma_start3A_245 : memref<1x64xf32, #tpu.memory_space<vmem>>) target_semaphore(%arg16 : memref<!tpu.dma_semaphore, #tpu.memory_space<semaphore_mem>>)
      %slice3A_249 = vector.extract_strided_slice %shift_right_logical3A_184 {offsets = [4], sizes = [1], strides = [1]} : vector<16xi32> to vector<1xi32>
      %squeeze3A_250 = vector.extract %slice3A_249[0] : i32 from vector<1xi32>
      %slice3A_251 = vector.extract_strided_slice %and3A_186 {offsets = [4], sizes = [1], strides = [1]} : vector<16xi32> to vector<1xi32>
      %squeeze3A_252 = vector.extract %slice3A_251[0] : i32 from vector<1xi32>
      %add3A_253 = arith.constant 4 : i32
      %add3A_254 = arith.addi %mul3A_178, %add3A_253 : i32
      %dma_start3A_255 = arith.constant 0 : i32
      %dma_start3A_256 = tpu.memref_slice %arg12[%add3A_254, %dma_start3A_255] : memref<128x64xf32, #tpu.memory_space<vmem>> -> memref<1x64xf32, #tpu.memory_space<vmem>>
      %dma_start3A_257 = arith.constant 0 : i32
      %dma_start3A_258 = tpu.memref_slice %arg2[%squeeze3A_250, %squeeze3A_252, %dma_start3A_257] : memref<125000x8x64xf32, #tpu.memory_space<hbm>> -> memref<1x1x64xf32, #tpu.memory_space<hbm>>
      %dma_start3A_259 = tpu.memref_squeeze %dma_start3A_258 : memref<1x1x64xf32, #tpu.memory_space<hbm>> -> memref<1x64xf32, #tpu.memory_space<hbm>>
      %dma_start3A_260 = arith.constant 0 : i32
      %dma_start3A_261 = tpu.memref_slice %arg12[%add3A_254, %dma_start3A_260] : memref<128x64xf32, #tpu.memory_space<vmem>> -> memref<1x64xf32, #tpu.memory_space<vmem>>
      %dma_start3A_262 = arith.constant 0 : i32
      %dma_start3A_263 = tpu.memref_slice %arg2[%squeeze3A_250, %squeeze3A_252, %dma_start3A_262] : memref<125000x8x64xf32, #tpu.memory_space<hbm>> -> memref<1x1x64xf32, #tpu.memory_space<hbm>>
      %dma_start3A_264 = tpu.memref_squeeze %dma_start3A_263 : memref<1x1x64xf32, #tpu.memory_space<hbm>> -> memref<1x64xf32, #tpu.memory_space<hbm>>
      tpu.enqueue_dma source(%dma_start3A_264 : memref<1x64xf32, #tpu.memory_space<hbm>>) target(%dma_start3A_261 : memref<1x64xf32, #tpu.memory_space<vmem>>) target_semaphore(%arg16 : memref<!tpu.dma_semaphore, #tpu.memory_space<semaphore_mem>>)
      %slice3A_265 = vector.extract_strided_slice %shift_right_logical3A_184 {offsets = [5], sizes = [1], strides = [1]} : vector<16xi32> to vector<1xi32>
      %squeeze3A_266 = vector.extract %slice3A_265[0] : i32 from vector<1xi32>
      %slice3A_267 = vector.extract_strided_slice %and3A_186 {offsets = [5], sizes = [1], strides = [1]} : vector<16xi32> to vector<1xi32>
      %squeeze3A_268 = vector.extract %slice3A_267[0] : i32 from vector<1xi32>
      %add3A_269 = arith.constant 5 : i32
      %add3A_270 = arith.addi %mul3A_178, %add3A_269 : i32
      %dma_start3A_271 = arith.constant 0 : i32
      %dma_start3A_272 = tpu.memref_slice %arg12[%add3A_270, %dma_start3A_271] : memref<128x64xf32, #tpu.memory_space<vmem>> -> memref<1x64xf32, #tpu.memory_space<vmem>>
      %dma_start3A_273 = arith.constant 0 : i32
      %dma_start3A_274 = tpu.memref_slice %arg2[%squeeze3A_266, %squeeze3A_268, %dma_start3A_273] : memref<125000x8x64xf32, #tpu.memory_space<hbm>> -> memref<1x1x64xf32, #tpu.memory_space<hbm>>
      %dma_start3A_275 = tpu.memref_squeeze %dma_start3A_274 : memref<1x1x64xf32, #tpu.memory_space<hbm>> -> memref<1x64xf32, #tpu.memory_space<hbm>>
      %dma_start3A_276 = arith.constant 0 : i32
      %dma_start3A_277 = tpu.memref_slice %arg12[%add3A_270, %dma_start3A_276] : memref<128x64xf32, #tpu.memory_space<vmem>> -> memref<1x64xf32, #tpu.memory_space<vmem>>
      %dma_start3A_278 = arith.constant 0 : i32
      %dma_start3A_279 = tpu.memref_slice %arg2[%squeeze3A_266, %squeeze3A_268, %dma_start3A_278] : memref<125000x8x64xf32, #tpu.memory_space<hbm>> -> memref<1x1x64xf32, #tpu.memory_space<hbm>>
      %dma_start3A_280 = tpu.memref_squeeze %dma_start3A_279 : memref<1x1x64xf32, #tpu.memory_space<hbm>> -> memref<1x64xf32, #tpu.memory_space<hbm>>
      tpu.enqueue_dma source(%dma_start3A_280 : memref<1x64xf32, #tpu.memory_space<hbm>>) target(%dma_start3A_277 : memref<1x64xf32, #tpu.memory_space<vmem>>) target_semaphore(%arg16 : memref<!tpu.dma_semaphore, #tpu.memory_space<semaphore_mem>>)
      %slice3A_281 = vector.extract_strided_slice %shift_right_logical3A_184 {offsets = [6], sizes = [1], strides = [1]} : vector<16xi32> to vector<1xi32>
      %squeeze3A_282 = vector.extract %slice3A_281[0] : i32 from vector<1xi32>
      %slice3A_283 = vector.extract_strided_slice %and3A_186 {offsets = [6], sizes = [1], strides = [1]} : vector<16xi32> to vector<1xi32>
      %squeeze3A_284 = vector.extract %slice3A_283[0] : i32 from vector<1xi32>
      %add3A_285 = arith.constant 6 : i32
      %add3A_286 = arith.addi %mul3A_178, %add3A_285 : i32
      %dma_start3A_287 = arith.constant 0 : i32
      %dma_start3A_288 = tpu.memref_slice %arg12[%add3A_286, %dma_start3A_287] : memref<128x64xf32, #tpu.memory_space<vmem>> -> memref<1x64xf32, #tpu.memory_space<vmem>>
      %dma_start3A_289 = arith.constant 0 : i32
      %dma_start3A_290 = tpu.memref_slice %arg2[%squeeze3A_282, %squeeze3A_284, %dma_start3A_289] : memref<125000x8x64xf32, #tpu.memory_space<hbm>> -> memref<1x1x64xf32, #tpu.memory_space<hbm>>
      %dma_start3A_291 = tpu.memref_squeeze %dma_start3A_290 : memref<1x1x64xf32, #tpu.memory_space<hbm>> -> memref<1x64xf32, #tpu.memory_space<hbm>>
      %dma_start3A_292 = arith.constant 0 : i32
      %dma_start3A_293 = tpu.memref_slice %arg12[%add3A_286, %dma_start3A_292] : memref<128x64xf32, #tpu.memory_space<vmem>> -> memref<1x64xf32, #tpu.memory_space<vmem>>
      %dma_start3A_294 = arith.constant 0 : i32
      %dma_start3A_295 = tpu.memref_slice %arg2[%squeeze3A_282, %squeeze3A_284, %dma_start3A_294] : memref<125000x8x64xf32, #tpu.memory_space<hbm>> -> memref<1x1x64xf32, #tpu.memory_space<hbm>>
      %dma_start3A_296 = tpu.memref_squeeze %dma_start3A_295 : memref<1x1x64xf32, #tpu.memory_space<hbm>> -> memref<1x64xf32, #tpu.memory_space<hbm>>
      tpu.enqueue_dma source(%dma_start3A_296 : memref<1x64xf32, #tpu.memory_space<hbm>>) target(%dma_start3A_293 : memref<1x64xf32, #tpu.memory_space<vmem>>) target_semaphore(%arg16 : memref<!tpu.dma_semaphore, #tpu.memory_space<semaphore_mem>>)
      %slice3A_297 = vector.extract_strided_slice %shift_right_logical3A_184 {offsets = [7], sizes = [1], strides = [1]} : vector<16xi32> to vector<1xi32>
      %squeeze3A_298 = vector.extract %slice3A_297[0] : i32 from vector<1xi32>
      %slice3A_299 = vector.extract_strided_slice %and3A_186 {offsets = [7], sizes = [1], strides = [1]} : vector<16xi32> to vector<1xi32>
      %squeeze3A_300 = vector.extract %slice3A_299[0] : i32 from vector<1xi32>
      %add3A_301 = arith.constant 7 : i32
      %add3A_302 = arith.addi %mul3A_178, %add3A_301 : i32
      %dma_start3A_303 = arith.constant 0 : i32
      %dma_start3A_304 = tpu.memref_slice %arg12[%add3A_302, %dma_start3A_303] : memref<128x64xf32, #tpu.memory_space<vmem>> -> memref<1x64xf32, #tpu.memory_space<vmem>>
      %dma_start3A_305 = arith.constant 0 : i32
      %dma_start3A_306 = tpu.memref_slice %arg2[%squeeze3A_298, %squeeze3A_300, %dma_start3A_305] : memref<125000x8x64xf32, #tpu.memory_space<hbm>> -> memref<1x1x64xf32, #tpu.memory_space<hbm>>
      %dma_start3A_307 = tpu.memref_squeeze %dma_start3A_306 : memref<1x1x64xf32, #tpu.memory_space<hbm>> -> memref<1x64xf32, #tpu.memory_space<hbm>>
      %dma_start3A_308 = arith.constant 0 : i32
      %dma_start3A_309 = tpu.memref_slice %arg12[%add3A_302, %dma_start3A_308] : memref<128x64xf32, #tpu.memory_space<vmem>> -> memref<1x64xf32, #tpu.memory_space<vmem>>
      %dma_start3A_310 = arith.constant 0 : i32
      %dma_start3A_311 = tpu.memref_slice %arg2[%squeeze3A_298, %squeeze3A_300, %dma_start3A_310] : memref<125000x8x64xf32, #tpu.memory_space<hbm>> -> memref<1x1x64xf32, #tpu.memory_space<hbm>>
      %dma_start3A_312 = tpu.memref_squeeze %dma_start3A_311 : memref<1x1x64xf32, #tpu.memory_space<hbm>> -> memref<1x64xf32, #tpu.memory_space<hbm>>
      tpu.enqueue_dma source(%dma_start3A_312 : memref<1x64xf32, #tpu.memory_space<hbm>>) target(%dma_start3A_309 : memref<1x64xf32, #tpu.memory_space<vmem>>) target_semaphore(%arg16 : memref<!tpu.dma_semaphore, #tpu.memory_space<semaphore_mem>>)
      %slice3A_313 = vector.extract_strided_slice %shift_right_logical3A_184 {offsets = [8], sizes = [1], strides = [1]} : vector<16xi32> to vector<1xi32>
      %squeeze3A_314 = vector.extract %slice3A_313[0] : i32 from vector<1xi32>
      %slice3A_315 = vector.extract_strided_slice %and3A_186 {offsets = [8], sizes = [1], strides = [1]} : vector<16xi32> to vector<1xi32>
      %squeeze3A_316 = vector.extract %slice3A_315[0] : i32 from vector<1xi32>
      %add3A_317 = arith.constant 8 : i32
      %add3A_318 = arith.addi %mul3A_178, %add3A_317 : i32
      %dma_start3A_319 = arith.constant 0 : i32
      %dma_start3A_320 = tpu.memref_slice %arg12[%add3A_318, %dma_start3A_319] : memref<128x64xf32, #tpu.memory_space<vmem>> -> memref<1x64xf32, #tpu.memory_space<vmem>>
      %dma_start3A_321 = arith.constant 0 : i32
      %dma_start3A_322 = tpu.memref_slice %arg2[%squeeze3A_314, %squeeze3A_316, %dma_start3A_321] : memref<125000x8x64xf32, #tpu.memory_space<hbm>> -> memref<1x1x64xf32, #tpu.memory_space<hbm>>
      %dma_start3A_323 = tpu.memref_squeeze %dma_start3A_322 : memref<1x1x64xf32, #tpu.memory_space<hbm>> -> memref<1x64xf32, #tpu.memory_space<hbm>>
      %dma_start3A_324 = arith.constant 0 : i32
      %dma_start3A_325 = tpu.memref_slice %arg12[%add3A_318, %dma_start3A_324] : memref<128x64xf32, #tpu.memory_space<vmem>> -> memref<1x64xf32, #tpu.memory_space<vmem>>
      %dma_start3A_326 = arith.constant 0 : i32
      %dma_start3A_327 = tpu.memref_slice %arg2[%squeeze3A_314, %squeeze3A_316, %dma_start3A_326] : memref<125000x8x64xf32, #tpu.memory_space<hbm>> -> memref<1x1x64xf32, #tpu.memory_space<hbm>>
      %dma_start3A_328 = tpu.memref_squeeze %dma_start3A_327 : memref<1x1x64xf32, #tpu.memory_space<hbm>> -> memref<1x64xf32, #tpu.memory_space<hbm>>
      tpu.enqueue_dma source(%dma_start3A_328 : memref<1x64xf32, #tpu.memory_space<hbm>>) target(%dma_start3A_325 : memref<1x64xf32, #tpu.memory_space<vmem>>) target_semaphore(%arg16 : memref<!tpu.dma_semaphore, #tpu.memory_space<semaphore_mem>>)
      %slice3A_329 = vector.extract_strided_slice %shift_right_logical3A_184 {offsets = [9], sizes = [1], strides = [1]} : vector<16xi32> to vector<1xi32>
      %squeeze3A_330 = vector.extract %slice3A_329[0] : i32 from vector<1xi32>
      %slice3A_331 = vector.extract_strided_slice %and3A_186 {offsets = [9], sizes = [1], strides = [1]} : vector<16xi32> to vector<1xi32>
      %squeeze3A_332 = vector.extract %slice3A_331[0] : i32 from vector<1xi32>
      %add3A_333 = arith.constant 9 : i32
      %add3A_334 = arith.addi %mul3A_178, %add3A_333 : i32
      %dma_start3A_335 = arith.constant 0 : i32
      %dma_start3A_336 = tpu.memref_slice %arg12[%add3A_334, %dma_start3A_335] : memref<128x64xf32, #tpu.memory_space<vmem>> -> memref<1x64xf32, #tpu.memory_space<vmem>>
      %dma_start3A_337 = arith.constant 0 : i32
      %dma_start3A_338 = tpu.memref_slice %arg2[%squeeze3A_330, %squeeze3A_332, %dma_start3A_337] : memref<125000x8x64xf32, #tpu.memory_space<hbm>> -> memref<1x1x64xf32, #tpu.memory_space<hbm>>
      %dma_start3A_339 = tpu.memref_squeeze %dma_start3A_338 : memref<1x1x64xf32, #tpu.memory_space<hbm>> -> memref<1x64xf32, #tpu.memory_space<hbm>>
      %dma_start3A_340 = arith.constant 0 : i32
      %dma_start3A_341 = tpu.memref_slice %arg12[%add3A_334, %dma_start3A_340] : memref<128x64xf32, #tpu.memory_space<vmem>> -> memref<1x64xf32, #tpu.memory_space<vmem>>
      %dma_start3A_342 = arith.constant 0 : i32
      %dma_start3A_343 = tpu.memref_slice %arg2[%squeeze3A_330, %squeeze3A_332, %dma_start3A_342] : memref<125000x8x64xf32, #tpu.memory_space<hbm>> -> memref<1x1x64xf32, #tpu.memory_space<hbm>>
      %dma_start3A_344 = tpu.memref_squeeze %dma_start3A_343 : memref<1x1x64xf32, #tpu.memory_space<hbm>> -> memref<1x64xf32, #tpu.memory_space<hbm>>
      tpu.enqueue_dma source(%dma_start3A_344 : memref<1x64xf32, #tpu.memory_space<hbm>>) target(%dma_start3A_341 : memref<1x64xf32, #tpu.memory_space<vmem>>) target_semaphore(%arg16 : memref<!tpu.dma_semaphore, #tpu.memory_space<semaphore_mem>>)
      %slice3A_345 = vector.extract_strided_slice %shift_right_logical3A_184 {offsets = [10], sizes = [1], strides = [1]} : vector<16xi32> to vector<1xi32>
      %squeeze3A_346 = vector.extract %slice3A_345[0] : i32 from vector<1xi32>
      %slice3A_347 = vector.extract_strided_slice %and3A_186 {offsets = [10], sizes = [1], strides = [1]} : vector<16xi32> to vector<1xi32>
      %squeeze3A_348 = vector.extract %slice3A_347[0] : i32 from vector<1xi32>
      %add3A_349 = arith.constant 10 : i32
      %add3A_350 = arith.addi %mul3A_178, %add3A_349 : i32
      %dma_start3A_351 = arith.constant 0 : i32
      %dma_start3A_352 = tpu.memref_slice %arg12[%add3A_350, %dma_start3A_351] : memref<128x64xf32, #tpu.memory_space<vmem>> -> memref<1x64xf32, #tpu.memory_space<vmem>>
      %dma_start3A_353 = arith.constant 0 : i32
      %dma_start3A_354 = tpu.memref_slice %arg2[%squeeze3A_346, %squeeze3A_348, %dma_start3A_353] : memref<125000x8x64xf32, #tpu.memory_space<hbm>> -> memref<1x1x64xf32, #tpu.memory_space<hbm>>
      %dma_start3A_355 = tpu.memref_squeeze %dma_start3A_354 : memref<1x1x64xf32, #tpu.memory_space<hbm>> -> memref<1x64xf32, #tpu.memory_space<hbm>>
      %dma_start3A_356 = arith.constant 0 : i32
      %dma_start3A_357 = tpu.memref_slice %arg12[%add3A_350, %dma_start3A_356] : memref<128x64xf32, #tpu.memory_space<vmem>> -> memref<1x64xf32, #tpu.memory_space<vmem>>
      %dma_start3A_358 = arith.constant 0 : i32
      %dma_start3A_359 = tpu.memref_slice %arg2[%squeeze3A_346, %squeeze3A_348, %dma_start3A_358] : memref<125000x8x64xf32, #tpu.memory_space<hbm>> -> memref<1x1x64xf32, #tpu.memory_space<hbm>>
      %dma_start3A_360 = tpu.memref_squeeze %dma_start3A_359 : memref<1x1x64xf32, #tpu.memory_space<hbm>> -> memref<1x64xf32, #tpu.memory_space<hbm>>
      tpu.enqueue_dma source(%dma_start3A_360 : memref<1x64xf32, #tpu.memory_space<hbm>>) target(%dma_start3A_357 : memref<1x64xf32, #tpu.memory_space<vmem>>) target_semaphore(%arg16 : memref<!tpu.dma_semaphore, #tpu.memory_space<semaphore_mem>>)
      %slice3A_361 = vector.extract_strided_slice %shift_right_logical3A_184 {offsets = [11], sizes = [1], strides = [1]} : vector<16xi32> to vector<1xi32>
      %squeeze3A_362 = vector.extract %slice3A_361[0] : i32 from vector<1xi32>
      %slice3A_363 = vector.extract_strided_slice %and3A_186 {offsets = [11], sizes = [1], strides = [1]} : vector<16xi32> to vector<1xi32>
      %squeeze3A_364 = vector.extract %slice3A_363[0] : i32 from vector<1xi32>
      %add3A_365 = arith.constant 11 : i32
      %add3A_366 = arith.addi %mul3A_178, %add3A_365 : i32
      %dma_start3A_367 = arith.constant 0 : i32
      %dma_start3A_368 = tpu.memref_slice %arg12[%add3A_366, %dma_start3A_367] : memref<128x64xf32, #tpu.memory_space<vmem>> -> memref<1x64xf32, #tpu.memory_space<vmem>>
      %dma_start3A_369 = arith.constant 0 : i32
      %dma_start3A_370 = tpu.memref_slice %arg2[%squeeze3A_362, %squeeze3A_364, %dma_start3A_369] : memref<125000x8x64xf32, #tpu.memory_space<hbm>> -> memref<1x1x64xf32, #tpu.memory_space<hbm>>
      %dma_start3A_371 = tpu.memref_squeeze %dma_start3A_370 : memref<1x1x64xf32, #tpu.memory_space<hbm>> -> memref<1x64xf32, #tpu.memory_space<hbm>>
      %dma_start3A_372 = arith.constant 0 : i32
      %dma_start3A_373 = tpu.memref_slice %arg12[%add3A_366, %dma_start3A_372] : memref<128x64xf32, #tpu.memory_space<vmem>> -> memref<1x64xf32, #tpu.memory_space<vmem>>
      %dma_start3A_374 = arith.constant 0 : i32
      %dma_start3A_375 = tpu.memref_slice %arg2[%squeeze3A_362, %squeeze3A_364, %dma_start3A_374] : memref<125000x8x64xf32, #tpu.memory_space<hbm>> -> memref<1x1x64xf32, #tpu.memory_space<hbm>>
      %dma_start3A_376 = tpu.memref_squeeze %dma_start3A_375 : memref<1x1x64xf32, #tpu.memory_space<hbm>> -> memref<1x64xf32, #tpu.memory_space<hbm>>
      tpu.enqueue_dma source(%dma_start3A_376 : memref<1x64xf32, #tpu.memory_space<hbm>>) target(%dma_start3A_373 : memref<1x64xf32, #tpu.memory_space<vmem>>) target_semaphore(%arg16 : memref<!tpu.dma_semaphore, #tpu.memory_space<semaphore_mem>>)
      %slice3A_377 = vector.extract_strided_slice %shift_right_logical3A_184 {offsets = [12], sizes = [1], strides = [1]} : vector<16xi32> to vector<1xi32>
      %squeeze3A_378 = vector.extract %slice3A_377[0] : i32 from vector<1xi32>
      %slice3A_379 = vector.extract_strided_slice %and3A_186 {offsets = [12], sizes = [1], strides = [1]} : vector<16xi32> to vector<1xi32>
      %squeeze3A_380 = vector.extract %slice3A_379[0] : i32 from vector<1xi32>
      %add3A_381 = arith.constant 12 : i32
      %add3A_382 = arith.addi %mul3A_178, %add3A_381 : i32
      %dma_start3A_383 = arith.constant 0 : i32
      %dma_start3A_384 = tpu.memref_slice %arg12[%add3A_382, %dma_start3A_383] : memref<128x64xf32, #tpu.memory_space<vmem>> -> memref<1x64xf32, #tpu.memory_space<vmem>>
      %dma_start3A_385 = arith.constant 0 : i32
      %dma_start3A_386 = tpu.memref_slice %arg2[%squeeze3A_378, %squeeze3A_380, %dma_start3A_385] : memref<125000x8x64xf32, #tpu.memory_space<hbm>> -> memref<1x1x64xf32, #tpu.memory_space<hbm>>
      %dma_start3A_387 = tpu.memref_squeeze %dma_start3A_386 : memref<1x1x64xf32, #tpu.memory_space<hbm>> -> memref<1x64xf32, #tpu.memory_space<hbm>>
      %dma_start3A_388 = arith.constant 0 : i32
      %dma_start3A_389 = tpu.memref_slice %arg12[%add3A_382, %dma_start3A_388] : memref<128x64xf32, #tpu.memory_space<vmem>> -> memref<1x64xf32, #tpu.memory_space<vmem>>
      %dma_start3A_390 = arith.constant 0 : i32
      %dma_start3A_391 = tpu.memref_slice %arg2[%squeeze3A_378, %squeeze3A_380, %dma_start3A_390] : memref<125000x8x64xf32, #tpu.memory_space<hbm>> -> memref<1x1x64xf32, #tpu.memory_space<hbm>>
      %dma_start3A_392 = tpu.memref_squeeze %dma_start3A_391 : memref<1x1x64xf32, #tpu.memory_space<hbm>> -> memref<1x64xf32, #tpu.memory_space<hbm>>
      tpu.enqueue_dma source(%dma_start3A_392 : memref<1x64xf32, #tpu.memory_space<hbm>>) target(%dma_start3A_389 : memref<1x64xf32, #tpu.memory_space<vmem>>) target_semaphore(%arg16 : memref<!tpu.dma_semaphore, #tpu.memory_space<semaphore_mem>>)
      %slice3A_393 = vector.extract_strided_slice %shift_right_logical3A_184 {offsets = [13], sizes = [1], strides = [1]} : vector<16xi32> to vector<1xi32>
      %squeeze3A_394 = vector.extract %slice3A_393[0] : i32 from vector<1xi32>
      %slice3A_395 = vector.extract_strided_slice %and3A_186 {offsets = [13], sizes = [1], strides = [1]} : vector<16xi32> to vector<1xi32>
      %squeeze3A_396 = vector.extract %slice3A_395[0] : i32 from vector<1xi32>
      %add3A_397 = arith.constant 13 : i32
      %add3A_398 = arith.addi %mul3A_178, %add3A_397 : i32
      %dma_start3A_399 = arith.constant 0 : i32
      %dma_start3A_400 = tpu.memref_slice %arg12[%add3A_398, %dma_start3A_399] : memref<128x64xf32, #tpu.memory_space<vmem>> -> memref<1x64xf32, #tpu.memory_space<vmem>>
      %dma_start3A_401 = arith.constant 0 : i32
      %dma_start3A_402 = tpu.memref_slice %arg2[%squeeze3A_394, %squeeze3A_396, %dma_start3A_401] : memref<125000x8x64xf32, #tpu.memory_space<hbm>> -> memref<1x1x64xf32, #tpu.memory_space<hbm>>
      %dma_start3A_403 = tpu.memref_squeeze %dma_start3A_402 : memref<1x1x64xf32, #tpu.memory_space<hbm>> -> memref<1x64xf32, #tpu.memory_space<hbm>>
      %dma_start3A_404 = arith.constant 0 : i32
      %dma_start3A_405 = tpu.memref_slice %arg12[%add3A_398, %dma_start3A_404] : memref<128x64xf32, #tpu.memory_space<vmem>> -> memref<1x64xf32, #tpu.memory_space<vmem>>
      %dma_start3A_406 = arith.constant 0 : i32
      %dma_start3A_407 = tpu.memref_slice %arg2[%squeeze3A_394, %squeeze3A_396, %dma_start3A_406] : memref<125000x8x64xf32, #tpu.memory_space<hbm>> -> memref<1x1x64xf32, #tpu.memory_space<hbm>>
      %dma_start3A_408 = tpu.memref_squeeze %dma_start3A_407 : memref<1x1x64xf32, #tpu.memory_space<hbm>> -> memref<1x64xf32, #tpu.memory_space<hbm>>
      tpu.enqueue_dma source(%dma_start3A_408 : memref<1x64xf32, #tpu.memory_space<hbm>>) target(%dma_start3A_405 : memref<1x64xf32, #tpu.memory_space<vmem>>) target_semaphore(%arg16 : memref<!tpu.dma_semaphore, #tpu.memory_space<semaphore_mem>>)
      %slice3A_409 = vector.extract_strided_slice %shift_right_logical3A_184 {offsets = [14], sizes = [1], strides = [1]} : vector<16xi32> to vector<1xi32>
      %squeeze3A_410 = vector.extract %slice3A_409[0] : i32 from vector<1xi32>
      %slice3A_411 = vector.extract_strided_slice %and3A_186 {offsets = [14], sizes = [1], strides = [1]} : vector<16xi32> to vector<1xi32>
      %squeeze3A_412 = vector.extract %slice3A_411[0] : i32 from vector<1xi32>
      %add3A_413 = arith.constant 14 : i32
      %add3A_414 = arith.addi %mul3A_178, %add3A_413 : i32
      %dma_start3A_415 = arith.constant 0 : i32
      %dma_start3A_416 = tpu.memref_slice %arg12[%add3A_414, %dma_start3A_415] : memref<128x64xf32, #tpu.memory_space<vmem>> -> memref<1x64xf32, #tpu.memory_space<vmem>>
      %dma_start3A_417 = arith.constant 0 : i32
      %dma_start3A_418 = tpu.memref_slice %arg2[%squeeze3A_410, %squeeze3A_412, %dma_start3A_417] : memref<125000x8x64xf32, #tpu.memory_space<hbm>> -> memref<1x1x64xf32, #tpu.memory_space<hbm>>
      %dma_start3A_419 = tpu.memref_squeeze %dma_start3A_418 : memref<1x1x64xf32, #tpu.memory_space<hbm>> -> memref<1x64xf32, #tpu.memory_space<hbm>>
      %dma_start3A_420 = arith.constant 0 : i32
      %dma_start3A_421 = tpu.memref_slice %arg12[%add3A_414, %dma_start3A_420] : memref<128x64xf32, #tpu.memory_space<vmem>> -> memref<1x64xf32, #tpu.memory_space<vmem>>
      %dma_start3A_422 = arith.constant 0 : i32
      %dma_start3A_423 = tpu.memref_slice %arg2[%squeeze3A_410, %squeeze3A_412, %dma_start3A_422] : memref<125000x8x64xf32, #tpu.memory_space<hbm>> -> memref<1x1x64xf32, #tpu.memory_space<hbm>>
      %dma_start3A_424 = tpu.memref_squeeze %dma_start3A_423 : memref<1x1x64xf32, #tpu.memory_space<hbm>> -> memref<1x64xf32, #tpu.memory_space<hbm>>
      tpu.enqueue_dma source(%dma_start3A_424 : memref<1x64xf32, #tpu.memory_space<hbm>>) target(%dma_start3A_421 : memref<1x64xf32, #tpu.memory_space<vmem>>) target_semaphore(%arg16 : memref<!tpu.dma_semaphore, #tpu.memory_space<semaphore_mem>>)
      %slice3A_425 = vector.extract_strided_slice %shift_right_logical3A_184 {offsets = [15], sizes = [1], strides = [1]} : vector<16xi32> to vector<1xi32>
      %squeeze3A_426 = vector.extract %slice3A_425[0] : i32 from vector<1xi32>
      %slice3A_427 = vector.extract_strided_slice %and3A_186 {offsets = [15], sizes = [1], strides = [1]} : vector<16xi32> to vector<1xi32>
      %squeeze3A_428 = vector.extract %slice3A_427[0] : i32 from vector<1xi32>
      %add3A_429 = arith.constant 15 : i32
      %add3A_430 = arith.addi %mul3A_178, %add3A_429 : i32
      %dma_start3A_431 = arith.constant 0 : i32
      %dma_start3A_432 = tpu.memref_slice %arg12[%add3A_430, %dma_start3A_431] : memref<128x64xf32, #tpu.memory_space<vmem>> -> memref<1x64xf32, #tpu.memory_space<vmem>>
      %dma_start3A_433 = arith.constant 0 : i32
      %dma_start3A_434 = tpu.memref_slice %arg2[%squeeze3A_426, %squeeze3A_428, %dma_start3A_433] : memref<125000x8x64xf32, #tpu.memory_space<hbm>> -> memref<1x1x64xf32, #tpu.memory_space<hbm>>
      %dma_start3A_435 = tpu.memref_squeeze %dma_start3A_434 : memref<1x1x64xf32, #tpu.memory_space<hbm>> -> memref<1x64xf32, #tpu.memory_space<hbm>>
      %dma_start3A_436 = arith.constant 0 : i32
      %dma_start3A_437 = tpu.memref_slice %arg12[%add3A_430, %dma_start3A_436] : memref<128x64xf32, #tpu.memory_space<vmem>> -> memref<1x64xf32, #tpu.memory_space<vmem>>
      %dma_start3A_438 = arith.constant 0 : i32
      %dma_start3A_439 = tpu.memref_slice %arg2[%squeeze3A_426, %squeeze3A_428, %dma_start3A_438] : memref<125000x8x64xf32, #tpu.memory_space<hbm>> -> memref<1x1x64xf32, #tpu.memory_space<hbm>>
      %dma_start3A_440 = tpu.memref_squeeze %dma_start3A_439 : memref<1x1x64xf32, #tpu.memory_space<hbm>> -> memref<1x64xf32, #tpu.memory_space<hbm>>
      tpu.enqueue_dma source(%dma_start3A_440 : memref<1x64xf32, #tpu.memory_space<hbm>>) target(%dma_start3A_437 : memref<1x64xf32, #tpu.memory_space<vmem>>) target_semaphore(%arg16 : memref<!tpu.dma_semaphore, #tpu.memory_space<semaphore_mem>>)
    }
    %scan3A_47 = arith.constant 8 : i32
    %dma_wait3A_48 = arith.constant 0 : i32
    %dma_wait3A_49 = arith.constant 0 : i32
    %dma_wait3A_50 = tpu.memref_slice %arg5[%dma_wait3A_48, %dma_wait3A_49] : memref<16384x64xf32, #tpu.memory_space<hbm>> -> memref<128x64xf32, #tpu.memory_space<hbm>>
    %dma_wait3A_51 = arith.constant 0 : i32
    %dma_wait3A_52 = arith.constant 0 : i32
    %dma_wait3A_53 = tpu.memref_slice %arg5[%dma_wait3A_51, %dma_wait3A_52] : memref<16384x64xf32, #tpu.memory_space<hbm>> -> memref<128x64xf32, #tpu.memory_space<hbm>>
    tpu.wait_dma2 semaphore(%arg15 : memref<!tpu.dma_semaphore, #tpu.memory_space<semaphore_mem>>) src(%dma_wait3A_53 : memref<128x64xf32, #tpu.memory_space<hbm>>) dst(%arg11 : memref<128x64xf32, #tpu.memory_space<vmem>>)
    %add3A_54 = arith.constant 256 : i32
    %add3A_55 = arith.addi %mul3A_2, %add3A_54 : i32
    %dma_start3A_56 = arith.constant 0 : i32
    %dma_start3A_57 = tpu.memref_slice %arg5[%add3A_55, %dma_start3A_56] : memref<16384x64xf32, #tpu.memory_space<hbm>> -> memref<128x64xf32, #tpu.memory_space<hbm>>
    %dma_start3A_58 = arith.constant 0 : i32
    %dma_start3A_59 = tpu.memref_slice %arg5[%add3A_55, %dma_start3A_58] : memref<16384x64xf32, #tpu.memory_space<hbm>> -> memref<128x64xf32, #tpu.memory_space<hbm>>
    tpu.enqueue_dma source(%arg11 : memref<128x64xf32, #tpu.memory_space<vmem>>) target(%dma_start3A_59 : memref<128x64xf32, #tpu.memory_space<hbm>>) target_semaphore(%arg19 : memref<!tpu.dma_semaphore, #tpu.memory_space<semaphore_mem>>)
    %dma_wait3A_60 = arith.constant 0 : i32
    %dma_wait3A_61 = tpu.memref_slice %arg5[%add3A_20, %dma_wait3A_60] : memref<16384x64xf32, #tpu.memory_space<hbm>> -> memref<128x64xf32, #tpu.memory_space<hbm>>
    %dma_wait3A_62 = arith.constant 0 : i32
    %dma_wait3A_63 = tpu.memref_slice %arg5[%add3A_20, %dma_wait3A_62] : memref<16384x64xf32, #tpu.memory_space<hbm>> -> memref<128x64xf32, #tpu.memory_space<hbm>>
    tpu.wait_dma2 semaphore(%arg17 : memref<!tpu.dma_semaphore, #tpu.memory_space<semaphore_mem>>) src(%arg9 : memref<128x64xf32, #tpu.memory_space<vmem>>) dst(%dma_wait3A_63 : memref<128x64xf32, #tpu.memory_space<hbm>>)
    %scan3A_64 = arith.constant 0 : i32
    %scan3A_65 = arith.constant 0 : i32
    %scan3A_66 = arith.constant 8 : i32
    %scan3A_67 = arith.addi %scan3A_65, %scan3A_66 : i32
    %scan3A_68 = arith.constant 1 : i32
    scf.for %scan3A_176 = %scan3A_65 to %scan3A_67 step %scan3A_68  : i32 {
      %mul3A_177 = arith.constant 16 : i32
      %mul3A_178 = arith.muli %scan3A_176, %mul3A_177 : i32
      %add3A_179 = arith.constant 0 : i32
      %add3A_180 = arith.addi %add3A_179, %mul3A_178 : i32
      %get3A = arith.index_cast %add3A_180 : i32 to index
      %get3A_181 = tpu.vector_load %arg8[%get3A] {strides = array<i32>} : memref<512xi32, #tpu.memory_space<vmem>>, vector<16xi32>,
      %get3A_182 = vector.shape_cast %get3A_181 : vector<16xi32> to vector<16xi32>
      %shift_right_logical3A = arith.constant 3 : i32
      %shift_right_logical3A_183 = vector.broadcast %shift_right_logical3A : i32 to vector<16xi32>
      %shift_right_logical3A_184 = arith.shrui %get3A_182, %shift_right_logical3A_183 : vector<16xi32>
      %and3A = arith.constant 7 : i32
      %and3A_185 = vector.broadcast %and3A : i32 to vector<16xi32>
      %and3A_186 = arith.andi %get3A_182, %and3A_185 : vector<16xi32>
      %slice3A = vector.extract_strided_slice %shift_right_logical3A_184 {offsets = [0], sizes = [1], strides = [1]} : vector<16xi32> to vector<1xi32>
      %squeeze3A = vector.extract %slice3A[0] : i32 from vector<1xi32>
      %slice3A_187 = vector.extract_strided_slice %and3A_186 {offsets = [0], sizes = [1], strides = [1]} : vector<16xi32> to vector<1xi32>
      %squeeze3A_188 = vector.extract %slice3A_187[0] : i32 from vector<1xi32>
      %add3A_189 = arith.constant 0 : i32
      %add3A_190 = arith.addi %mul3A_178, %add3A_189 : i32
      %dma_start3A_191 = arith.constant 0 : i32
      %dma_start3A_192 = tpu.memref_slice %arg9[%add3A_190, %dma_start3A_191] : memref<128x64xf32, #tpu.memory_space<vmem>> -> memref<1x64xf32, #tpu.memory_space<vmem>>
      %dma_start3A_193 = arith.constant 0 : i32
      %dma_start3A_194 = tpu.memref_slice %arg2[%squeeze3A, %squeeze3A_188, %dma_start3A_193] : memref<125000x8x64xf32, #tpu.memory_space<hbm>> -> memref<1x1x64xf32, #tpu.memory_space<hbm>>
      %dma_start3A_195 = tpu.memref_squeeze %dma_start3A_194 : memref<1x1x64xf32, #tpu.memory_space<hbm>> -> memref<1x64xf32, #tpu.memory_space<hbm>>
      %dma_start3A_196 = arith.constant 0 : i32
      %dma_start3A_197 = tpu.memref_slice %arg9[%add3A_190, %dma_start3A_196] : memref<128x64xf32, #tpu.memory_space<vmem>> -> memref<1x64xf32, #tpu.memory_space<vmem>>
      %dma_start3A_198 = arith.constant 0 : i32
      %dma_start3A_199 = tpu.memref_slice %arg2[%squeeze3A, %squeeze3A_188, %dma_start3A_198] : memref<125000x8x64xf32, #tpu.memory_space<hbm>> -> memref<1x1x64xf32, #tpu.memory_space<hbm>>
      %dma_start3A_200 = tpu.memref_squeeze %dma_start3A_199 : memref<1x1x64xf32, #tpu.memory_space<hbm>> -> memref<1x64xf32, #tpu.memory_space<hbm>>
      tpu.enqueue_dma source(%dma_start3A_200 : memref<1x64xf32, #tpu.memory_space<hbm>>) target(%dma_start3A_197 : memref<1x64xf32, #tpu.memory_space<vmem>>) target_semaphore(%arg13 : memref<!tpu.dma_semaphore, #tpu.memory_space<semaphore_mem>>)
      %slice3A_201 = vector.extract_strided_slice %shift_right_logical3A_184 {offsets = [1], sizes = [1], strides = [1]} : vector<16xi32> to vector<1xi32>
      %squeeze3A_202 = vector.extract %slice3A_201[0] : i32 from vector<1xi32>
      %slice3A_203 = vector.extract_strided_slice %and3A_186 {offsets = [1], sizes = [1], strides = [1]} : vector<16xi32> to vector<1xi32>
      %squeeze3A_204 = vector.extract %slice3A_203[0] : i32 from vector<1xi32>
      %add3A_205 = arith.constant 1 : i32
      %add3A_206 = arith.addi %mul3A_178, %add3A_205 : i32
      %dma_start3A_207 = arith.constant 0 : i32
      %dma_start3A_208 = tpu.memref_slice %arg9[%add3A_206, %dma_start3A_207] : memref<128x64xf32, #tpu.memory_space<vmem>> -> memref<1x64xf32, #tpu.memory_space<vmem>>
      %dma_start3A_209 = arith.constant 0 : i32
      %dma_start3A_210 = tpu.memref_slice %arg2[%squeeze3A_202, %squeeze3A_204, %dma_start3A_209] : memref<125000x8x64xf32, #tpu.memory_space<hbm>> -> memref<1x1x64xf32, #tpu.memory_space<hbm>>
      %dma_start3A_211 = tpu.memref_squeeze %dma_start3A_210 : memref<1x1x64xf32, #tpu.memory_space<hbm>> -> memref<1x64xf32, #tpu.memory_space<hbm>>
      %dma_start3A_212 = arith.constant 0 : i32
      %dma_start3A_213 = tpu.memref_slice %arg9[%add3A_206, %dma_start3A_212] : memref<128x64xf32, #tpu.memory_space<vmem>> -> memref<1x64xf32, #tpu.memory_space<vmem>>
      %dma_start3A_214 = arith.constant 0 : i32
      %dma_start3A_215 = tpu.memref_slice %arg2[%squeeze3A_202, %squeeze3A_204, %dma_start3A_214] : memref<125000x8x64xf32, #tpu.memory_space<hbm>> -> memref<1x1x64xf32, #tpu.memory_space<hbm>>
      %dma_start3A_216 = tpu.memref_squeeze %dma_start3A_215 : memref<1x1x64xf32, #tpu.memory_space<hbm>> -> memref<1x64xf32, #tpu.memory_space<hbm>>
      tpu.enqueue_dma source(%dma_start3A_216 : memref<1x64xf32, #tpu.memory_space<hbm>>) target(%dma_start3A_213 : memref<1x64xf32, #tpu.memory_space<vmem>>) target_semaphore(%arg13 : memref<!tpu.dma_semaphore, #tpu.memory_space<semaphore_mem>>)
      %slice3A_217 = vector.extract_strided_slice %shift_right_logical3A_184 {offsets = [2], sizes = [1], strides = [1]} : vector<16xi32> to vector<1xi32>
      %squeeze3A_218 = vector.extract %slice3A_217[0] : i32 from vector<1xi32>
      %slice3A_219 = vector.extract_strided_slice %and3A_186 {offsets = [2], sizes = [1], strides = [1]} : vector<16xi32> to vector<1xi32>
      %squeeze3A_220 = vector.extract %slice3A_219[0] : i32 from vector<1xi32>
      %add3A_221 = arith.constant 2 : i32
      %add3A_222 = arith.addi %mul3A_178, %add3A_221 : i32
      %dma_start3A_223 = arith.constant 0 : i32
      %dma_start3A_224 = tpu.memref_slice %arg9[%add3A_222, %dma_start3A_223] : memref<128x64xf32, #tpu.memory_space<vmem>> -> memref<1x64xf32, #tpu.memory_space<vmem>>
      %dma_start3A_225 = arith.constant 0 : i32
      %dma_start3A_226 = tpu.memref_slice %arg2[%squeeze3A_218, %squeeze3A_220, %dma_start3A_225] : memref<125000x8x64xf32, #tpu.memory_space<hbm>> -> memref<1x1x64xf32, #tpu.memory_space<hbm>>
      %dma_start3A_227 = tpu.memref_squeeze %dma_start3A_226 : memref<1x1x64xf32, #tpu.memory_space<hbm>> -> memref<1x64xf32, #tpu.memory_space<hbm>>
      %dma_start3A_228 = arith.constant 0 : i32
      %dma_start3A_229 = tpu.memref_slice %arg9[%add3A_222, %dma_start3A_228] : memref<128x64xf32, #tpu.memory_space<vmem>> -> memref<1x64xf32, #tpu.memory_space<vmem>>
      %dma_start3A_230 = arith.constant 0 : i32
      %dma_start3A_231 = tpu.memref_slice %arg2[%squeeze3A_218, %squeeze3A_220, %dma_start3A_230] : memref<125000x8x64xf32, #tpu.memory_space<hbm>> -> memref<1x1x64xf32, #tpu.memory_space<hbm>>
      %dma_start3A_232 = tpu.memref_squeeze %dma_start3A_231 : memref<1x1x64xf32, #tpu.memory_space<hbm>> -> memref<1x64xf32, #tpu.memory_space<hbm>>
      tpu.enqueue_dma source(%dma_start3A_232 : memref<1x64xf32, #tpu.memory_space<hbm>>) target(%dma_start3A_229 : memref<1x64xf32, #tpu.memory_space<vmem>>) target_semaphore(%arg13 : memref<!tpu.dma_semaphore, #tpu.memory_space<semaphore_mem>>)
      %slice3A_233 = vector.extract_strided_slice %shift_right_logical3A_184 {offsets = [3], sizes = [1], strides = [1]} : vector<16xi32> to vector<1xi32>
      %squeeze3A_234 = vector.extract %slice3A_233[0] : i32 from vector<1xi32>
      %slice3A_235 = vector.extract_strided_slice %and3A_186 {offsets = [3], sizes = [1], strides = [1]} : vector<16xi32> to vector<1xi32>
      %squeeze3A_236 = vector.extract %slice3A_235[0] : i32 from vector<1xi32>
      %add3A_237 = arith.constant 3 : i32
      %add3A_238 = arith.addi %mul3A_178, %add3A_237 : i32
      %dma_start3A_239 = arith.constant 0 : i32
      %dma_start3A_240 = tpu.memref_slice %arg9[%add3A_238, %dma_start3A_239] : memref<128x64xf32, #tpu.memory_space<vmem>> -> memref<1x64xf32, #tpu.memory_space<vmem>>
      %dma_start3A_241 = arith.constant 0 : i32
      %dma_start3A_242 = tpu.memref_slice %arg2[%squeeze3A_234, %squeeze3A_236, %dma_start3A_241] : memref<125000x8x64xf32, #tpu.memory_space<hbm>> -> memref<1x1x64xf32, #tpu.memory_space<hbm>>
      %dma_start3A_243 = tpu.memref_squeeze %dma_start3A_242 : memref<1x1x64xf32, #tpu.memory_space<hbm>> -> memref<1x64xf32, #tpu.memory_space<hbm>>
      %dma_start3A_244 = arith.constant 0 : i32
      %dma_start3A_245 = tpu.memref_slice %arg9[%add3A_238, %dma_start3A_244] : memref<128x64xf32, #tpu.memory_space<vmem>> -> memref<1x64xf32, #tpu.memory_space<vmem>>
      %dma_start3A_246 = arith.constant 0 : i32
      %dma_start3A_247 = tpu.memref_slice %arg2[%squeeze3A_234, %squeeze3A_236, %dma_start3A_246] : memref<125000x8x64xf32, #tpu.memory_space<hbm>> -> memref<1x1x64xf32, #tpu.memory_space<hbm>>
      %dma_start3A_248 = tpu.memref_squeeze %dma_start3A_247 : memref<1x1x64xf32, #tpu.memory_space<hbm>> -> memref<1x64xf32, #tpu.memory_space<hbm>>
      tpu.enqueue_dma source(%dma_start3A_248 : memref<1x64xf32, #tpu.memory_space<hbm>>) target(%dma_start3A_245 : memref<1x64xf32, #tpu.memory_space<vmem>>) target_semaphore(%arg13 : memref<!tpu.dma_semaphore, #tpu.memory_space<semaphore_mem>>)
      %slice3A_249 = vector.extract_strided_slice %shift_right_logical3A_184 {offsets = [4], sizes = [1], strides = [1]} : vector<16xi32> to vector<1xi32>
      %squeeze3A_250 = vector.extract %slice3A_249[0] : i32 from vector<1xi32>
      %slice3A_251 = vector.extract_strided_slice %and3A_186 {offsets = [4], sizes = [1], strides = [1]} : vector<16xi32> to vector<1xi32>
      %squeeze3A_252 = vector.extract %slice3A_251[0] : i32 from vector<1xi32>
      %add3A_253 = arith.constant 4 : i32
      %add3A_254 = arith.addi %mul3A_178, %add3A_253 : i32
      %dma_start3A_255 = arith.constant 0 : i32
      %dma_start3A_256 = tpu.memref_slice %arg9[%add3A_254, %dma_start3A_255] : memref<128x64xf32, #tpu.memory_space<vmem>> -> memref<1x64xf32, #tpu.memory_space<vmem>>
      %dma_start3A_257 = arith.constant 0 : i32
      %dma_start3A_258 = tpu.memref_slice %arg2[%squeeze3A_250, %squeeze3A_252, %dma_start3A_257] : memref<125000x8x64xf32, #tpu.memory_space<hbm>> -> memref<1x1x64xf32, #tpu.memory_space<hbm>>
      %dma_start3A_259 = tpu.memref_squeeze %dma_start3A_258 : memref<1x1x64xf32, #tpu.memory_space<hbm>> -> memref<1x64xf32, #tpu.memory_space<hbm>>
      %dma_start3A_260 = arith.constant 0 : i32
      %dma_start3A_261 = tpu.memref_slice %arg9[%add3A_254, %dma_start3A_260] : memref<128x64xf32, #tpu.memory_space<vmem>> -> memref<1x64xf32, #tpu.memory_space<vmem>>
      %dma_start3A_262 = arith.constant 0 : i32
      %dma_start3A_263 = tpu.memref_slice %arg2[%squeeze3A_250, %squeeze3A_252, %dma_start3A_262] : memref<125000x8x64xf32, #tpu.memory_space<hbm>> -> memref<1x1x64xf32, #tpu.memory_space<hbm>>
      %dma_start3A_264 = tpu.memref_squeeze %dma_start3A_263 : memref<1x1x64xf32, #tpu.memory_space<hbm>> -> memref<1x64xf32, #tpu.memory_space<hbm>>
      tpu.enqueue_dma source(%dma_start3A_264 : memref<1x64xf32, #tpu.memory_space<hbm>>) target(%dma_start3A_261 : memref<1x64xf32, #tpu.memory_space<vmem>>) target_semaphore(%arg13 : memref<!tpu.dma_semaphore, #tpu.memory_space<semaphore_mem>>)
      %slice3A_265 = vector.extract_strided_slice %shift_right_logical3A_184 {offsets = [5], sizes = [1], strides = [1]} : vector<16xi32> to vector<1xi32>
      %squeeze3A_266 = vector.extract %slice3A_265[0] : i32 from vector<1xi32>
      %slice3A_267 = vector.extract_strided_slice %and3A_186 {offsets = [5], sizes = [1], strides = [1]} : vector<16xi32> to vector<1xi32>
      %squeeze3A_268 = vector.extract %slice3A_267[0] : i32 from vector<1xi32>
      %add3A_269 = arith.constant 5 : i32
      %add3A_270 = arith.addi %mul3A_178, %add3A_269 : i32
      %dma_start3A_271 = arith.constant 0 : i32
      %dma_start3A_272 = tpu.memref_slice %arg9[%add3A_270, %dma_start3A_271] : memref<128x64xf32, #tpu.memory_space<vmem>> -> memref<1x64xf32, #tpu.memory_space<vmem>>
      %dma_start3A_273 = arith.constant 0 : i32
      %dma_start3A_274 = tpu.memref_slice %arg2[%squeeze3A_266, %squeeze3A_268, %dma_start3A_273] : memref<125000x8x64xf32, #tpu.memory_space<hbm>> -> memref<1x1x64xf32, #tpu.memory_space<hbm>>
      %dma_start3A_275 = tpu.memref_squeeze %dma_start3A_274 : memref<1x1x64xf32, #tpu.memory_space<hbm>> -> memref<1x64xf32, #tpu.memory_space<hbm>>
      %dma_start3A_276 = arith.constant 0 : i32
      %dma_start3A_277 = tpu.memref_slice %arg9[%add3A_270, %dma_start3A_276] : memref<128x64xf32, #tpu.memory_space<vmem>> -> memref<1x64xf32, #tpu.memory_space<vmem>>
      %dma_start3A_278 = arith.constant 0 : i32
      %dma_start3A_279 = tpu.memref_slice %arg2[%squeeze3A_266, %squeeze3A_268, %dma_start3A_278] : memref<125000x8x64xf32, #tpu.memory_space<hbm>> -> memref<1x1x64xf32, #tpu.memory_space<hbm>>
      %dma_start3A_280 = tpu.memref_squeeze %dma_start3A_279 : memref<1x1x64xf32, #tpu.memory_space<hbm>> -> memref<1x64xf32, #tpu.memory_space<hbm>>
      tpu.enqueue_dma source(%dma_start3A_280 : memref<1x64xf32, #tpu.memory_space<hbm>>) target(%dma_start3A_277 : memref<1x64xf32, #tpu.memory_space<vmem>>) target_semaphore(%arg13 : memref<!tpu.dma_semaphore, #tpu.memory_space<semaphore_mem>>)
      %slice3A_281 = vector.extract_strided_slice %shift_right_logical3A_184 {offsets = [6], sizes = [1], strides = [1]} : vector<16xi32> to vector<1xi32>
      %squeeze3A_282 = vector.extract %slice3A_281[0] : i32 from vector<1xi32>
      %slice3A_283 = vector.extract_strided_slice %and3A_186 {offsets = [6], sizes = [1], strides = [1]} : vector<16xi32> to vector<1xi32>
      %squeeze3A_284 = vector.extract %slice3A_283[0] : i32 from vector<1xi32>
      %add3A_285 = arith.constant 6 : i32
      %add3A_286 = arith.addi %mul3A_178, %add3A_285 : i32
      %dma_start3A_287 = arith.constant 0 : i32
      %dma_start3A_288 = tpu.memref_slice %arg9[%add3A_286, %dma_start3A_287] : memref<128x64xf32, #tpu.memory_space<vmem>> -> memref<1x64xf32, #tpu.memory_space<vmem>>
      %dma_start3A_289 = arith.constant 0 : i32
      %dma_start3A_290 = tpu.memref_slice %arg2[%squeeze3A_282, %squeeze3A_284, %dma_start3A_289] : memref<125000x8x64xf32, #tpu.memory_space<hbm>> -> memref<1x1x64xf32, #tpu.memory_space<hbm>>
      %dma_start3A_291 = tpu.memref_squeeze %dma_start3A_290 : memref<1x1x64xf32, #tpu.memory_space<hbm>> -> memref<1x64xf32, #tpu.memory_space<hbm>>
      %dma_start3A_292 = arith.constant 0 : i32
      %dma_start3A_293 = tpu.memref_slice %arg9[%add3A_286, %dma_start3A_292] : memref<128x64xf32, #tpu.memory_space<vmem>> -> memref<1x64xf32, #tpu.memory_space<vmem>>
      %dma_start3A_294 = arith.constant 0 : i32
      %dma_start3A_295 = tpu.memref_slice %arg2[%squeeze3A_282, %squeeze3A_284, %dma_start3A_294] : memref<125000x8x64xf32, #tpu.memory_space<hbm>> -> memref<1x1x64xf32, #tpu.memory_space<hbm>>
      %dma_start3A_296 = tpu.memref_squeeze %dma_start3A_295 : memref<1x1x64xf32, #tpu.memory_space<hbm>> -> memref<1x64xf32, #tpu.memory_space<hbm>>
      tpu.enqueue_dma source(%dma_start3A_296 : memref<1x64xf32, #tpu.memory_space<hbm>>) target(%dma_start3A_293 : memref<1x64xf32, #tpu.memory_space<vmem>>) target_semaphore(%arg13 : memref<!tpu.dma_semaphore, #tpu.memory_space<semaphore_mem>>)
      %slice3A_297 = vector.extract_strided_slice %shift_right_logical3A_184 {offsets = [7], sizes = [1], strides = [1]} : vector<16xi32> to vector<1xi32>
      %squeeze3A_298 = vector.extract %slice3A_297[0] : i32 from vector<1xi32>
      %slice3A_299 = vector.extract_strided_slice %and3A_186 {offsets = [7], sizes = [1], strides = [1]} : vector<16xi32> to vector<1xi32>
      %squeeze3A_300 = vector.extract %slice3A_299[0] : i32 from vector<1xi32>
      %add3A_301 = arith.constant 7 : i32
      %add3A_302 = arith.addi %mul3A_178, %add3A_301 : i32
      %dma_start3A_303 = arith.constant 0 : i32
      %dma_start3A_304 = tpu.memref_slice %arg9[%add3A_302, %dma_start3A_303] : memref<128x64xf32, #tpu.memory_space<vmem>> -> memref<1x64xf32, #tpu.memory_space<vmem>>
      %dma_start3A_305 = arith.constant 0 : i32
      %dma_start3A_306 = tpu.memref_slice %arg2[%squeeze3A_298, %squeeze3A_300, %dma_start3A_305] : memref<125000x8x64xf32, #tpu.memory_space<hbm>> -> memref<1x1x64xf32, #tpu.memory_space<hbm>>
      %dma_start3A_307 = tpu.memref_squeeze %dma_start3A_306 : memref<1x1x64xf32, #tpu.memory_space<hbm>> -> memref<1x64xf32, #tpu.memory_space<hbm>>
      %dma_start3A_308 = arith.constant 0 : i32
      %dma_start3A_309 = tpu.memref_slice %arg9[%add3A_302, %dma_start3A_308] : memref<128x64xf32, #tpu.memory_space<vmem>> -> memref<1x64xf32, #tpu.memory_space<vmem>>
      %dma_start3A_310 = arith.constant 0 : i32
      %dma_start3A_311 = tpu.memref_slice %arg2[%squeeze3A_298, %squeeze3A_300, %dma_start3A_310] : memref<125000x8x64xf32, #tpu.memory_space<hbm>> -> memref<1x1x64xf32, #tpu.memory_space<hbm>>
      %dma_start3A_312 = tpu.memref_squeeze %dma_start3A_311 : memref<1x1x64xf32, #tpu.memory_space<hbm>> -> memref<1x64xf32, #tpu.memory_space<hbm>>
      tpu.enqueue_dma source(%dma_start3A_312 : memref<1x64xf32, #tpu.memory_space<hbm>>) target(%dma_start3A_309 : memref<1x64xf32, #tpu.memory_space<vmem>>) target_semaphore(%arg13 : memref<!tpu.dma_semaphore, #tpu.memory_space<semaphore_mem>>)
      %slice3A_313 = vector.extract_strided_slice %shift_right_logical3A_184 {offsets = [8], sizes = [1], strides = [1]} : vector<16xi32> to vector<1xi32>
      %squeeze3A_314 = vector.extract %slice3A_313[0] : i32 from vector<1xi32>
      %slice3A_315 = vector.extract_strided_slice %and3A_186 {offsets = [8], sizes = [1], strides = [1]} : vector<16xi32> to vector<1xi32>
      %squeeze3A_316 = vector.extract %slice3A_315[0] : i32 from vector<1xi32>
      %add3A_317 = arith.constant 8 : i32
      %add3A_318 = arith.addi %mul3A_178, %add3A_317 : i32
      %dma_start3A_319 = arith.constant 0 : i32
      %dma_start3A_320 = tpu.memref_slice %arg9[%add3A_318, %dma_start3A_319] : memref<128x64xf32, #tpu.memory_space<vmem>> -> memref<1x64xf32, #tpu.memory_space<vmem>>
      %dma_start3A_321 = arith.constant 0 : i32
      %dma_start3A_322 = tpu.memref_slice %arg2[%squeeze3A_314, %squeeze3A_316, %dma_start3A_321] : memref<125000x8x64xf32, #tpu.memory_space<hbm>> -> memref<1x1x64xf32, #tpu.memory_space<hbm>>
      %dma_start3A_323 = tpu.memref_squeeze %dma_start3A_322 : memref<1x1x64xf32, #tpu.memory_space<hbm>> -> memref<1x64xf32, #tpu.memory_space<hbm>>
      %dma_start3A_324 = arith.constant 0 : i32
      %dma_start3A_325 = tpu.memref_slice %arg9[%add3A_318, %dma_start3A_324] : memref<128x64xf32, #tpu.memory_space<vmem>> -> memref<1x64xf32, #tpu.memory_space<vmem>>
      %dma_start3A_326 = arith.constant 0 : i32
      %dma_start3A_327 = tpu.memref_slice %arg2[%squeeze3A_314, %squeeze3A_316, %dma_start3A_326] : memref<125000x8x64xf32, #tpu.memory_space<hbm>> -> memref<1x1x64xf32, #tpu.memory_space<hbm>>
      %dma_start3A_328 = tpu.memref_squeeze %dma_start3A_327 : memref<1x1x64xf32, #tpu.memory_space<hbm>> -> memref<1x64xf32, #tpu.memory_space<hbm>>
      tpu.enqueue_dma source(%dma_start3A_328 : memref<1x64xf32, #tpu.memory_space<hbm>>) target(%dma_start3A_325 : memref<1x64xf32, #tpu.memory_space<vmem>>) target_semaphore(%arg13 : memref<!tpu.dma_semaphore, #tpu.memory_space<semaphore_mem>>)
      %slice3A_329 = vector.extract_strided_slice %shift_right_logical3A_184 {offsets = [9], sizes = [1], strides = [1]} : vector<16xi32> to vector<1xi32>
      %squeeze3A_330 = vector.extract %slice3A_329[0] : i32 from vector<1xi32>
      %slice3A_331 = vector.extract_strided_slice %and3A_186 {offsets = [9], sizes = [1], strides = [1]} : vector<16xi32> to vector<1xi32>
      %squeeze3A_332 = vector.extract %slice3A_331[0] : i32 from vector<1xi32>
      %add3A_333 = arith.constant 9 : i32
      %add3A_334 = arith.addi %mul3A_178, %add3A_333 : i32
      %dma_start3A_335 = arith.constant 0 : i32
      %dma_start3A_336 = tpu.memref_slice %arg9[%add3A_334, %dma_start3A_335] : memref<128x64xf32, #tpu.memory_space<vmem>> -> memref<1x64xf32, #tpu.memory_space<vmem>>
      %dma_start3A_337 = arith.constant 0 : i32
      %dma_start3A_338 = tpu.memref_slice %arg2[%squeeze3A_330, %squeeze3A_332, %dma_start3A_337] : memref<125000x8x64xf32, #tpu.memory_space<hbm>> -> memref<1x1x64xf32, #tpu.memory_space<hbm>>
      %dma_start3A_339 = tpu.memref_squeeze %dma_start3A_338 : memref<1x1x64xf32, #tpu.memory_space<hbm>> -> memref<1x64xf32, #tpu.memory_space<hbm>>
      %dma_start3A_340 = arith.constant 0 : i32
      %dma_start3A_341 = tpu.memref_slice %arg9[%add3A_334, %dma_start3A_340] : memref<128x64xf32, #tpu.memory_space<vmem>> -> memref<1x64xf32, #tpu.memory_space<vmem>>
      %dma_start3A_342 = arith.constant 0 : i32
      %dma_start3A_343 = tpu.memref_slice %arg2[%squeeze3A_330, %squeeze3A_332, %dma_start3A_342] : memref<125000x8x64xf32, #tpu.memory_space<hbm>> -> memref<1x1x64xf32, #tpu.memory_space<hbm>>
      %dma_start3A_344 = tpu.memref_squeeze %dma_start3A_343 : memref<1x1x64xf32, #tpu.memory_space<hbm>> -> memref<1x64xf32, #tpu.memory_space<hbm>>
      tpu.enqueue_dma source(%dma_start3A_344 : memref<1x64xf32, #tpu.memory_space<hbm>>) target(%dma_start3A_341 : memref<1x64xf32, #tpu.memory_space<vmem>>) target_semaphore(%arg13 : memref<!tpu.dma_semaphore, #tpu.memory_space<semaphore_mem>>)
      %slice3A_345 = vector.extract_strided_slice %shift_right_logical3A_184 {offsets = [10], sizes = [1], strides = [1]} : vector<16xi32> to vector<1xi32>
      %squeeze3A_346 = vector.extract %slice3A_345[0] : i32 from vector<1xi32>
      %slice3A_347 = vector.extract_strided_slice %and3A_186 {offsets = [10], sizes = [1], strides = [1]} : vector<16xi32> to vector<1xi32>
      %squeeze3A_348 = vector.extract %slice3A_347[0] : i32 from vector<1xi32>
      %add3A_349 = arith.constant 10 : i32
      %add3A_350 = arith.addi %mul3A_178, %add3A_349 : i32
      %dma_start3A_351 = arith.constant 0 : i32
      %dma_start3A_352 = tpu.memref_slice %arg9[%add3A_350, %dma_start3A_351] : memref<128x64xf32, #tpu.memory_space<vmem>> -> memref<1x64xf32, #tpu.memory_space<vmem>>
      %dma_start3A_353 = arith.constant 0 : i32
      %dma_start3A_354 = tpu.memref_slice %arg2[%squeeze3A_346, %squeeze3A_348, %dma_start3A_353] : memref<125000x8x64xf32, #tpu.memory_space<hbm>> -> memref<1x1x64xf32, #tpu.memory_space<hbm>>
      %dma_start3A_355 = tpu.memref_squeeze %dma_start3A_354 : memref<1x1x64xf32, #tpu.memory_space<hbm>> -> memref<1x64xf32, #tpu.memory_space<hbm>>
      %dma_start3A_356 = arith.constant 0 : i32
      %dma_start3A_357 = tpu.memref_slice %arg9[%add3A_350, %dma_start3A_356] : memref<128x64xf32, #tpu.memory_space<vmem>> -> memref<1x64xf32, #tpu.memory_space<vmem>>
      %dma_start3A_358 = arith.constant 0 : i32
      %dma_start3A_359 = tpu.memref_slice %arg2[%squeeze3A_346, %squeeze3A_348, %dma_start3A_358] : memref<125000x8x64xf32, #tpu.memory_space<hbm>> -> memref<1x1x64xf32, #tpu.memory_space<hbm>>
      %dma_start3A_360 = tpu.memref_squeeze %dma_start3A_359 : memref<1x1x64xf32, #tpu.memory_space<hbm>> -> memref<1x64xf32, #tpu.memory_space<hbm>>
      tpu.enqueue_dma source(%dma_start3A_360 : memref<1x64xf32, #tpu.memory_space<hbm>>) target(%dma_start3A_357 : memref<1x64xf32, #tpu.memory_space<vmem>>) target_semaphore(%arg13 : memref<!tpu.dma_semaphore, #tpu.memory_space<semaphore_mem>>)
      %slice3A_361 = vector.extract_strided_slice %shift_right_logical3A_184 {offsets = [11], sizes = [1], strides = [1]} : vector<16xi32> to vector<1xi32>
      %squeeze3A_362 = vector.extract %slice3A_361[0] : i32 from vector<1xi32>
      %slice3A_363 = vector.extract_strided_slice %and3A_186 {offsets = [11], sizes = [1], strides = [1]} : vector<16xi32> to vector<1xi32>
      %squeeze3A_364 = vector.extract %slice3A_363[0] : i32 from vector<1xi32>
      %add3A_365 = arith.constant 11 : i32
      %add3A_366 = arith.addi %mul3A_178, %add3A_365 : i32
      %dma_start3A_367 = arith.constant 0 : i32
      %dma_start3A_368 = tpu.memref_slice %arg9[%add3A_366, %dma_start3A_367] : memref<128x64xf32, #tpu.memory_space<vmem>> -> memref<1x64xf32, #tpu.memory_space<vmem>>
      %dma_start3A_369 = arith.constant 0 : i32
      %dma_start3A_370 = tpu.memref_slice %arg2[%squeeze3A_362, %squeeze3A_364, %dma_start3A_369] : memref<125000x8x64xf32, #tpu.memory_space<hbm>> -> memref<1x1x64xf32, #tpu.memory_space<hbm>>
      %dma_start3A_371 = tpu.memref_squeeze %dma_start3A_370 : memref<1x1x64xf32, #tpu.memory_space<hbm>> -> memref<1x64xf32, #tpu.memory_space<hbm>>
      %dma_start3A_372 = arith.constant 0 : i32
      %dma_start3A_373 = tpu.memref_slice %arg9[%add3A_366, %dma_start3A_372] : memref<128x64xf32, #tpu.memory_space<vmem>> -> memref<1x64xf32, #tpu.memory_space<vmem>>
      %dma_start3A_374 = arith.constant 0 : i32
      %dma_start3A_375 = tpu.memref_slice %arg2[%squeeze3A_362, %squeeze3A_364, %dma_start3A_374] : memref<125000x8x64xf32, #tpu.memory_space<hbm>> -> memref<1x1x64xf32, #tpu.memory_space<hbm>>
      %dma_start3A_376 = tpu.memref_squeeze %dma_start3A_375 : memref<1x1x64xf32, #tpu.memory_space<hbm>> -> memref<1x64xf32, #tpu.memory_space<hbm>>
      tpu.enqueue_dma source(%dma_start3A_376 : memref<1x64xf32, #tpu.memory_space<hbm>>) target(%dma_start3A_373 : memref<1x64xf32, #tpu.memory_space<vmem>>) target_semaphore(%arg13 : memref<!tpu.dma_semaphore, #tpu.memory_space<semaphore_mem>>)
      %slice3A_377 = vector.extract_strided_slice %shift_right_logical3A_184 {offsets = [12], sizes = [1], strides = [1]} : vector<16xi32> to vector<1xi32>
      %squeeze3A_378 = vector.extract %slice3A_377[0] : i32 from vector<1xi32>
      %slice3A_379 = vector.extract_strided_slice %and3A_186 {offsets = [12], sizes = [1], strides = [1]} : vector<16xi32> to vector<1xi32>
      %squeeze3A_380 = vector.extract %slice3A_379[0] : i32 from vector<1xi32>
      %add3A_381 = arith.constant 12 : i32
      %add3A_382 = arith.addi %mul3A_178, %add3A_381 : i32
      %dma_start3A_383 = arith.constant 0 : i32
      %dma_start3A_384 = tpu.memref_slice %arg9[%add3A_382, %dma_start3A_383] : memref<128x64xf32, #tpu.memory_space<vmem>> -> memref<1x64xf32, #tpu.memory_space<vmem>>
      %dma_start3A_385 = arith.constant 0 : i32
      %dma_start3A_386 = tpu.memref_slice %arg2[%squeeze3A_378, %squeeze3A_380, %dma_start3A_385] : memref<125000x8x64xf32, #tpu.memory_space<hbm>> -> memref<1x1x64xf32, #tpu.memory_space<hbm>>
      %dma_start3A_387 = tpu.memref_squeeze %dma_start3A_386 : memref<1x1x64xf32, #tpu.memory_space<hbm>> -> memref<1x64xf32, #tpu.memory_space<hbm>>
      %dma_start3A_388 = arith.constant 0 : i32
      %dma_start3A_389 = tpu.memref_slice %arg9[%add3A_382, %dma_start3A_388] : memref<128x64xf32, #tpu.memory_space<vmem>> -> memref<1x64xf32, #tpu.memory_space<vmem>>
      %dma_start3A_390 = arith.constant 0 : i32
      %dma_start3A_391 = tpu.memref_slice %arg2[%squeeze3A_378, %squeeze3A_380, %dma_start3A_390] : memref<125000x8x64xf32, #tpu.memory_space<hbm>> -> memref<1x1x64xf32, #tpu.memory_space<hbm>>
      %dma_start3A_392 = tpu.memref_squeeze %dma_start3A_391 : memref<1x1x64xf32, #tpu.memory_space<hbm>> -> memref<1x64xf32, #tpu.memory_space<hbm>>
      tpu.enqueue_dma source(%dma_start3A_392 : memref<1x64xf32, #tpu.memory_space<hbm>>) target(%dma_start3A_389 : memref<1x64xf32, #tpu.memory_space<vmem>>) target_semaphore(%arg13 : memref<!tpu.dma_semaphore, #tpu.memory_space<semaphore_mem>>)
      %slice3A_393 = vector.extract_strided_slice %shift_right_logical3A_184 {offsets = [13], sizes = [1], strides = [1]} : vector<16xi32> to vector<1xi32>
      %squeeze3A_394 = vector.extract %slice3A_393[0] : i32 from vector<1xi32>
      %slice3A_395 = vector.extract_strided_slice %and3A_186 {offsets = [13], sizes = [1], strides = [1]} : vector<16xi32> to vector<1xi32>
      %squeeze3A_396 = vector.extract %slice3A_395[0] : i32 from vector<1xi32>
      %add3A_397 = arith.constant 13 : i32
      %add3A_398 = arith.addi %mul3A_178, %add3A_397 : i32
      %dma_start3A_399 = arith.constant 0 : i32
      %dma_start3A_400 = tpu.memref_slice %arg9[%add3A_398, %dma_start3A_399] : memref<128x64xf32, #tpu.memory_space<vmem>> -> memref<1x64xf32, #tpu.memory_space<vmem>>
      %dma_start3A_401 = arith.constant 0 : i32
      %dma_start3A_402 = tpu.memref_slice %arg2[%squeeze3A_394, %squeeze3A_396, %dma_start3A_401] : memref<125000x8x64xf32, #tpu.memory_space<hbm>> -> memref<1x1x64xf32, #tpu.memory_space<hbm>>
      %dma_start3A_403 = tpu.memref_squeeze %dma_start3A_402 : memref<1x1x64xf32, #tpu.memory_space<hbm>> -> memref<1x64xf32, #tpu.memory_space<hbm>>
      %dma_start3A_404 = arith.constant 0 : i32
      %dma_start3A_405 = tpu.memref_slice %arg9[%add3A_398, %dma_start3A_404] : memref<128x64xf32, #tpu.memory_space<vmem>> -> memref<1x64xf32, #tpu.memory_space<vmem>>
      %dma_start3A_406 = arith.constant 0 : i32
      %dma_start3A_407 = tpu.memref_slice %arg2[%squeeze3A_394, %squeeze3A_396, %dma_start3A_406] : memref<125000x8x64xf32, #tpu.memory_space<hbm>> -> memref<1x1x64xf32, #tpu.memory_space<hbm>>
      %dma_start3A_408 = tpu.memref_squeeze %dma_start3A_407 : memref<1x1x64xf32, #tpu.memory_space<hbm>> -> memref<1x64xf32, #tpu.memory_space<hbm>>
      tpu.enqueue_dma source(%dma_start3A_408 : memref<1x64xf32, #tpu.memory_space<hbm>>) target(%dma_start3A_405 : memref<1x64xf32, #tpu.memory_space<vmem>>) target_semaphore(%arg13 : memref<!tpu.dma_semaphore, #tpu.memory_space<semaphore_mem>>)
      %slice3A_409 = vector.extract_strided_slice %shift_right_logical3A_184 {offsets = [14], sizes = [1], strides = [1]} : vector<16xi32> to vector<1xi32>
      %squeeze3A_410 = vector.extract %slice3A_409[0] : i32 from vector<1xi32>
      %slice3A_411 = vector.extract_strided_slice %and3A_186 {offsets = [14], sizes = [1], strides = [1]} : vector<16xi32> to vector<1xi32>
      %squeeze3A_412 = vector.extract %slice3A_411[0] : i32 from vector<1xi32>
      %add3A_413 = arith.constant 14 : i32
      %add3A_414 = arith.addi %mul3A_178, %add3A_413 : i32
      %dma_start3A_415 = arith.constant 0 : i32
      %dma_start3A_416 = tpu.memref_slice %arg9[%add3A_414, %dma_start3A_415] : memref<128x64xf32, #tpu.memory_space<vmem>> -> memref<1x64xf32, #tpu.memory_space<vmem>>
      %dma_start3A_417 = arith.constant 0 : i32
      %dma_start3A_418 = tpu.memref_slice %arg2[%squeeze3A_410, %squeeze3A_412, %dma_start3A_417] : memref<125000x8x64xf32, #tpu.memory_space<hbm>> -> memref<1x1x64xf32, #tpu.memory_space<hbm>>
      %dma_start3A_419 = tpu.memref_squeeze %dma_start3A_418 : memref<1x1x64xf32, #tpu.memory_space<hbm>> -> memref<1x64xf32, #tpu.memory_space<hbm>>
      %dma_start3A_420 = arith.constant 0 : i32
      %dma_start3A_421 = tpu.memref_slice %arg9[%add3A_414, %dma_start3A_420] : memref<128x64xf32, #tpu.memory_space<vmem>> -> memref<1x64xf32, #tpu.memory_space<vmem>>
      %dma_start3A_422 = arith.constant 0 : i32
      %dma_start3A_423 = tpu.memref_slice %arg2[%squeeze3A_410, %squeeze3A_412, %dma_start3A_422] : memref<125000x8x64xf32, #tpu.memory_space<hbm>> -> memref<1x1x64xf32, #tpu.memory_space<hbm>>
      %dma_start3A_424 = tpu.memref_squeeze %dma_start3A_423 : memref<1x1x64xf32, #tpu.memory_space<hbm>> -> memref<1x64xf32, #tpu.memory_space<hbm>>
      tpu.enqueue_dma source(%dma_start3A_424 : memref<1x64xf32, #tpu.memory_space<hbm>>) target(%dma_start3A_421 : memref<1x64xf32, #tpu.memory_space<vmem>>) target_semaphore(%arg13 : memref<!tpu.dma_semaphore, #tpu.memory_space<semaphore_mem>>)
      %slice3A_425 = vector.extract_strided_slice %shift_right_logical3A_184 {offsets = [15], sizes = [1], strides = [1]} : vector<16xi32> to vector<1xi32>
      %squeeze3A_426 = vector.extract %slice3A_425[0] : i32 from vector<1xi32>
      %slice3A_427 = vector.extract_strided_slice %and3A_186 {offsets = [15], sizes = [1], strides = [1]} : vector<16xi32> to vector<1xi32>
      %squeeze3A_428 = vector.extract %slice3A_427[0] : i32 from vector<1xi32>
      %add3A_429 = arith.constant 15 : i32
      %add3A_430 = arith.addi %mul3A_178, %add3A_429 : i32
      %dma_start3A_431 = arith.constant 0 : i32
      %dma_start3A_432 = tpu.memref_slice %arg9[%add3A_430, %dma_start3A_431] : memref<128x64xf32, #tpu.memory_space<vmem>> -> memref<1x64xf32, #tpu.memory_space<vmem>>
      %dma_start3A_433 = arith.constant 0 : i32
      %dma_start3A_434 = tpu.memref_slice %arg2[%squeeze3A_426, %squeeze3A_428, %dma_start3A_433] : memref<125000x8x64xf32, #tpu.memory_space<hbm>> -> memref<1x1x64xf32, #tpu.memory_space<hbm>>
      %dma_start3A_435 = tpu.memref_squeeze %dma_start3A_434 : memref<1x1x64xf32, #tpu.memory_space<hbm>> -> memref<1x64xf32, #tpu.memory_space<hbm>>
      %dma_start3A_436 = arith.constant 0 : i32
      %dma_start3A_437 = tpu.memref_slice %arg9[%add3A_430, %dma_start3A_436] : memref<128x64xf32, #tpu.memory_space<vmem>> -> memref<1x64xf32, #tpu.memory_space<vmem>>
      %dma_start3A_438 = arith.constant 0 : i32
      %dma_start3A_439 = tpu.memref_slice %arg2[%squeeze3A_426, %squeeze3A_428, %dma_start3A_438] : memref<125000x8x64xf32, #tpu.memory_space<hbm>> -> memref<1x1x64xf32, #tpu.memory_space<hbm>>
      %dma_start3A_440 = tpu.memref_squeeze %dma_start3A_439 : memref<1x1x64xf32, #tpu.memory_space<hbm>> -> memref<1x64xf32, #tpu.memory_space<hbm>>
      tpu.enqueue_dma source(%dma_start3A_440 : memref<1x64xf32, #tpu.memory_space<hbm>>) target(%dma_start3A_437 : memref<1x64xf32, #tpu.memory_space<vmem>>) target_semaphore(%arg13 : memref<!tpu.dma_semaphore, #tpu.memory_space<semaphore_mem>>)
    }
    %scan3A_69 = arith.constant 8 : i32
    %dma_wait3A_70 = arith.constant 0 : i32
    %dma_wait3A_71 = arith.constant 0 : i32
    %dma_wait3A_72 = tpu.memref_slice %arg5[%dma_wait3A_70, %dma_wait3A_71] : memref<16384x64xf32, #tpu.memory_space<hbm>> -> memref<128x64xf32, #tpu.memory_space<hbm>>
    %dma_wait3A_73 = arith.constant 0 : i32
    %dma_wait3A_74 = arith.constant 0 : i32
    %dma_wait3A_75 = tpu.memref_slice %arg5[%dma_wait3A_73, %dma_wait3A_74] : memref<16384x64xf32, #tpu.memory_space<hbm>> -> memref<128x64xf32, #tpu.memory_space<hbm>>
    tpu.wait_dma2 semaphore(%arg16 : memref<!tpu.dma_semaphore, #tpu.memory_space<semaphore_mem>>) src(%dma_wait3A_75 : memref<128x64xf32, #tpu.memory_space<hbm>>) dst(%arg12 : memref<128x64xf32, #tpu.memory_space<vmem>>)
    %add3A_76 = arith.constant 384 : i32
    %add3A_77 = arith.addi %mul3A_2, %add3A_76 : i32
    %dma_start3A_78 = arith.constant 0 : i32
    %dma_start3A_79 = tpu.memref_slice %arg5[%add3A_77, %dma_start3A_78] : memref<16384x64xf32, #tpu.memory_space<hbm>> -> memref<128x64xf32, #tpu.memory_space<hbm>>
    %dma_start3A_80 = arith.constant 0 : i32
    %dma_start3A_81 = tpu.memref_slice %arg5[%add3A_77, %dma_start3A_80] : memref<16384x64xf32, #tpu.memory_space<hbm>> -> memref<128x64xf32, #tpu.memory_space<hbm>>
    tpu.enqueue_dma source(%arg12 : memref<128x64xf32, #tpu.memory_space<vmem>>) target(%dma_start3A_81 : memref<128x64xf32, #tpu.memory_space<hbm>>) target_semaphore(%arg20 : memref<!tpu.dma_semaphore, #tpu.memory_space<semaphore_mem>>)
    %dma_wait3A_82 = arith.constant 0 : i32
    %dma_wait3A_83 = tpu.memref_slice %arg5[%add3A_37, %dma_wait3A_82] : memref<16384x64xf32, #tpu.memory_space<hbm>> -> memref<128x64xf32, #tpu.memory_space<hbm>>
    %dma_wait3A_84 = arith.constant 0 : i32
    %dma_wait3A_85 = tpu.memref_slice %arg5[%add3A_37, %dma_wait3A_84] : memref<16384x64xf32, #tpu.memory_space<hbm>> -> memref<128x64xf32, #tpu.memory_space<hbm>>
    tpu.wait_dma2 semaphore(%arg18 : memref<!tpu.dma_semaphore, #tpu.memory_space<semaphore_mem>>) src(%arg10 : memref<128x64xf32, #tpu.memory_space<vmem>>) dst(%dma_wait3A_85 : memref<128x64xf32, #tpu.memory_space<hbm>>)
    %scan3A_86 = arith.constant 0 : i32
    %scan3A_87 = arith.constant 0 : i32
    %scan3A_88 = arith.constant 8 : i32
    %scan3A_89 = arith.addi %scan3A_87, %scan3A_88 : i32
    %scan3A_90 = arith.constant 1 : i32
    scf.for %scan3A_176 = %scan3A_87 to %scan3A_89 step %scan3A_90  : i32 {
      %mul3A_177 = arith.constant 16 : i32
      %mul3A_178 = arith.muli %scan3A_176, %mul3A_177 : i32
      %add3A_179 = arith.constant 128 : i32
      %add3A_180 = arith.addi %add3A_179, %mul3A_178 : i32
      %get3A = arith.index_cast %add3A_180 : i32 to index
      %get3A_181 = tpu.vector_load %arg8[%get3A] {strides = array<i32>} : memref<512xi32, #tpu.memory_space<vmem>>, vector<16xi32>,
      %get3A_182 = vector.shape_cast %get3A_181 : vector<16xi32> to vector<16xi32>
      %shift_right_logical3A = arith.constant 3 : i32
      %shift_right_logical3A_183 = vector.broadcast %shift_right_logical3A : i32 to vector<16xi32>
      %shift_right_logical3A_184 = arith.shrui %get3A_182, %shift_right_logical3A_183 : vector<16xi32>
      %and3A = arith.constant 7 : i32
      %and3A_185 = vector.broadcast %and3A : i32 to vector<16xi32>
      %and3A_186 = arith.andi %get3A_182, %and3A_185 : vector<16xi32>
      %slice3A = vector.extract_strided_slice %shift_right_logical3A_184 {offsets = [0], sizes = [1], strides = [1]} : vector<16xi32> to vector<1xi32>
      %squeeze3A = vector.extract %slice3A[0] : i32 from vector<1xi32>
      %slice3A_187 = vector.extract_strided_slice %and3A_186 {offsets = [0], sizes = [1], strides = [1]} : vector<16xi32> to vector<1xi32>
      %squeeze3A_188 = vector.extract %slice3A_187[0] : i32 from vector<1xi32>
      %add3A_189 = arith.constant 0 : i32
      %add3A_190 = arith.addi %mul3A_178, %add3A_189 : i32
      %dma_start3A_191 = arith.constant 0 : i32
      %dma_start3A_192 = tpu.memref_slice %arg10[%add3A_190, %dma_start3A_191] : memref<128x64xf32, #tpu.memory_space<vmem>> -> memref<1x64xf32, #tpu.memory_space<vmem>>
      %dma_start3A_193 = arith.constant 0 : i32
      %dma_start3A_194 = tpu.memref_slice %arg2[%squeeze3A, %squeeze3A_188, %dma_start3A_193] : memref<125000x8x64xf32, #tpu.memory_space<hbm>> -> memref<1x1x64xf32, #tpu.memory_space<hbm>>
      %dma_start3A_195 = tpu.memref_squeeze %dma_start3A_194 : memref<1x1x64xf32, #tpu.memory_space<hbm>> -> memref<1x64xf32, #tpu.memory_space<hbm>>
      %dma_start3A_196 = arith.constant 0 : i32
      %dma_start3A_197 = tpu.memref_slice %arg10[%add3A_190, %dma_start3A_196] : memref<128x64xf32, #tpu.memory_space<vmem>> -> memref<1x64xf32, #tpu.memory_space<vmem>>
      %dma_start3A_198 = arith.constant 0 : i32
      %dma_start3A_199 = tpu.memref_slice %arg2[%squeeze3A, %squeeze3A_188, %dma_start3A_198] : memref<125000x8x64xf32, #tpu.memory_space<hbm>> -> memref<1x1x64xf32, #tpu.memory_space<hbm>>
      %dma_start3A_200 = tpu.memref_squeeze %dma_start3A_199 : memref<1x1x64xf32, #tpu.memory_space<hbm>> -> memref<1x64xf32, #tpu.memory_space<hbm>>
      tpu.enqueue_dma source(%dma_start3A_200 : memref<1x64xf32, #tpu.memory_space<hbm>>) target(%dma_start3A_197 : memref<1x64xf32, #tpu.memory_space<vmem>>) target_semaphore(%arg14 : memref<!tpu.dma_semaphore, #tpu.memory_space<semaphore_mem>>)
      %slice3A_201 = vector.extract_strided_slice %shift_right_logical3A_184 {offsets = [1], sizes = [1], strides = [1]} : vector<16xi32> to vector<1xi32>
      %squeeze3A_202 = vector.extract %slice3A_201[0] : i32 from vector<1xi32>
      %slice3A_203 = vector.extract_strided_slice %and3A_186 {offsets = [1], sizes = [1], strides = [1]} : vector<16xi32> to vector<1xi32>
      %squeeze3A_204 = vector.extract %slice3A_203[0] : i32 from vector<1xi32>
      %add3A_205 = arith.constant 1 : i32
      %add3A_206 = arith.addi %mul3A_178, %add3A_205 : i32
      %dma_start3A_207 = arith.constant 0 : i32
      %dma_start3A_208 = tpu.memref_slice %arg10[%add3A_206, %dma_start3A_207] : memref<128x64xf32, #tpu.memory_space<vmem>> -> memref<1x64xf32, #tpu.memory_space<vmem>>
      %dma_start3A_209 = arith.constant 0 : i32
      %dma_start3A_210 = tpu.memref_slice %arg2[%squeeze3A_202, %squeeze3A_204, %dma_start3A_209] : memref<125000x8x64xf32, #tpu.memory_space<hbm>> -> memref<1x1x64xf32, #tpu.memory_space<hbm>>
      %dma_start3A_211 = tpu.memref_squeeze %dma_start3A_210 : memref<1x1x64xf32, #tpu.memory_space<hbm>> -> memref<1x64xf32, #tpu.memory_space<hbm>>
      %dma_start3A_212 = arith.constant 0 : i32
      %dma_start3A_213 = tpu.memref_slice %arg10[%add3A_206, %dma_start3A_212] : memref<128x64xf32, #tpu.memory_space<vmem>> -> memref<1x64xf32, #tpu.memory_space<vmem>>
      %dma_start3A_214 = arith.constant 0 : i32
      %dma_start3A_215 = tpu.memref_slice %arg2[%squeeze3A_202, %squeeze3A_204, %dma_start3A_214] : memref<125000x8x64xf32, #tpu.memory_space<hbm>> -> memref<1x1x64xf32, #tpu.memory_space<hbm>>
      %dma_start3A_216 = tpu.memref_squeeze %dma_start3A_215 : memref<1x1x64xf32, #tpu.memory_space<hbm>> -> memref<1x64xf32, #tpu.memory_space<hbm>>
      tpu.enqueue_dma source(%dma_start3A_216 : memref<1x64xf32, #tpu.memory_space<hbm>>) target(%dma_start3A_213 : memref<1x64xf32, #tpu.memory_space<vmem>>) target_semaphore(%arg14 : memref<!tpu.dma_semaphore, #tpu.memory_space<semaphore_mem>>)
      %slice3A_217 = vector.extract_strided_slice %shift_right_logical3A_184 {offsets = [2], sizes = [1], strides = [1]} : vector<16xi32> to vector<1xi32>
      %squeeze3A_218 = vector.extract %slice3A_217[0] : i32 from vector<1xi32>
      %slice3A_219 = vector.extract_strided_slice %and3A_186 {offsets = [2], sizes = [1], strides = [1]} : vector<16xi32> to vector<1xi32>
      %squeeze3A_220 = vector.extract %slice3A_219[0] : i32 from vector<1xi32>
      %add3A_221 = arith.constant 2 : i32
      %add3A_222 = arith.addi %mul3A_178, %add3A_221 : i32
      %dma_start3A_223 = arith.constant 0 : i32
      %dma_start3A_224 = tpu.memref_slice %arg10[%add3A_222, %dma_start3A_223] : memref<128x64xf32, #tpu.memory_space<vmem>> -> memref<1x64xf32, #tpu.memory_space<vmem>>
      %dma_start3A_225 = arith.constant 0 : i32
      %dma_start3A_226 = tpu.memref_slice %arg2[%squeeze3A_218, %squeeze3A_220, %dma_start3A_225] : memref<125000x8x64xf32, #tpu.memory_space<hbm>> -> memref<1x1x64xf32, #tpu.memory_space<hbm>>
      %dma_start3A_227 = tpu.memref_squeeze %dma_start3A_226 : memref<1x1x64xf32, #tpu.memory_space<hbm>> -> memref<1x64xf32, #tpu.memory_space<hbm>>
      %dma_start3A_228 = arith.constant 0 : i32
      %dma_start3A_229 = tpu.memref_slice %arg10[%add3A_222, %dma_start3A_228] : memref<128x64xf32, #tpu.memory_space<vmem>> -> memref<1x64xf32, #tpu.memory_space<vmem>>
      %dma_start3A_230 = arith.constant 0 : i32
      %dma_start3A_231 = tpu.memref_slice %arg2[%squeeze3A_218, %squeeze3A_220, %dma_start3A_230] : memref<125000x8x64xf32, #tpu.memory_space<hbm>> -> memref<1x1x64xf32, #tpu.memory_space<hbm>>
      %dma_start3A_232 = tpu.memref_squeeze %dma_start3A_231 : memref<1x1x64xf32, #tpu.memory_space<hbm>> -> memref<1x64xf32, #tpu.memory_space<hbm>>
      tpu.enqueue_dma source(%dma_start3A_232 : memref<1x64xf32, #tpu.memory_space<hbm>>) target(%dma_start3A_229 : memref<1x64xf32, #tpu.memory_space<vmem>>) target_semaphore(%arg14 : memref<!tpu.dma_semaphore, #tpu.memory_space<semaphore_mem>>)
      %slice3A_233 = vector.extract_strided_slice %shift_right_logical3A_184 {offsets = [3], sizes = [1], strides = [1]} : vector<16xi32> to vector<1xi32>
      %squeeze3A_234 = vector.extract %slice3A_233[0] : i32 from vector<1xi32>
      %slice3A_235 = vector.extract_strided_slice %and3A_186 {offsets = [3], sizes = [1], strides = [1]} : vector<16xi32> to vector<1xi32>
      %squeeze3A_236 = vector.extract %slice3A_235[0] : i32 from vector<1xi32>
      %add3A_237 = arith.constant 3 : i32
      %add3A_238 = arith.addi %mul3A_178, %add3A_237 : i32
      %dma_start3A_239 = arith.constant 0 : i32
      %dma_start3A_240 = tpu.memref_slice %arg10[%add3A_238, %dma_start3A_239] : memref<128x64xf32, #tpu.memory_space<vmem>> -> memref<1x64xf32, #tpu.memory_space<vmem>>
      %dma_start3A_241 = arith.constant 0 : i32
      %dma_start3A_242 = tpu.memref_slice %arg2[%squeeze3A_234, %squeeze3A_236, %dma_start3A_241] : memref<125000x8x64xf32, #tpu.memory_space<hbm>> -> memref<1x1x64xf32, #tpu.memory_space<hbm>>
      %dma_start3A_243 = tpu.memref_squeeze %dma_start3A_242 : memref<1x1x64xf32, #tpu.memory_space<hbm>> -> memref<1x64xf32, #tpu.memory_space<hbm>>
      %dma_start3A_244 = arith.constant 0 : i32
      %dma_start3A_245 = tpu.memref_slice %arg10[%add3A_238, %dma_start3A_244] : memref<128x64xf32, #tpu.memory_space<vmem>> -> memref<1x64xf32, #tpu.memory_space<vmem>>
      %dma_start3A_246 = arith.constant 0 : i32
      %dma_start3A_247 = tpu.memref_slice %arg2[%squeeze3A_234, %squeeze3A_236, %dma_start3A_246] : memref<125000x8x64xf32, #tpu.memory_space<hbm>> -> memref<1x1x64xf32, #tpu.memory_space<hbm>>
      %dma_start3A_248 = tpu.memref_squeeze %dma_start3A_247 : memref<1x1x64xf32, #tpu.memory_space<hbm>> -> memref<1x64xf32, #tpu.memory_space<hbm>>
      tpu.enqueue_dma source(%dma_start3A_248 : memref<1x64xf32, #tpu.memory_space<hbm>>) target(%dma_start3A_245 : memref<1x64xf32, #tpu.memory_space<vmem>>) target_semaphore(%arg14 : memref<!tpu.dma_semaphore, #tpu.memory_space<semaphore_mem>>)
      %slice3A_249 = vector.extract_strided_slice %shift_right_logical3A_184 {offsets = [4], sizes = [1], strides = [1]} : vector<16xi32> to vector<1xi32>
      %squeeze3A_250 = vector.extract %slice3A_249[0] : i32 from vector<1xi32>
      %slice3A_251 = vector.extract_strided_slice %and3A_186 {offsets = [4], sizes = [1], strides = [1]} : vector<16xi32> to vector<1xi32>
      %squeeze3A_252 = vector.extract %slice3A_251[0] : i32 from vector<1xi32>
      %add3A_253 = arith.constant 4 : i32
      %add3A_254 = arith.addi %mul3A_178, %add3A_253 : i32
      %dma_start3A_255 = arith.constant 0 : i32
      %dma_start3A_256 = tpu.memref_slice %arg10[%add3A_254, %dma_start3A_255] : memref<128x64xf32, #tpu.memory_space<vmem>> -> memref<1x64xf32, #tpu.memory_space<vmem>>
      %dma_start3A_257 = arith.constant 0 : i32
      %dma_start3A_258 = tpu.memref_slice %arg2[%squeeze3A_250, %squeeze3A_252, %dma_start3A_257] : memref<125000x8x64xf32, #tpu.memory_space<hbm>> -> memref<1x1x64xf32, #tpu.memory_space<hbm>>
      %dma_start3A_259 = tpu.memref_squeeze %dma_start3A_258 : memref<1x1x64xf32, #tpu.memory_space<hbm>> -> memref<1x64xf32, #tpu.memory_space<hbm>>
      %dma_start3A_260 = arith.constant 0 : i32
      %dma_start3A_261 = tpu.memref_slice %arg10[%add3A_254, %dma_start3A_260] : memref<128x64xf32, #tpu.memory_space<vmem>> -> memref<1x64xf32, #tpu.memory_space<vmem>>
      %dma_start3A_262 = arith.constant 0 : i32
      %dma_start3A_263 = tpu.memref_slice %arg2[%squeeze3A_250, %squeeze3A_252, %dma_start3A_262] : memref<125000x8x64xf32, #tpu.memory_space<hbm>> -> memref<1x1x64xf32, #tpu.memory_space<hbm>>
      %dma_start3A_264 = tpu.memref_squeeze %dma_start3A_263 : memref<1x1x64xf32, #tpu.memory_space<hbm>> -> memref<1x64xf32, #tpu.memory_space<hbm>>
      tpu.enqueue_dma source(%dma_start3A_264 : memref<1x64xf32, #tpu.memory_space<hbm>>) target(%dma_start3A_261 : memref<1x64xf32, #tpu.memory_space<vmem>>) target_semaphore(%arg14 : memref<!tpu.dma_semaphore, #tpu.memory_space<semaphore_mem>>)
      %slice3A_265 = vector.extract_strided_slice %shift_right_logical3A_184 {offsets = [5], sizes = [1], strides = [1]} : vector<16xi32> to vector<1xi32>
      %squeeze3A_266 = vector.extract %slice3A_265[0] : i32 from vector<1xi32>
      %slice3A_267 = vector.extract_strided_slice %and3A_186 {offsets = [5], sizes = [1], strides = [1]} : vector<16xi32> to vector<1xi32>
      %squeeze3A_268 = vector.extract %slice3A_267[0] : i32 from vector<1xi32>
      %add3A_269 = arith.constant 5 : i32
      %add3A_270 = arith.addi %mul3A_178, %add3A_269 : i32
      %dma_start3A_271 = arith.constant 0 : i32
      %dma_start3A_272 = tpu.memref_slice %arg10[%add3A_270, %dma_start3A_271] : memref<128x64xf32, #tpu.memory_space<vmem>> -> memref<1x64xf32, #tpu.memory_space<vmem>>
      %dma_start3A_273 = arith.constant 0 : i32
      %dma_start3A_274 = tpu.memref_slice %arg2[%squeeze3A_266, %squeeze3A_268, %dma_start3A_273] : memref<125000x8x64xf32, #tpu.memory_space<hbm>> -> memref<1x1x64xf32, #tpu.memory_space<hbm>>
      %dma_start3A_275 = tpu.memref_squeeze %dma_start3A_274 : memref<1x1x64xf32, #tpu.memory_space<hbm>> -> memref<1x64xf32, #tpu.memory_space<hbm>>
      %dma_start3A_276 = arith.constant 0 : i32
      %dma_start3A_277 = tpu.memref_slice %arg10[%add3A_270, %dma_start3A_276] : memref<128x64xf32, #tpu.memory_space<vmem>> -> memref<1x64xf32, #tpu.memory_space<vmem>>
      %dma_start3A_278 = arith.constant 0 : i32
      %dma_start3A_279 = tpu.memref_slice %arg2[%squeeze3A_266, %squeeze3A_268, %dma_start3A_278] : memref<125000x8x64xf32, #tpu.memory_space<hbm>> -> memref<1x1x64xf32, #tpu.memory_space<hbm>>
      %dma_start3A_280 = tpu.memref_squeeze %dma_start3A_279 : memref<1x1x64xf32, #tpu.memory_space<hbm>> -> memref<1x64xf32, #tpu.memory_space<hbm>>
      tpu.enqueue_dma source(%dma_start3A_280 : memref<1x64xf32, #tpu.memory_space<hbm>>) target(%dma_start3A_277 : memref<1x64xf32, #tpu.memory_space<vmem>>) target_semaphore(%arg14 : memref<!tpu.dma_semaphore, #tpu.memory_space<semaphore_mem>>)
      %slice3A_281 = vector.extract_strided_slice %shift_right_logical3A_184 {offsets = [6], sizes = [1], strides = [1]} : vector<16xi32> to vector<1xi32>
      %squeeze3A_282 = vector.extract %slice3A_281[0] : i32 from vector<1xi32>
      %slice3A_283 = vector.extract_strided_slice %and3A_186 {offsets = [6], sizes = [1], strides = [1]} : vector<16xi32> to vector<1xi32>
      %squeeze3A_284 = vector.extract %slice3A_283[0] : i32 from vector<1xi32>
      %add3A_285 = arith.constant 6 : i32
      %add3A_286 = arith.addi %mul3A_178, %add3A_285 : i32
      %dma_start3A_287 = arith.constant 0 : i32
      %dma_start3A_288 = tpu.memref_slice %arg10[%add3A_286, %dma_start3A_287] : memref<128x64xf32, #tpu.memory_space<vmem>> -> memref<1x64xf32, #tpu.memory_space<vmem>>
      %dma_start3A_289 = arith.constant 0 : i32
      %dma_start3A_290 = tpu.memref_slice %arg2[%squeeze3A_282, %squeeze3A_284, %dma_start3A_289] : memref<125000x8x64xf32, #tpu.memory_space<hbm>> -> memref<1x1x64xf32, #tpu.memory_space<hbm>>
      %dma_start3A_291 = tpu.memref_squeeze %dma_start3A_290 : memref<1x1x64xf32, #tpu.memory_space<hbm>> -> memref<1x64xf32, #tpu.memory_space<hbm>>
      %dma_start3A_292 = arith.constant 0 : i32
      %dma_start3A_293 = tpu.memref_slice %arg10[%add3A_286, %dma_start3A_292] : memref<128x64xf32, #tpu.memory_space<vmem>> -> memref<1x64xf32, #tpu.memory_space<vmem>>
      %dma_start3A_294 = arith.constant 0 : i32
      %dma_start3A_295 = tpu.memref_slice %arg2[%squeeze3A_282, %squeeze3A_284, %dma_start3A_294] : memref<125000x8x64xf32, #tpu.memory_space<hbm>> -> memref<1x1x64xf32, #tpu.memory_space<hbm>>
      %dma_start3A_296 = tpu.memref_squeeze %dma_start3A_295 : memref<1x1x64xf32, #tpu.memory_space<hbm>> -> memref<1x64xf32, #tpu.memory_space<hbm>>
      tpu.enqueue_dma source(%dma_start3A_296 : memref<1x64xf32, #tpu.memory_space<hbm>>) target(%dma_start3A_293 : memref<1x64xf32, #tpu.memory_space<vmem>>) target_semaphore(%arg14 : memref<!tpu.dma_semaphore, #tpu.memory_space<semaphore_mem>>)
      %slice3A_297 = vector.extract_strided_slice %shift_right_logical3A_184 {offsets = [7], sizes = [1], strides = [1]} : vector<16xi32> to vector<1xi32>
      %squeeze3A_298 = vector.extract %slice3A_297[0] : i32 from vector<1xi32>
      %slice3A_299 = vector.extract_strided_slice %and3A_186 {offsets = [7], sizes = [1], strides = [1]} : vector<16xi32> to vector<1xi32>
      %squeeze3A_300 = vector.extract %slice3A_299[0] : i32 from vector<1xi32>
      %add3A_301 = arith.constant 7 : i32
      %add3A_302 = arith.addi %mul3A_178, %add3A_301 : i32
      %dma_start3A_303 = arith.constant 0 : i32
      %dma_start3A_304 = tpu.memref_slice %arg10[%add3A_302, %dma_start3A_303] : memref<128x64xf32, #tpu.memory_space<vmem>> -> memref<1x64xf32, #tpu.memory_space<vmem>>
      %dma_start3A_305 = arith.constant 0 : i32
      %dma_start3A_306 = tpu.memref_slice %arg2[%squeeze3A_298, %squeeze3A_300, %dma_start3A_305] : memref<125000x8x64xf32, #tpu.memory_space<hbm>> -> memref<1x1x64xf32, #tpu.memory_space<hbm>>
      %dma_start3A_307 = tpu.memref_squeeze %dma_start3A_306 : memref<1x1x64xf32, #tpu.memory_space<hbm>> -> memref<1x64xf32, #tpu.memory_space<hbm>>
      %dma_start3A_308 = arith.constant 0 : i32
      %dma_start3A_309 = tpu.memref_slice %arg10[%add3A_302, %dma_start3A_308] : memref<128x64xf32, #tpu.memory_space<vmem>> -> memref<1x64xf32, #tpu.memory_space<vmem>>
      %dma_start3A_310 = arith.constant 0 : i32
      %dma_start3A_311 = tpu.memref_slice %arg2[%squeeze3A_298, %squeeze3A_300, %dma_start3A_310] : memref<125000x8x64xf32, #tpu.memory_space<hbm>> -> memref<1x1x64xf32, #tpu.memory_space<hbm>>
      %dma_start3A_312 = tpu.memref_squeeze %dma_start3A_311 : memref<1x1x64xf32, #tpu.memory_space<hbm>> -> memref<1x64xf32, #tpu.memory_space<hbm>>
      tpu.enqueue_dma source(%dma_start3A_312 : memref<1x64xf32, #tpu.memory_space<hbm>>) target(%dma_start3A_309 : memref<1x64xf32, #tpu.memory_space<vmem>>) target_semaphore(%arg14 : memref<!tpu.dma_semaphore, #tpu.memory_space<semaphore_mem>>)
      %slice3A_313 = vector.extract_strided_slice %shift_right_logical3A_184 {offsets = [8], sizes = [1], strides = [1]} : vector<16xi32> to vector<1xi32>
      %squeeze3A_314 = vector.extract %slice3A_313[0] : i32 from vector<1xi32>
      %slice3A_315 = vector.extract_strided_slice %and3A_186 {offsets = [8], sizes = [1], strides = [1]} : vector<16xi32> to vector<1xi32>
      %squeeze3A_316 = vector.extract %slice3A_315[0] : i32 from vector<1xi32>
      %add3A_317 = arith.constant 8 : i32
      %add3A_318 = arith.addi %mul3A_178, %add3A_317 : i32
      %dma_start3A_319 = arith.constant 0 : i32
      %dma_start3A_320 = tpu.memref_slice %arg10[%add3A_318, %dma_start3A_319] : memref<128x64xf32, #tpu.memory_space<vmem>> -> memref<1x64xf32, #tpu.memory_space<vmem>>
      %dma_start3A_321 = arith.constant 0 : i32
      %dma_start3A_322 = tpu.memref_slice %arg2[%squeeze3A_314, %squeeze3A_316, %dma_start3A_321] : memref<125000x8x64xf32, #tpu.memory_space<hbm>> -> memref<1x1x64xf32, #tpu.memory_space<hbm>>
      %dma_start3A_323 = tpu.memref_squeeze %dma_start3A_322 : memref<1x1x64xf32, #tpu.memory_space<hbm>> -> memref<1x64xf32, #tpu.memory_space<hbm>>
      %dma_start3A_324 = arith.constant 0 : i32
      %dma_start3A_325 = tpu.memref_slice %arg10[%add3A_318, %dma_start3A_324] : memref<128x64xf32, #tpu.memory_space<vmem>> -> memref<1x64xf32, #tpu.memory_space<vmem>>
      %dma_start3A_326 = arith.constant 0 : i32
      %dma_start3A_327 = tpu.memref_slice %arg2[%squeeze3A_314, %squeeze3A_316, %dma_start3A_326] : memref<125000x8x64xf32, #tpu.memory_space<hbm>> -> memref<1x1x64xf32, #tpu.memory_space<hbm>>
      %dma_start3A_328 = tpu.memref_squeeze %dma_start3A_327 : memref<1x1x64xf32, #tpu.memory_space<hbm>> -> memref<1x64xf32, #tpu.memory_space<hbm>>
      tpu.enqueue_dma source(%dma_start3A_328 : memref<1x64xf32, #tpu.memory_space<hbm>>) target(%dma_start3A_325 : memref<1x64xf32, #tpu.memory_space<vmem>>) target_semaphore(%arg14 : memref<!tpu.dma_semaphore, #tpu.memory_space<semaphore_mem>>)
      %slice3A_329 = vector.extract_strided_slice %shift_right_logical3A_184 {offsets = [9], sizes = [1], strides = [1]} : vector<16xi32> to vector<1xi32>
      %squeeze3A_330 = vector.extract %slice3A_329[0] : i32 from vector<1xi32>
      %slice3A_331 = vector.extract_strided_slice %and3A_186 {offsets = [9], sizes = [1], strides = [1]} : vector<16xi32> to vector<1xi32>
      %squeeze3A_332 = vector.extract %slice3A_331[0] : i32 from vector<1xi32>
      %add3A_333 = arith.constant 9 : i32
      %add3A_334 = arith.addi %mul3A_178, %add3A_333 : i32
      %dma_start3A_335 = arith.constant 0 : i32
      %dma_start3A_336 = tpu.memref_slice %arg10[%add3A_334, %dma_start3A_335] : memref<128x64xf32, #tpu.memory_space<vmem>> -> memref<1x64xf32, #tpu.memory_space<vmem>>
      %dma_start3A_337 = arith.constant 0 : i32
      %dma_start3A_338 = tpu.memref_slice %arg2[%squeeze3A_330, %squeeze3A_332, %dma_start3A_337] : memref<125000x8x64xf32, #tpu.memory_space<hbm>> -> memref<1x1x64xf32, #tpu.memory_space<hbm>>
      %dma_start3A_339 = tpu.memref_squeeze %dma_start3A_338 : memref<1x1x64xf32, #tpu.memory_space<hbm>> -> memref<1x64xf32, #tpu.memory_space<hbm>>
      %dma_start3A_340 = arith.constant 0 : i32
      %dma_start3A_341 = tpu.memref_slice %arg10[%add3A_334, %dma_start3A_340] : memref<128x64xf32, #tpu.memory_space<vmem>> -> memref<1x64xf32, #tpu.memory_space<vmem>>
      %dma_start3A_342 = arith.constant 0 : i32
      %dma_start3A_343 = tpu.memref_slice %arg2[%squeeze3A_330, %squeeze3A_332, %dma_start3A_342] : memref<125000x8x64xf32, #tpu.memory_space<hbm>> -> memref<1x1x64xf32, #tpu.memory_space<hbm>>
      %dma_start3A_344 = tpu.memref_squeeze %dma_start3A_343 : memref<1x1x64xf32, #tpu.memory_space<hbm>> -> memref<1x64xf32, #tpu.memory_space<hbm>>
      tpu.enqueue_dma source(%dma_start3A_344 : memref<1x64xf32, #tpu.memory_space<hbm>>) target(%dma_start3A_341 : memref<1x64xf32, #tpu.memory_space<vmem>>) target_semaphore(%arg14 : memref<!tpu.dma_semaphore, #tpu.memory_space<semaphore_mem>>)
      %slice3A_345 = vector.extract_strided_slice %shift_right_logical3A_184 {offsets = [10], sizes = [1], strides = [1]} : vector<16xi32> to vector<1xi32>
      %squeeze3A_346 = vector.extract %slice3A_345[0] : i32 from vector<1xi32>
      %slice3A_347 = vector.extract_strided_slice %and3A_186 {offsets = [10], sizes = [1], strides = [1]} : vector<16xi32> to vector<1xi32>
      %squeeze3A_348 = vector.extract %slice3A_347[0] : i32 from vector<1xi32>
      %add3A_349 = arith.constant 10 : i32
      %add3A_350 = arith.addi %mul3A_178, %add3A_349 : i32
      %dma_start3A_351 = arith.constant 0 : i32
      %dma_start3A_352 = tpu.memref_slice %arg10[%add3A_350, %dma_start3A_351] : memref<128x64xf32, #tpu.memory_space<vmem>> -> memref<1x64xf32, #tpu.memory_space<vmem>>
      %dma_start3A_353 = arith.constant 0 : i32
      %dma_start3A_354 = tpu.memref_slice %arg2[%squeeze3A_346, %squeeze3A_348, %dma_start3A_353] : memref<125000x8x64xf32, #tpu.memory_space<hbm>> -> memref<1x1x64xf32, #tpu.memory_space<hbm>>
      %dma_start3A_355 = tpu.memref_squeeze %dma_start3A_354 : memref<1x1x64xf32, #tpu.memory_space<hbm>> -> memref<1x64xf32, #tpu.memory_space<hbm>>
      %dma_start3A_356 = arith.constant 0 : i32
      %dma_start3A_357 = tpu.memref_slice %arg10[%add3A_350, %dma_start3A_356] : memref<128x64xf32, #tpu.memory_space<vmem>> -> memref<1x64xf32, #tpu.memory_space<vmem>>
      %dma_start3A_358 = arith.constant 0 : i32
      %dma_start3A_359 = tpu.memref_slice %arg2[%squeeze3A_346, %squeeze3A_348, %dma_start3A_358] : memref<125000x8x64xf32, #tpu.memory_space<hbm>> -> memref<1x1x64xf32, #tpu.memory_space<hbm>>
      %dma_start3A_360 = tpu.memref_squeeze %dma_start3A_359 : memref<1x1x64xf32, #tpu.memory_space<hbm>> -> memref<1x64xf32, #tpu.memory_space<hbm>>
      tpu.enqueue_dma source(%dma_start3A_360 : memref<1x64xf32, #tpu.memory_space<hbm>>) target(%dma_start3A_357 : memref<1x64xf32, #tpu.memory_space<vmem>>) target_semaphore(%arg14 : memref<!tpu.dma_semaphore, #tpu.memory_space<semaphore_mem>>)
      %slice3A_361 = vector.extract_strided_slice %shift_right_logical3A_184 {offsets = [11], sizes = [1], strides = [1]} : vector<16xi32> to vector<1xi32>
      %squeeze3A_362 = vector.extract %slice3A_361[0] : i32 from vector<1xi32>
      %slice3A_363 = vector.extract_strided_slice %and3A_186 {offsets = [11], sizes = [1], strides = [1]} : vector<16xi32> to vector<1xi32>
      %squeeze3A_364 = vector.extract %slice3A_363[0] : i32 from vector<1xi32>
      %add3A_365 = arith.constant 11 : i32
      %add3A_366 = arith.addi %mul3A_178, %add3A_365 : i32
      %dma_start3A_367 = arith.constant 0 : i32
      %dma_start3A_368 = tpu.memref_slice %arg10[%add3A_366, %dma_start3A_367] : memref<128x64xf32, #tpu.memory_space<vmem>> -> memref<1x64xf32, #tpu.memory_space<vmem>>
      %dma_start3A_369 = arith.constant 0 : i32
      %dma_start3A_370 = tpu.memref_slice %arg2[%squeeze3A_362, %squeeze3A_364, %dma_start3A_369] : memref<125000x8x64xf32, #tpu.memory_space<hbm>> -> memref<1x1x64xf32, #tpu.memory_space<hbm>>
      %dma_start3A_371 = tpu.memref_squeeze %dma_start3A_370 : memref<1x1x64xf32, #tpu.memory_space<hbm>> -> memref<1x64xf32, #tpu.memory_space<hbm>>
      %dma_start3A_372 = arith.constant 0 : i32
      %dma_start3A_373 = tpu.memref_slice %arg10[%add3A_366, %dma_start3A_372] : memref<128x64xf32, #tpu.memory_space<vmem>> -> memref<1x64xf32, #tpu.memory_space<vmem>>
      %dma_start3A_374 = arith.constant 0 : i32
      %dma_start3A_375 = tpu.memref_slice %arg2[%squeeze3A_362, %squeeze3A_364, %dma_start3A_374] : memref<125000x8x64xf32, #tpu.memory_space<hbm>> -> memref<1x1x64xf32, #tpu.memory_space<hbm>>
      %dma_start3A_376 = tpu.memref_squeeze %dma_start3A_375 : memref<1x1x64xf32, #tpu.memory_space<hbm>> -> memref<1x64xf32, #tpu.memory_space<hbm>>
      tpu.enqueue_dma source(%dma_start3A_376 : memref<1x64xf32, #tpu.memory_space<hbm>>) target(%dma_start3A_373 : memref<1x64xf32, #tpu.memory_space<vmem>>) target_semaphore(%arg14 : memref<!tpu.dma_semaphore, #tpu.memory_space<semaphore_mem>>)
      %slice3A_377 = vector.extract_strided_slice %shift_right_logical3A_184 {offsets = [12], sizes = [1], strides = [1]} : vector<16xi32> to vector<1xi32>
      %squeeze3A_378 = vector.extract %slice3A_377[0] : i32 from vector<1xi32>
      %slice3A_379 = vector.extract_strided_slice %and3A_186 {offsets = [12], sizes = [1], strides = [1]} : vector<16xi32> to vector<1xi32>
      %squeeze3A_380 = vector.extract %slice3A_379[0] : i32 from vector<1xi32>
      %add3A_381 = arith.constant 12 : i32
      %add3A_382 = arith.addi %mul3A_178, %add3A_381 : i32
      %dma_start3A_383 = arith.constant 0 : i32
      %dma_start3A_384 = tpu.memref_slice %arg10[%add3A_382, %dma_start3A_383] : memref<128x64xf32, #tpu.memory_space<vmem>> -> memref<1x64xf32, #tpu.memory_space<vmem>>
      %dma_start3A_385 = arith.constant 0 : i32
      %dma_start3A_386 = tpu.memref_slice %arg2[%squeeze3A_378, %squeeze3A_380, %dma_start3A_385] : memref<125000x8x64xf32, #tpu.memory_space<hbm>> -> memref<1x1x64xf32, #tpu.memory_space<hbm>>
      %dma_start3A_387 = tpu.memref_squeeze %dma_start3A_386 : memref<1x1x64xf32, #tpu.memory_space<hbm>> -> memref<1x64xf32, #tpu.memory_space<hbm>>
      %dma_start3A_388 = arith.constant 0 : i32
      %dma_start3A_389 = tpu.memref_slice %arg10[%add3A_382, %dma_start3A_388] : memref<128x64xf32, #tpu.memory_space<vmem>> -> memref<1x64xf32, #tpu.memory_space<vmem>>
      %dma_start3A_390 = arith.constant 0 : i32
      %dma_start3A_391 = tpu.memref_slice %arg2[%squeeze3A_378, %squeeze3A_380, %dma_start3A_390] : memref<125000x8x64xf32, #tpu.memory_space<hbm>> -> memref<1x1x64xf32, #tpu.memory_space<hbm>>
      %dma_start3A_392 = tpu.memref_squeeze %dma_start3A_391 : memref<1x1x64xf32, #tpu.memory_space<hbm>> -> memref<1x64xf32, #tpu.memory_space<hbm>>
      tpu.enqueue_dma source(%dma_start3A_392 : memref<1x64xf32, #tpu.memory_space<hbm>>) target(%dma_start3A_389 : memref<1x64xf32, #tpu.memory_space<vmem>>) target_semaphore(%arg14 : memref<!tpu.dma_semaphore, #tpu.memory_space<semaphore_mem>>)
      %slice3A_393 = vector.extract_strided_slice %shift_right_logical3A_184 {offsets = [13], sizes = [1], strides = [1]} : vector<16xi32> to vector<1xi32>
      %squeeze3A_394 = vector.extract %slice3A_393[0] : i32 from vector<1xi32>
      %slice3A_395 = vector.extract_strided_slice %and3A_186 {offsets = [13], sizes = [1], strides = [1]} : vector<16xi32> to vector<1xi32>
      %squeeze3A_396 = vector.extract %slice3A_395[0] : i32 from vector<1xi32>
      %add3A_397 = arith.constant 13 : i32
      %add3A_398 = arith.addi %mul3A_178, %add3A_397 : i32
      %dma_start3A_399 = arith.constant 0 : i32
      %dma_start3A_400 = tpu.memref_slice %arg10[%add3A_398, %dma_start3A_399] : memref<128x64xf32, #tpu.memory_space<vmem>> -> memref<1x64xf32, #tpu.memory_space<vmem>>
      %dma_start3A_401 = arith.constant 0 : i32
      %dma_start3A_402 = tpu.memref_slice %arg2[%squeeze3A_394, %squeeze3A_396, %dma_start3A_401] : memref<125000x8x64xf32, #tpu.memory_space<hbm>> -> memref<1x1x64xf32, #tpu.memory_space<hbm>>
      %dma_start3A_403 = tpu.memref_squeeze %dma_start3A_402 : memref<1x1x64xf32, #tpu.memory_space<hbm>> -> memref<1x64xf32, #tpu.memory_space<hbm>>
      %dma_start3A_404 = arith.constant 0 : i32
      %dma_start3A_405 = tpu.memref_slice %arg10[%add3A_398, %dma_start3A_404] : memref<128x64xf32, #tpu.memory_space<vmem>> -> memref<1x64xf32, #tpu.memory_space<vmem>>
      %dma_start3A_406 = arith.constant 0 : i32
      %dma_start3A_407 = tpu.memref_slice %arg2[%squeeze3A_394, %squeeze3A_396, %dma_start3A_406] : memref<125000x8x64xf32, #tpu.memory_space<hbm>> -> memref<1x1x64xf32, #tpu.memory_space<hbm>>
      %dma_start3A_408 = tpu.memref_squeeze %dma_start3A_407 : memref<1x1x64xf32, #tpu.memory_space<hbm>> -> memref<1x64xf32, #tpu.memory_space<hbm>>
      tpu.enqueue_dma source(%dma_start3A_408 : memref<1x64xf32, #tpu.memory_space<hbm>>) target(%dma_start3A_405 : memref<1x64xf32, #tpu.memory_space<vmem>>) target_semaphore(%arg14 : memref<!tpu.dma_semaphore, #tpu.memory_space<semaphore_mem>>)
      %slice3A_409 = vector.extract_strided_slice %shift_right_logical3A_184 {offsets = [14], sizes = [1], strides = [1]} : vector<16xi32> to vector<1xi32>
      %squeeze3A_410 = vector.extract %slice3A_409[0] : i32 from vector<1xi32>
      %slice3A_411 = vector.extract_strided_slice %and3A_186 {offsets = [14], sizes = [1], strides = [1]} : vector<16xi32> to vector<1xi32>
      %squeeze3A_412 = vector.extract %slice3A_411[0] : i32 from vector<1xi32>
      %add3A_413 = arith.constant 14 : i32
      %add3A_414 = arith.addi %mul3A_178, %add3A_413 : i32
      %dma_start3A_415 = arith.constant 0 : i32
      %dma_start3A_416 = tpu.memref_slice %arg10[%add3A_414, %dma_start3A_415] : memref<128x64xf32, #tpu.memory_space<vmem>> -> memref<1x64xf32, #tpu.memory_space<vmem>>
      %dma_start3A_417 = arith.constant 0 : i32
      %dma_start3A_418 = tpu.memref_slice %arg2[%squeeze3A_410, %squeeze3A_412, %dma_start3A_417] : memref<125000x8x64xf32, #tpu.memory_space<hbm>> -> memref<1x1x64xf32, #tpu.memory_space<hbm>>
      %dma_start3A_419 = tpu.memref_squeeze %dma_start3A_418 : memref<1x1x64xf32, #tpu.memory_space<hbm>> -> memref<1x64xf32, #tpu.memory_space<hbm>>
      %dma_start3A_420 = arith.constant 0 : i32
      %dma_start3A_421 = tpu.memref_slice %arg10[%add3A_414, %dma_start3A_420] : memref<128x64xf32, #tpu.memory_space<vmem>> -> memref<1x64xf32, #tpu.memory_space<vmem>>
      %dma_start3A_422 = arith.constant 0 : i32
      %dma_start3A_423 = tpu.memref_slice %arg2[%squeeze3A_410, %squeeze3A_412, %dma_start3A_422] : memref<125000x8x64xf32, #tpu.memory_space<hbm>> -> memref<1x1x64xf32, #tpu.memory_space<hbm>>
      %dma_start3A_424 = tpu.memref_squeeze %dma_start3A_423 : memref<1x1x64xf32, #tpu.memory_space<hbm>> -> memref<1x64xf32, #tpu.memory_space<hbm>>
      tpu.enqueue_dma source(%dma_start3A_424 : memref<1x64xf32, #tpu.memory_space<hbm>>) target(%dma_start3A_421 : memref<1x64xf32, #tpu.memory_space<vmem>>) target_semaphore(%arg14 : memref<!tpu.dma_semaphore, #tpu.memory_space<semaphore_mem>>)
      %slice3A_425 = vector.extract_strided_slice %shift_right_logical3A_184 {offsets = [15], sizes = [1], strides = [1]} : vector<16xi32> to vector<1xi32>
      %squeeze3A_426 = vector.extract %slice3A_425[0] : i32 from vector<1xi32>
      %slice3A_427 = vector.extract_strided_slice %and3A_186 {offsets = [15], sizes = [1], strides = [1]} : vector<16xi32> to vector<1xi32>
      %squeeze3A_428 = vector.extract %slice3A_427[0] : i32 from vector<1xi32>
      %add3A_429 = arith.constant 15 : i32
      %add3A_430 = arith.addi %mul3A_178, %add3A_429 : i32
      %dma_start3A_431 = arith.constant 0 : i32
      %dma_start3A_432 = tpu.memref_slice %arg10[%add3A_430, %dma_start3A_431] : memref<128x64xf32, #tpu.memory_space<vmem>> -> memref<1x64xf32, #tpu.memory_space<vmem>>
      %dma_start3A_433 = arith.constant 0 : i32
      %dma_start3A_434 = tpu.memref_slice %arg2[%squeeze3A_426, %squeeze3A_428, %dma_start3A_433] : memref<125000x8x64xf32, #tpu.memory_space<hbm>> -> memref<1x1x64xf32, #tpu.memory_space<hbm>>
      %dma_start3A_435 = tpu.memref_squeeze %dma_start3A_434 : memref<1x1x64xf32, #tpu.memory_space<hbm>> -> memref<1x64xf32, #tpu.memory_space<hbm>>
      %dma_start3A_436 = arith.constant 0 : i32
      %dma_start3A_437 = tpu.memref_slice %arg10[%add3A_430, %dma_start3A_436] : memref<128x64xf32, #tpu.memory_space<vmem>> -> memref<1x64xf32, #tpu.memory_space<vmem>>
      %dma_start3A_438 = arith.constant 0 : i32
      %dma_start3A_439 = tpu.memref_slice %arg2[%squeeze3A_426, %squeeze3A_428, %dma_start3A_438] : memref<125000x8x64xf32, #tpu.memory_space<hbm>> -> memref<1x1x64xf32, #tpu.memory_space<hbm>>
      %dma_start3A_440 = tpu.memref_squeeze %dma_start3A_439 : memref<1x1x64xf32, #tpu.memory_space<hbm>> -> memref<1x64xf32, #tpu.memory_space<hbm>>
      tpu.enqueue_dma source(%dma_start3A_440 : memref<1x64xf32, #tpu.memory_space<hbm>>) target(%dma_start3A_437 : memref<1x64xf32, #tpu.memory_space<vmem>>) target_semaphore(%arg14 : memref<!tpu.dma_semaphore, #tpu.memory_space<semaphore_mem>>)
    }
    %scan3A_91 = arith.constant 8 : i32
    %dma_wait3A_92 = arith.constant 0 : i32
    %dma_wait3A_93 = arith.constant 0 : i32
    %dma_wait3A_94 = tpu.memref_slice %arg5[%dma_wait3A_92, %dma_wait3A_93] : memref<16384x64xf32, #tpu.memory_space<hbm>> -> memref<128x64xf32, #tpu.memory_space<hbm>>
    %dma_wait3A_95 = arith.constant 0 : i32
    %dma_wait3A_96 = arith.constant 0 : i32
    %dma_wait3A_97 = tpu.memref_slice %arg5[%dma_wait3A_95, %dma_wait3A_96] : memref<16384x64xf32, #tpu.memory_space<hbm>> -> memref<128x64xf32, #tpu.memory_space<hbm>>
    tpu.wait_dma2 semaphore(%arg13 : memref<!tpu.dma_semaphore, #tpu.memory_space<semaphore_mem>>) src(%dma_wait3A_97 : memref<128x64xf32, #tpu.memory_space<hbm>>) dst(%arg9 : memref<128x64xf32, #tpu.memory_space<vmem>>)
    %add3A_98 = arith.constant 0 : i32
    %add3A_99 = arith.addi %mul3A_2, %add3A_98 : i32
    %dma_start3A_100 = arith.constant 0 : i32
    %dma_start3A_101 = tpu.memref_slice %arg6[%add3A_99, %dma_start3A_100] : memref<16384x64xf32, #tpu.memory_space<hbm>> -> memref<128x64xf32, #tpu.memory_space<hbm>>
    %dma_start3A_102 = arith.constant 0 : i32
    %dma_start3A_103 = tpu.memref_slice %arg6[%add3A_99, %dma_start3A_102] : memref<16384x64xf32, #tpu.memory_space<hbm>> -> memref<128x64xf32, #tpu.memory_space<hbm>>
    tpu.enqueue_dma source(%arg9 : memref<128x64xf32, #tpu.memory_space<vmem>>) target(%dma_start3A_103 : memref<128x64xf32, #tpu.memory_space<hbm>>) target_semaphore(%arg17 : memref<!tpu.dma_semaphore, #tpu.memory_space<semaphore_mem>>)
    %dma_wait3A_104 = arith.constant 0 : i32
    %dma_wait3A_105 = tpu.memref_slice %arg5[%add3A_55, %dma_wait3A_104] : memref<16384x64xf32, #tpu.memory_space<hbm>> -> memref<128x64xf32, #tpu.memory_space<hbm>>
    %dma_wait3A_106 = arith.constant 0 : i32
    %dma_wait3A_107 = tpu.memref_slice %arg5[%add3A_55, %dma_wait3A_106] : memref<16384x64xf32, #tpu.memory_space<hbm>> -> memref<128x64xf32, #tpu.memory_space<hbm>>
    tpu.wait_dma2 semaphore(%arg19 : memref<!tpu.dma_semaphore, #tpu.memory_space<semaphore_mem>>) src(%arg11 : memref<128x64xf32, #tpu.memory_space<vmem>>) dst(%dma_wait3A_107 : memref<128x64xf32, #tpu.memory_space<hbm>>)
    %scan3A_108 = arith.constant 0 : i32
    %scan3A_109 = arith.constant 0 : i32
    %scan3A_110 = arith.constant 8 : i32
    %scan3A_111 = arith.addi %scan3A_109, %scan3A_110 : i32
    %scan3A_112 = arith.constant 1 : i32
    scf.for %scan3A_176 = %scan3A_109 to %scan3A_111 step %scan3A_112  : i32 {
      %mul3A_177 = arith.constant 16 : i32
      %mul3A_178 = arith.muli %scan3A_176, %mul3A_177 : i32
      %add3A_179 = arith.constant 256 : i32
      %add3A_180 = arith.addi %add3A_179, %mul3A_178 : i32
      %get3A = arith.index_cast %add3A_180 : i32 to index
      %get3A_181 = tpu.vector_load %arg8[%get3A] {strides = array<i32>} : memref<512xi32, #tpu.memory_space<vmem>>, vector<16xi32>,
      %get3A_182 = vector.shape_cast %get3A_181 : vector<16xi32> to vector<16xi32>
      %shift_right_logical3A = arith.constant 3 : i32
      %shift_right_logical3A_183 = vector.broadcast %shift_right_logical3A : i32 to vector<16xi32>
      %shift_right_logical3A_184 = arith.shrui %get3A_182, %shift_right_logical3A_183 : vector<16xi32>
      %and3A = arith.constant 7 : i32
      %and3A_185 = vector.broadcast %and3A : i32 to vector<16xi32>
      %and3A_186 = arith.andi %get3A_182, %and3A_185 : vector<16xi32>
      %slice3A = vector.extract_strided_slice %shift_right_logical3A_184 {offsets = [0], sizes = [1], strides = [1]} : vector<16xi32> to vector<1xi32>
      %squeeze3A = vector.extract %slice3A[0] : i32 from vector<1xi32>
      %slice3A_187 = vector.extract_strided_slice %and3A_186 {offsets = [0], sizes = [1], strides = [1]} : vector<16xi32> to vector<1xi32>
      %squeeze3A_188 = vector.extract %slice3A_187[0] : i32 from vector<1xi32>
      %add3A_189 = arith.constant 0 : i32
      %add3A_190 = arith.addi %mul3A_178, %add3A_189 : i32
      %dma_start3A_191 = arith.constant 0 : i32
      %dma_start3A_192 = tpu.memref_slice %arg11[%add3A_190, %dma_start3A_191] : memref<128x64xf32, #tpu.memory_space<vmem>> -> memref<1x64xf32, #tpu.memory_space<vmem>>
      %dma_start3A_193 = arith.constant 0 : i32
      %dma_start3A_194 = tpu.memref_slice %arg2[%squeeze3A, %squeeze3A_188, %dma_start3A_193] : memref<125000x8x64xf32, #tpu.memory_space<hbm>> -> memref<1x1x64xf32, #tpu.memory_space<hbm>>
      %dma_start3A_195 = tpu.memref_squeeze %dma_start3A_194 : memref<1x1x64xf32, #tpu.memory_space<hbm>> -> memref<1x64xf32, #tpu.memory_space<hbm>>
      %dma_start3A_196 = arith.constant 0 : i32
      %dma_start3A_197 = tpu.memref_slice %arg11[%add3A_190, %dma_start3A_196] : memref<128x64xf32, #tpu.memory_space<vmem>> -> memref<1x64xf32, #tpu.memory_space<vmem>>
      %dma_start3A_198 = arith.constant 0 : i32
      %dma_start3A_199 = tpu.memref_slice %arg2[%squeeze3A, %squeeze3A_188, %dma_start3A_198] : memref<125000x8x64xf32, #tpu.memory_space<hbm>> -> memref<1x1x64xf32, #tpu.memory_space<hbm>>
      %dma_start3A_200 = tpu.memref_squeeze %dma_start3A_199 : memref<1x1x64xf32, #tpu.memory_space<hbm>> -> memref<1x64xf32, #tpu.memory_space<hbm>>
      tpu.enqueue_dma source(%dma_start3A_200 : memref<1x64xf32, #tpu.memory_space<hbm>>) target(%dma_start3A_197 : memref<1x64xf32, #tpu.memory_space<vmem>>) target_semaphore(%arg15 : memref<!tpu.dma_semaphore, #tpu.memory_space<semaphore_mem>>)
      %slice3A_201 = vector.extract_strided_slice %shift_right_logical3A_184 {offsets = [1], sizes = [1], strides = [1]} : vector<16xi32> to vector<1xi32>
      %squeeze3A_202 = vector.extract %slice3A_201[0] : i32 from vector<1xi32>
      %slice3A_203 = vector.extract_strided_slice %and3A_186 {offsets = [1], sizes = [1], strides = [1]} : vector<16xi32> to vector<1xi32>
      %squeeze3A_204 = vector.extract %slice3A_203[0] : i32 from vector<1xi32>
      %add3A_205 = arith.constant 1 : i32
      %add3A_206 = arith.addi %mul3A_178, %add3A_205 : i32
      %dma_start3A_207 = arith.constant 0 : i32
      %dma_start3A_208 = tpu.memref_slice %arg11[%add3A_206, %dma_start3A_207] : memref<128x64xf32, #tpu.memory_space<vmem>> -> memref<1x64xf32, #tpu.memory_space<vmem>>
      %dma_start3A_209 = arith.constant 0 : i32
      %dma_start3A_210 = tpu.memref_slice %arg2[%squeeze3A_202, %squeeze3A_204, %dma_start3A_209] : memref<125000x8x64xf32, #tpu.memory_space<hbm>> -> memref<1x1x64xf32, #tpu.memory_space<hbm>>
      %dma_start3A_211 = tpu.memref_squeeze %dma_start3A_210 : memref<1x1x64xf32, #tpu.memory_space<hbm>> -> memref<1x64xf32, #tpu.memory_space<hbm>>
      %dma_start3A_212 = arith.constant 0 : i32
      %dma_start3A_213 = tpu.memref_slice %arg11[%add3A_206, %dma_start3A_212] : memref<128x64xf32, #tpu.memory_space<vmem>> -> memref<1x64xf32, #tpu.memory_space<vmem>>
      %dma_start3A_214 = arith.constant 0 : i32
      %dma_start3A_215 = tpu.memref_slice %arg2[%squeeze3A_202, %squeeze3A_204, %dma_start3A_214] : memref<125000x8x64xf32, #tpu.memory_space<hbm>> -> memref<1x1x64xf32, #tpu.memory_space<hbm>>
      %dma_start3A_216 = tpu.memref_squeeze %dma_start3A_215 : memref<1x1x64xf32, #tpu.memory_space<hbm>> -> memref<1x64xf32, #tpu.memory_space<hbm>>
      tpu.enqueue_dma source(%dma_start3A_216 : memref<1x64xf32, #tpu.memory_space<hbm>>) target(%dma_start3A_213 : memref<1x64xf32, #tpu.memory_space<vmem>>) target_semaphore(%arg15 : memref<!tpu.dma_semaphore, #tpu.memory_space<semaphore_mem>>)
      %slice3A_217 = vector.extract_strided_slice %shift_right_logical3A_184 {offsets = [2], sizes = [1], strides = [1]} : vector<16xi32> to vector<1xi32>
      %squeeze3A_218 = vector.extract %slice3A_217[0] : i32 from vector<1xi32>
      %slice3A_219 = vector.extract_strided_slice %and3A_186 {offsets = [2], sizes = [1], strides = [1]} : vector<16xi32> to vector<1xi32>
      %squeeze3A_220 = vector.extract %slice3A_219[0] : i32 from vector<1xi32>
      %add3A_221 = arith.constant 2 : i32
      %add3A_222 = arith.addi %mul3A_178, %add3A_221 : i32
      %dma_start3A_223 = arith.constant 0 : i32
      %dma_start3A_224 = tpu.memref_slice %arg11[%add3A_222, %dma_start3A_223] : memref<128x64xf32, #tpu.memory_space<vmem>> -> memref<1x64xf32, #tpu.memory_space<vmem>>
      %dma_start3A_225 = arith.constant 0 : i32
      %dma_start3A_226 = tpu.memref_slice %arg2[%squeeze3A_218, %squeeze3A_220, %dma_start3A_225] : memref<125000x8x64xf32, #tpu.memory_space<hbm>> -> memref<1x1x64xf32, #tpu.memory_space<hbm>>
      %dma_start3A_227 = tpu.memref_squeeze %dma_start3A_226 : memref<1x1x64xf32, #tpu.memory_space<hbm>> -> memref<1x64xf32, #tpu.memory_space<hbm>>
      %dma_start3A_228 = arith.constant 0 : i32
      %dma_start3A_229 = tpu.memref_slice %arg11[%add3A_222, %dma_start3A_228] : memref<128x64xf32, #tpu.memory_space<vmem>> -> memref<1x64xf32, #tpu.memory_space<vmem>>
      %dma_start3A_230 = arith.constant 0 : i32
      %dma_start3A_231 = tpu.memref_slice %arg2[%squeeze3A_218, %squeeze3A_220, %dma_start3A_230] : memref<125000x8x64xf32, #tpu.memory_space<hbm>> -> memref<1x1x64xf32, #tpu.memory_space<hbm>>
      %dma_start3A_232 = tpu.memref_squeeze %dma_start3A_231 : memref<1x1x64xf32, #tpu.memory_space<hbm>> -> memref<1x64xf32, #tpu.memory_space<hbm>>
      tpu.enqueue_dma source(%dma_start3A_232 : memref<1x64xf32, #tpu.memory_space<hbm>>) target(%dma_start3A_229 : memref<1x64xf32, #tpu.memory_space<vmem>>) target_semaphore(%arg15 : memref<!tpu.dma_semaphore, #tpu.memory_space<semaphore_mem>>)
      %slice3A_233 = vector.extract_strided_slice %shift_right_logical3A_184 {offsets = [3], sizes = [1], strides = [1]} : vector<16xi32> to vector<1xi32>
      %squeeze3A_234 = vector.extract %slice3A_233[0] : i32 from vector<1xi32>
      %slice3A_235 = vector.extract_strided_slice %and3A_186 {offsets = [3], sizes = [1], strides = [1]} : vector<16xi32> to vector<1xi32>
      %squeeze3A_236 = vector.extract %slice3A_235[0] : i32 from vector<1xi32>
      %add3A_237 = arith.constant 3 : i32
      %add3A_238 = arith.addi %mul3A_178, %add3A_237 : i32
      %dma_start3A_239 = arith.constant 0 : i32
      %dma_start3A_240 = tpu.memref_slice %arg11[%add3A_238, %dma_start3A_239] : memref<128x64xf32, #tpu.memory_space<vmem>> -> memref<1x64xf32, #tpu.memory_space<vmem>>
      %dma_start3A_241 = arith.constant 0 : i32
      %dma_start3A_242 = tpu.memref_slice %arg2[%squeeze3A_234, %squeeze3A_236, %dma_start3A_241] : memref<125000x8x64xf32, #tpu.memory_space<hbm>> -> memref<1x1x64xf32, #tpu.memory_space<hbm>>
      %dma_start3A_243 = tpu.memref_squeeze %dma_start3A_242 : memref<1x1x64xf32, #tpu.memory_space<hbm>> -> memref<1x64xf32, #tpu.memory_space<hbm>>
      %dma_start3A_244 = arith.constant 0 : i32
      %dma_start3A_245 = tpu.memref_slice %arg11[%add3A_238, %dma_start3A_244] : memref<128x64xf32, #tpu.memory_space<vmem>> -> memref<1x64xf32, #tpu.memory_space<vmem>>
      %dma_start3A_246 = arith.constant 0 : i32
      %dma_start3A_247 = tpu.memref_slice %arg2[%squeeze3A_234, %squeeze3A_236, %dma_start3A_246] : memref<125000x8x64xf32, #tpu.memory_space<hbm>> -> memref<1x1x64xf32, #tpu.memory_space<hbm>>
      %dma_start3A_248 = tpu.memref_squeeze %dma_start3A_247 : memref<1x1x64xf32, #tpu.memory_space<hbm>> -> memref<1x64xf32, #tpu.memory_space<hbm>>
      tpu.enqueue_dma source(%dma_start3A_248 : memref<1x64xf32, #tpu.memory_space<hbm>>) target(%dma_start3A_245 : memref<1x64xf32, #tpu.memory_space<vmem>>) target_semaphore(%arg15 : memref<!tpu.dma_semaphore, #tpu.memory_space<semaphore_mem>>)
      %slice3A_249 = vector.extract_strided_slice %shift_right_logical3A_184 {offsets = [4], sizes = [1], strides = [1]} : vector<16xi32> to vector<1xi32>
      %squeeze3A_250 = vector.extract %slice3A_249[0] : i32 from vector<1xi32>
      %slice3A_251 = vector.extract_strided_slice %and3A_186 {offsets = [4], sizes = [1], strides = [1]} : vector<16xi32> to vector<1xi32>
      %squeeze3A_252 = vector.extract %slice3A_251[0] : i32 from vector<1xi32>
      %add3A_253 = arith.constant 4 : i32
      %add3A_254 = arith.addi %mul3A_178, %add3A_253 : i32
      %dma_start3A_255 = arith.constant 0 : i32
      %dma_start3A_256 = tpu.memref_slice %arg11[%add3A_254, %dma_start3A_255] : memref<128x64xf32, #tpu.memory_space<vmem>> -> memref<1x64xf32, #tpu.memory_space<vmem>>
      %dma_start3A_257 = arith.constant 0 : i32
      %dma_start3A_258 = tpu.memref_slice %arg2[%squeeze3A_250, %squeeze3A_252, %dma_start3A_257] : memref<125000x8x64xf32, #tpu.memory_space<hbm>> -> memref<1x1x64xf32, #tpu.memory_space<hbm>>
      %dma_start3A_259 = tpu.memref_squeeze %dma_start3A_258 : memref<1x1x64xf32, #tpu.memory_space<hbm>> -> memref<1x64xf32, #tpu.memory_space<hbm>>
      %dma_start3A_260 = arith.constant 0 : i32
      %dma_start3A_261 = tpu.memref_slice %arg11[%add3A_254, %dma_start3A_260] : memref<128x64xf32, #tpu.memory_space<vmem>> -> memref<1x64xf32, #tpu.memory_space<vmem>>
      %dma_start3A_262 = arith.constant 0 : i32
      %dma_start3A_263 = tpu.memref_slice %arg2[%squeeze3A_250, %squeeze3A_252, %dma_start3A_262] : memref<125000x8x64xf32, #tpu.memory_space<hbm>> -> memref<1x1x64xf32, #tpu.memory_space<hbm>>
      %dma_start3A_264 = tpu.memref_squeeze %dma_start3A_263 : memref<1x1x64xf32, #tpu.memory_space<hbm>> -> memref<1x64xf32, #tpu.memory_space<hbm>>
      tpu.enqueue_dma source(%dma_start3A_264 : memref<1x64xf32, #tpu.memory_space<hbm>>) target(%dma_start3A_261 : memref<1x64xf32, #tpu.memory_space<vmem>>) target_semaphore(%arg15 : memref<!tpu.dma_semaphore, #tpu.memory_space<semaphore_mem>>)
      %slice3A_265 = vector.extract_strided_slice %shift_right_logical3A_184 {offsets = [5], sizes = [1], strides = [1]} : vector<16xi32> to vector<1xi32>
      %squeeze3A_266 = vector.extract %slice3A_265[0] : i32 from vector<1xi32>
      %slice3A_267 = vector.extract_strided_slice %and3A_186 {offsets = [5], sizes = [1], strides = [1]} : vector<16xi32> to vector<1xi32>
      %squeeze3A_268 = vector.extract %slice3A_267[0] : i32 from vector<1xi32>
      %add3A_269 = arith.constant 5 : i32
      %add3A_270 = arith.addi %mul3A_178, %add3A_269 : i32
      %dma_start3A_271 = arith.constant 0 : i32
      %dma_start3A_272 = tpu.memref_slice %arg11[%add3A_270, %dma_start3A_271] : memref<128x64xf32, #tpu.memory_space<vmem>> -> memref<1x64xf32, #tpu.memory_space<vmem>>
      %dma_start3A_273 = arith.constant 0 : i32
      %dma_start3A_274 = tpu.memref_slice %arg2[%squeeze3A_266, %squeeze3A_268, %dma_start3A_273] : memref<125000x8x64xf32, #tpu.memory_space<hbm>> -> memref<1x1x64xf32, #tpu.memory_space<hbm>>
      %dma_start3A_275 = tpu.memref_squeeze %dma_start3A_274 : memref<1x1x64xf32, #tpu.memory_space<hbm>> -> memref<1x64xf32, #tpu.memory_space<hbm>>
      %dma_start3A_276 = arith.constant 0 : i32
      %dma_start3A_277 = tpu.memref_slice %arg11[%add3A_270, %dma_start3A_276] : memref<128x64xf32, #tpu.memory_space<vmem>> -> memref<1x64xf32, #tpu.memory_space<vmem>>
      %dma_start3A_278 = arith.constant 0 : i32
      %dma_start3A_279 = tpu.memref_slice %arg2[%squeeze3A_266, %squeeze3A_268, %dma_start3A_278] : memref<125000x8x64xf32, #tpu.memory_space<hbm>> -> memref<1x1x64xf32, #tpu.memory_space<hbm>>
      %dma_start3A_280 = tpu.memref_squeeze %dma_start3A_279 : memref<1x1x64xf32, #tpu.memory_space<hbm>> -> memref<1x64xf32, #tpu.memory_space<hbm>>
      tpu.enqueue_dma source(%dma_start3A_280 : memref<1x64xf32, #tpu.memory_space<hbm>>) target(%dma_start3A_277 : memref<1x64xf32, #tpu.memory_space<vmem>>) target_semaphore(%arg15 : memref<!tpu.dma_semaphore, #tpu.memory_space<semaphore_mem>>)
      %slice3A_281 = vector.extract_strided_slice %shift_right_logical3A_184 {offsets = [6], sizes = [1], strides = [1]} : vector<16xi32> to vector<1xi32>
      %squeeze3A_282 = vector.extract %slice3A_281[0] : i32 from vector<1xi32>
      %slice3A_283 = vector.extract_strided_slice %and3A_186 {offsets = [6], sizes = [1], strides = [1]} : vector<16xi32> to vector<1xi32>
      %squeeze3A_284 = vector.extract %slice3A_283[0] : i32 from vector<1xi32>
      %add3A_285 = arith.constant 6 : i32
      %add3A_286 = arith.addi %mul3A_178, %add3A_285 : i32
      %dma_start3A_287 = arith.constant 0 : i32
      %dma_start3A_288 = tpu.memref_slice %arg11[%add3A_286, %dma_start3A_287] : memref<128x64xf32, #tpu.memory_space<vmem>> -> memref<1x64xf32, #tpu.memory_space<vmem>>
      %dma_start3A_289 = arith.constant 0 : i32
      %dma_start3A_290 = tpu.memref_slice %arg2[%squeeze3A_282, %squeeze3A_284, %dma_start3A_289] : memref<125000x8x64xf32, #tpu.memory_space<hbm>> -> memref<1x1x64xf32, #tpu.memory_space<hbm>>
      %dma_start3A_291 = tpu.memref_squeeze %dma_start3A_290 : memref<1x1x64xf32, #tpu.memory_space<hbm>> -> memref<1x64xf32, #tpu.memory_space<hbm>>
      %dma_start3A_292 = arith.constant 0 : i32
      %dma_start3A_293 = tpu.memref_slice %arg11[%add3A_286, %dma_start3A_292] : memref<128x64xf32, #tpu.memory_space<vmem>> -> memref<1x64xf32, #tpu.memory_space<vmem>>
      %dma_start3A_294 = arith.constant 0 : i32
      %dma_start3A_295 = tpu.memref_slice %arg2[%squeeze3A_282, %squeeze3A_284, %dma_start3A_294] : memref<125000x8x64xf32, #tpu.memory_space<hbm>> -> memref<1x1x64xf32, #tpu.memory_space<hbm>>
      %dma_start3A_296 = tpu.memref_squeeze %dma_start3A_295 : memref<1x1x64xf32, #tpu.memory_space<hbm>> -> memref<1x64xf32, #tpu.memory_space<hbm>>
      tpu.enqueue_dma source(%dma_start3A_296 : memref<1x64xf32, #tpu.memory_space<hbm>>) target(%dma_start3A_293 : memref<1x64xf32, #tpu.memory_space<vmem>>) target_semaphore(%arg15 : memref<!tpu.dma_semaphore, #tpu.memory_space<semaphore_mem>>)
      %slice3A_297 = vector.extract_strided_slice %shift_right_logical3A_184 {offsets = [7], sizes = [1], strides = [1]} : vector<16xi32> to vector<1xi32>
      %squeeze3A_298 = vector.extract %slice3A_297[0] : i32 from vector<1xi32>
      %slice3A_299 = vector.extract_strided_slice %and3A_186 {offsets = [7], sizes = [1], strides = [1]} : vector<16xi32> to vector<1xi32>
      %squeeze3A_300 = vector.extract %slice3A_299[0] : i32 from vector<1xi32>
      %add3A_301 = arith.constant 7 : i32
      %add3A_302 = arith.addi %mul3A_178, %add3A_301 : i32
      %dma_start3A_303 = arith.constant 0 : i32
      %dma_start3A_304 = tpu.memref_slice %arg11[%add3A_302, %dma_start3A_303] : memref<128x64xf32, #tpu.memory_space<vmem>> -> memref<1x64xf32, #tpu.memory_space<vmem>>
      %dma_start3A_305 = arith.constant 0 : i32
      %dma_start3A_306 = tpu.memref_slice %arg2[%squeeze3A_298, %squeeze3A_300, %dma_start3A_305] : memref<125000x8x64xf32, #tpu.memory_space<hbm>> -> memref<1x1x64xf32, #tpu.memory_space<hbm>>
      %dma_start3A_307 = tpu.memref_squeeze %dma_start3A_306 : memref<1x1x64xf32, #tpu.memory_space<hbm>> -> memref<1x64xf32, #tpu.memory_space<hbm>>
      %dma_start3A_308 = arith.constant 0 : i32
      %dma_start3A_309 = tpu.memref_slice %arg11[%add3A_302, %dma_start3A_308] : memref<128x64xf32, #tpu.memory_space<vmem>> -> memref<1x64xf32, #tpu.memory_space<vmem>>
      %dma_start3A_310 = arith.constant 0 : i32
      %dma_start3A_311 = tpu.memref_slice %arg2[%squeeze3A_298, %squeeze3A_300, %dma_start3A_310] : memref<125000x8x64xf32, #tpu.memory_space<hbm>> -> memref<1x1x64xf32, #tpu.memory_space<hbm>>
      %dma_start3A_312 = tpu.memref_squeeze %dma_start3A_311 : memref<1x1x64xf32, #tpu.memory_space<hbm>> -> memref<1x64xf32, #tpu.memory_space<hbm>>
      tpu.enqueue_dma source(%dma_start3A_312 : memref<1x64xf32, #tpu.memory_space<hbm>>) target(%dma_start3A_309 : memref<1x64xf32, #tpu.memory_space<vmem>>) target_semaphore(%arg15 : memref<!tpu.dma_semaphore, #tpu.memory_space<semaphore_mem>>)
      %slice3A_313 = vector.extract_strided_slice %shift_right_logical3A_184 {offsets = [8], sizes = [1], strides = [1]} : vector<16xi32> to vector<1xi32>
      %squeeze3A_314 = vector.extract %slice3A_313[0] : i32 from vector<1xi32>
      %slice3A_315 = vector.extract_strided_slice %and3A_186 {offsets = [8], sizes = [1], strides = [1]} : vector<16xi32> to vector<1xi32>
      %squeeze3A_316 = vector.extract %slice3A_315[0] : i32 from vector<1xi32>
      %add3A_317 = arith.constant 8 : i32
      %add3A_318 = arith.addi %mul3A_178, %add3A_317 : i32
      %dma_start3A_319 = arith.constant 0 : i32
      %dma_start3A_320 = tpu.memref_slice %arg11[%add3A_318, %dma_start3A_319] : memref<128x64xf32, #tpu.memory_space<vmem>> -> memref<1x64xf32, #tpu.memory_space<vmem>>
      %dma_start3A_321 = arith.constant 0 : i32
      %dma_start3A_322 = tpu.memref_slice %arg2[%squeeze3A_314, %squeeze3A_316, %dma_start3A_321] : memref<125000x8x64xf32, #tpu.memory_space<hbm>> -> memref<1x1x64xf32, #tpu.memory_space<hbm>>
      %dma_start3A_323 = tpu.memref_squeeze %dma_start3A_322 : memref<1x1x64xf32, #tpu.memory_space<hbm>> -> memref<1x64xf32, #tpu.memory_space<hbm>>
      %dma_start3A_324 = arith.constant 0 : i32
      %dma_start3A_325 = tpu.memref_slice %arg11[%add3A_318, %dma_start3A_324] : memref<128x64xf32, #tpu.memory_space<vmem>> -> memref<1x64xf32, #tpu.memory_space<vmem>>
      %dma_start3A_326 = arith.constant 0 : i32
      %dma_start3A_327 = tpu.memref_slice %arg2[%squeeze3A_314, %squeeze3A_316, %dma_start3A_326] : memref<125000x8x64xf32, #tpu.memory_space<hbm>> -> memref<1x1x64xf32, #tpu.memory_space<hbm>>
      %dma_start3A_328 = tpu.memref_squeeze %dma_start3A_327 : memref<1x1x64xf32, #tpu.memory_space<hbm>> -> memref<1x64xf32, #tpu.memory_space<hbm>>
      tpu.enqueue_dma source(%dma_start3A_328 : memref<1x64xf32, #tpu.memory_space<hbm>>) target(%dma_start3A_325 : memref<1x64xf32, #tpu.memory_space<vmem>>) target_semaphore(%arg15 : memref<!tpu.dma_semaphore, #tpu.memory_space<semaphore_mem>>)
      %slice3A_329 = vector.extract_strided_slice %shift_right_logical3A_184 {offsets = [9], sizes = [1], strides = [1]} : vector<16xi32> to vector<1xi32>
      %squeeze3A_330 = vector.extract %slice3A_329[0] : i32 from vector<1xi32>
      %slice3A_331 = vector.extract_strided_slice %and3A_186 {offsets = [9], sizes = [1], strides = [1]} : vector<16xi32> to vector<1xi32>
      %squeeze3A_332 = vector.extract %slice3A_331[0] : i32 from vector<1xi32>
      %add3A_333 = arith.constant 9 : i32
      %add3A_334 = arith.addi %mul3A_178, %add3A_333 : i32
      %dma_start3A_335 = arith.constant 0 : i32
      %dma_start3A_336 = tpu.memref_slice %arg11[%add3A_334, %dma_start3A_335] : memref<128x64xf32, #tpu.memory_space<vmem>> -> memref<1x64xf32, #tpu.memory_space<vmem>>
      %dma_start3A_337 = arith.constant 0 : i32
      %dma_start3A_338 = tpu.memref_slice %arg2[%squeeze3A_330, %squeeze3A_332, %dma_start3A_337] : memref<125000x8x64xf32, #tpu.memory_space<hbm>> -> memref<1x1x64xf32, #tpu.memory_space<hbm>>
      %dma_start3A_339 = tpu.memref_squeeze %dma_start3A_338 : memref<1x1x64xf32, #tpu.memory_space<hbm>> -> memref<1x64xf32, #tpu.memory_space<hbm>>
      %dma_start3A_340 = arith.constant 0 : i32
      %dma_start3A_341 = tpu.memref_slice %arg11[%add3A_334, %dma_start3A_340] : memref<128x64xf32, #tpu.memory_space<vmem>> -> memref<1x64xf32, #tpu.memory_space<vmem>>
      %dma_start3A_342 = arith.constant 0 : i32
      %dma_start3A_343 = tpu.memref_slice %arg2[%squeeze3A_330, %squeeze3A_332, %dma_start3A_342] : memref<125000x8x64xf32, #tpu.memory_space<hbm>> -> memref<1x1x64xf32, #tpu.memory_space<hbm>>
      %dma_start3A_344 = tpu.memref_squeeze %dma_start3A_343 : memref<1x1x64xf32, #tpu.memory_space<hbm>> -> memref<1x64xf32, #tpu.memory_space<hbm>>
      tpu.enqueue_dma source(%dma_start3A_344 : memref<1x64xf32, #tpu.memory_space<hbm>>) target(%dma_start3A_341 : memref<1x64xf32, #tpu.memory_space<vmem>>) target_semaphore(%arg15 : memref<!tpu.dma_semaphore, #tpu.memory_space<semaphore_mem>>)
      %slice3A_345 = vector.extract_strided_slice %shift_right_logical3A_184 {offsets = [10], sizes = [1], strides = [1]} : vector<16xi32> to vector<1xi32>
      %squeeze3A_346 = vector.extract %slice3A_345[0] : i32 from vector<1xi32>
      %slice3A_347 = vector.extract_strided_slice %and3A_186 {offsets = [10], sizes = [1], strides = [1]} : vector<16xi32> to vector<1xi32>
      %squeeze3A_348 = vector.extract %slice3A_347[0] : i32 from vector<1xi32>
      %add3A_349 = arith.constant 10 : i32
      %add3A_350 = arith.addi %mul3A_178, %add3A_349 : i32
      %dma_start3A_351 = arith.constant 0 : i32
      %dma_start3A_352 = tpu.memref_slice %arg11[%add3A_350, %dma_start3A_351] : memref<128x64xf32, #tpu.memory_space<vmem>> -> memref<1x64xf32, #tpu.memory_space<vmem>>
      %dma_start3A_353 = arith.constant 0 : i32
      %dma_start3A_354 = tpu.memref_slice %arg2[%squeeze3A_346, %squeeze3A_348, %dma_start3A_353] : memref<125000x8x64xf32, #tpu.memory_space<hbm>> -> memref<1x1x64xf32, #tpu.memory_space<hbm>>
      %dma_start3A_355 = tpu.memref_squeeze %dma_start3A_354 : memref<1x1x64xf32, #tpu.memory_space<hbm>> -> memref<1x64xf32, #tpu.memory_space<hbm>>
      %dma_start3A_356 = arith.constant 0 : i32
      %dma_start3A_357 = tpu.memref_slice %arg11[%add3A_350, %dma_start3A_356] : memref<128x64xf32, #tpu.memory_space<vmem>> -> memref<1x64xf32, #tpu.memory_space<vmem>>
      %dma_start3A_358 = arith.constant 0 : i32
      %dma_start3A_359 = tpu.memref_slice %arg2[%squeeze3A_346, %squeeze3A_348, %dma_start3A_358] : memref<125000x8x64xf32, #tpu.memory_space<hbm>> -> memref<1x1x64xf32, #tpu.memory_space<hbm>>
      %dma_start3A_360 = tpu.memref_squeeze %dma_start3A_359 : memref<1x1x64xf32, #tpu.memory_space<hbm>> -> memref<1x64xf32, #tpu.memory_space<hbm>>
      tpu.enqueue_dma source(%dma_start3A_360 : memref<1x64xf32, #tpu.memory_space<hbm>>) target(%dma_start3A_357 : memref<1x64xf32, #tpu.memory_space<vmem>>) target_semaphore(%arg15 : memref<!tpu.dma_semaphore, #tpu.memory_space<semaphore_mem>>)
      %slice3A_361 = vector.extract_strided_slice %shift_right_logical3A_184 {offsets = [11], sizes = [1], strides = [1]} : vector<16xi32> to vector<1xi32>
      %squeeze3A_362 = vector.extract %slice3A_361[0] : i32 from vector<1xi32>
      %slice3A_363 = vector.extract_strided_slice %and3A_186 {offsets = [11], sizes = [1], strides = [1]} : vector<16xi32> to vector<1xi32>
      %squeeze3A_364 = vector.extract %slice3A_363[0] : i32 from vector<1xi32>
      %add3A_365 = arith.constant 11 : i32
      %add3A_366 = arith.addi %mul3A_178, %add3A_365 : i32
      %dma_start3A_367 = arith.constant 0 : i32
      %dma_start3A_368 = tpu.memref_slice %arg11[%add3A_366, %dma_start3A_367] : memref<128x64xf32, #tpu.memory_space<vmem>> -> memref<1x64xf32, #tpu.memory_space<vmem>>
      %dma_start3A_369 = arith.constant 0 : i32
      %dma_start3A_370 = tpu.memref_slice %arg2[%squeeze3A_362, %squeeze3A_364, %dma_start3A_369] : memref<125000x8x64xf32, #tpu.memory_space<hbm>> -> memref<1x1x64xf32, #tpu.memory_space<hbm>>
      %dma_start3A_371 = tpu.memref_squeeze %dma_start3A_370 : memref<1x1x64xf32, #tpu.memory_space<hbm>> -> memref<1x64xf32, #tpu.memory_space<hbm>>
      %dma_start3A_372 = arith.constant 0 : i32
      %dma_start3A_373 = tpu.memref_slice %arg11[%add3A_366, %dma_start3A_372] : memref<128x64xf32, #tpu.memory_space<vmem>> -> memref<1x64xf32, #tpu.memory_space<vmem>>
      %dma_start3A_374 = arith.constant 0 : i32
      %dma_start3A_375 = tpu.memref_slice %arg2[%squeeze3A_362, %squeeze3A_364, %dma_start3A_374] : memref<125000x8x64xf32, #tpu.memory_space<hbm>> -> memref<1x1x64xf32, #tpu.memory_space<hbm>>
      %dma_start3A_376 = tpu.memref_squeeze %dma_start3A_375 : memref<1x1x64xf32, #tpu.memory_space<hbm>> -> memref<1x64xf32, #tpu.memory_space<hbm>>
      tpu.enqueue_dma source(%dma_start3A_376 : memref<1x64xf32, #tpu.memory_space<hbm>>) target(%dma_start3A_373 : memref<1x64xf32, #tpu.memory_space<vmem>>) target_semaphore(%arg15 : memref<!tpu.dma_semaphore, #tpu.memory_space<semaphore_mem>>)
      %slice3A_377 = vector.extract_strided_slice %shift_right_logical3A_184 {offsets = [12], sizes = [1], strides = [1]} : vector<16xi32> to vector<1xi32>
      %squeeze3A_378 = vector.extract %slice3A_377[0] : i32 from vector<1xi32>
      %slice3A_379 = vector.extract_strided_slice %and3A_186 {offsets = [12], sizes = [1], strides = [1]} : vector<16xi32> to vector<1xi32>
      %squeeze3A_380 = vector.extract %slice3A_379[0] : i32 from vector<1xi32>
      %add3A_381 = arith.constant 12 : i32
      %add3A_382 = arith.addi %mul3A_178, %add3A_381 : i32
      %dma_start3A_383 = arith.constant 0 : i32
      %dma_start3A_384 = tpu.memref_slice %arg11[%add3A_382, %dma_start3A_383] : memref<128x64xf32, #tpu.memory_space<vmem>> -> memref<1x64xf32, #tpu.memory_space<vmem>>
      %dma_start3A_385 = arith.constant 0 : i32
      %dma_start3A_386 = tpu.memref_slice %arg2[%squeeze3A_378, %squeeze3A_380, %dma_start3A_385] : memref<125000x8x64xf32, #tpu.memory_space<hbm>> -> memref<1x1x64xf32, #tpu.memory_space<hbm>>
      %dma_start3A_387 = tpu.memref_squeeze %dma_start3A_386 : memref<1x1x64xf32, #tpu.memory_space<hbm>> -> memref<1x64xf32, #tpu.memory_space<hbm>>
      %dma_start3A_388 = arith.constant 0 : i32
      %dma_start3A_389 = tpu.memref_slice %arg11[%add3A_382, %dma_start3A_388] : memref<128x64xf32, #tpu.memory_space<vmem>> -> memref<1x64xf32, #tpu.memory_space<vmem>>
      %dma_start3A_390 = arith.constant 0 : i32
      %dma_start3A_391 = tpu.memref_slice %arg2[%squeeze3A_378, %squeeze3A_380, %dma_start3A_390] : memref<125000x8x64xf32, #tpu.memory_space<hbm>> -> memref<1x1x64xf32, #tpu.memory_space<hbm>>
      %dma_start3A_392 = tpu.memref_squeeze %dma_start3A_391 : memref<1x1x64xf32, #tpu.memory_space<hbm>> -> memref<1x64xf32, #tpu.memory_space<hbm>>
      tpu.enqueue_dma source(%dma_start3A_392 : memref<1x64xf32, #tpu.memory_space<hbm>>) target(%dma_start3A_389 : memref<1x64xf32, #tpu.memory_space<vmem>>) target_semaphore(%arg15 : memref<!tpu.dma_semaphore, #tpu.memory_space<semaphore_mem>>)
      %slice3A_393 = vector.extract_strided_slice %shift_right_logical3A_184 {offsets = [13], sizes = [1], strides = [1]} : vector<16xi32> to vector<1xi32>
      %squeeze3A_394 = vector.extract %slice3A_393[0] : i32 from vector<1xi32>
      %slice3A_395 = vector.extract_strided_slice %and3A_186 {offsets = [13], sizes = [1], strides = [1]} : vector<16xi32> to vector<1xi32>
      %squeeze3A_396 = vector.extract %slice3A_395[0] : i32 from vector<1xi32>
      %add3A_397 = arith.constant 13 : i32
      %add3A_398 = arith.addi %mul3A_178, %add3A_397 : i32
      %dma_start3A_399 = arith.constant 0 : i32
      %dma_start3A_400 = tpu.memref_slice %arg11[%add3A_398, %dma_start3A_399] : memref<128x64xf32, #tpu.memory_space<vmem>> -> memref<1x64xf32, #tpu.memory_space<vmem>>
      %dma_start3A_401 = arith.constant 0 : i32
      %dma_start3A_402 = tpu.memref_slice %arg2[%squeeze3A_394, %squeeze3A_396, %dma_start3A_401] : memref<125000x8x64xf32, #tpu.memory_space<hbm>> -> memref<1x1x64xf32, #tpu.memory_space<hbm>>
      %dma_start3A_403 = tpu.memref_squeeze %dma_start3A_402 : memref<1x1x64xf32, #tpu.memory_space<hbm>> -> memref<1x64xf32, #tpu.memory_space<hbm>>
      %dma_start3A_404 = arith.constant 0 : i32
      %dma_start3A_405 = tpu.memref_slice %arg11[%add3A_398, %dma_start3A_404] : memref<128x64xf32, #tpu.memory_space<vmem>> -> memref<1x64xf32, #tpu.memory_space<vmem>>
      %dma_start3A_406 = arith.constant 0 : i32
      %dma_start3A_407 = tpu.memref_slice %arg2[%squeeze3A_394, %squeeze3A_396, %dma_start3A_406] : memref<125000x8x64xf32, #tpu.memory_space<hbm>> -> memref<1x1x64xf32, #tpu.memory_space<hbm>>
      %dma_start3A_408 = tpu.memref_squeeze %dma_start3A_407 : memref<1x1x64xf32, #tpu.memory_space<hbm>> -> memref<1x64xf32, #tpu.memory_space<hbm>>
      tpu.enqueue_dma source(%dma_start3A_408 : memref<1x64xf32, #tpu.memory_space<hbm>>) target(%dma_start3A_405 : memref<1x64xf32, #tpu.memory_space<vmem>>) target_semaphore(%arg15 : memref<!tpu.dma_semaphore, #tpu.memory_space<semaphore_mem>>)
      %slice3A_409 = vector.extract_strided_slice %shift_right_logical3A_184 {offsets = [14], sizes = [1], strides = [1]} : vector<16xi32> to vector<1xi32>
      %squeeze3A_410 = vector.extract %slice3A_409[0] : i32 from vector<1xi32>
      %slice3A_411 = vector.extract_strided_slice %and3A_186 {offsets = [14], sizes = [1], strides = [1]} : vector<16xi32> to vector<1xi32>
      %squeeze3A_412 = vector.extract %slice3A_411[0] : i32 from vector<1xi32>
      %add3A_413 = arith.constant 14 : i32
      %add3A_414 = arith.addi %mul3A_178, %add3A_413 : i32
      %dma_start3A_415 = arith.constant 0 : i32
      %dma_start3A_416 = tpu.memref_slice %arg11[%add3A_414, %dma_start3A_415] : memref<128x64xf32, #tpu.memory_space<vmem>> -> memref<1x64xf32, #tpu.memory_space<vmem>>
      %dma_start3A_417 = arith.constant 0 : i32
      %dma_start3A_418 = tpu.memref_slice %arg2[%squeeze3A_410, %squeeze3A_412, %dma_start3A_417] : memref<125000x8x64xf32, #tpu.memory_space<hbm>> -> memref<1x1x64xf32, #tpu.memory_space<hbm>>
      %dma_start3A_419 = tpu.memref_squeeze %dma_start3A_418 : memref<1x1x64xf32, #tpu.memory_space<hbm>> -> memref<1x64xf32, #tpu.memory_space<hbm>>
      %dma_start3A_420 = arith.constant 0 : i32
      %dma_start3A_421 = tpu.memref_slice %arg11[%add3A_414, %dma_start3A_420] : memref<128x64xf32, #tpu.memory_space<vmem>> -> memref<1x64xf32, #tpu.memory_space<vmem>>
      %dma_start3A_422 = arith.constant 0 : i32
      %dma_start3A_423 = tpu.memref_slice %arg2[%squeeze3A_410, %squeeze3A_412, %dma_start3A_422] : memref<125000x8x64xf32, #tpu.memory_space<hbm>> -> memref<1x1x64xf32, #tpu.memory_space<hbm>>
      %dma_start3A_424 = tpu.memref_squeeze %dma_start3A_423 : memref<1x1x64xf32, #tpu.memory_space<hbm>> -> memref<1x64xf32, #tpu.memory_space<hbm>>
      tpu.enqueue_dma source(%dma_start3A_424 : memref<1x64xf32, #tpu.memory_space<hbm>>) target(%dma_start3A_421 : memref<1x64xf32, #tpu.memory_space<vmem>>) target_semaphore(%arg15 : memref<!tpu.dma_semaphore, #tpu.memory_space<semaphore_mem>>)
      %slice3A_425 = vector.extract_strided_slice %shift_right_logical3A_184 {offsets = [15], sizes = [1], strides = [1]} : vector<16xi32> to vector<1xi32>
      %squeeze3A_426 = vector.extract %slice3A_425[0] : i32 from vector<1xi32>
      %slice3A_427 = vector.extract_strided_slice %and3A_186 {offsets = [15], sizes = [1], strides = [1]} : vector<16xi32> to vector<1xi32>
      %squeeze3A_428 = vector.extract %slice3A_427[0] : i32 from vector<1xi32>
      %add3A_429 = arith.constant 15 : i32
      %add3A_430 = arith.addi %mul3A_178, %add3A_429 : i32
      %dma_start3A_431 = arith.constant 0 : i32
      %dma_start3A_432 = tpu.memref_slice %arg11[%add3A_430, %dma_start3A_431] : memref<128x64xf32, #tpu.memory_space<vmem>> -> memref<1x64xf32, #tpu.memory_space<vmem>>
      %dma_start3A_433 = arith.constant 0 : i32
      %dma_start3A_434 = tpu.memref_slice %arg2[%squeeze3A_426, %squeeze3A_428, %dma_start3A_433] : memref<125000x8x64xf32, #tpu.memory_space<hbm>> -> memref<1x1x64xf32, #tpu.memory_space<hbm>>
      %dma_start3A_435 = tpu.memref_squeeze %dma_start3A_434 : memref<1x1x64xf32, #tpu.memory_space<hbm>> -> memref<1x64xf32, #tpu.memory_space<hbm>>
      %dma_start3A_436 = arith.constant 0 : i32
      %dma_start3A_437 = tpu.memref_slice %arg11[%add3A_430, %dma_start3A_436] : memref<128x64xf32, #tpu.memory_space<vmem>> -> memref<1x64xf32, #tpu.memory_space<vmem>>
      %dma_start3A_438 = arith.constant 0 : i32
      %dma_start3A_439 = tpu.memref_slice %arg2[%squeeze3A_426, %squeeze3A_428, %dma_start3A_438] : memref<125000x8x64xf32, #tpu.memory_space<hbm>> -> memref<1x1x64xf32, #tpu.memory_space<hbm>>
      %dma_start3A_440 = tpu.memref_squeeze %dma_start3A_439 : memref<1x1x64xf32, #tpu.memory_space<hbm>> -> memref<1x64xf32, #tpu.memory_space<hbm>>
      tpu.enqueue_dma source(%dma_start3A_440 : memref<1x64xf32, #tpu.memory_space<hbm>>) target(%dma_start3A_437 : memref<1x64xf32, #tpu.memory_space<vmem>>) target_semaphore(%arg15 : memref<!tpu.dma_semaphore, #tpu.memory_space<semaphore_mem>>)
    }
    %scan3A_113 = arith.constant 8 : i32
    %dma_wait3A_114 = arith.constant 0 : i32
    %dma_wait3A_115 = arith.constant 0 : i32
    %dma_wait3A_116 = tpu.memref_slice %arg5[%dma_wait3A_114, %dma_wait3A_115] : memref<16384x64xf32, #tpu.memory_space<hbm>> -> memref<128x64xf32, #tpu.memory_space<hbm>>
    %dma_wait3A_117 = arith.constant 0 : i32
    %dma_wait3A_118 = arith.constant 0 : i32
    %dma_wait3A_119 = tpu.memref_slice %arg5[%dma_wait3A_117, %dma_wait3A_118] : memref<16384x64xf32, #tpu.memory_space<hbm>> -> memref<128x64xf32, #tpu.memory_space<hbm>>
    tpu.wait_dma2 semaphore(%arg14 : memref<!tpu.dma_semaphore, #tpu.memory_space<semaphore_mem>>) src(%dma_wait3A_119 : memref<128x64xf32, #tpu.memory_space<hbm>>) dst(%arg10 : memref<128x64xf32, #tpu.memory_space<vmem>>)
    %add3A_120 = arith.constant 128 : i32
    %add3A_121 = arith.addi %mul3A_2, %add3A_120 : i32
    %dma_start3A_122 = arith.constant 0 : i32
    %dma_start3A_123 = tpu.memref_slice %arg6[%add3A_121, %dma_start3A_122] : memref<16384x64xf32, #tpu.memory_space<hbm>> -> memref<128x64xf32, #tpu.memory_space<hbm>>
    %dma_start3A_124 = arith.constant 0 : i32
    %dma_start3A_125 = tpu.memref_slice %arg6[%add3A_121, %dma_start3A_124] : memref<16384x64xf32, #tpu.memory_space<hbm>> -> memref<128x64xf32, #tpu.memory_space<hbm>>
    tpu.enqueue_dma source(%arg10 : memref<128x64xf32, #tpu.memory_space<vmem>>) target(%dma_start3A_125 : memref<128x64xf32, #tpu.memory_space<hbm>>) target_semaphore(%arg18 : memref<!tpu.dma_semaphore, #tpu.memory_space<semaphore_mem>>)
    %dma_wait3A_126 = arith.constant 0 : i32
    %dma_wait3A_127 = tpu.memref_slice %arg5[%add3A_77, %dma_wait3A_126] : memref<16384x64xf32, #tpu.memory_space<hbm>> -> memref<128x64xf32, #tpu.memory_space<hbm>>
    %dma_wait3A_128 = arith.constant 0 : i32
    %dma_wait3A_129 = tpu.memref_slice %arg5[%add3A_77, %dma_wait3A_128] : memref<16384x64xf32, #tpu.memory_space<hbm>> -> memref<128x64xf32, #tpu.memory_space<hbm>>
    tpu.wait_dma2 semaphore(%arg20 : memref<!tpu.dma_semaphore, #tpu.memory_space<semaphore_mem>>) src(%arg12 : memref<128x64xf32, #tpu.memory_space<vmem>>) dst(%dma_wait3A_129 : memref<128x64xf32, #tpu.memory_space<hbm>>)
    %scan3A_130 = arith.constant 0 : i32
    %scan3A_131 = arith.constant 0 : i32
    %scan3A_132 = arith.constant 8 : i32
    %scan3A_133 = arith.addi %scan3A_131, %scan3A_132 : i32
    %scan3A_134 = arith.constant 1 : i32
    scf.for %scan3A_176 = %scan3A_131 to %scan3A_133 step %scan3A_134  : i32 {
      %mul3A_177 = arith.constant 16 : i32
      %mul3A_178 = arith.muli %scan3A_176, %mul3A_177 : i32
      %add3A_179 = arith.constant 384 : i32
      %add3A_180 = arith.addi %add3A_179, %mul3A_178 : i32
      %get3A = arith.index_cast %add3A_180 : i32 to index
      %get3A_181 = tpu.vector_load %arg8[%get3A] {strides = array<i32>} : memref<512xi32, #tpu.memory_space<vmem>>, vector<16xi32>,
      %get3A_182 = vector.shape_cast %get3A_181 : vector<16xi32> to vector<16xi32>
      %shift_right_logical3A = arith.constant 3 : i32
      %shift_right_logical3A_183 = vector.broadcast %shift_right_logical3A : i32 to vector<16xi32>
      %shift_right_logical3A_184 = arith.shrui %get3A_182, %shift_right_logical3A_183 : vector<16xi32>
      %and3A = arith.constant 7 : i32
      %and3A_185 = vector.broadcast %and3A : i32 to vector<16xi32>
      %and3A_186 = arith.andi %get3A_182, %and3A_185 : vector<16xi32>
      %slice3A = vector.extract_strided_slice %shift_right_logical3A_184 {offsets = [0], sizes = [1], strides = [1]} : vector<16xi32> to vector<1xi32>
      %squeeze3A = vector.extract %slice3A[0] : i32 from vector<1xi32>
      %slice3A_187 = vector.extract_strided_slice %and3A_186 {offsets = [0], sizes = [1], strides = [1]} : vector<16xi32> to vector<1xi32>
      %squeeze3A_188 = vector.extract %slice3A_187[0] : i32 from vector<1xi32>
      %add3A_189 = arith.constant 0 : i32
      %add3A_190 = arith.addi %mul3A_178, %add3A_189 : i32
      %dma_start3A_191 = arith.constant 0 : i32
      %dma_start3A_192 = tpu.memref_slice %arg12[%add3A_190, %dma_start3A_191] : memref<128x64xf32, #tpu.memory_space<vmem>> -> memref<1x64xf32, #tpu.memory_space<vmem>>
      %dma_start3A_193 = arith.constant 0 : i32
      %dma_start3A_194 = tpu.memref_slice %arg2[%squeeze3A, %squeeze3A_188, %dma_start3A_193] : memref<125000x8x64xf32, #tpu.memory_space<hbm>> -> memref<1x1x64xf32, #tpu.memory_space<hbm>>
      %dma_start3A_195 = tpu.memref_squeeze %dma_start3A_194 : memref<1x1x64xf32, #tpu.memory_space<hbm>> -> memref<1x64xf32, #tpu.memory_space<hbm>>
      %dma_start3A_196 = arith.constant 0 : i32
      %dma_start3A_197 = tpu.memref_slice %arg12[%add3A_190, %dma_start3A_196] : memref<128x64xf32, #tpu.memory_space<vmem>> -> memref<1x64xf32, #tpu.memory_space<vmem>>
      %dma_start3A_198 = arith.constant 0 : i32
      %dma_start3A_199 = tpu.memref_slice %arg2[%squeeze3A, %squeeze3A_188, %dma_start3A_198] : memref<125000x8x64xf32, #tpu.memory_space<hbm>> -> memref<1x1x64xf32, #tpu.memory_space<hbm>>
      %dma_start3A_200 = tpu.memref_squeeze %dma_start3A_199 : memref<1x1x64xf32, #tpu.memory_space<hbm>> -> memref<1x64xf32, #tpu.memory_space<hbm>>
      tpu.enqueue_dma source(%dma_start3A_200 : memref<1x64xf32, #tpu.memory_space<hbm>>) target(%dma_start3A_197 : memref<1x64xf32, #tpu.memory_space<vmem>>) target_semaphore(%arg16 : memref<!tpu.dma_semaphore, #tpu.memory_space<semaphore_mem>>)
      %slice3A_201 = vector.extract_strided_slice %shift_right_logical3A_184 {offsets = [1], sizes = [1], strides = [1]} : vector<16xi32> to vector<1xi32>
      %squeeze3A_202 = vector.extract %slice3A_201[0] : i32 from vector<1xi32>
      %slice3A_203 = vector.extract_strided_slice %and3A_186 {offsets = [1], sizes = [1], strides = [1]} : vector<16xi32> to vector<1xi32>
      %squeeze3A_204 = vector.extract %slice3A_203[0] : i32 from vector<1xi32>
      %add3A_205 = arith.constant 1 : i32
      %add3A_206 = arith.addi %mul3A_178, %add3A_205 : i32
      %dma_start3A_207 = arith.constant 0 : i32
      %dma_start3A_208 = tpu.memref_slice %arg12[%add3A_206, %dma_start3A_207] : memref<128x64xf32, #tpu.memory_space<vmem>> -> memref<1x64xf32, #tpu.memory_space<vmem>>
      %dma_start3A_209 = arith.constant 0 : i32
      %dma_start3A_210 = tpu.memref_slice %arg2[%squeeze3A_202, %squeeze3A_204, %dma_start3A_209] : memref<125000x8x64xf32, #tpu.memory_space<hbm>> -> memref<1x1x64xf32, #tpu.memory_space<hbm>>
      %dma_start3A_211 = tpu.memref_squeeze %dma_start3A_210 : memref<1x1x64xf32, #tpu.memory_space<hbm>> -> memref<1x64xf32, #tpu.memory_space<hbm>>
      %dma_start3A_212 = arith.constant 0 : i32
      %dma_start3A_213 = tpu.memref_slice %arg12[%add3A_206, %dma_start3A_212] : memref<128x64xf32, #tpu.memory_space<vmem>> -> memref<1x64xf32, #tpu.memory_space<vmem>>
      %dma_start3A_214 = arith.constant 0 : i32
      %dma_start3A_215 = tpu.memref_slice %arg2[%squeeze3A_202, %squeeze3A_204, %dma_start3A_214] : memref<125000x8x64xf32, #tpu.memory_space<hbm>> -> memref<1x1x64xf32, #tpu.memory_space<hbm>>
      %dma_start3A_216 = tpu.memref_squeeze %dma_start3A_215 : memref<1x1x64xf32, #tpu.memory_space<hbm>> -> memref<1x64xf32, #tpu.memory_space<hbm>>
      tpu.enqueue_dma source(%dma_start3A_216 : memref<1x64xf32, #tpu.memory_space<hbm>>) target(%dma_start3A_213 : memref<1x64xf32, #tpu.memory_space<vmem>>) target_semaphore(%arg16 : memref<!tpu.dma_semaphore, #tpu.memory_space<semaphore_mem>>)
      %slice3A_217 = vector.extract_strided_slice %shift_right_logical3A_184 {offsets = [2], sizes = [1], strides = [1]} : vector<16xi32> to vector<1xi32>
      %squeeze3A_218 = vector.extract %slice3A_217[0] : i32 from vector<1xi32>
      %slice3A_219 = vector.extract_strided_slice %and3A_186 {offsets = [2], sizes = [1], strides = [1]} : vector<16xi32> to vector<1xi32>
      %squeeze3A_220 = vector.extract %slice3A_219[0] : i32 from vector<1xi32>
      %add3A_221 = arith.constant 2 : i32
      %add3A_222 = arith.addi %mul3A_178, %add3A_221 : i32
      %dma_start3A_223 = arith.constant 0 : i32
      %dma_start3A_224 = tpu.memref_slice %arg12[%add3A_222, %dma_start3A_223] : memref<128x64xf32, #tpu.memory_space<vmem>> -> memref<1x64xf32, #tpu.memory_space<vmem>>
      %dma_start3A_225 = arith.constant 0 : i32
      %dma_start3A_226 = tpu.memref_slice %arg2[%squeeze3A_218, %squeeze3A_220, %dma_start3A_225] : memref<125000x8x64xf32, #tpu.memory_space<hbm>> -> memref<1x1x64xf32, #tpu.memory_space<hbm>>
      %dma_start3A_227 = tpu.memref_squeeze %dma_start3A_226 : memref<1x1x64xf32, #tpu.memory_space<hbm>> -> memref<1x64xf32, #tpu.memory_space<hbm>>
      %dma_start3A_228 = arith.constant 0 : i32
      %dma_start3A_229 = tpu.memref_slice %arg12[%add3A_222, %dma_start3A_228] : memref<128x64xf32, #tpu.memory_space<vmem>> -> memref<1x64xf32, #tpu.memory_space<vmem>>
      %dma_start3A_230 = arith.constant 0 : i32
      %dma_start3A_231 = tpu.memref_slice %arg2[%squeeze3A_218, %squeeze3A_220, %dma_start3A_230] : memref<125000x8x64xf32, #tpu.memory_space<hbm>> -> memref<1x1x64xf32, #tpu.memory_space<hbm>>
      %dma_start3A_232 = tpu.memref_squeeze %dma_start3A_231 : memref<1x1x64xf32, #tpu.memory_space<hbm>> -> memref<1x64xf32, #tpu.memory_space<hbm>>
      tpu.enqueue_dma source(%dma_start3A_232 : memref<1x64xf32, #tpu.memory_space<hbm>>) target(%dma_start3A_229 : memref<1x64xf32, #tpu.memory_space<vmem>>) target_semaphore(%arg16 : memref<!tpu.dma_semaphore, #tpu.memory_space<semaphore_mem>>)
      %slice3A_233 = vector.extract_strided_slice %shift_right_logical3A_184 {offsets = [3], sizes = [1], strides = [1]} : vector<16xi32> to vector<1xi32>
      %squeeze3A_234 = vector.extract %slice3A_233[0] : i32 from vector<1xi32>
      %slice3A_235 = vector.extract_strided_slice %and3A_186 {offsets = [3], sizes = [1], strides = [1]} : vector<16xi32> to vector<1xi32>
      %squeeze3A_236 = vector.extract %slice3A_235[0] : i32 from vector<1xi32>
      %add3A_237 = arith.constant 3 : i32
      %add3A_238 = arith.addi %mul3A_178, %add3A_237 : i32
      %dma_start3A_239 = arith.constant 0 : i32
      %dma_start3A_240 = tpu.memref_slice %arg12[%add3A_238, %dma_start3A_239] : memref<128x64xf32, #tpu.memory_space<vmem>> -> memref<1x64xf32, #tpu.memory_space<vmem>>
      %dma_start3A_241 = arith.constant 0 : i32
      %dma_start3A_242 = tpu.memref_slice %arg2[%squeeze3A_234, %squeeze3A_236, %dma_start3A_241] : memref<125000x8x64xf32, #tpu.memory_space<hbm>> -> memref<1x1x64xf32, #tpu.memory_space<hbm>>
      %dma_start3A_243 = tpu.memref_squeeze %dma_start3A_242 : memref<1x1x64xf32, #tpu.memory_space<hbm>> -> memref<1x64xf32, #tpu.memory_space<hbm>>
      %dma_start3A_244 = arith.constant 0 : i32
      %dma_start3A_245 = tpu.memref_slice %arg12[%add3A_238, %dma_start3A_244] : memref<128x64xf32, #tpu.memory_space<vmem>> -> memref<1x64xf32, #tpu.memory_space<vmem>>
      %dma_start3A_246 = arith.constant 0 : i32
      %dma_start3A_247 = tpu.memref_slice %arg2[%squeeze3A_234, %squeeze3A_236, %dma_start3A_246] : memref<125000x8x64xf32, #tpu.memory_space<hbm>> -> memref<1x1x64xf32, #tpu.memory_space<hbm>>
      %dma_start3A_248 = tpu.memref_squeeze %dma_start3A_247 : memref<1x1x64xf32, #tpu.memory_space<hbm>> -> memref<1x64xf32, #tpu.memory_space<hbm>>
      tpu.enqueue_dma source(%dma_start3A_248 : memref<1x64xf32, #tpu.memory_space<hbm>>) target(%dma_start3A_245 : memref<1x64xf32, #tpu.memory_space<vmem>>) target_semaphore(%arg16 : memref<!tpu.dma_semaphore, #tpu.memory_space<semaphore_mem>>)
      %slice3A_249 = vector.extract_strided_slice %shift_right_logical3A_184 {offsets = [4], sizes = [1], strides = [1]} : vector<16xi32> to vector<1xi32>
      %squeeze3A_250 = vector.extract %slice3A_249[0] : i32 from vector<1xi32>
      %slice3A_251 = vector.extract_strided_slice %and3A_186 {offsets = [4], sizes = [1], strides = [1]} : vector<16xi32> to vector<1xi32>
      %squeeze3A_252 = vector.extract %slice3A_251[0] : i32 from vector<1xi32>
      %add3A_253 = arith.constant 4 : i32
      %add3A_254 = arith.addi %mul3A_178, %add3A_253 : i32
      %dma_start3A_255 = arith.constant 0 : i32
      %dma_start3A_256 = tpu.memref_slice %arg12[%add3A_254, %dma_start3A_255] : memref<128x64xf32, #tpu.memory_space<vmem>> -> memref<1x64xf32, #tpu.memory_space<vmem>>
      %dma_start3A_257 = arith.constant 0 : i32
      %dma_start3A_258 = tpu.memref_slice %arg2[%squeeze3A_250, %squeeze3A_252, %dma_start3A_257] : memref<125000x8x64xf32, #tpu.memory_space<hbm>> -> memref<1x1x64xf32, #tpu.memory_space<hbm>>
      %dma_start3A_259 = tpu.memref_squeeze %dma_start3A_258 : memref<1x1x64xf32, #tpu.memory_space<hbm>> -> memref<1x64xf32, #tpu.memory_space<hbm>>
      %dma_start3A_260 = arith.constant 0 : i32
      %dma_start3A_261 = tpu.memref_slice %arg12[%add3A_254, %dma_start3A_260] : memref<128x64xf32, #tpu.memory_space<vmem>> -> memref<1x64xf32, #tpu.memory_space<vmem>>
      %dma_start3A_262 = arith.constant 0 : i32
      %dma_start3A_263 = tpu.memref_slice %arg2[%squeeze3A_250, %squeeze3A_252, %dma_start3A_262] : memref<125000x8x64xf32, #tpu.memory_space<hbm>> -> memref<1x1x64xf32, #tpu.memory_space<hbm>>
      %dma_start3A_264 = tpu.memref_squeeze %dma_start3A_263 : memref<1x1x64xf32, #tpu.memory_space<hbm>> -> memref<1x64xf32, #tpu.memory_space<hbm>>
      tpu.enqueue_dma source(%dma_start3A_264 : memref<1x64xf32, #tpu.memory_space<hbm>>) target(%dma_start3A_261 : memref<1x64xf32, #tpu.memory_space<vmem>>) target_semaphore(%arg16 : memref<!tpu.dma_semaphore, #tpu.memory_space<semaphore_mem>>)
      %slice3A_265 = vector.extract_strided_slice %shift_right_logical3A_184 {offsets = [5], sizes = [1], strides = [1]} : vector<16xi32> to vector<1xi32>
      %squeeze3A_266 = vector.extract %slice3A_265[0] : i32 from vector<1xi32>
      %slice3A_267 = vector.extract_strided_slice %and3A_186 {offsets = [5], sizes = [1], strides = [1]} : vector<16xi32> to vector<1xi32>
      %squeeze3A_268 = vector.extract %slice3A_267[0] : i32 from vector<1xi32>
      %add3A_269 = arith.constant 5 : i32
      %add3A_270 = arith.addi %mul3A_178, %add3A_269 : i32
      %dma_start3A_271 = arith.constant 0 : i32
      %dma_start3A_272 = tpu.memref_slice %arg12[%add3A_270, %dma_start3A_271] : memref<128x64xf32, #tpu.memory_space<vmem>> -> memref<1x64xf32, #tpu.memory_space<vmem>>
      %dma_start3A_273 = arith.constant 0 : i32
      %dma_start3A_274 = tpu.memref_slice %arg2[%squeeze3A_266, %squeeze3A_268, %dma_start3A_273] : memref<125000x8x64xf32, #tpu.memory_space<hbm>> -> memref<1x1x64xf32, #tpu.memory_space<hbm>>
      %dma_start3A_275 = tpu.memref_squeeze %dma_start3A_274 : memref<1x1x64xf32, #tpu.memory_space<hbm>> -> memref<1x64xf32, #tpu.memory_space<hbm>>
      %dma_start3A_276 = arith.constant 0 : i32
      %dma_start3A_277 = tpu.memref_slice %arg12[%add3A_270, %dma_start3A_276] : memref<128x64xf32, #tpu.memory_space<vmem>> -> memref<1x64xf32, #tpu.memory_space<vmem>>
      %dma_start3A_278 = arith.constant 0 : i32
      %dma_start3A_279 = tpu.memref_slice %arg2[%squeeze3A_266, %squeeze3A_268, %dma_start3A_278] : memref<125000x8x64xf32, #tpu.memory_space<hbm>> -> memref<1x1x64xf32, #tpu.memory_space<hbm>>
      %dma_start3A_280 = tpu.memref_squeeze %dma_start3A_279 : memref<1x1x64xf32, #tpu.memory_space<hbm>> -> memref<1x64xf32, #tpu.memory_space<hbm>>
      tpu.enqueue_dma source(%dma_start3A_280 : memref<1x64xf32, #tpu.memory_space<hbm>>) target(%dma_start3A_277 : memref<1x64xf32, #tpu.memory_space<vmem>>) target_semaphore(%arg16 : memref<!tpu.dma_semaphore, #tpu.memory_space<semaphore_mem>>)
      %slice3A_281 = vector.extract_strided_slice %shift_right_logical3A_184 {offsets = [6], sizes = [1], strides = [1]} : vector<16xi32> to vector<1xi32>
      %squeeze3A_282 = vector.extract %slice3A_281[0] : i32 from vector<1xi32>
      %slice3A_283 = vector.extract_strided_slice %and3A_186 {offsets = [6], sizes = [1], strides = [1]} : vector<16xi32> to vector<1xi32>
      %squeeze3A_284 = vector.extract %slice3A_283[0] : i32 from vector<1xi32>
      %add3A_285 = arith.constant 6 : i32
      %add3A_286 = arith.addi %mul3A_178, %add3A_285 : i32
      %dma_start3A_287 = arith.constant 0 : i32
      %dma_start3A_288 = tpu.memref_slice %arg12[%add3A_286, %dma_start3A_287] : memref<128x64xf32, #tpu.memory_space<vmem>> -> memref<1x64xf32, #tpu.memory_space<vmem>>
      %dma_start3A_289 = arith.constant 0 : i32
      %dma_start3A_290 = tpu.memref_slice %arg2[%squeeze3A_282, %squeeze3A_284, %dma_start3A_289] : memref<125000x8x64xf32, #tpu.memory_space<hbm>> -> memref<1x1x64xf32, #tpu.memory_space<hbm>>
      %dma_start3A_291 = tpu.memref_squeeze %dma_start3A_290 : memref<1x1x64xf32, #tpu.memory_space<hbm>> -> memref<1x64xf32, #tpu.memory_space<hbm>>
      %dma_start3A_292 = arith.constant 0 : i32
      %dma_start3A_293 = tpu.memref_slice %arg12[%add3A_286, %dma_start3A_292] : memref<128x64xf32, #tpu.memory_space<vmem>> -> memref<1x64xf32, #tpu.memory_space<vmem>>
      %dma_start3A_294 = arith.constant 0 : i32
      %dma_start3A_295 = tpu.memref_slice %arg2[%squeeze3A_282, %squeeze3A_284, %dma_start3A_294] : memref<125000x8x64xf32, #tpu.memory_space<hbm>> -> memref<1x1x64xf32, #tpu.memory_space<hbm>>
      %dma_start3A_296 = tpu.memref_squeeze %dma_start3A_295 : memref<1x1x64xf32, #tpu.memory_space<hbm>> -> memref<1x64xf32, #tpu.memory_space<hbm>>
      tpu.enqueue_dma source(%dma_start3A_296 : memref<1x64xf32, #tpu.memory_space<hbm>>) target(%dma_start3A_293 : memref<1x64xf32, #tpu.memory_space<vmem>>) target_semaphore(%arg16 : memref<!tpu.dma_semaphore, #tpu.memory_space<semaphore_mem>>)
      %slice3A_297 = vector.extract_strided_slice %shift_right_logical3A_184 {offsets = [7], sizes = [1], strides = [1]} : vector<16xi32> to vector<1xi32>
      %squeeze3A_298 = vector.extract %slice3A_297[0] : i32 from vector<1xi32>
      %slice3A_299 = vector.extract_strided_slice %and3A_186 {offsets = [7], sizes = [1], strides = [1]} : vector<16xi32> to vector<1xi32>
      %squeeze3A_300 = vector.extract %slice3A_299[0] : i32 from vector<1xi32>
      %add3A_301 = arith.constant 7 : i32
      %add3A_302 = arith.addi %mul3A_178, %add3A_301 : i32
      %dma_start3A_303 = arith.constant 0 : i32
      %dma_start3A_304 = tpu.memref_slice %arg12[%add3A_302, %dma_start3A_303] : memref<128x64xf32, #tpu.memory_space<vmem>> -> memref<1x64xf32, #tpu.memory_space<vmem>>
      %dma_start3A_305 = arith.constant 0 : i32
      %dma_start3A_306 = tpu.memref_slice %arg2[%squeeze3A_298, %squeeze3A_300, %dma_start3A_305] : memref<125000x8x64xf32, #tpu.memory_space<hbm>> -> memref<1x1x64xf32, #tpu.memory_space<hbm>>
      %dma_start3A_307 = tpu.memref_squeeze %dma_start3A_306 : memref<1x1x64xf32, #tpu.memory_space<hbm>> -> memref<1x64xf32, #tpu.memory_space<hbm>>
      %dma_start3A_308 = arith.constant 0 : i32
      %dma_start3A_309 = tpu.memref_slice %arg12[%add3A_302, %dma_start3A_308] : memref<128x64xf32, #tpu.memory_space<vmem>> -> memref<1x64xf32, #tpu.memory_space<vmem>>
      %dma_start3A_310 = arith.constant 0 : i32
      %dma_start3A_311 = tpu.memref_slice %arg2[%squeeze3A_298, %squeeze3A_300, %dma_start3A_310] : memref<125000x8x64xf32, #tpu.memory_space<hbm>> -> memref<1x1x64xf32, #tpu.memory_space<hbm>>
      %dma_start3A_312 = tpu.memref_squeeze %dma_start3A_311 : memref<1x1x64xf32, #tpu.memory_space<hbm>> -> memref<1x64xf32, #tpu.memory_space<hbm>>
      tpu.enqueue_dma source(%dma_start3A_312 : memref<1x64xf32, #tpu.memory_space<hbm>>) target(%dma_start3A_309 : memref<1x64xf32, #tpu.memory_space<vmem>>) target_semaphore(%arg16 : memref<!tpu.dma_semaphore, #tpu.memory_space<semaphore_mem>>)
      %slice3A_313 = vector.extract_strided_slice %shift_right_logical3A_184 {offsets = [8], sizes = [1], strides = [1]} : vector<16xi32> to vector<1xi32>
      %squeeze3A_314 = vector.extract %slice3A_313[0] : i32 from vector<1xi32>
      %slice3A_315 = vector.extract_strided_slice %and3A_186 {offsets = [8], sizes = [1], strides = [1]} : vector<16xi32> to vector<1xi32>
      %squeeze3A_316 = vector.extract %slice3A_315[0] : i32 from vector<1xi32>
      %add3A_317 = arith.constant 8 : i32
      %add3A_318 = arith.addi %mul3A_178, %add3A_317 : i32
      %dma_start3A_319 = arith.constant 0 : i32
      %dma_start3A_320 = tpu.memref_slice %arg12[%add3A_318, %dma_start3A_319] : memref<128x64xf32, #tpu.memory_space<vmem>> -> memref<1x64xf32, #tpu.memory_space<vmem>>
      %dma_start3A_321 = arith.constant 0 : i32
      %dma_start3A_322 = tpu.memref_slice %arg2[%squeeze3A_314, %squeeze3A_316, %dma_start3A_321] : memref<125000x8x64xf32, #tpu.memory_space<hbm>> -> memref<1x1x64xf32, #tpu.memory_space<hbm>>
      %dma_start3A_323 = tpu.memref_squeeze %dma_start3A_322 : memref<1x1x64xf32, #tpu.memory_space<hbm>> -> memref<1x64xf32, #tpu.memory_space<hbm>>
      %dma_start3A_324 = arith.constant 0 : i32
      %dma_start3A_325 = tpu.memref_slice %arg12[%add3A_318, %dma_start3A_324] : memref<128x64xf32, #tpu.memory_space<vmem>> -> memref<1x64xf32, #tpu.memory_space<vmem>>
      %dma_start3A_326 = arith.constant 0 : i32
      %dma_start3A_327 = tpu.memref_slice %arg2[%squeeze3A_314, %squeeze3A_316, %dma_start3A_326] : memref<125000x8x64xf32, #tpu.memory_space<hbm>> -> memref<1x1x64xf32, #tpu.memory_space<hbm>>
      %dma_start3A_328 = tpu.memref_squeeze %dma_start3A_327 : memref<1x1x64xf32, #tpu.memory_space<hbm>> -> memref<1x64xf32, #tpu.memory_space<hbm>>
      tpu.enqueue_dma source(%dma_start3A_328 : memref<1x64xf32, #tpu.memory_space<hbm>>) target(%dma_start3A_325 : memref<1x64xf32, #tpu.memory_space<vmem>>) target_semaphore(%arg16 : memref<!tpu.dma_semaphore, #tpu.memory_space<semaphore_mem>>)
      %slice3A_329 = vector.extract_strided_slice %shift_right_logical3A_184 {offsets = [9], sizes = [1], strides = [1]} : vector<16xi32> to vector<1xi32>
      %squeeze3A_330 = vector.extract %slice3A_329[0] : i32 from vector<1xi32>
      %slice3A_331 = vector.extract_strided_slice %and3A_186 {offsets = [9], sizes = [1], strides = [1]} : vector<16xi32> to vector<1xi32>
      %squeeze3A_332 = vector.extract %slice3A_331[0] : i32 from vector<1xi32>
      %add3A_333 = arith.constant 9 : i32
      %add3A_334 = arith.addi %mul3A_178, %add3A_333 : i32
      %dma_start3A_335 = arith.constant 0 : i32
      %dma_start3A_336 = tpu.memref_slice %arg12[%add3A_334, %dma_start3A_335] : memref<128x64xf32, #tpu.memory_space<vmem>> -> memref<1x64xf32, #tpu.memory_space<vmem>>
      %dma_start3A_337 = arith.constant 0 : i32
      %dma_start3A_338 = tpu.memref_slice %arg2[%squeeze3A_330, %squeeze3A_332, %dma_start3A_337] : memref<125000x8x64xf32, #tpu.memory_space<hbm>> -> memref<1x1x64xf32, #tpu.memory_space<hbm>>
      %dma_start3A_339 = tpu.memref_squeeze %dma_start3A_338 : memref<1x1x64xf32, #tpu.memory_space<hbm>> -> memref<1x64xf32, #tpu.memory_space<hbm>>
      %dma_start3A_340 = arith.constant 0 : i32
      %dma_start3A_341 = tpu.memref_slice %arg12[%add3A_334, %dma_start3A_340] : memref<128x64xf32, #tpu.memory_space<vmem>> -> memref<1x64xf32, #tpu.memory_space<vmem>>
      %dma_start3A_342 = arith.constant 0 : i32
      %dma_start3A_343 = tpu.memref_slice %arg2[%squeeze3A_330, %squeeze3A_332, %dma_start3A_342] : memref<125000x8x64xf32, #tpu.memory_space<hbm>> -> memref<1x1x64xf32, #tpu.memory_space<hbm>>
      %dma_start3A_344 = tpu.memref_squeeze %dma_start3A_343 : memref<1x1x64xf32, #tpu.memory_space<hbm>> -> memref<1x64xf32, #tpu.memory_space<hbm>>
      tpu.enqueue_dma source(%dma_start3A_344 : memref<1x64xf32, #tpu.memory_space<hbm>>) target(%dma_start3A_341 : memref<1x64xf32, #tpu.memory_space<vmem>>) target_semaphore(%arg16 : memref<!tpu.dma_semaphore, #tpu.memory_space<semaphore_mem>>)
      %slice3A_345 = vector.extract_strided_slice %shift_right_logical3A_184 {offsets = [10], sizes = [1], strides = [1]} : vector<16xi32> to vector<1xi32>
      %squeeze3A_346 = vector.extract %slice3A_345[0] : i32 from vector<1xi32>
      %slice3A_347 = vector.extract_strided_slice %and3A_186 {offsets = [10], sizes = [1], strides = [1]} : vector<16xi32> to vector<1xi32>
      %squeeze3A_348 = vector.extract %slice3A_347[0] : i32 from vector<1xi32>
      %add3A_349 = arith.constant 10 : i32
      %add3A_350 = arith.addi %mul3A_178, %add3A_349 : i32
      %dma_start3A_351 = arith.constant 0 : i32
      %dma_start3A_352 = tpu.memref_slice %arg12[%add3A_350, %dma_start3A_351] : memref<128x64xf32, #tpu.memory_space<vmem>> -> memref<1x64xf32, #tpu.memory_space<vmem>>
      %dma_start3A_353 = arith.constant 0 : i32
      %dma_start3A_354 = tpu.memref_slice %arg2[%squeeze3A_346, %squeeze3A_348, %dma_start3A_353] : memref<125000x8x64xf32, #tpu.memory_space<hbm>> -> memref<1x1x64xf32, #tpu.memory_space<hbm>>
      %dma_start3A_355 = tpu.memref_squeeze %dma_start3A_354 : memref<1x1x64xf32, #tpu.memory_space<hbm>> -> memref<1x64xf32, #tpu.memory_space<hbm>>
      %dma_start3A_356 = arith.constant 0 : i32
      %dma_start3A_357 = tpu.memref_slice %arg12[%add3A_350, %dma_start3A_356] : memref<128x64xf32, #tpu.memory_space<vmem>> -> memref<1x64xf32, #tpu.memory_space<vmem>>
      %dma_start3A_358 = arith.constant 0 : i32
      %dma_start3A_359 = tpu.memref_slice %arg2[%squeeze3A_346, %squeeze3A_348, %dma_start3A_358] : memref<125000x8x64xf32, #tpu.memory_space<hbm>> -> memref<1x1x64xf32, #tpu.memory_space<hbm>>
      %dma_start3A_360 = tpu.memref_squeeze %dma_start3A_359 : memref<1x1x64xf32, #tpu.memory_space<hbm>> -> memref<1x64xf32, #tpu.memory_space<hbm>>
      tpu.enqueue_dma source(%dma_start3A_360 : memref<1x64xf32, #tpu.memory_space<hbm>>) target(%dma_start3A_357 : memref<1x64xf32, #tpu.memory_space<vmem>>) target_semaphore(%arg16 : memref<!tpu.dma_semaphore, #tpu.memory_space<semaphore_mem>>)
      %slice3A_361 = vector.extract_strided_slice %shift_right_logical3A_184 {offsets = [11], sizes = [1], strides = [1]} : vector<16xi32> to vector<1xi32>
      %squeeze3A_362 = vector.extract %slice3A_361[0] : i32 from vector<1xi32>
      %slice3A_363 = vector.extract_strided_slice %and3A_186 {offsets = [11], sizes = [1], strides = [1]} : vector<16xi32> to vector<1xi32>
      %squeeze3A_364 = vector.extract %slice3A_363[0] : i32 from vector<1xi32>
      %add3A_365 = arith.constant 11 : i32
      %add3A_366 = arith.addi %mul3A_178, %add3A_365 : i32
      %dma_start3A_367 = arith.constant 0 : i32
      %dma_start3A_368 = tpu.memref_slice %arg12[%add3A_366, %dma_start3A_367] : memref<128x64xf32, #tpu.memory_space<vmem>> -> memref<1x64xf32, #tpu.memory_space<vmem>>
      %dma_start3A_369 = arith.constant 0 : i32
      %dma_start3A_370 = tpu.memref_slice %arg2[%squeeze3A_362, %squeeze3A_364, %dma_start3A_369] : memref<125000x8x64xf32, #tpu.memory_space<hbm>> -> memref<1x1x64xf32, #tpu.memory_space<hbm>>
      %dma_start3A_371 = tpu.memref_squeeze %dma_start3A_370 : memref<1x1x64xf32, #tpu.memory_space<hbm>> -> memref<1x64xf32, #tpu.memory_space<hbm>>
      %dma_start3A_372 = arith.constant 0 : i32
      %dma_start3A_373 = tpu.memref_slice %arg12[%add3A_366, %dma_start3A_372] : memref<128x64xf32, #tpu.memory_space<vmem>> -> memref<1x64xf32, #tpu.memory_space<vmem>>
      %dma_start3A_374 = arith.constant 0 : i32
      %dma_start3A_375 = tpu.memref_slice %arg2[%squeeze3A_362, %squeeze3A_364, %dma_start3A_374] : memref<125000x8x64xf32, #tpu.memory_space<hbm>> -> memref<1x1x64xf32, #tpu.memory_space<hbm>>
      %dma_start3A_376 = tpu.memref_squeeze %dma_start3A_375 : memref<1x1x64xf32, #tpu.memory_space<hbm>> -> memref<1x64xf32, #tpu.memory_space<hbm>>
      tpu.enqueue_dma source(%dma_start3A_376 : memref<1x64xf32, #tpu.memory_space<hbm>>) target(%dma_start3A_373 : memref<1x64xf32, #tpu.memory_space<vmem>>) target_semaphore(%arg16 : memref<!tpu.dma_semaphore, #tpu.memory_space<semaphore_mem>>)
      %slice3A_377 = vector.extract_strided_slice %shift_right_logical3A_184 {offsets = [12], sizes = [1], strides = [1]} : vector<16xi32> to vector<1xi32>
      %squeeze3A_378 = vector.extract %slice3A_377[0] : i32 from vector<1xi32>
      %slice3A_379 = vector.extract_strided_slice %and3A_186 {offsets = [12], sizes = [1], strides = [1]} : vector<16xi32> to vector<1xi32>
      %squeeze3A_380 = vector.extract %slice3A_379[0] : i32 from vector<1xi32>
      %add3A_381 = arith.constant 12 : i32
      %add3A_382 = arith.addi %mul3A_178, %add3A_381 : i32
      %dma_start3A_383 = arith.constant 0 : i32
      %dma_start3A_384 = tpu.memref_slice %arg12[%add3A_382, %dma_start3A_383] : memref<128x64xf32, #tpu.memory_space<vmem>> -> memref<1x64xf32, #tpu.memory_space<vmem>>
      %dma_start3A_385 = arith.constant 0 : i32
      %dma_start3A_386 = tpu.memref_slice %arg2[%squeeze3A_378, %squeeze3A_380, %dma_start3A_385] : memref<125000x8x64xf32, #tpu.memory_space<hbm>> -> memref<1x1x64xf32, #tpu.memory_space<hbm>>
      %dma_start3A_387 = tpu.memref_squeeze %dma_start3A_386 : memref<1x1x64xf32, #tpu.memory_space<hbm>> -> memref<1x64xf32, #tpu.memory_space<hbm>>
      %dma_start3A_388 = arith.constant 0 : i32
      %dma_start3A_389 = tpu.memref_slice %arg12[%add3A_382, %dma_start3A_388] : memref<128x64xf32, #tpu.memory_space<vmem>> -> memref<1x64xf32, #tpu.memory_space<vmem>>
      %dma_start3A_390 = arith.constant 0 : i32
      %dma_start3A_391 = tpu.memref_slice %arg2[%squeeze3A_378, %squeeze3A_380, %dma_start3A_390] : memref<125000x8x64xf32, #tpu.memory_space<hbm>> -> memref<1x1x64xf32, #tpu.memory_space<hbm>>
      %dma_start3A_392 = tpu.memref_squeeze %dma_start3A_391 : memref<1x1x64xf32, #tpu.memory_space<hbm>> -> memref<1x64xf32, #tpu.memory_space<hbm>>
      tpu.enqueue_dma source(%dma_start3A_392 : memref<1x64xf32, #tpu.memory_space<hbm>>) target(%dma_start3A_389 : memref<1x64xf32, #tpu.memory_space<vmem>>) target_semaphore(%arg16 : memref<!tpu.dma_semaphore, #tpu.memory_space<semaphore_mem>>)
      %slice3A_393 = vector.extract_strided_slice %shift_right_logical3A_184 {offsets = [13], sizes = [1], strides = [1]} : vector<16xi32> to vector<1xi32>
      %squeeze3A_394 = vector.extract %slice3A_393[0] : i32 from vector<1xi32>
      %slice3A_395 = vector.extract_strided_slice %and3A_186 {offsets = [13], sizes = [1], strides = [1]} : vector<16xi32> to vector<1xi32>
      %squeeze3A_396 = vector.extract %slice3A_395[0] : i32 from vector<1xi32>
      %add3A_397 = arith.constant 13 : i32
      %add3A_398 = arith.addi %mul3A_178, %add3A_397 : i32
      %dma_start3A_399 = arith.constant 0 : i32
      %dma_start3A_400 = tpu.memref_slice %arg12[%add3A_398, %dma_start3A_399] : memref<128x64xf32, #tpu.memory_space<vmem>> -> memref<1x64xf32, #tpu.memory_space<vmem>>
      %dma_start3A_401 = arith.constant 0 : i32
      %dma_start3A_402 = tpu.memref_slice %arg2[%squeeze3A_394, %squeeze3A_396, %dma_start3A_401] : memref<125000x8x64xf32, #tpu.memory_space<hbm>> -> memref<1x1x64xf32, #tpu.memory_space<hbm>>
      %dma_start3A_403 = tpu.memref_squeeze %dma_start3A_402 : memref<1x1x64xf32, #tpu.memory_space<hbm>> -> memref<1x64xf32, #tpu.memory_space<hbm>>
      %dma_start3A_404 = arith.constant 0 : i32
      %dma_start3A_405 = tpu.memref_slice %arg12[%add3A_398, %dma_start3A_404] : memref<128x64xf32, #tpu.memory_space<vmem>> -> memref<1x64xf32, #tpu.memory_space<vmem>>
      %dma_start3A_406 = arith.constant 0 : i32
      %dma_start3A_407 = tpu.memref_slice %arg2[%squeeze3A_394, %squeeze3A_396, %dma_start3A_406] : memref<125000x8x64xf32, #tpu.memory_space<hbm>> -> memref<1x1x64xf32, #tpu.memory_space<hbm>>
      %dma_start3A_408 = tpu.memref_squeeze %dma_start3A_407 : memref<1x1x64xf32, #tpu.memory_space<hbm>> -> memref<1x64xf32, #tpu.memory_space<hbm>>
      tpu.enqueue_dma source(%dma_start3A_408 : memref<1x64xf32, #tpu.memory_space<hbm>>) target(%dma_start3A_405 : memref<1x64xf32, #tpu.memory_space<vmem>>) target_semaphore(%arg16 : memref<!tpu.dma_semaphore, #tpu.memory_space<semaphore_mem>>)
      %slice3A_409 = vector.extract_strided_slice %shift_right_logical3A_184 {offsets = [14], sizes = [1], strides = [1]} : vector<16xi32> to vector<1xi32>
      %squeeze3A_410 = vector.extract %slice3A_409[0] : i32 from vector<1xi32>
      %slice3A_411 = vector.extract_strided_slice %and3A_186 {offsets = [14], sizes = [1], strides = [1]} : vector<16xi32> to vector<1xi32>
      %squeeze3A_412 = vector.extract %slice3A_411[0] : i32 from vector<1xi32>
      %add3A_413 = arith.constant 14 : i32
      %add3A_414 = arith.addi %mul3A_178, %add3A_413 : i32
      %dma_start3A_415 = arith.constant 0 : i32
      %dma_start3A_416 = tpu.memref_slice %arg12[%add3A_414, %dma_start3A_415] : memref<128x64xf32, #tpu.memory_space<vmem>> -> memref<1x64xf32, #tpu.memory_space<vmem>>
      %dma_start3A_417 = arith.constant 0 : i32
      %dma_start3A_418 = tpu.memref_slice %arg2[%squeeze3A_410, %squeeze3A_412, %dma_start3A_417] : memref<125000x8x64xf32, #tpu.memory_space<hbm>> -> memref<1x1x64xf32, #tpu.memory_space<hbm>>
      %dma_start3A_419 = tpu.memref_squeeze %dma_start3A_418 : memref<1x1x64xf32, #tpu.memory_space<hbm>> -> memref<1x64xf32, #tpu.memory_space<hbm>>
      %dma_start3A_420 = arith.constant 0 : i32
      %dma_start3A_421 = tpu.memref_slice %arg12[%add3A_414, %dma_start3A_420] : memref<128x64xf32, #tpu.memory_space<vmem>> -> memref<1x64xf32, #tpu.memory_space<vmem>>
      %dma_start3A_422 = arith.constant 0 : i32
      %dma_start3A_423 = tpu.memref_slice %arg2[%squeeze3A_410, %squeeze3A_412, %dma_start3A_422] : memref<125000x8x64xf32, #tpu.memory_space<hbm>> -> memref<1x1x64xf32, #tpu.memory_space<hbm>>
      %dma_start3A_424 = tpu.memref_squeeze %dma_start3A_423 : memref<1x1x64xf32, #tpu.memory_space<hbm>> -> memref<1x64xf32, #tpu.memory_space<hbm>>
      tpu.enqueue_dma source(%dma_start3A_424 : memref<1x64xf32, #tpu.memory_space<hbm>>) target(%dma_start3A_421 : memref<1x64xf32, #tpu.memory_space<vmem>>) target_semaphore(%arg16 : memref<!tpu.dma_semaphore, #tpu.memory_space<semaphore_mem>>)
      %slice3A_425 = vector.extract_strided_slice %shift_right_logical3A_184 {offsets = [15], sizes = [1], strides = [1]} : vector<16xi32> to vector<1xi32>
      %squeeze3A_426 = vector.extract %slice3A_425[0] : i32 from vector<1xi32>
      %slice3A_427 = vector.extract_strided_slice %and3A_186 {offsets = [15], sizes = [1], strides = [1]} : vector<16xi32> to vector<1xi32>
      %squeeze3A_428 = vector.extract %slice3A_427[0] : i32 from vector<1xi32>
      %add3A_429 = arith.constant 15 : i32
      %add3A_430 = arith.addi %mul3A_178, %add3A_429 : i32
      %dma_start3A_431 = arith.constant 0 : i32
      %dma_start3A_432 = tpu.memref_slice %arg12[%add3A_430, %dma_start3A_431] : memref<128x64xf32, #tpu.memory_space<vmem>> -> memref<1x64xf32, #tpu.memory_space<vmem>>
      %dma_start3A_433 = arith.constant 0 : i32
      %dma_start3A_434 = tpu.memref_slice %arg2[%squeeze3A_426, %squeeze3A_428, %dma_start3A_433] : memref<125000x8x64xf32, #tpu.memory_space<hbm>> -> memref<1x1x64xf32, #tpu.memory_space<hbm>>
      %dma_start3A_435 = tpu.memref_squeeze %dma_start3A_434 : memref<1x1x64xf32, #tpu.memory_space<hbm>> -> memref<1x64xf32, #tpu.memory_space<hbm>>
      %dma_start3A_436 = arith.constant 0 : i32
      %dma_start3A_437 = tpu.memref_slice %arg12[%add3A_430, %dma_start3A_436] : memref<128x64xf32, #tpu.memory_space<vmem>> -> memref<1x64xf32, #tpu.memory_space<vmem>>
      %dma_start3A_438 = arith.constant 0 : i32
      %dma_start3A_439 = tpu.memref_slice %arg2[%squeeze3A_426, %squeeze3A_428, %dma_start3A_438] : memref<125000x8x64xf32, #tpu.memory_space<hbm>> -> memref<1x1x64xf32, #tpu.memory_space<hbm>>
      %dma_start3A_440 = tpu.memref_squeeze %dma_start3A_439 : memref<1x1x64xf32, #tpu.memory_space<hbm>> -> memref<1x64xf32, #tpu.memory_space<hbm>>
      tpu.enqueue_dma source(%dma_start3A_440 : memref<1x64xf32, #tpu.memory_space<hbm>>) target(%dma_start3A_437 : memref<1x64xf32, #tpu.memory_space<vmem>>) target_semaphore(%arg16 : memref<!tpu.dma_semaphore, #tpu.memory_space<semaphore_mem>>)
    }
    %scan3A_135 = arith.constant 8 : i32
    %dma_wait3A_136 = arith.constant 0 : i32
    %dma_wait3A_137 = arith.constant 0 : i32
    %dma_wait3A_138 = tpu.memref_slice %arg5[%dma_wait3A_136, %dma_wait3A_137] : memref<16384x64xf32, #tpu.memory_space<hbm>> -> memref<128x64xf32, #tpu.memory_space<hbm>>
    %dma_wait3A_139 = arith.constant 0 : i32
    %dma_wait3A_140 = arith.constant 0 : i32
    %dma_wait3A_141 = tpu.memref_slice %arg5[%dma_wait3A_139, %dma_wait3A_140] : memref<16384x64xf32, #tpu.memory_space<hbm>> -> memref<128x64xf32, #tpu.memory_space<hbm>>
    tpu.wait_dma2 semaphore(%arg15 : memref<!tpu.dma_semaphore, #tpu.memory_space<semaphore_mem>>) src(%dma_wait3A_141 : memref<128x64xf32, #tpu.memory_space<hbm>>) dst(%arg11 : memref<128x64xf32, #tpu.memory_space<vmem>>)
    %add3A_142 = arith.constant 256 : i32
    %add3A_143 = arith.addi %mul3A_2, %add3A_142 : i32
    %dma_start3A_144 = arith.constant 0 : i32
    %dma_start3A_145 = tpu.memref_slice %arg6[%add3A_143, %dma_start3A_144] : memref<16384x64xf32, #tpu.memory_space<hbm>> -> memref<128x64xf32, #tpu.memory_space<hbm>>
    %dma_start3A_146 = arith.constant 0 : i32
    %dma_start3A_147 = tpu.memref_slice %arg6[%add3A_143, %dma_start3A_146] : memref<16384x64xf32, #tpu.memory_space<hbm>> -> memref<128x64xf32, #tpu.memory_space<hbm>>
    tpu.enqueue_dma source(%arg11 : memref<128x64xf32, #tpu.memory_space<vmem>>) target(%dma_start3A_147 : memref<128x64xf32, #tpu.memory_space<hbm>>) target_semaphore(%arg19 : memref<!tpu.dma_semaphore, #tpu.memory_space<semaphore_mem>>)
    %dma_wait3A_148 = arith.constant 0 : i32
    %dma_wait3A_149 = arith.constant 0 : i32
    %dma_wait3A_150 = tpu.memref_slice %arg5[%dma_wait3A_148, %dma_wait3A_149] : memref<16384x64xf32, #tpu.memory_space<hbm>> -> memref<128x64xf32, #tpu.memory_space<hbm>>
    %dma_wait3A_151 = arith.constant 0 : i32
    %dma_wait3A_152 = arith.constant 0 : i32
    %dma_wait3A_153 = tpu.memref_slice %arg5[%dma_wait3A_151, %dma_wait3A_152] : memref<16384x64xf32, #tpu.memory_space<hbm>> -> memref<128x64xf32, #tpu.memory_space<hbm>>
    tpu.wait_dma2 semaphore(%arg16 : memref<!tpu.dma_semaphore, #tpu.memory_space<semaphore_mem>>) src(%dma_wait3A_153 : memref<128x64xf32, #tpu.memory_space<hbm>>) dst(%arg12 : memref<128x64xf32, #tpu.memory_space<vmem>>)
    %add3A_154 = arith.constant 384 : i32
    %add3A_155 = arith.addi %mul3A_2, %add3A_154 : i32
    %dma_start3A_156 = arith.constant 0 : i32
    %dma_start3A_157 = tpu.memref_slice %arg6[%add3A_155, %dma_start3A_156] : memref<16384x64xf32, #tpu.memory_space<hbm>> -> memref<128x64xf32, #tpu.memory_space<hbm>>
    %dma_start3A_158 = arith.constant 0 : i32
    %dma_start3A_159 = tpu.memref_slice %arg6[%add3A_155, %dma_start3A_158] : memref<16384x64xf32, #tpu.memory_space<hbm>> -> memref<128x64xf32, #tpu.memory_space<hbm>>
    tpu.enqueue_dma source(%arg12 : memref<128x64xf32, #tpu.memory_space<vmem>>) target(%dma_start3A_159 : memref<128x64xf32, #tpu.memory_space<hbm>>) target_semaphore(%arg20 : memref<!tpu.dma_semaphore, #tpu.memory_space<semaphore_mem>>)
    %dma_wait3A_160 = arith.constant 0 : i32
    %dma_wait3A_161 = tpu.memref_slice %arg6[%add3A_99, %dma_wait3A_160] : memref<16384x64xf32, #tpu.memory_space<hbm>> -> memref<128x64xf32, #tpu.memory_space<hbm>>
    %dma_wait3A_162 = arith.constant 0 : i32
    %dma_wait3A_163 = tpu.memref_slice %arg6[%add3A_99, %dma_wait3A_162] : memref<16384x64xf32, #tpu.memory_space<hbm>> -> memref<128x64xf32, #tpu.memory_space<hbm>>
    tpu.wait_dma2 semaphore(%arg17 : memref<!tpu.dma_semaphore, #tpu.memory_space<semaphore_mem>>) src(%arg9 : memref<128x64xf32, #tpu.memory_space<vmem>>) dst(%dma_wait3A_163 : memref<128x64xf32, #tpu.memory_space<hbm>>)
    %dma_wait3A_164 = arith.constant 0 : i32
    %dma_wait3A_165 = tpu.memref_slice %arg6[%add3A_121, %dma_wait3A_164] : memref<16384x64xf32, #tpu.memory_space<hbm>> -> memref<128x64xf32, #tpu.memory_space<hbm>>
    %dma_wait3A_166 = arith.constant 0 : i32
    %dma_wait3A_167 = tpu.memref_slice %arg6[%add3A_121, %dma_wait3A_166] : memref<16384x64xf32, #tpu.memory_space<hbm>> -> memref<128x64xf32, #tpu.memory_space<hbm>>
    tpu.wait_dma2 semaphore(%arg18 : memref<!tpu.dma_semaphore, #tpu.memory_space<semaphore_mem>>) src(%arg10 : memref<128x64xf32, #tpu.memory_space<vmem>>) dst(%dma_wait3A_167 : memref<128x64xf32, #tpu.memory_space<hbm>>)
    %dma_wait3A_168 = arith.constant 0 : i32
    %dma_wait3A_169 = tpu.memref_slice %arg6[%add3A_143, %dma_wait3A_168] : memref<16384x64xf32, #tpu.memory_space<hbm>> -> memref<128x64xf32, #tpu.memory_space<hbm>>
    %dma_wait3A_170 = arith.constant 0 : i32
    %dma_wait3A_171 = tpu.memref_slice %arg6[%add3A_143, %dma_wait3A_170] : memref<16384x64xf32, #tpu.memory_space<hbm>> -> memref<128x64xf32, #tpu.memory_space<hbm>>
    tpu.wait_dma2 semaphore(%arg19 : memref<!tpu.dma_semaphore, #tpu.memory_space<semaphore_mem>>) src(%arg11 : memref<128x64xf32, #tpu.memory_space<vmem>>) dst(%dma_wait3A_171 : memref<128x64xf32, #tpu.memory_space<hbm>>)
    %dma_wait3A_172 = arith.constant 0 : i32
    %dma_wait3A_173 = tpu.memref_slice %arg6[%add3A_155, %dma_wait3A_172] : memref<16384x64xf32, #tpu.memory_space<hbm>> -> memref<128x64xf32, #tpu.memory_space<hbm>>
    %dma_wait3A_174 = arith.constant 0 : i32
    %dma_wait3A_175 = tpu.memref_slice %arg6[%add3A_155, %dma_wait3A_174] : memref<16384x64xf32, #tpu.memory_space<hbm>> -> memref<128x64xf32, #tpu.memory_space<hbm>>
    tpu.wait_dma2 semaphore(%arg20 : memref<!tpu.dma_semaphore, #tpu.memory_space<semaphore_mem>>) src(%arg12 : memref<128x64xf32, #tpu.memory_space<vmem>>) dst(%dma_wait3A_175 : memref<128x64xf32, #tpu.memory_space<hbm>>)
    return
  }
}

module attributes {stable_mosaic.version = 14 : i64} {
  func.func @_mlp_body(%arg0: i32, %arg1: memref<8192x64xf32, #tpu.memory_space<vmem>>, %arg2: memref<8192x64xf32, #tpu.memory_space<vmem>>, %arg3: memref<64x64xf32, #tpu.memory_space<vmem>>, %arg4: memref<64x64xf32, #tpu.memory_space<vmem>>, %arg5: memref<1x64xf32, #tpu.memory_space<vmem>>, %arg6: memref<64x1xf32, #tpu.memory_space<vmem>>, %arg7: memref<1x1xf32, #tpu.memory_space<vmem>>, %arg8: memref<8192x1xf32, #tpu.memory_space<vmem>>) attributes {dimension_semantics = [#tpu.dimension_semantics<arbitrary>], iteration_bounds = array<i64: 2>, scalar_prefetch = 0 : i64, scratch_operands = 0 : i64, tpu.core_type = #tpu.core_type<tc>, window_params = [{transform_indices = @transform_0, window_bounds = array<i64: 8192, 64>}, {transform_indices = @transform_1, window_bounds = array<i64: 8192, 64>}, {pipeline_mode = #tpu.pipeline_mode<synchronous>, transform_indices = @transform_2, window_bounds = array<i64: 64, 64>}, {pipeline_mode = #tpu.pipeline_mode<synchronous>, transform_indices = @transform_3, window_bounds = array<i64: 64, 64>}, {pipeline_mode = #tpu.pipeline_mode<synchronous>, transform_indices = @transform_4, window_bounds = array<i64: 1, 64>}, {pipeline_mode = #tpu.pipeline_mode<synchronous>, transform_indices = @transform_5, window_bounds = array<i64: 64, 1>}, {pipeline_mode = #tpu.pipeline_mode<synchronous>, transform_indices = @transform_6, window_bounds = array<i64: 1, 1>}, {transform_indices = @transform_7, window_bounds = array<i64: 8192, 1>}]} {
    %get3A = arith.constant 0 : index
    %get3A_0 = arith.constant 0 : index
    %get3A_1 = vector.load %arg1[%get3A, %get3A_0] : memref<8192x64xf32, #tpu.memory_space<vmem>>, vector<8192x64xf32>
    %get3A_2 = arith.constant 0 : index
    %get3A_3 = arith.constant 0 : index
    %get3A_4 = vector.load %arg3[%get3A_2, %get3A_3] : memref<64x64xf32, #tpu.memory_space<vmem>>, vector<64x64xf32>
    %dot_general3A = arith.constant dense<0.000000e+00> : vector<8192x64xf32>
    %dot_general3A_5 = tpu.matmul %get3A_1, %get3A_4, %dot_general3A {dimension_numbers = #tpu.dot_dimension_numbers<[1], [0], [0], [1], [0, 0, 1, 1], [], []>, transpose_lhs_hint = false} : vector<8192x64xf32>, vector<64x64xf32>, vector<8192x64xf32> -> vector<8192x64xf32>
    %get3A_6 = arith.constant 0 : index
    %get3A_7 = arith.constant 0 : index
    %get3A_8 = vector.load %arg2[%get3A_6, %get3A_7] : memref<8192x64xf32, #tpu.memory_space<vmem>>, vector<8192x64xf32>
    %get3A_9 = arith.constant 0 : index
    %get3A_10 = arith.constant 0 : index
    %get3A_11 = vector.load %arg4[%get3A_9, %get3A_10] : memref<64x64xf32, #tpu.memory_space<vmem>>, vector<64x64xf32>
    %dot_general3A_12 = arith.constant dense<0.000000e+00> : vector<8192x64xf32>
    %dot_general3A_13 = tpu.matmul %get3A_8, %get3A_11, %dot_general3A_12 {dimension_numbers = #tpu.dot_dimension_numbers<[1], [0], [0], [1], [0, 0, 1, 1], [], []>, transpose_lhs_hint = false} : vector<8192x64xf32>, vector<64x64xf32>, vector<8192x64xf32> -> vector<8192x64xf32>
    %add3A = arith.addf %dot_general3A_5, %dot_general3A_13 : vector<8192x64xf32>
    %get3A_14 = arith.constant 0 : index
    %get3A_15 = arith.constant 0 : index
    %get3A_16 = vector.load %arg5[%get3A_14, %get3A_15] : memref<1x64xf32, #tpu.memory_space<vmem>>, vector<1x64xf32>
    %add3A_17 = vector.broadcast %get3A_16 : vector<1x64xf32> to vector<8192x64xf32>
    %add3A_18 = arith.addf %add3A, %add3A_17 : vector<8192x64xf32>
    %max3A = arith.constant 0.000000e+00 : f32
    %max3A_19 = vector.broadcast %max3A : f32 to vector<8192x64xf32>
    %max3A_20 = arith.maximumf %add3A_18, %max3A_19 : vector<8192x64xf32>
    %get3A_21 = arith.constant 0 : index
    %get3A_22 = arith.constant 0 : index
    %get3A_23 = vector.load %arg6[%get3A_21, %get3A_22] : memref<64x1xf32, #tpu.memory_space<vmem>>, vector<64x1xf32>
    %dot_general3A_24 = arith.constant dense<0.000000e+00> : vector<8192x1xf32>
    %dot_general3A_25 = tpu.matmul %max3A_20, %get3A_23, %dot_general3A_24 {dimension_numbers = #tpu.dot_dimension_numbers<[1], [0], [0], [1], [0, 0, 1, 1], [], []>, transpose_lhs_hint = false} : vector<8192x64xf32>, vector<64x1xf32>, vector<8192x1xf32> -> vector<8192x1xf32>
    %get3A_26 = arith.constant 0 : index
    %get3A_27 = arith.constant 0 : index
    %get3A_28 = vector.load %arg7[%get3A_26, %get3A_27] : memref<1x1xf32, #tpu.memory_space<vmem>>, vector<1x1xf32>
    %get3A_29 = vector.extract %get3A_28[0, 0] : f32 from vector<1x1xf32>
    %add3A_30 = vector.broadcast %get3A_29 : f32 to vector<8192x1xf32>
    %add3A_31 = arith.addf %dot_general3A_25, %add3A_30 : vector<8192x1xf32>
    %swap3A = arith.constant 0 : index
    %swap3A_32 = arith.constant 0 : index
    %swap3A_33 = vector.load %arg8[%swap3A, %swap3A_32] : memref<8192x1xf32, #tpu.memory_space<vmem>>, vector<8192x1xf32>
    tpu.vector_store %arg8[%swap3A, %swap3A_32], %add3A_31 {strides = array<i32>} : memref<8192x1xf32, #tpu.memory_space<vmem>>, vector<8192x1xf32>,
    return
  }
  func.func @transform_0(%arg0: i32) -> (i32, i32) {
    %c0_i32 = arith.constant 0 : i32
    %c0_i32_0 = arith.constant 0 : i32
    return %arg0, %c0_i32 : i32, i32
  }
  func.func @transform_1(%arg0: i32) -> (i32, i32) {
    %c0_i32 = arith.constant 0 : i32
    %c0_i32_0 = arith.constant 0 : i32
    return %arg0, %c0_i32 : i32, i32
  }
  func.func @transform_2(%arg0: i32) -> (i32, i32) {
    %c0_i32 = arith.constant 0 : i32
    %c0_i32_0 = arith.constant 0 : i32
    %c0_i32_1 = arith.constant 0 : i32
    return %c0_i32, %c0_i32_0 : i32, i32
  }
  func.func @transform_3(%arg0: i32) -> (i32, i32) {
    %c0_i32 = arith.constant 0 : i32
    %c0_i32_0 = arith.constant 0 : i32
    %c0_i32_1 = arith.constant 0 : i32
    return %c0_i32, %c0_i32_0 : i32, i32
  }
  func.func @transform_4(%arg0: i32) -> (i32, i32) {
    %c0_i32 = arith.constant 0 : i32
    %c0_i32_0 = arith.constant 0 : i32
    %c0_i32_1 = arith.constant 0 : i32
    return %c0_i32, %c0_i32_0 : i32, i32
  }
  func.func @transform_5(%arg0: i32) -> (i32, i32) {
    %c0_i32 = arith.constant 0 : i32
    %c0_i32_0 = arith.constant 0 : i32
    %c0_i32_1 = arith.constant 0 : i32
    return %c0_i32, %c0_i32_0 : i32, i32
  }
  func.func @transform_6(%arg0: i32) -> (i32, i32) {
    %c0_i32 = arith.constant 0 : i32
    %c0_i32_0 = arith.constant 0 : i32
    %c0_i32_1 = arith.constant 0 : i32
    return %c0_i32, %c0_i32_0 : i32, i32
  }
  func.func @transform_7(%arg0: i32) -> (i32, i32) {
    %c0_i32 = arith.constant 0 : i32
    %c0_i32_0 = arith.constant 0 : i32
    return %arg0, %c0_i32 : i32, i32
  }
}

</mosaic_0001>

<sc_bundles>
// kernel: kernel.4.cloned.1.call-start
scs
__scs_entry_jumppad:
0x0: {  	(pc) =	sbr.rel $0x88, $3  }
0x1: {  	(tag) =	ssettag $0x0;
	lr =	simm.s32 $0x1  }
0x2: {  	[smem:$0x3F9A] =	sst lr;
	_ =	strace $0xD0000000  }
0x3: {  	_ = 	snop  }
0x4: {  	_ = 	snop  }
0x5: {  	_ = 	snop  }
0x6: {  	_ = 	snop  }
0x7: {  	_ = 	snop  }
__scs_overlays_trampoline_lowered:
0x8: {  	[smem:$0x3FA9] =	sst s0  }
0x9: {  	[smem:$0x3FAA] =	sst s1  }
0xa: {  	[smem:$0x3FAB] =	sst s2  }
0xb: {  	[smem:$0x3FAC] =	sst s3  }
0xc: {  	[smem:$0x3FAD] =	sst s4  }
0xd: {  	[smem:$0x3FAE] =	sst s5  }
0xe: {  	[smem:$0x3FAF] =	sst s6  }
0xf: {  	[smem:$0x3FB0] =	sst s7  }
0x10: {  	[smem:$0x3FB1] =	sst s8  }
0x11: {  	[smem:$0x3FB2] =	sst s9;
	s0 =	simm.s32 @!p0 $0x0  }
0x12: {  	s1 =	sld [smem:$0x3F98];
	s0 =	simm.s32 @p0 $0x1  }
0x13: {  	[smem:$0x3FB3] =	sst s0;
	s0 =	simm.s32 @!p1 $0x0  }
0x14: {  	s2 =	sld [smem:$0x3F97];
	s0 =	simm.s32 @p1 $0x1  }
0x15: {  	[smem:$0x3FB4] =	sst s0;
	s0 =	simm.s32 @!p2 $0x0  }
0x16: {  	s3 =	sld [smem:$0x3FDB];
	s0 =	simm.s32 @p2 $0x1  }
0x17: {  	s4 =	simm.s32 $0x1BF5;
	[smem:$0x3FB6] =	sst s0  }
0x18: {  	s0 =	sld [smem:$0x3F99];
	_ =	swait.ge [sflag:s4], $0x0  }
0x19: {  	s7 =	sld [smem:$0x3F9A]  }
0x1a: {  	s8 =	sadd.s32 $0xFFFFE003, lr  }
0x1b: {  	s9 =	sadd.s32 $0xFFFFFEF7, lr;
	s5 =	simm.s32 $0xFFFFFFFF;
	p2 =	slt.u32 s8, $0xFFFFF086  }
0x1c: {  	p1 =	slt.u32 s9, $0xF7A;
	s5 =	simm.s32 @!p2 $0x0  }
0x1d: {  	s5 =	simm.s32 @p1 $0x1;
	p0 =	seq.s32 s7, s2  }
0x1e: {  	s7 =	smul.u32 @!p0 $0xF7A, s2;
	p2 =	seq.s32 @!p0 s5, $0x0  }
0x1f: {  	s9 =	smul.u32 $0xF7A, s1;
	s8 =	simm.s32 @!p0 $0x1BF5;
	p2 =	por !p2, p0  }
0x20: {  	[sflag:s8] =	ssyncset.s32 @!p0 $0xFFFFF086;
	s6 =	sadd.s32 @!p0 s3, s7;
	s7 =	simm.s32 @!p0 $0x108  }
0x21: {  	s3 =	sadd.s32 s3, s9;
	s6 =	sadd.s32 @!p0 $0x88, s6;
	s7 =	simm.s32 @p2 $0x1082  }
0x22: {  	[simem:s7], [sflag:s8] =	dma.local @!p0 [hbm:s6], $0xF7A  }
0x23: {  	s9 =	sor.u32 $0xD0000000, s2;
	s6 =	simm.s32 $0x108;
	_ =	swait.ge @!p0 [sflag:s8], $0x0  }
0x24: {  	s3 =	sadd.s32 $0x88, s3;
	s6 =	simm.s32 @!p1 $0x1082;
	[sflag:s4] =	ssyncset.s32 $0xFFFFF086  }
0x25: {  	[simem:s6], [sflag:s4] =	dma.local [hbm:s3], $0xF7A  }
0x26: {  	[smem:$0x3F9A] =	sst s1;
	(tag) =	ssettag s2;
	_ =	strace s9  }
0x27: {  	s1 =	sld [smem:$0x3FAA]  }
0x28: {  	s2 =	sld [smem:$0x3FAB]  }
0x29: {  	s4 =	sld [smem:$0x3FAD]  }
0x2a: {  	p0 =	seq.s32 s5, $0x0;
	s5 =	sld [smem:$0x3FAE]  }
0x2b: {  	s6 =	sld [smem:$0x3FAF]  }
0x2c: {  	s7 =	sld [smem:$0x3FB0]  }
0x2d: {  	s3 =	simm.s32 $0x108;
	s8 =	sld [smem:$0x3FB1]  }
0x2e: {  	s3 =	simm.s32 @!p0 $0x1082;
	s9 =	sld [smem:$0x3FB2]  }
0x2f: {  	lr =	sadd.s32 s0, s3;
	s0 =	sld [smem:$0x3FA9]  }
0x30: {  	s3 =	sld [smem:$0x3FAC]  }
0x31: {  	[smem:$0x3FB5] =	sst s10  }
0x32: {  	s10 =	sld [smem:$0x3FB3];
	_ =	sdelay $0x3  }
0x33: {  	p0 =	seq.s32 s10, $0x1;
	s10 =	sld [smem:$0x3FB5];
	_ =	sdelay $0x3  }
0x34: {  	[smem:$0x3FB5] =	sst s10  }
0x35: {  	s10 =	sld [smem:$0x3FB4];
	_ =	sdelay $0x3  }
0x36: {  	p1 =	seq.s32 s10, $0x1;
	s10 =	sld [smem:$0x3FB5];
	_ =	sdelay $0x3  }
0x37: {  	[smem:$0x3FB5] =	sst s10  }
0x38: {  	s10 =	sld [smem:$0x3FB6]  }
0x39: {  	_ = 	snop;
	(pc) =	sbr.ind lr, $3  }
0x3a: {  	_ = 	snop  }
0x3b: {  	_ = 	snop  }
0x3c: {  	p2 =	seq.s32 s10, $0x1;
	s10 =	sld [smem:$0x3FB5]  }
0x3d: {  	_ =	shalt  }
0x3e: {  	_ =	shalt  }
0x3f: {  	_ =	shalt  }
0x40: {  	_ =	shalt  }
0x41: {  	_ =	shalt  }
0x42: {  	_ =	shalt  }
0x43: {  	_ =	shalt  }
0x44: {  	_ =	shalt  }
0x45: {  	_ =	shalt  }
0x46: {  	_ =	shalt  }
0x47: {  	_ =	shalt  }
0x48: {  	_ =	shalt  }
0x49: {  	_ =	shalt  }
0x4a: {  	_ =	shalt  }
0x4b: {  	_ =	shalt  }
0x4c: {  	_ =	shalt  }
0x4d: {  	_ =	shalt  }
0x4e: {  	_ =	shalt  }
0x4f: {  	_ =	shalt  }
0x50: {  	_ =	shalt  }
0x51: {  	_ =	shalt  }
0x52: {  	_ =	shalt  }
0x53: {  	_ =	shalt  }
0x54: {  	_ =	shalt  }
0x55: {  	_ =	shalt  }
0x56: {  	_ =	shalt  }
0x57: {  	_ =	shalt  }
0x58: {  	_ =	shalt  }
0x59: {  	_ =	shalt  }
0x5a: {  	_ =	shalt  }
0x5b: {  	_ =	shalt  }
0x5c: {  	_ =	shalt  }
0x5d: {  	_ =	shalt  }
0x5e: {  	_ =	shalt  }
0x5f: {  	_ =	shalt  }
0x60: {  	_ =	shalt  }
0x61: {  	_ =	shalt  }
0x62: {  	_ =	shalt  }
0x63: {  	_ =	shalt  }
0x64: {  	_ =	shalt  }
0x65: {  	_ =	shalt  }
0x66: {  	_ =	shalt  }
0x67: {  	_ =	shalt  }
0x68: {  	_ =	shalt  }
0x69: {  	_ =	shalt  }
0x6a: {  	_ =	shalt  }
0x6b: {  	_ =	shalt  }
0x6c: {  	_ =	shalt  }
0x6d: {  	_ =	shalt  }
0x6e: {  	_ =	shalt  }
0x6f: {  	_ =	shalt  }
0x70: {  	_ =	shalt  }
0x71: {  	_ =	shalt  }
0x72: {  	_ =	shalt  }
0x73: {  	_ =	shalt  }
0x74: {  	_ =	shalt  }
0x75: {  	_ =	shalt  }
0x76: {  	_ =	shalt  }
0x77: {  	_ =	shalt  }
0x78: {  	_ =	shalt  }
0x79: {  	_ =	shalt  }
0x7a: {  	_ =	shalt  }
0x7b: {  	_ =	shalt  }
0x7c: {  	_ =	shalt  }
0x7d: {  	_ =	shalt  }
0x7e: {  	_ =	shalt  }
0x7f: {  	_ =	shalt  }
0x80: {  	_ =	shalt  }
0x81: {  	_ =	shalt  }
0x82: {  	_ =	shalt  }
0x83: {  	_ =	shalt  }
0x84: {  	_ =	shalt  }
0x85: {  	_ =	shalt  }
0x86: {  	_ =	shalt  }
0x87: {  	_ =	shalt  }
.Lfunc_end0:
.L_simem_size_0:
called_computation_lowered:
.L_overlay_start_0:
0x88: {  	s2 =	sld [smem:$0x3FD9]  }
0x89: {  	s3 =	sld [smem:$0x3FFE];
	_ =	sdelay $0x1  }
0x8a: {  	s1 =	srdreg.scid  }
0x8b: {  	s0 =	sand.u32 $0x1, s1  }
0x8c: {  	s17 =	sshll.u32 s0, $0xA;
	s2 =	sadd.s32 s3, s2  }
0x8d: {  	s2 =	sadd.s32 s2, s17  }
0x8e: {  	[smem:$0x3FC1] =	sst s2  }
0x8f: {  	_ = 	snop  }
0x90: {  	s2 =	sld [smem:$0x3FC4]  }
0x91: {  	s18 =	sld [smem:$0x3FC3];
	(tm) =	ssettm $0x1  }
0x92: {  	s4 =	sld [smem:$0x3FFB];
	_ =	sdelay $0x3  }
0x93: {  	_ =	strace s4  }
0x94: {  	s4 =	sld [smem:$0x3FFC];
	_ =	sdelay $0x3  }
0x95: {  	_ =	strace s4  }
0x96: {  	s4 =	sld [smem:$0x3FFD];
	_ =	sdelay $0x3  }
0x97: {  	_ =	strace s4  }
0x98: {  	_ =	strace $0x8FFFFFFF  }
0x99: {  	s19 =	sld [smem:$0x3FDB];
	_ =	sdelay $0x1  }
0x9a: {  	s5 =	simm.s32 $_scs_section_size  }
0x9b: {  	s6 =	simm.s32 $_size__tile_overlayer_lowered;
	s7 =	simm.s32 $_tile_overlayer_lowered  }
0x9c: {  	s22 =	simm.s32 $0x1BFF;
	s21 =	sshll.u32 s7, $0x1;
	s4 =	sadd.s32 s5, s19  }
0x9d: {  	s8 =	simm.s32 $0x0;
	s20 =	sshll.u32 s6, $0x1;
	s6 =	sadd.s32 s21, s4  }
0x9e: {  	[timem:s8], [sflag:s22] =	dma.local [hbm:s6], s20  }
0x9f: {  	_ =	swait.ge [sflag:s22], s20  }
0xa0: {  	s5 =	ssub.s32 $0x0, s20;
	[sflag:s22] =	ssyncset.done $0x0  }
0xa1: {  	[sflag:s22] =	ssyncadd.s32 s5;
	_ =	sdelay $0x1  }
0xa2: {  	s23 =	simm.s32 $0x1B8B  }
0xa3: {  	_ =	swait.ge [sflag:s23], $0x1  }
0xa4: {  	[sflag:s23] =	ssyncset.done $0x0  }
0xa5: {  	s25 =	simm.s32 $0x1B8E;
	s24 =	sld [smem:$0x3FFE];
	[sflag:s23] =	ssyncadd.s32 $0xFFFFFFFF  }
0xa6: {  	s26 =	simm.s32 $execute0_lowered;
	[smem:$0x3FD2] =	sst s25  }
0xa7: {  	s6 =	sshll.u32 s26, $0x1;
	_ =	strace $0x80000046;
	[dreg:$0x1] =	wrdreg $0xFFFFFFFF  }
0xa8: {  	s28 =	simm.s32 $_size_execute0_lowered;
	s4 =	sadd.s32 s4, s6;
	[dreg:$0x0] =	wrdreg $0x0  }
0xa9: {  	s6 =	sshll.u32 s28, $0x1;
	[dreg:$0x2] =	wrdreg s4  }
0xaa: {  	[dreg:$0x3] =	wrdreg s6  }
0xab: {  	[dreg:$0x4] =	wrdreg $0xC0  }
0xac: {  	_ =	task [dreg:s8], $0x5FFFF  }
0xad: {  	[dreg:$0x1] =	wrdreg $0xFFFFFFFF  }
0xae: {  	[dreg:$0x0] =	wrdreg $0x60  }
0xaf: {  	[dreg:$0x2] =	wrdreg s24  }
0xb0: {  	[dreg:$0x3] =	wrdreg s2  }
0xb1: {  	[dreg:$0x4] =	wrdreg s18  }
0xb2: {  	[dreg:$0x5] =	wrdreg $0x9  }
0xb3: {  	_ =	task.clear_ibuf [dreg:s8], $0x6FFFF;
	_ =	strace $0x90000046  }
0xb4: {  	s29 =	simm.s32 $0x9;
	_ =	strace $0x80000048  }
0xb5: {  	_ =	swait.ge [sflag:s29], $0x1  }
0xb6: {  	[sflag:s29] =	ssyncadd.s32 $0xFFFFFFFF  }
0xb7: {  	_ =	strace $0x90000048  }
0xb8: {  	_ =	sfence  }
0xb9: {  	s30 =	sld [smem:$0x0];
	_ =	sdelay $0x2  }
0xba: {  	s31 =	sshll.u32 s1, $0xD;
	s1 =	sshrl.u32 s1, $0x2  }
0xbb: {  	s3 =	sand.u32 $0x4000, s31;
	s1 =	sadd.s32 s1, s30  }
0xbc: {  	s0 =	sor.u32 s3, s0;
	s1 =	sshll.u32 s1, $0x11  }
0xbd: {  	s0 =	sor.u32 s1, s0  }
0xbe: {  	s0 =	sadd.s32 $0x8F2B, s0  }
0xbf: {  	[sflag:s0] =	ssyncadd.remote.s32 $0x1  }
0xc0: {  	_ =	sfence.sel $0xFFFF  }
0xc1: {  	[dreg:$0x0] =	wrdreg $0xFFFFFFFF;
	(pc) =	sbr.abs _section_cstart, $3  }
0xc2: {  	[dreg:$0x1] =	wrdreg $0xFFFFFFFF  }
0xc3: {  	_ =	task.clear_ibuf [dreg:s8], $0x2FFFF;
	_ =	strace $0x9FFFFFFF  }
0xc4: {  	(tm) =	ssettm $0x7FFFFFFF  }
0xc5: {  	_ =	shalt  }
tec
execute0_lowered:
.L_overlay_start_1:
0x0: {  	(tag) =	ssettag $0x1  }
0x1: {  	s0 =	rddreg [dreg:$0x0]  }
0x2: {  	s2 =	rddreg [dreg:$0x1]  }
0x3: {  	s5 =	rddreg [dreg:$0x2];
	s1 =	simm.s32 $0x0  }
0x4: {  	s4 =	srdreg.scid;
	s7 =	stileid.u32;
	s15 =	simm.s32 $0x9  }
0x5: {  	s17 =	simm.s32 $0x1;
	s19 =	simm.s32 $0x2;
	s21 =	simm.s32 $0x3  }
0x6: {  	s22 =	simm.s32 $0x8400;
	s23 =	simm.s32 $0x5;
	s24 =	simm.s32 $0x4  }
0x7: {  	s25 =	simm.s32 $0xC400;
	s28 =	simm.s32 $0x7;
	s29 =	simm.s32 $0x8  }
0x8: {  	s30 =	simm.s32 $0x0;
	[smem:$0x7FF] =	sst s1;
	s3 =	sadd.s32 $0xE00, s0  }
0x9: {  	s4 =	sand.u32 $0x1, s4;
	s7 =	sshll.u32 s7, $0xA;
	s9 =	sadd.s32 $0xF43200, s0  }
0xa: {  	s0 =	sadd.s32 $0xF83200, s0;
	s6 =	ssub.s32 $0x2, s4;
	s4 =	sshll.u32 s4, $0x9  }
0xb: {  	_ =	strace $0x80000047;
	s8 =	sshrl.u32 s6, $0x1;
	s7 =	sor.u32 s4, s7  }
0xc: {  	s14 =	ssub.s32 s6, s8;
	s26 =	sshrl.u32 s7, $0x3;
	s31 =	sshll.u32 s7, $0x4  }
0xd: {  	s4 =	sadd.s32 s2, s26;
	s5 =	sadd.s32 s5, s26;
	s6 =	sadd.s32 s9, s31  }
0xe: {  	s11 =	sor.u32 $0x800, s31;
	s12 =	sor.u32 $0x1000, s31;
	s13 =	sor.u32 $0x1800, s31  }
0xf: {  	s10 =	sadd.s32 s0, s31;
	s14 =	smax.u32 s14, $0x1;
	s26 =	simm.s32 $0x6  }
0x10: {  	s7 =	sadd.s32 s9, s11;
	s8 =	sadd.s32 s9, s12;
	s9 =	sadd.s32 s9, s13  }
0x11: {  	s11 =	sadd.s32 s0, s11;
	s12 =	sadd.s32 s0, s12;
	s13 =	sadd.s32 s0, s13  }
.LBB2_1:
0x12: {  	[tilespmem:s1], [sflag:$0x9] =	stream.linear.gather [hbm4b:s4+s1], $0x200, $0x38;
	[tilespmem:$0x10400] =	vst v63  }
0x13: {  	_ =	swait.ge [sflag:s15], $0x200  }
0x14: {  	[sflag:s15] =	ssyncset.done $0x0  }
0x15: {  	s0 =	simm.s32 $0x200;
	[sflag:s15] =	ssyncadd.s32 $0xFFFFFE00  }
0x16: {  	[tilespmem:s0], [sflag:$0x9] =	stream.linear.gather [hbm4b:s5+s1], $0x200, $0x38;
	[tilespmem:$0x10400] =	vst v63  }
0x17: {  	_ =	swait.ge [sflag:s15], $0x200  }
0x18: {  	[sflag:s15] =	ssyncset.done $0x0  }
0x19: {  	s2 =	simm.s32 $0x0;
	s0 =	simm.s32 $0x0;
	[sflag:s15] =	ssyncadd.s32 $0xFFFFFE00  }
.LBB2_2:
0x1a: {  	v0 =	vld [tilespmem:s0+$0x0];
	_ =	sdelay $0x4  }
0x1b: {  	v1 =	vshrl.u32 v0, $0x3  }
0x1c: {  	v0 =	vand.u32 $0x7, v0;
	v1 =	vshll.u32 v1, $0xA  }
0x1d: {  	v0 =	vshll.u32 v0, $0x7;
	(v2sf) =	vpush v1, $0x0  }
0x1e: {  	(v2sf) =	vpush v0, $0x0;
	_ =	sdelay $0x4  }
0x1f: {  	(v2sf) =	vpush v1, $0x1  }
0x20: {  	(v2sf) =	vpush v0, $0x1;
	_ =	sdelay $0x4  }
0x21: {  	(v2sf) =	vpush v1, $0x2  }
0x22: {  	(v2sf) =	vpush v0, $0x2;
	_ =	sdelay $0x1  }
0x23: {  	s16 =	spop (v2sf)  }
0x24: {  	s31 =	spop (v2sf)  }
0x25: {  	s31 =	sor.u32 s31, s16  }
0x26: {  	(v2sf) =	vpush v1, $0x3;
	s16 =	sshra.s32 s2, $0x2;
	s31 =	sshrl.u32 s31, $0x3  }
0x27: {  	(v2sf) =	vpush v0, $0x3;
	s18 =	sadd.s32 $0x400, s16;
	s20 =	sadd.s32 s3, s31;
	s31 =	simm.s32 $0x0  }
0x28: {  	[tilespmem:s18], [sflag:$0x1] =	stream.linear.gather [hbm4b:s20+s31], $0x80, $0x38;
	[tilespmem:$0x10400] =	vst v63  }
0x29: {  	s18 =	spop (v2sf)  }
0x2a: {  	s20 =	spop (v2sf)  }
0x2b: {  	s18 =	sor.u32 s20, s18  }
0x2c: {  	(v2sf) =	vpush v1, $0x4;
	s18 =	sshrl.u32 s18, $0x3  }
0x2d: {  	(v2sf) =	vpush v0, $0x4;
	s20 =	sadd.s32 $0x480, s16;
	s18 =	sadd.s32 s3, s18  }
0x2e: {  	[tilespmem:s20], [sflag:$0x1] =	stream.linear.gather [hbm4b:s18+s31], $0x80, $0x38;
	[tilespmem:$0x10400] =	vst v63  }
0x2f: {  	s18 =	spop (v2sf)  }
0x30: {  	s20 =	spop (v2sf)  }
0x31: {  	s18 =	sor.u32 s20, s18  }
0x32: {  	(v2sf) =	vpush v1, $0x5;
	s18 =	sshrl.u32 s18, $0x3  }
0x33: {  	(v2sf) =	vpush v0, $0x5;
	s20 =	sadd.s32 $0x500, s16;
	s18 =	sadd.s32 s3, s18  }
0x34: {  	[tilespmem:s20], [sflag:$0x1] =	stream.linear.gather [hbm4b:s18+s31], $0x80, $0x38;
	[tilespmem:$0x10400] =	vst v63  }
0x35: {  	s18 =	spop (v2sf)  }
0x36: {  	s20 =	spop (v2sf)  }
0x37: {  	s18 =	sor.u32 s20, s18  }
0x38: {  	(v2sf) =	vpush v1, $0x6;
	s18 =	sshrl.u32 s18, $0x3  }
0x39: {  	(v2sf) =	vpush v0, $0x6;
	s20 =	sadd.s32 $0x580, s16;
	s18 =	sadd.s32 s3, s18  }
0x3a: {  	[tilespmem:s20], [sflag:$0x1] =	stream.linear.gather [hbm4b:s18+s31], $0x80, $0x38;
	[tilespmem:$0x10400] =	vst v63  }
0x3b: {  	s18 =	spop (v2sf)  }
0x3c: {  	s20 =	spop (v2sf)  }
0x3d: {  	s18 =	sor.u32 s20, s18  }
0x3e: {  	(v2sf) =	vpush v1, $0x7;
	s18 =	sshrl.u32 s18, $0x3  }
0x3f: {  	(v2sf) =	vpush v0, $0x7;
	s20 =	sadd.s32 $0x600, s16;
	s18 =	sadd.s32 s3, s18  }
0x40: {  	[tilespmem:s20], [sflag:$0x1] =	stream.linear.gather [hbm4b:s18+s31], $0x80, $0x38;
	[tilespmem:$0x10400] =	vst v63  }
0x41: {  	s18 =	spop (v2sf)  }
0x42: {  	s20 =	spop (v2sf)  }
0x43: {  	s18 =	sor.u32 s20, s18  }
0x44: {  	(v2sf) =	vpush v1, $0x8;
	s18 =	sshrl.u32 s18, $0x3  }
0x45: {  	(v2sf) =	vpush v0, $0x8;
	s20 =	sadd.s32 $0x680, s16;
	s18 =	sadd.s32 s3, s18  }
0x46: {  	[tilespmem:s20], [sflag:$0x1] =	stream.linear.gather [hbm4b:s18+s31], $0x80, $0x38;
	[tilespmem:$0x10400] =	vst v63  }
0x47: {  	s18 =	spop (v2sf)  }
0x48: {  	s20 =	spop (v2sf)  }
0x49: {  	s18 =	sor.u32 s20, s18  }
0x4a: {  	(v2sf) =	vpush v1, $0x9;
	s18 =	sshrl.u32 s18, $0x3  }
0x4b: {  	(v2sf) =	vpush v0, $0x9;
	s20 =	sadd.s32 $0x700, s16;
	s18 =	sadd.s32 s3, s18  }
0x4c: {  	[tilespmem:s20], [sflag:$0x1] =	stream.linear.gather [hbm4b:s18+s31], $0x80, $0x38;
	[tilespmem:$0x10400] =	vst v63  }
0x4d: {  	s18 =	spop (v2sf)  }
0x4e: {  	s20 =	spop (v2sf)  }
0x4f: {  	s18 =	sor.u32 s20, s18  }
0x50: {  	(v2sf) =	vpush v1, $0xA;
	s18 =	sshrl.u32 s18, $0x3  }
0x51: {  	(v2sf) =	vpush v0, $0xA;
	s20 =	sadd.s32 $0x780, s16;
	s18 =	sadd.s32 s3, s18  }
0x52: {  	[tilespmem:s20], [sflag:$0x1] =	stream.linear.gather [hbm4b:s18+s31], $0x80, $0x38;
	[tilespmem:$0x10400] =	vst v63  }
0x53: {  	s18 =	spop (v2sf)  }
0x54: {  	s20 =	spop (v2sf)  }
0x55: {  	s18 =	sor.u32 s20, s18  }
0x56: {  	(v2sf) =	vpush v1, $0xB;
	s18 =	sshrl.u32 s18, $0x3  }
0x57: {  	(v2sf) =	vpush v0, $0xB;
	s20 =	sadd.s32 $0x800, s16;
	s18 =	sadd.s32 s3, s18  }
0x58: {  	[tilespmem:s20], [sflag:$0x1] =	stream.linear.gather [hbm4b:s18+s31], $0x80, $0x38;
	[tilespmem:$0x10400] =	vst v63  }
0x59: {  	s18 =	spop (v2sf)  }
0x5a: {  	s20 =	spop (v2sf)  }
0x5b: {  	s18 =	sor.u32 s20, s18  }
0x5c: {  	(v2sf) =	vpush v1, $0xC;
	s18 =	sshrl.u32 s18, $0x3  }
0x5d: {  	(v2sf) =	vpush v0, $0xC;
	s20 =	sadd.s32 $0x880, s16;
	s18 =	sadd.s32 s3, s18  }
0x5e: {  	[tilespmem:s20], [sflag:$0x1] =	stream.linear.gather [hbm4b:s18+s31], $0x80, $0x38;
	[tilespmem:$0x10400] =	vst v63  }
0x5f: {  	s18 =	spop (v2sf)  }
0x60: {  	s20 =	spop (v2sf)  }
0x61: {  	s18 =	sor.u32 s20, s18  }
0x62: {  	(v2sf) =	vpush v1, $0xD;
	s18 =	sshrl.u32 s18, $0x3  }
0x63: {  	(v2sf) =	vpush v0, $0xD;
	s20 =	sadd.s32 $0x900, s16;
	s18 =	sadd.s32 s3, s18  }
0x64: {  	[tilespmem:s20], [sflag:$0x1] =	stream.linear.gather [hbm4b:s18+s31], $0x80, $0x38;
	[tilespmem:$0x10400] =	vst v63  }
0x65: {  	s18 =	spop (v2sf)  }
0x66: {  	s20 =	spop (v2sf)  }
0x67: {  	s18 =	sor.u32 s20, s18  }
0x68: {  	(v2sf) =	vpush v1, $0xE;
	s18 =	sshrl.u32 s18, $0x3  }
0x69: {  	(v2sf) =	vpush v0, $0xE;
	s20 =	sadd.s32 $0x980, s16;
	s18 =	sadd.s32 s3, s18  }
0x6a: {  	[tilespmem:s20], [sflag:$0x1] =	stream.linear.gather [hbm4b:s18+s31], $0x80, $0x38;
	[tilespmem:$0x10400] =	vst v63  }
0x6b: {  	s18 =	spop (v2sf)  }
0x6c: {  	s20 =	spop (v2sf)  }
0x6d: {  	s18 =	sor.u32 s20, s18  }
0x6e: {  	(v2sf) =	vpush v1, $0xF;
	s18 =	sshrl.u32 s18, $0x3  }
0x6f: {  	(v2sf) =	vpush v0, $0xF;
	s20 =	sadd.s32 $0xA00, s16;
	s18 =	sadd.s32 s3, s18  }
0x70: {  	[tilespmem:s20], [sflag:$0x1] =	stream.linear.gather [hbm4b:s18+s31], $0x80, $0x38;
	[tilespmem:$0x10400] =	vst v63  }
0x71: {  	s18 =	spop (v2sf)  }
0x72: {  	s20 =	spop (v2sf)  }
0x73: {  	s18 =	sor.u32 s20, s18  }
0x74: {  	s18 =	sshrl.u32 s18, $0x3  }
0x75: {  	s20 =	sadd.s32 $0xA80, s16;
	s18 =	sadd.s32 s3, s18  }
0x76: {  	[tilespmem:s20], [sflag:$0x1] =	stream.linear.gather [hbm4b:s18+s31], $0x80, $0x38;
	[tilespmem:$0x10400] =	vst v63  }
0x77: {  	s18 =	spop (v2sf)  }
0x78: {  	s20 =	spop (v2sf)  }
0x79: {  	s18 =	sor.u32 s20, s18  }
0x7a: {  	s18 =	sshrl.u32 s18, $0x3  }
0x7b: {  	s20 =	sadd.s32 $0xB00, s16;
	s18 =	sadd.s32 s3, s18  }
0x7c: {  	[tilespmem:s20], [sflag:$0x1] =	stream.linear.gather [hbm4b:s18+s31], $0x80, $0x38;
	[tilespmem:$0x10400] =	vst v63  }
0x7d: {  	p0 =	sne.s32 s2, $0xE000;
	s18 =	spop (v2sf)  }
.Ltmp0:
0x7e: {  	s20 =	spop (v2sf);
	(pc) =	sbr.rel @p0 .LBB2_2-.Ltmp0, $4  }
0x7f: {  	s18 =	sor.u32 s20, s18  }
0x80: {  	s0 =	sadd.s32 $0x10, s0;
	s18 =	sshrl.u32 s18, $0x3  }
0x81: {  	s2 =	sadd.s32 $0x2000, s2;
	s16 =	sadd.s32 $0xB80, s16;
	s18 =	sadd.s32 s3, s18  }
0x82: {  	[tilespmem:s16], [sflag:$0x1] =	stream.linear.gather [hbm4b:s18+s31], $0x80, $0x38;
	[tilespmem:$0x10400] =	vst v63  }
0x83: {  	s0 =	simm.s32 $0x80  }
.LBB2_4:
0x84: {  	v0 =	vld [tilespmem:s0+$0x0];
	_ =	sdelay $0x4  }
0x85: {  	v1 =	vshrl.u32 v0, $0x3  }
0x86: {  	v0 =	vand.u32 $0x7, v0;
	v1 =	vshll.u32 v1, $0xA  }
0x87: {  	v0 =	vshll.u32 v0, $0x7;
	(v2sf) =	vpush v1, $0x0  }
0x88: {  	(v2sf) =	vpush v0, $0x0;
	_ =	sdelay $0x4  }
0x89: {  	(v2sf) =	vpush v1, $0x1  }
0x8a: {  	(v2sf) =	vpush v0, $0x1;
	_ =	sdelay $0x2  }
0x8b: {  	(v2sf) =	vpush v1, $0x2;
	_ =	sdelay $0x1  }
0x8c: {  	(v2sf) =	vpush v0, $0x2;
	_ =	sdelay $0x2  }
0x8d: {  	s2 =	spop (v2sf)  }
0x8e: {  	s16 =	spop (v2sf)  }
0x8f: {  	(v2sf) =	vpush v1, $0x3;
	s16 =	sor.u32 s16, s2  }
0x90: {  	(v2sf) =	vpush v0, $0x3;
	s2 =	sshra.s32 s31, $0x2;
	s16 =	sshrl.u32 s16, $0x3  }
0x91: {  	s18 =	sadd.s32 $0x4400, s2;
	s16 =	sadd.s32 s3, s16  }
0x92: {  	[tilespmem:s18], [sflag:$0x2] =	stream.linear.gather [hbm4b:s16+s1], $0x80, $0x38;
	[tilespmem:$0x10400] =	vst v63  }
0x93: {  	s18 =	spop (v2sf)  }
0x94: {  	s20 =	spop (v2sf)  }
0x95: {  	(v2sf) =	vpush v1, $0x4;
	s16 =	sor.u32 s20, s18  }
0x96: {  	(v2sf) =	vpush v0, $0x4;
	s16 =	sshrl.u32 s16, $0x3  }
0x97: {  	s20 =	sadd.s32 $0x4480, s2;
	s18 =	spop (v2sf);
	s16 =	sadd.s32 s3, s16  }
0x98: {  	[tilespmem:s20], [sflag:$0x2] =	stream.linear.gather [hbm4b:s16+s1], $0x80, $0x38;
	[tilespmem:$0x10400] =	vst v63  }
0x99: {  	(v2sf) =	vpush v1, $0x5;
	s20 =	spop (v2sf)  }
0x9a: {  	s16 =	sor.u32 s20, s18  }
0x9b: {  	(v2sf) =	vpush v0, $0x5;
	s16 =	sshrl.u32 s16, $0x3  }
0x9c: {  	s20 =	sadd.s32 $0x4500, s2;
	s16 =	sadd.s32 s3, s16  }
0x9d: {  	[tilespmem:s20], [sflag:$0x2] =	stream.linear.gather [hbm4b:s16+s1], $0x80, $0x38;
	[tilespmem:$0x10400] =	vst v63  }
0x9e: {  	s18 =	spop (v2sf)  }
0x9f: {  	s20 =	spop (v2sf)  }
0xa0: {  	(v2sf) =	vpush v1, $0x6;
	s16 =	sor.u32 s20, s18  }
0xa1: {  	(v2sf) =	vpush v0, $0x6;
	s16 =	sshrl.u32 s16, $0x3  }
0xa2: {  	s20 =	sadd.s32 $0x4580, s2;
	s16 =	sadd.s32 s3, s16  }
0xa3: {  	[tilespmem:s20], [sflag:$0x2] =	stream.linear.gather [hbm4b:s16+s1], $0x80, $0x38;
	[tilespmem:$0x10400] =	vst v63  }
0xa4: {  	s18 =	spop (v2sf)  }
0xa5: {  	s20 =	spop (v2sf)  }
0xa6: {  	(v2sf) =	vpush v1, $0x7;
	s16 =	sor.u32 s20, s18  }
0xa7: {  	(v2sf) =	vpush v0, $0x7;
	s16 =	sshrl.u32 s16, $0x3  }
0xa8: {  	s20 =	sadd.s32 $0x4600, s2;
	s18 =	spop (v2sf);
	s16 =	sadd.s32 s3, s16  }
0xa9: {  	[tilespmem:s20], [sflag:$0x2] =	stream.linear.gather [hbm4b:s16+s1], $0x80, $0x38;
	[tilespmem:$0x10400] =	vst v63  }
0xaa: {  	(v2sf) =	vpush v1, $0x8;
	s20 =	spop (v2sf)  }
0xab: {  	s16 =	sor.u32 s20, s18  }
0xac: {  	(v2sf) =	vpush v0, $0x8;
	s16 =	sshrl.u32 s16, $0x3  }
0xad: {  	s20 =	sadd.s32 $0x4680, s2;
	s16 =	sadd.s32 s3, s16  }
0xae: {  	[tilespmem:s20], [sflag:$0x2] =	stream.linear.gather [hbm4b:s16+s1], $0x80, $0x38;
	[tilespmem:$0x10400] =	vst v63  }
0xaf: {  	s18 =	spop (v2sf)  }
0xb0: {  	s20 =	spop (v2sf)  }
0xb1: {  	(v2sf) =	vpush v1, $0x9;
	s16 =	sor.u32 s20, s18  }
0xb2: {  	(v2sf) =	vpush v0, $0x9;
	s16 =	sshrl.u32 s16, $0x3  }
0xb3: {  	s20 =	sadd.s32 $0x4700, s2;
	s16 =	sadd.s32 s3, s16  }
0xb4: {  	[tilespmem:s20], [sflag:$0x2] =	stream.linear.gather [hbm4b:s16+s1], $0x80, $0x38;
	[tilespmem:$0x10400] =	vst v63  }
0xb5: {  	s18 =	spop (v2sf)  }
0xb6: {  	s20 =	spop (v2sf)  }
0xb7: {  	(v2sf) =	vpush v1, $0xA;
	s16 =	sor.u32 s20, s18  }
0xb8: {  	(v2sf) =	vpush v0, $0xA;
	s16 =	sshrl.u32 s16, $0x3  }
0xb9: {  	s20 =	sadd.s32 $0x4780, s2;
	s18 =	spop (v2sf);
	s16 =	sadd.s32 s3, s16  }
0xba: {  	[tilespmem:s20], [sflag:$0x2] =	stream.linear.gather [hbm4b:s16+s1], $0x80, $0x38;
	[tilespmem:$0x10400] =	vst v63  }
0xbb: {  	(v2sf) =	vpush v1, $0xB;
	s20 =	spop (v2sf)  }
0xbc: {  	s16 =	sor.u32 s20, s18  }
0xbd: {  	(v2sf) =	vpush v0, $0xB;
	s16 =	sshrl.u32 s16, $0x3  }
0xbe: {  	s20 =	sadd.s32 $0x4800, s2;
	s16 =	sadd.s32 s3, s16  }
0xbf: {  	[tilespmem:s20], [sflag:$0x2] =	stream.linear.gather [hbm4b:s16+s1], $0x80, $0x38;
	[tilespmem:$0x10400] =	vst v63  }
0xc0: {  	s18 =	spop (v2sf)  }
0xc1: {  	s20 =	spop (v2sf)  }
0xc2: {  	(v2sf) =	vpush v1, $0xC;
	s16 =	sor.u32 s20, s18  }
0xc3: {  	(v2sf) =	vpush v0, $0xC;
	s16 =	sshrl.u32 s16, $0x3  }
0xc4: {  	s20 =	sadd.s32 $0x4880, s2;
	s16 =	sadd.s32 s3, s16  }
0xc5: {  	[tilespmem:s20], [sflag:$0x2] =	stream.linear.gather [hbm4b:s16+s1], $0x80, $0x38;
	[tilespmem:$0x10400] =	vst v63  }
0xc6: {  	s18 =	spop (v2sf)  }
0xc7: {  	s20 =	spop (v2sf)  }
0xc8: {  	(v2sf) =	vpush v1, $0xD;
	s16 =	sor.u32 s20, s18  }
0xc9: {  	(v2sf) =	vpush v0, $0xD;
	s16 =	sshrl.u32 s16, $0x3  }
0xca: {  	s20 =	sadd.s32 $0x4900, s2;
	s18 =	spop (v2sf);
	s16 =	sadd.s32 s3, s16  }
0xcb: {  	[tilespmem:s20], [sflag:$0x2] =	stream.linear.gather [hbm4b:s16+s1], $0x80, $0x38;
	[tilespmem:$0x10400] =	vst v63  }
0xcc: {  	(v2sf) =	vpush v1, $0xE;
	s20 =	spop (v2sf)  }
0xcd: {  	s16 =	sor.u32 s20, s18  }
0xce: {  	(v2sf) =	vpush v0, $0xE;
	s16 =	sshrl.u32 s16, $0x3  }
0xcf: {  	s20 =	sadd.s32 $0x4980, s2;
	s16 =	sadd.s32 s3, s16  }
0xd0: {  	[tilespmem:s20], [sflag:$0x2] =	stream.linear.gather [hbm4b:s16+s1], $0x80, $0x38;
	[tilespmem:$0x10400] =	vst v63  }
0xd1: {  	s18 =	spop (v2sf)  }
0xd2: {  	s20 =	spop (v2sf)  }
0xd3: {  	(v2sf) =	vpush v1, $0xF;
	s16 =	sor.u32 s20, s18  }
0xd4: {  	(v2sf) =	vpush v0, $0xF;
	s16 =	sshrl.u32 s16, $0x3  }
0xd5: {  	s20 =	sadd.s32 $0x4A00, s2;
	s16 =	sadd.s32 s3, s16  }
0xd6: {  	[tilespmem:s20], [sflag:$0x2] =	stream.linear.gather [hbm4b:s16+s1], $0x80, $0x38;
	[tilespmem:$0x10400] =	vst v63  }
0xd7: {  	s18 =	spop (v2sf)  }
0xd8: {  	s20 =	spop (v2sf)  }
0xd9: {  	s16 =	sor.u32 s20, s18  }
0xda: {  	s16 =	sshrl.u32 s16, $0x3  }
0xdb: {  	s20 =	sadd.s32 $0x4A80, s2;
	s18 =	spop (v2sf);
	s16 =	sadd.s32 s3, s16  }
0xdc: {  	[tilespmem:s20], [sflag:$0x2] =	stream.linear.gather [hbm4b:s16+s1], $0x80, $0x38;
	[tilespmem:$0x10400] =	vst v63  }
0xdd: {  	s20 =	spop (v2sf)  }
0xde: {  	s16 =	sor.u32 s20, s18  }
0xdf: {  	s16 =	sshrl.u32 s16, $0x3  }
0xe0: {  	s20 =	sadd.s32 $0x4B00, s2;
	s16 =	sadd.s32 s3, s16  }
0xe1: {  	[tilespmem:s20], [sflag:$0x2] =	stream.linear.gather [hbm4b:s16+s1], $0x80, $0x38;
	[tilespmem:$0x10400] =	vst v63  }
0xe2: {  	p0 =	sne.s32 s31, $0xE000;
	s18 =	spop (v2sf)  }
.Ltmp1:
0xe3: {  	s20 =	spop (v2sf);
	(pc) =	sbr.rel @p0 .LBB2_4-.Ltmp1, $4  }
0xe4: {  	s16 =	sor.u32 s20, s18  }
0xe5: {  	s0 =	sadd.s32 $0x10, s0;
	s16 =	sshrl.u32 s16, $0x3  }
0xe6: {  	s31 =	sadd.s32 $0x2000, s31;
	s2 =	sadd.s32 $0x4B80, s2;
	s16 =	sadd.s32 s3, s16  }
0xe7: {  	[tilespmem:s2], [sflag:$0x2] =	stream.linear.gather [hbm4b:s16+s1], $0x80, $0x38;
	[tilespmem:$0x10400] =	vst v63  }
0xe8: {  	_ =	swait.ge [sflag:s17], $0x4000  }
0xe9: {  	s31 =	simm.s32 $0x0;
	[sflag:s17] =	ssyncset.done $0x0  }
0xea: {  	s20 =	simm.s32 $0x400;
	s0 =	simm.s32 $0x100;
	[sflag:s17] =	ssyncadd.s32 $0xFFFFC000  }
0xeb: {  	[hbm4b:s6+s31] =	stream.linear.scatter [tilespmem:s20], [sflag:$0x5], $0x4000, $0x38;
	[tilespmem:$0x10400] =	vst v63  }
.LBB2_6:
0xec: {  	v0 =	vld [tilespmem:s0+$0x0];
	_ =	sdelay $0x4  }
0xed: {  	v1 =	vshrl.u32 v0, $0x3  }
0xee: {  	v0 =	vand.u32 $0x7, v0;
	v1 =	vshll.u32 v1, $0xA  }
0xef: {  	v0 =	vshll.u32 v0, $0x7;
	(v2sf) =	vpush v1, $0x0  }
0xf0: {  	(v2sf) =	vpush v0, $0x0;
	_ =	sdelay $0x4  }
0xf1: {  	(v2sf) =	vpush v1, $0x1  }
0xf2: {  	(v2sf) =	vpush v0, $0x1;
	_ =	sdelay $0x4  }
0xf3: {  	(v2sf) =	vpush v1, $0x2  }
0xf4: {  	(v2sf) =	vpush v0, $0x2;
	_ =	sdelay $0x1  }
0xf5: {  	s2 =	spop (v2sf)  }
0xf6: {  	s16 =	spop (v2sf)  }
0xf7: {  	s16 =	sor.u32 s16, s2  }
0xf8: {  	(v2sf) =	vpush v1, $0x3;
	s2 =	sshra.s32 s31, $0x2;
	s16 =	sshrl.u32 s16, $0x3  }
0xf9: {  	(v2sf) =	vpush v0, $0x3;
	s18 =	sadd.s32 $0x8400, s2;
	s16 =	sadd.s32 s3, s16  }
0xfa: {  	[tilespmem:s18], [sflag:$0x3] =	stream.linear.gather [hbm4b:s16+s1], $0x80, $0x38;
	[tilespmem:$0x10400] =	vst v63  }
0xfb: {  	s16 =	spop (v2sf)  }
0xfc: {  	s18 =	spop (v2sf)  }
0xfd: {  	s16 =	sor.u32 s18, s16  }
0xfe: {  	(v2sf) =	vpush v1, $0x4;
	s16 =	sshrl.u32 s16, $0x3  }
0xff: {  	(v2sf) =	vpush v0, $0x4;
	s18 =	sadd.s32 $0x8480, s2;
	s16 =	sadd.s32 s3, s16  }
0x100: {  	[tilespmem:s18], [sflag:$0x3] =	stream.linear.gather [hbm4b:s16+s1], $0x80, $0x38;
	[tilespmem:$0x10400] =	vst v63  }
0x101: {  	s16 =	spop (v2sf)  }
0x102: {  	s18 =	spop (v2sf)  }
0x103: {  	s16 =	sor.u32 s18, s16  }
0x104: {  	(v2sf) =	vpush v1, $0x5;
	s16 =	sshrl.u32 s16, $0x3  }
0x105: {  	(v2sf) =	vpush v0, $0x5;
	s18 =	sadd.s32 $0x8500, s2;
	s16 =	sadd.s32 s3, s16  }
0x106: {  	[tilespmem:s18], [sflag:$0x3] =	stream.linear.gather [hbm4b:s16+s1], $0x80, $0x38;
	[tilespmem:$0x10400] =	vst v63  }
0x107: {  	s16 =	spop (v2sf)  }
0x108: {  	s18 =	spop (v2sf)  }
0x109: {  	s16 =	sor.u32 s18, s16  }
0x10a: {  	(v2sf) =	vpush v1, $0x6;
	s16 =	sshrl.u32 s16, $0x3  }
0x10b: {  	(v2sf) =	vpush v0, $0x6;
	s18 =	sadd.s32 $0x8580, s2;
	s16 =	sadd.s32 s3, s16  }
0x10c: {  	[tilespmem:s18], [sflag:$0x3] =	stream.linear.gather [hbm4b:s16+s1], $0x80, $0x38;
	[tilespmem:$0x10400] =	vst v63  }
0x10d: {  	s16 =	spop (v2sf)  }
0x10e: {  	s18 =	spop (v2sf)  }
0x10f: {  	s16 =	sor.u32 s18, s16  }
0x110: {  	(v2sf) =	vpush v1, $0x7;
	s16 =	sshrl.u32 s16, $0x3  }
0x111: {  	(v2sf) =	vpush v0, $0x7;
	s18 =	sadd.s32 $0x8600, s2;
	s16 =	sadd.s32 s3, s16  }
0x112: {  	[tilespmem:s18], [sflag:$0x3] =	stream.linear.gather [hbm4b:s16+s1], $0x80, $0x38;
	[tilespmem:$0x10400] =	vst v63  }
0x113: {  	s16 =	spop (v2sf)  }
0x114: {  	s18 =	spop (v2sf)  }
0x115: {  	s16 =	sor.u32 s18, s16  }
0x116: {  	(v2sf) =	vpush v1, $0x8;
	s16 =	sshrl.u32 s16, $0x3  }
0x117: {  	(v2sf) =	vpush v0, $0x8;
	s18 =	sadd.s32 $0x8680, s2;
	s16 =	sadd.s32 s3, s16  }
0x118: {  	[tilespmem:s18], [sflag:$0x3] =	stream.linear.gather [hbm4b:s16+s1], $0x80, $0x38;
	[tilespmem:$0x10400] =	vst v63  }
0x119: {  	s16 =	spop (v2sf)  }
0x11a: {  	s18 =	spop (v2sf)  }
0x11b: {  	s16 =	sor.u32 s18, s16  }
0x11c: {  	(v2sf) =	vpush v1, $0x9;
	s16 =	sshrl.u32 s16, $0x3  }
0x11d: {  	(v2sf) =	vpush v0, $0x9;
	s18 =	sadd.s32 $0x8700, s2;
	s16 =	sadd.s32 s3, s16  }
0x11e: {  	[tilespmem:s18], [sflag:$0x3] =	stream.linear.gather [hbm4b:s16+s1], $0x80, $0x38;
	[tilespmem:$0x10400] =	vst v63  }
0x11f: {  	s16 =	spop (v2sf)  }
0x120: {  	s18 =	spop (v2sf)  }
0x121: {  	s16 =	sor.u32 s18, s16  }
0x122: {  	(v2sf) =	vpush v1, $0xA;
	s16 =	sshrl.u32 s16, $0x3  }
0x123: {  	(v2sf) =	vpush v0, $0xA;
	s18 =	sadd.s32 $0x8780, s2;
	s16 =	sadd.s32 s3, s16  }
0x124: {  	[tilespmem:s18], [sflag:$0x3] =	stream.linear.gather [hbm4b:s16+s1], $0x80, $0x38;
	[tilespmem:$0x10400] =	vst v63  }
0x125: {  	s16 =	spop (v2sf)  }
0x126: {  	s18 =	spop (v2sf)  }
0x127: {  	s16 =	sor.u32 s18, s16  }
0x128: {  	(v2sf) =	vpush v1, $0xB;
	s16 =	sshrl.u32 s16, $0x3  }
0x129: {  	(v2sf) =	vpush v0, $0xB;
	s18 =	sadd.s32 $0x8800, s2;
	s16 =	sadd.s32 s3, s16  }
0x12a: {  	[tilespmem:s18], [sflag:$0x3] =	stream.linear.gather [hbm4b:s16+s1], $0x80, $0x38;
	[tilespmem:$0x10400] =	vst v63  }
0x12b: {  	s16 =	spop (v2sf)  }
0x12c: {  	s18 =	spop (v2sf)  }
0x12d: {  	s16 =	sor.u32 s18, s16  }
0x12e: {  	(v2sf) =	vpush v1, $0xC;
	s16 =	sshrl.u32 s16, $0x3  }
0x12f: {  	(v2sf) =	vpush v0, $0xC;
	s18 =	sadd.s32 $0x8880, s2;
	s16 =	sadd.s32 s3, s16  }
0x130: {  	[tilespmem:s18], [sflag:$0x3] =	stream.linear.gather [hbm4b:s16+s1], $0x80, $0x38;
	[tilespmem:$0x10400] =	vst v63  }
0x131: {  	s16 =	spop (v2sf)  }
0x132: {  	s18 =	spop (v2sf)  }
0x133: {  	s16 =	sor.u32 s18, s16  }
0x134: {  	(v2sf) =	vpush v1, $0xD;
	s16 =	sshrl.u32 s16, $0x3  }
0x135: {  	(v2sf) =	vpush v0, $0xD;
	s18 =	sadd.s32 $0x8900, s2;
	s16 =	sadd.s32 s3, s16  }
0x136: {  	[tilespmem:s18], [sflag:$0x3] =	stream.linear.gather [hbm4b:s16+s1], $0x80, $0x38;
	[tilespmem:$0x10400] =	vst v63  }
0x137: {  	s16 =	spop (v2sf)  }
0x138: {  	s18 =	spop (v2sf)  }
0x139: {  	s16 =	sor.u32 s18, s16  }
0x13a: {  	(v2sf) =	vpush v1, $0xE;
	s16 =	sshrl.u32 s16, $0x3  }
0x13b: {  	(v2sf) =	vpush v0, $0xE;
	s18 =	sadd.s32 $0x8980, s2;
	s16 =	sadd.s32 s3, s16  }
0x13c: {  	[tilespmem:s18], [sflag:$0x3] =	stream.linear.gather [hbm4b:s16+s1], $0x80, $0x38;
	[tilespmem:$0x10400] =	vst v63  }
0x13d: {  	s16 =	spop (v2sf)  }
0x13e: {  	s18 =	spop (v2sf)  }
0x13f: {  	s16 =	sor.u32 s18, s16  }
0x140: {  	(v2sf) =	vpush v1, $0xF;
	s16 =	sshrl.u32 s16, $0x3  }
0x141: {  	(v2sf) =	vpush v0, $0xF;
	s18 =	sadd.s32 $0x8A00, s2;
	s16 =	sadd.s32 s3, s16  }
0x142: {  	[tilespmem:s18], [sflag:$0x3] =	stream.linear.gather [hbm4b:s16+s1], $0x80, $0x38;
	[tilespmem:$0x10400] =	vst v63  }
0x143: {  	s16 =	spop (v2sf)  }
0x144: {  	s18 =	spop (v2sf)  }
0x145: {  	s16 =	sor.u32 s18, s16  }
0x146: {  	s16 =	sshrl.u32 s16, $0x3  }
0x147: {  	s18 =	sadd.s32 $0x8A80, s2;
	s16 =	sadd.s32 s3, s16  }
0x148: {  	[tilespmem:s18], [sflag:$0x3] =	stream.linear.gather [hbm4b:s16+s1], $0x80, $0x38;
	[tilespmem:$0x10400] =	vst v63  }
0x149: {  	s16 =	spop (v2sf)  }
0x14a: {  	s18 =	spop (v2sf)  }
0x14b: {  	s16 =	sor.u32 s18, s16  }
0x14c: {  	s16 =	sshrl.u32 s16, $0x3  }
0x14d: {  	s18 =	sadd.s32 $0x8B00, s2;
	s16 =	sadd.s32 s3, s16  }
0x14e: {  	[tilespmem:s18], [sflag:$0x3] =	stream.linear.gather [hbm4b:s16+s1], $0x80, $0x38;
	[tilespmem:$0x10400] =	vst v63  }
0x14f: {  	p0 =	sne.s32 s31, $0xE000;
	s16 =	spop (v2sf)  }
.Ltmp2:
0x150: {  	s18 =	spop (v2sf);
	(pc) =	sbr.rel @p0 .LBB2_6-.Ltmp2, $4  }
0x151: {  	s16 =	sor.u32 s18, s16  }
0x152: {  	s0 =	sadd.s32 $0x10, s0;
	s16 =	sshrl.u32 s16, $0x3  }
0x153: {  	s31 =	sadd.s32 $0x2000, s31;
	s2 =	sadd.s32 $0x8B80, s2;
	s16 =	sadd.s32 s3, s16  }
0x154: {  	[tilespmem:s2], [sflag:$0x3] =	stream.linear.gather [hbm4b:s16+s1], $0x80, $0x38;
	[tilespmem:$0x10400] =	vst v63  }
0x155: {  	_ =	swait.ge [sflag:s19], $0x4000  }
0x156: {  	[sflag:s19] =	ssyncset.done $0x0  }
0x157: {  	s31 =	simm.s32 $0x0;
	s0 =	simm.s32 $0x4400;
	[sflag:s19] =	ssyncadd.s32 $0xFFFFC000  }
0x158: {  	[hbm4b:s7+s31] =	stream.linear.scatter [tilespmem:s0], [sflag:$0x6], $0x4000, $0x38;
	[tilespmem:$0x10400] =	vst v63  }
0x159: {  	s0 =	simm.s32 $0x180  }
.LBB2_8:
0x15a: {  	v0 =	vld [tilespmem:s0+$0x0];
	_ =	sdelay $0x4  }
0x15b: {  	v1 =	vshrl.u32 v0, $0x3  }
0x15c: {  	v0 =	vand.u32 $0x7, v0;
	v1 =	vshll.u32 v1, $0xA  }
0x15d: {  	v0 =	vshll.u32 v0, $0x7;
	(v2sf) =	vpush v1, $0x0  }
0x15e: {  	(v2sf) =	vpush v0, $0x0;
	_ =	sdelay $0x4  }
0x15f: {  	(v2sf) =	vpush v1, $0x1  }
0x160: {  	(v2sf) =	vpush v0, $0x1;
	_ =	sdelay $0x4  }
0x161: {  	(v2sf) =	vpush v1, $0x2  }
0x162: {  	(v2sf) =	vpush v0, $0x2;
	_ =	sdelay $0x1  }
0x163: {  	s2 =	spop (v2sf)  }
0x164: {  	s16 =	spop (v2sf)  }
0x165: {  	s16 =	sor.u32 s16, s2  }
0x166: {  	(v2sf) =	vpush v1, $0x3;
	s2 =	sshra.s32 s31, $0x2;
	s16 =	sshrl.u32 s16, $0x3  }
0x167: {  	(v2sf) =	vpush v0, $0x3;
	s18 =	sadd.s32 $0xC400, s2;
	s16 =	sadd.s32 s3, s16  }
0x168: {  	[tilespmem:s18], [sflag:$0x4] =	stream.linear.gather [hbm4b:s16+s1], $0x80, $0x38;
	[tilespmem:$0x10400] =	vst v63  }
0x169: {  	s16 =	spop (v2sf)  }
0x16a: {  	s18 =	spop (v2sf)  }
0x16b: {  	s16 =	sor.u32 s18, s16  }
0x16c: {  	(v2sf) =	vpush v1, $0x4;
	s16 =	sshrl.u32 s16, $0x3  }
0x16d: {  	(v2sf) =	vpush v0, $0x4;
	s18 =	sadd.s32 $0xC480, s2;
	s16 =	sadd.s32 s3, s16  }
0x16e: {  	[tilespmem:s18], [sflag:$0x4] =	stream.linear.gather [hbm4b:s16+s1], $0x80, $0x38;
	[tilespmem:$0x10400] =	vst v63  }
0x16f: {  	s16 =	spop (v2sf)  }
0x170: {  	s18 =	spop (v2sf)  }
0x171: {  	s16 =	sor.u32 s18, s16  }
0x172: {  	(v2sf) =	vpush v1, $0x5;
	s16 =	sshrl.u32 s16, $0x3  }
0x173: {  	(v2sf) =	vpush v0, $0x5;
	s18 =	sadd.s32 $0xC500, s2;
	s16 =	sadd.s32 s3, s16  }
0x174: {  	[tilespmem:s18], [sflag:$0x4] =	stream.linear.gather [hbm4b:s16+s1], $0x80, $0x38;
	[tilespmem:$0x10400] =	vst v63  }
0x175: {  	s16 =	spop (v2sf)  }
0x176: {  	s18 =	spop (v2sf)  }
0x177: {  	s16 =	sor.u32 s18, s16  }
0x178: {  	(v2sf) =	vpush v1, $0x6;
	s16 =	sshrl.u32 s16, $0x3  }
0x179: {  	(v2sf) =	vpush v0, $0x6;
	s18 =	sadd.s32 $0xC580, s2;
	s16 =	sadd.s32 s3, s16  }
0x17a: {  	[tilespmem:s18], [sflag:$0x4] =	stream.linear.gather [hbm4b:s16+s1], $0x80, $0x38;
	[tilespmem:$0x10400] =	vst v63  }
0x17b: {  	s16 =	spop (v2sf)  }
0x17c: {  	s18 =	spop (v2sf)  }
0x17d: {  	s16 =	sor.u32 s18, s16  }
0x17e: {  	(v2sf) =	vpush v1, $0x7;
	s16 =	sshrl.u32 s16, $0x3  }
0x17f: {  	(v2sf) =	vpush v0, $0x7;
	s18 =	sadd.s32 $0xC600, s2;
	s16 =	sadd.s32 s3, s16  }
0x180: {  	[tilespmem:s18], [sflag:$0x4] =	stream.linear.gather [hbm4b:s16+s1], $0x80, $0x38;
	[tilespmem:$0x10400] =	vst v63  }
0x181: {  	s16 =	spop (v2sf)  }
0x182: {  	s18 =	spop (v2sf)  }
0x183: {  	s16 =	sor.u32 s18, s16  }
0x184: {  	(v2sf) =	vpush v1, $0x8;
	s16 =	sshrl.u32 s16, $0x3  }
0x185: {  	(v2sf) =	vpush v0, $0x8;
	s18 =	sadd.s32 $0xC680, s2;
	s16 =	sadd.s32 s3, s16  }
0x186: {  	[tilespmem:s18], [sflag:$0x4] =	stream.linear.gather [hbm4b:s16+s1], $0x80, $0x38;
	[tilespmem:$0x10400] =	vst v63  }
0x187: {  	s16 =	spop (v2sf)  }
0x188: {  	s18 =	spop (v2sf)  }
0x189: {  	s16 =	sor.u32 s18, s16  }
0x18a: {  	(v2sf) =	vpush v1, $0x9;
	s16 =	sshrl.u32 s16, $0x3  }
0x18b: {  	(v2sf) =	vpush v0, $0x9;
	s18 =	sadd.s32 $0xC700, s2;
	s16 =	sadd.s32 s3, s16  }
0x18c: {  	[tilespmem:s18], [sflag:$0x4] =	stream.linear.gather [hbm4b:s16+s1], $0x80, $0x38;
	[tilespmem:$0x10400] =	vst v63  }
0x18d: {  	s16 =	spop (v2sf)  }
0x18e: {  	s18 =	spop (v2sf)  }
0x18f: {  	s16 =	sor.u32 s18, s16  }
0x190: {  	(v2sf) =	vpush v1, $0xA;
	s16 =	sshrl.u32 s16, $0x3  }
0x191: {  	(v2sf) =	vpush v0, $0xA;
	s18 =	sadd.s32 $0xC780, s2;
	s16 =	sadd.s32 s3, s16  }
0x192: {  	[tilespmem:s18], [sflag:$0x4] =	stream.linear.gather [hbm4b:s16+s1], $0x80, $0x38;
	[tilespmem:$0x10400] =	vst v63  }
0x193: {  	s16 =	spop (v2sf)  }
0x194: {  	s18 =	spop (v2sf)  }
0x195: {  	s16 =	sor.u32 s18, s16  }
0x196: {  	(v2sf) =	vpush v1, $0xB;
	s16 =	sshrl.u32 s16, $0x3  }
0x197: {  	(v2sf) =	vpush v0, $0xB;
	s18 =	sadd.s32 $0xC800, s2;
	s16 =	sadd.s32 s3, s16  }
0x198: {  	[tilespmem:s18], [sflag:$0x4] =	stream.linear.gather [hbm4b:s16+s1], $0x80, $0x38;
	[tilespmem:$0x10400] =	vst v63  }
0x199: {  	s16 =	spop (v2sf)  }
0x19a: {  	s18 =	spop (v2sf)  }
0x19b: {  	s16 =	sor.u32 s18, s16  }
0x19c: {  	(v2sf) =	vpush v1, $0xC;
	s16 =	sshrl.u32 s16, $0x3  }
0x19d: {  	(v2sf) =	vpush v0, $0xC;
	s18 =	sadd.s32 $0xC880, s2;
	s16 =	sadd.s32 s3, s16  }
0x19e: {  	[tilespmem:s18], [sflag:$0x4] =	stream.linear.gather [hbm4b:s16+s1], $0x80, $0x38;
	[tilespmem:$0x10400] =	vst v63  }
0x19f: {  	s16 =	spop (v2sf)  }
0x1a0: {  	s18 =	spop (v2sf)  }
0x1a1: {  	s16 =	sor.u32 s18, s16  }
0x1a2: {  	(v2sf) =	vpush v1, $0xD;
	s16 =	sshrl.u32 s16, $0x3  }
0x1a3: {  	(v2sf) =	vpush v0, $0xD;
	s18 =	sadd.s32 $0xC900, s2;
	s16 =	sadd.s32 s3, s16  }
0x1a4: {  	[tilespmem:s18], [sflag:$0x4] =	stream.linear.gather [hbm4b:s16+s1], $0x80, $0x38;
	[tilespmem:$0x10400] =	vst v63  }
0x1a5: {  	s16 =	spop (v2sf)  }
0x1a6: {  	s18 =	spop (v2sf)  }
0x1a7: {  	s16 =	sor.u32 s18, s16  }
0x1a8: {  	(v2sf) =	vpush v1, $0xE;
	s16 =	sshrl.u32 s16, $0x3  }
0x1a9: {  	(v2sf) =	vpush v0, $0xE;
	s18 =	sadd.s32 $0xC980, s2;
	s16 =	sadd.s32 s3, s16  }
0x1aa: {  	[tilespmem:s18], [sflag:$0x4] =	stream.linear.gather [hbm4b:s16+s1], $0x80, $0x38;
	[tilespmem:$0x10400] =	vst v63  }
0x1ab: {  	s16 =	spop (v2sf)  }
0x1ac: {  	s18 =	spop (v2sf)  }
0x1ad: {  	s16 =	sor.u32 s18, s16  }
0x1ae: {  	(v2sf) =	vpush v1, $0xF;
	s16 =	sshrl.u32 s16, $0x3  }
0x1af: {  	(v2sf) =	vpush v0, $0xF;
	s18 =	sadd.s32 $0xCA00, s2;
	s16 =	sadd.s32 s3, s16  }
0x1b0: {  	[tilespmem:s18], [sflag:$0x4] =	stream.linear.gather [hbm4b:s16+s1], $0x80, $0x38;
	[tilespmem:$0x10400] =	vst v63  }
0x1b1: {  	s16 =	spop (v2sf)  }
0x1b2: {  	s18 =	spop (v2sf)  }
0x1b3: {  	s16 =	sor.u32 s18, s16  }
0x1b4: {  	s16 =	sshrl.u32 s16, $0x3  }
0x1b5: {  	s18 =	sadd.s32 $0xCA80, s2;
	s16 =	sadd.s32 s3, s16  }
0x1b6: {  	[tilespmem:s18], [sflag:$0x4] =	stream.linear.gather [hbm4b:s16+s1], $0x80, $0x38;
	[tilespmem:$0x10400] =	vst v63  }
0x1b7: {  	s16 =	spop (v2sf)  }
0x1b8: {  	s18 =	spop (v2sf)  }
0x1b9: {  	s16 =	sor.u32 s18, s16  }
0x1ba: {  	s16 =	sshrl.u32 s16, $0x3  }
0x1bb: {  	s18 =	sadd.s32 $0xCB00, s2;
	s16 =	sadd.s32 s3, s16  }
0x1bc: {  	[tilespmem:s18], [sflag:$0x4] =	stream.linear.gather [hbm4b:s16+s1], $0x80, $0x38;
	[tilespmem:$0x10400] =	vst v63  }
0x1bd: {  	p0 =	sne.s32 s31, $0xE000;
	s16 =	spop (v2sf)  }
.Ltmp3:
0x1be: {  	s18 =	spop (v2sf);
	(pc) =	sbr.rel @p0 .LBB2_8-.Ltmp3, $4  }
0x1bf: {  	s16 =	sor.u32 s18, s16  }
0x1c0: {  	s0 =	sadd.s32 $0x10, s0;
	s16 =	sshrl.u32 s16, $0x3  }
0x1c1: {  	s31 =	sadd.s32 $0x2000, s31;
	s2 =	sadd.s32 $0xCB80, s2;
	s16 =	sadd.s32 s3, s16  }
0x1c2: {  	[tilespmem:s2], [sflag:$0x4] =	stream.linear.gather [hbm4b:s16+s1], $0x80, $0x38;
	[tilespmem:$0x10400] =	vst v63  }
0x1c3: {  	_ =	swait.ge [sflag:s21], $0x4000  }
0x1c4: {  	[sflag:s21] =	ssyncset.done $0x0  }
0x1c5: {  	s31 =	simm.s32 $0x0;
	[sflag:s21] =	ssyncadd.s32 $0xFFFFC000  }
0x1c6: {  	[hbm4b:s8+s31] =	stream.linear.scatter [tilespmem:s22], [sflag:$0x7], $0x4000, $0x38;
	[tilespmem:$0x10400] =	vst v63  }
0x1c7: {  	_ =	swait.ge [sflag:s23], $0x4000  }
0x1c8: {  	[sflag:s23] =	ssyncset.done $0x0  }
0x1c9: {  	s0 =	simm.s32 $0x200;
	[sflag:s23] =	ssyncadd.s32 $0xFFFFC000  }
.LBB2_10:
0x1ca: {  	v0 =	vld [tilespmem:s0+$0x0];
	_ =	sdelay $0x4  }
0x1cb: {  	v1 =	vshrl.u32 v0, $0x3  }
0x1cc: {  	v0 =	vand.u32 $0x7, v0;
	v1 =	vshll.u32 v1, $0xA  }
0x1cd: {  	v0 =	vshll.u32 v0, $0x7;
	(v2sf) =	vpush v1, $0x0  }
0x1ce: {  	(v2sf) =	vpush v0, $0x0;
	_ =	sdelay $0x4  }
0x1cf: {  	(v2sf) =	vpush v1, $0x1  }
0x1d0: {  	(v2sf) =	vpush v0, $0x1;
	_ =	sdelay $0x4  }
0x1d1: {  	(v2sf) =	vpush v1, $0x2  }
0x1d2: {  	(v2sf) =	vpush v0, $0x2;
	_ =	sdelay $0x1  }
0x1d3: {  	s2 =	spop (v2sf)  }
0x1d4: {  	s16 =	spop (v2sf)  }
0x1d5: {  	s16 =	sor.u32 s16, s2  }
0x1d6: {  	(v2sf) =	vpush v1, $0x3;
	s2 =	sshra.s32 s31, $0x2;
	s16 =	sshrl.u32 s16, $0x3  }
0x1d7: {  	(v2sf) =	vpush v0, $0x3;
	s18 =	sadd.s32 $0x400, s2;
	s16 =	sadd.s32 s3, s16  }
0x1d8: {  	[tilespmem:s18], [sflag:$0x1] =	stream.linear.gather [hbm4b:s16+s1], $0x80, $0x38;
	[tilespmem:$0x10400] =	vst v63  }
0x1d9: {  	s16 =	spop (v2sf)  }
0x1da: {  	s18 =	spop (v2sf)  }
0x1db: {  	s16 =	sor.u32 s18, s16  }
0x1dc: {  	(v2sf) =	vpush v1, $0x4;
	s16 =	sshrl.u32 s16, $0x3  }
0x1dd: {  	(v2sf) =	vpush v0, $0x4;
	s18 =	sadd.s32 $0x480, s2;
	s16 =	sadd.s32 s3, s16  }
0x1de: {  	[tilespmem:s18], [sflag:$0x1] =	stream.linear.gather [hbm4b:s16+s1], $0x80, $0x38;
	[tilespmem:$0x10400] =	vst v63  }
0x1df: {  	s16 =	spop (v2sf)  }
0x1e0: {  	s18 =	spop (v2sf)  }
0x1e1: {  	s16 =	sor.u32 s18, s16  }
0x1e2: {  	(v2sf) =	vpush v1, $0x5;
	s16 =	sshrl.u32 s16, $0x3  }
0x1e3: {  	(v2sf) =	vpush v0, $0x5;
	s18 =	sadd.s32 $0x500, s2;
	s16 =	sadd.s32 s3, s16  }
0x1e4: {  	[tilespmem:s18], [sflag:$0x1] =	stream.linear.gather [hbm4b:s16+s1], $0x80, $0x38;
	[tilespmem:$0x10400] =	vst v63  }
0x1e5: {  	s16 =	spop (v2sf)  }
0x1e6: {  	s18 =	spop (v2sf)  }
0x1e7: {  	s16 =	sor.u32 s18, s16  }
0x1e8: {  	(v2sf) =	vpush v1, $0x6;
	s16 =	sshrl.u32 s16, $0x3  }
0x1e9: {  	(v2sf) =	vpush v0, $0x6;
	s18 =	sadd.s32 $0x580, s2;
	s16 =	sadd.s32 s3, s16  }
0x1ea: {  	[tilespmem:s18], [sflag:$0x1] =	stream.linear.gather [hbm4b:s16+s1], $0x80, $0x38;
	[tilespmem:$0x10400] =	vst v63  }
0x1eb: {  	s16 =	spop (v2sf)  }
0x1ec: {  	s18 =	spop (v2sf)  }
0x1ed: {  	s16 =	sor.u32 s18, s16  }
0x1ee: {  	(v2sf) =	vpush v1, $0x7;
	s16 =	sshrl.u32 s16, $0x3  }
0x1ef: {  	(v2sf) =	vpush v0, $0x7;
	s18 =	sadd.s32 $0x600, s2;
	s16 =	sadd.s32 s3, s16  }
0x1f0: {  	[tilespmem:s18], [sflag:$0x1] =	stream.linear.gather [hbm4b:s16+s1], $0x80, $0x38;
	[tilespmem:$0x10400] =	vst v63  }
0x1f1: {  	s16 =	spop (v2sf)  }
0x1f2: {  	s18 =	spop (v2sf)  }
0x1f3: {  	s16 =	sor.u32 s18, s16  }
0x1f4: {  	(v2sf) =	vpush v1, $0x8;
	s16 =	sshrl.u32 s16, $0x3  }
0x1f5: {  	(v2sf) =	vpush v0, $0x8;
	s18 =	sadd.s32 $0x680, s2;
	s16 =	sadd.s32 s3, s16  }
0x1f6: {  	[tilespmem:s18], [sflag:$0x1] =	stream.linear.gather [hbm4b:s16+s1], $0x80, $0x38;
	[tilespmem:$0x10400] =	vst v63  }
0x1f7: {  	s16 =	spop (v2sf)  }
0x1f8: {  	s18 =	spop (v2sf)  }
0x1f9: {  	s16 =	sor.u32 s18, s16  }
0x1fa: {  	(v2sf) =	vpush v1, $0x9;
	s16 =	sshrl.u32 s16, $0x3  }
0x1fb: {  	(v2sf) =	vpush v0, $0x9;
	s18 =	sadd.s32 $0x700, s2;
	s16 =	sadd.s32 s3, s16  }
0x1fc: {  	[tilespmem:s18], [sflag:$0x1] =	stream.linear.gather [hbm4b:s16+s1], $0x80, $0x38;
	[tilespmem:$0x10400] =	vst v63  }
0x1fd: {  	s16 =	spop (v2sf)  }
0x1fe: {  	s18 =	spop (v2sf)  }
0x1ff: {  	s16 =	sor.u32 s18, s16  }
0x200: {  	(v2sf) =	vpush v1, $0xA;
	s16 =	sshrl.u32 s16, $0x3  }
0x201: {  	(v2sf) =	vpush v0, $0xA;
	s18 =	sadd.s32 $0x780, s2;
	s16 =	sadd.s32 s3, s16  }
0x202: {  	[tilespmem:s18], [sflag:$0x1] =	stream.linear.gather [hbm4b:s16+s1], $0x80, $0x38;
	[tilespmem:$0x10400] =	vst v63  }
0x203: {  	s16 =	spop (v2sf)  }
0x204: {  	s18 =	spop (v2sf)  }
0x205: {  	s16 =	sor.u32 s18, s16  }
0x206: {  	(v2sf) =	vpush v1, $0xB;
	s16 =	sshrl.u32 s16, $0x3  }
0x207: {  	(v2sf) =	vpush v0, $0xB;
	s18 =	sadd.s32 $0x800, s2;
	s16 =	sadd.s32 s3, s16  }
0x208: {  	[tilespmem:s18], [sflag:$0x1] =	stream.linear.gather [hbm4b:s16+s1], $0x80, $0x38;
	[tilespmem:$0x10400] =	vst v63  }
0x209: {  	s16 =	spop (v2sf)  }
0x20a: {  	s18 =	spop (v2sf)  }
0x20b: {  	s16 =	sor.u32 s18, s16  }
0x20c: {  	(v2sf) =	vpush v1, $0xC;
	s16 =	sshrl.u32 s16, $0x3  }
0x20d: {  	(v2sf) =	vpush v0, $0xC;
	s18 =	sadd.s32 $0x880, s2;
	s16 =	sadd.s32 s3, s16  }
0x20e: {  	[tilespmem:s18], [sflag:$0x1] =	stream.linear.gather [hbm4b:s16+s1], $0x80, $0x38;
	[tilespmem:$0x10400] =	vst v63  }
0x20f: {  	s16 =	spop (v2sf)  }
0x210: {  	s18 =	spop (v2sf)  }
0x211: {  	s16 =	sor.u32 s18, s16  }
0x212: {  	(v2sf) =	vpush v1, $0xD;
	s16 =	sshrl.u32 s16, $0x3  }
0x213: {  	(v2sf) =	vpush v0, $0xD;
	s18 =	sadd.s32 $0x900, s2;
	s16 =	sadd.s32 s3, s16  }
0x214: {  	[tilespmem:s18], [sflag:$0x1] =	stream.linear.gather [hbm4b:s16+s1], $0x80, $0x38;
	[tilespmem:$0x10400] =	vst v63  }
0x215: {  	s16 =	spop (v2sf)  }
0x216: {  	s18 =	spop (v2sf)  }
0x217: {  	s16 =	sor.u32 s18, s16  }
0x218: {  	(v2sf) =	vpush v1, $0xE;
	s16 =	sshrl.u32 s16, $0x3  }
0x219: {  	(v2sf) =	vpush v0, $0xE;
	s18 =	sadd.s32 $0x980, s2;
	s16 =	sadd.s32 s3, s16  }
0x21a: {  	[tilespmem:s18], [sflag:$0x1] =	stream.linear.gather [hbm4b:s16+s1], $0x80, $0x38;
	[tilespmem:$0x10400] =	vst v63  }
0x21b: {  	s16 =	spop (v2sf)  }
0x21c: {  	s18 =	spop (v2sf)  }
0x21d: {  	s16 =	sor.u32 s18, s16  }
0x21e: {  	(v2sf) =	vpush v1, $0xF;
	s16 =	sshrl.u32 s16, $0x3  }
0x21f: {  	(v2sf) =	vpush v0, $0xF;
	s18 =	sadd.s32 $0xA00, s2;
	s16 =	sadd.s32 s3, s16  }
0x220: {  	[tilespmem:s18], [sflag:$0x1] =	stream.linear.gather [hbm4b:s16+s1], $0x80, $0x38;
	[tilespmem:$0x10400] =	vst v63  }
0x221: {  	s16 =	spop (v2sf)  }
0x222: {  	s18 =	spop (v2sf)  }
0x223: {  	s16 =	sor.u32 s18, s16  }
0x224: {  	s16 =	sshrl.u32 s16, $0x3  }
0x225: {  	s18 =	sadd.s32 $0xA80, s2;
	s16 =	sadd.s32 s3, s16  }
0x226: {  	[tilespmem:s18], [sflag:$0x1] =	stream.linear.gather [hbm4b:s16+s1], $0x80, $0x38;
	[tilespmem:$0x10400] =	vst v63  }
0x227: {  	s16 =	spop (v2sf)  }
0x228: {  	s18 =	spop (v2sf)  }
0x229: {  	s16 =	sor.u32 s18, s16  }
0x22a: {  	s16 =	sshrl.u32 s16, $0x3  }
0x22b: {  	s18 =	sadd.s32 $0xB00, s2;
	s16 =	sadd.s32 s3, s16  }
0x22c: {  	[tilespmem:s18], [sflag:$0x1] =	stream.linear.gather [hbm4b:s16+s1], $0x80, $0x38;
	[tilespmem:$0x10400] =	vst v63  }
0x22d: {  	p0 =	sne.s32 s31, $0xE000;
	s16 =	spop (v2sf)  }
.Ltmp4:
0x22e: {  	s18 =	spop (v2sf);
	(pc) =	sbr.rel @p0 .LBB2_10-.Ltmp4, $4  }
0x22f: {  	s16 =	sor.u32 s18, s16  }
0x230: {  	s0 =	sadd.s32 $0x10, s0;
	s16 =	sshrl.u32 s16, $0x3  }
0x231: {  	s31 =	sadd.s32 $0x2000, s31;
	s2 =	sadd.s32 $0xB80, s2;
	s16 =	sadd.s32 s3, s16  }
0x232: {  	[tilespmem:s2], [sflag:$0x1] =	stream.linear.gather [hbm4b:s16+s1], $0x80, $0x38;
	[tilespmem:$0x10400] =	vst v63  }
0x233: {  	_ =	swait.ge [sflag:s24], $0x4000  }
0x234: {  	[sflag:s24] =	ssyncset.done $0x0  }
0x235: {  	s31 =	simm.s32 $0x0;
	[sflag:s24] =	ssyncadd.s32 $0xFFFFC000  }
0x236: {  	[hbm4b:s9+s31] =	stream.linear.scatter [tilespmem:s25], [sflag:$0x8], $0x4000, $0x38;
	[tilespmem:$0x10400] =	vst v63  }
0x237: {  	_ =	swait.ge [sflag:s26], $0x4000  }
0x238: {  	[sflag:s26] =	ssyncset.done $0x0  }
0x239: {  	s0 =	simm.s32 $0x280;
	[sflag:s26] =	ssyncadd.s32 $0xFFFFC000  }
.LBB2_12:
0x23a: {  	v0 =	vld [tilespmem:s0+$0x0];
	_ =	sdelay $0x4  }
0x23b: {  	v1 =	vshrl.u32 v0, $0x3  }
0x23c: {  	v0 =	vand.u32 $0x7, v0;
	v1 =	vshll.u32 v1, $0xA  }
0x23d: {  	v0 =	vshll.u32 v0, $0x7;
	(v2sf) =	vpush v1, $0x0  }
0x23e: {  	(v2sf) =	vpush v0, $0x0;
	_ =	sdelay $0x4  }
0x23f: {  	(v2sf) =	vpush v1, $0x1  }
0x240: {  	(v2sf) =	vpush v0, $0x1;
	_ =	sdelay $0x4  }
0x241: {  	(v2sf) =	vpush v1, $0x2  }
0x242: {  	(v2sf) =	vpush v0, $0x2;
	_ =	sdelay $0x1  }
0x243: {  	s2 =	spop (v2sf)  }
0x244: {  	s16 =	spop (v2sf)  }
0x245: {  	s16 =	sor.u32 s16, s2  }
0x246: {  	(v2sf) =	vpush v1, $0x3;
	s2 =	sshra.s32 s31, $0x2;
	s16 =	sshrl.u32 s16, $0x3  }
0x247: {  	(v2sf) =	vpush v0, $0x3;
	s18 =	sadd.s32 $0x4400, s2;
	s16 =	sadd.s32 s3, s16  }
0x248: {  	[tilespmem:s18], [sflag:$0x2] =	stream.linear.gather [hbm4b:s16+s1], $0x80, $0x38;
	[tilespmem:$0x10400] =	vst v63  }
0x249: {  	s16 =	spop (v2sf)  }
0x24a: {  	s18 =	spop (v2sf)  }
0x24b: {  	s16 =	sor.u32 s18, s16  }
0x24c: {  	(v2sf) =	vpush v1, $0x4;
	s16 =	sshrl.u32 s16, $0x3  }
0x24d: {  	(v2sf) =	vpush v0, $0x4;
	s18 =	sadd.s32 $0x4480, s2;
	s16 =	sadd.s32 s3, s16  }
0x24e: {  	[tilespmem:s18], [sflag:$0x2] =	stream.linear.gather [hbm4b:s16+s1], $0x80, $0x38;
	[tilespmem:$0x10400] =	vst v63  }
0x24f: {  	s16 =	spop (v2sf)  }
0x250: {  	s18 =	spop (v2sf)  }
0x251: {  	s16 =	sor.u32 s18, s16  }
0x252: {  	(v2sf) =	vpush v1, $0x5;
	s16 =	sshrl.u32 s16, $0x3  }
0x253: {  	(v2sf) =	vpush v0, $0x5;
	s18 =	sadd.s32 $0x4500, s2;
	s16 =	sadd.s32 s3, s16  }
0x254: {  	[tilespmem:s18], [sflag:$0x2] =	stream.linear.gather [hbm4b:s16+s1], $0x80, $0x38;
	[tilespmem:$0x10400] =	vst v63  }
0x255: {  	s16 =	spop (v2sf)  }
0x256: {  	s18 =	spop (v2sf)  }
0x257: {  	s16 =	sor.u32 s18, s16  }
0x258: {  	(v2sf) =	vpush v1, $0x6;
	s16 =	sshrl.u32 s16, $0x3  }
0x259: {  	(v2sf) =	vpush v0, $0x6;
	s18 =	sadd.s32 $0x4580, s2;
	s16 =	sadd.s32 s3, s16  }
0x25a: {  	[tilespmem:s18], [sflag:$0x2] =	stream.linear.gather [hbm4b:s16+s1], $0x80, $0x38;
	[tilespmem:$0x10400] =	vst v63  }
0x25b: {  	s16 =	spop (v2sf)  }
0x25c: {  	s18 =	spop (v2sf)  }
0x25d: {  	s16 =	sor.u32 s18, s16  }
0x25e: {  	(v2sf) =	vpush v1, $0x7;
	s16 =	sshrl.u32 s16, $0x3  }
0x25f: {  	(v2sf) =	vpush v0, $0x7;
	s18 =	sadd.s32 $0x4600, s2;
	s16 =	sadd.s32 s3, s16  }
0x260: {  	[tilespmem:s18], [sflag:$0x2] =	stream.linear.gather [hbm4b:s16+s1], $0x80, $0x38;
	[tilespmem:$0x10400] =	vst v63  }
0x261: {  	s16 =	spop (v2sf)  }
0x262: {  	s18 =	spop (v2sf)  }
0x263: {  	s16 =	sor.u32 s18, s16  }
0x264: {  	(v2sf) =	vpush v1, $0x8;
	s16 =	sshrl.u32 s16, $0x3  }
0x265: {  	(v2sf) =	vpush v0, $0x8;
	s18 =	sadd.s32 $0x4680, s2;
	s16 =	sadd.s32 s3, s16  }
0x266: {  	[tilespmem:s18], [sflag:$0x2] =	stream.linear.gather [hbm4b:s16+s1], $0x80, $0x38;
	[tilespmem:$0x10400] =	vst v63  }
0x267: {  	s16 =	spop (v2sf)  }
0x268: {  	s18 =	spop (v2sf)  }
0x269: {  	s16 =	sor.u32 s18, s16  }
0x26a: {  	(v2sf) =	vpush v1, $0x9;
	s16 =	sshrl.u32 s16, $0x3  }
0x26b: {  	(v2sf) =	vpush v0, $0x9;
	s18 =	sadd.s32 $0x4700, s2;
	s16 =	sadd.s32 s3, s16  }
0x26c: {  	[tilespmem:s18], [sflag:$0x2] =	stream.linear.gather [hbm4b:s16+s1], $0x80, $0x38;
	[tilespmem:$0x10400] =	vst v63  }
0x26d: {  	s16 =	spop (v2sf)  }
0x26e: {  	s18 =	spop (v2sf)  }
0x26f: {  	s16 =	sor.u32 s18, s16  }
0x270: {  	(v2sf) =	vpush v1, $0xA;
	s16 =	sshrl.u32 s16, $0x3  }
0x271: {  	(v2sf) =	vpush v0, $0xA;
	s18 =	sadd.s32 $0x4780, s2;
	s16 =	sadd.s32 s3, s16  }
0x272: {  	[tilespmem:s18], [sflag:$0x2] =	stream.linear.gather [hbm4b:s16+s1], $0x80, $0x38;
	[tilespmem:$0x10400] =	vst v63  }
0x273: {  	s16 =	spop (v2sf)  }
0x274: {  	s18 =	spop (v2sf)  }
0x275: {  	s16 =	sor.u32 s18, s16  }
0x276: {  	(v2sf) =	vpush v1, $0xB;
	s16 =	sshrl.u32 s16, $0x3  }
0x277: {  	(v2sf) =	vpush v0, $0xB;
	s18 =	sadd.s32 $0x4800, s2;
	s16 =	sadd.s32 s3, s16  }
0x278: {  	[tilespmem:s18], [sflag:$0x2] =	stream.linear.gather [hbm4b:s16+s1], $0x80, $0x38;
	[tilespmem:$0x10400] =	vst v63  }
0x279: {  	s16 =	spop (v2sf)  }
0x27a: {  	s18 =	spop (v2sf)  }
0x27b: {  	s16 =	sor.u32 s18, s16  }
0x27c: {  	(v2sf) =	vpush v1, $0xC;
	s16 =	sshrl.u32 s16, $0x3  }
0x27d: {  	(v2sf) =	vpush v0, $0xC;
	s18 =	sadd.s32 $0x4880, s2;
	s16 =	sadd.s32 s3, s16  }
0x27e: {  	[tilespmem:s18], [sflag:$0x2] =	stream.linear.gather [hbm4b:s16+s1], $0x80, $0x38;
	[tilespmem:$0x10400] =	vst v63  }
0x27f: {  	s16 =	spop (v2sf)  }
0x280: {  	s18 =	spop (v2sf)  }
0x281: {  	s16 =	sor.u32 s18, s16  }
0x282: {  	(v2sf) =	vpush v1, $0xD;
	s16 =	sshrl.u32 s16, $0x3  }
0x283: {  	(v2sf) =	vpush v0, $0xD;
	s18 =	sadd.s32 $0x4900, s2;
	s16 =	sadd.s32 s3, s16  }
0x284: {  	[tilespmem:s18], [sflag:$0x2] =	stream.linear.gather [hbm4b:s16+s1], $0x80, $0x38;
	[tilespmem:$0x10400] =	vst v63  }
0x285: {  	s16 =	spop (v2sf)  }
0x286: {  	s18 =	spop (v2sf)  }
0x287: {  	s16 =	sor.u32 s18, s16  }
0x288: {  	(v2sf) =	vpush v1, $0xE;
	s16 =	sshrl.u32 s16, $0x3  }
0x289: {  	(v2sf) =	vpush v0, $0xE;
	s18 =	sadd.s32 $0x4980, s2;
	s16 =	sadd.s32 s3, s16  }
0x28a: {  	[tilespmem:s18], [sflag:$0x2] =	stream.linear.gather [hbm4b:s16+s1], $0x80, $0x38;
	[tilespmem:$0x10400] =	vst v63  }
0x28b: {  	s16 =	spop (v2sf)  }
0x28c: {  	s18 =	spop (v2sf)  }
0x28d: {  	s16 =	sor.u32 s18, s16  }
0x28e: {  	(v2sf) =	vpush v1, $0xF;
	s16 =	sshrl.u32 s16, $0x3  }
0x28f: {  	(v2sf) =	vpush v0, $0xF;
	s18 =	sadd.s32 $0x4A00, s2;
	s16 =	sadd.s32 s3, s16  }
0x290: {  	[tilespmem:s18], [sflag:$0x2] =	stream.linear.gather [hbm4b:s16+s1], $0x80, $0x38;
	[tilespmem:$0x10400] =	vst v63  }
0x291: {  	s16 =	spop (v2sf)  }
0x292: {  	s18 =	spop (v2sf)  }
0x293: {  	s16 =	sor.u32 s18, s16  }
0x294: {  	s16 =	sshrl.u32 s16, $0x3  }
0x295: {  	s18 =	sadd.s32 $0x4A80, s2;
	s16 =	sadd.s32 s3, s16  }
0x296: {  	[tilespmem:s18], [sflag:$0x2] =	stream.linear.gather [hbm4b:s16+s1], $0x80, $0x38;
	[tilespmem:$0x10400] =	vst v63  }
0x297: {  	s16 =	spop (v2sf)  }
0x298: {  	s18 =	spop (v2sf)  }
0x299: {  	s16 =	sor.u32 s18, s16  }
0x29a: {  	s16 =	sshrl.u32 s16, $0x3  }
0x29b: {  	s18 =	sadd.s32 $0x4B00, s2;
	s16 =	sadd.s32 s3, s16  }
0x29c: {  	[tilespmem:s18], [sflag:$0x2] =	stream.linear.gather [hbm4b:s16+s1], $0x80, $0x38;
	[tilespmem:$0x10400] =	vst v63  }
0x29d: {  	p0 =	sne.s32 s31, $0xE000;
	s16 =	spop (v2sf)  }
.Ltmp5:
0x29e: {  	s18 =	spop (v2sf);
	(pc) =	sbr.rel @p0 .LBB2_12-.Ltmp5, $4  }
0x29f: {  	s16 =	sor.u32 s18, s16  }
0x2a0: {  	s0 =	sadd.s32 $0x10, s0;
	s16 =	sshrl.u32 s16, $0x3  }
0x2a1: {  	s31 =	sadd.s32 $0x2000, s31;
	s2 =	sadd.s32 $0x4B80, s2;
	s16 =	sadd.s32 s3, s16  }
0x2a2: {  	[tilespmem:s2], [sflag:$0x2] =	stream.linear.gather [hbm4b:s16+s1], $0x80, $0x38;
	[tilespmem:$0x10400] =	vst v63  }
0x2a3: {  	_ =	swait.ge [sflag:s17], $0x4000  }
0x2a4: {  	[sflag:s17] =	ssyncset.done $0x0  }
0x2a5: {  	s31 =	simm.s32 $0x0;
	[sflag:s17] =	ssyncadd.s32 $0xFFFFC000  }
0x2a6: {  	[hbm4b:s10+s31] =	stream.linear.scatter [tilespmem:s20], [sflag:$0x5], $0x4000, $0x38;
	[tilespmem:$0x10400] =	vst v63  }
0x2a7: {  	_ =	swait.ge [sflag:s28], $0x4000  }
0x2a8: {  	[sflag:s28] =	ssyncset.done $0x0  }
0x2a9: {  	s0 =	simm.s32 $0x300;
	[sflag:s28] =	ssyncadd.s32 $0xFFFFC000  }
.LBB2_14:
0x2aa: {  	v0 =	vld [tilespmem:s0+$0x0];
	_ =	sdelay $0x4  }
0x2ab: {  	v1 =	vshrl.u32 v0, $0x3  }
0x2ac: {  	v0 =	vand.u32 $0x7, v0;
	v1 =	vshll.u32 v1, $0xA  }
0x2ad: {  	v0 =	vshll.u32 v0, $0x7;
	(v2sf) =	vpush v1, $0x0  }
0x2ae: {  	(v2sf) =	vpush v0, $0x0;
	_ =	sdelay $0x4  }
0x2af: {  	(v2sf) =	vpush v1, $0x1  }
0x2b0: {  	(v2sf) =	vpush v0, $0x1;
	_ =	sdelay $0x2  }
0x2b1: {  	(v2sf) =	vpush v1, $0x2;
	_ =	sdelay $0x1  }
0x2b2: {  	(v2sf) =	vpush v0, $0x2;
	_ =	sdelay $0x2  }
0x2b3: {  	s2 =	spop (v2sf)  }
0x2b4: {  	s16 =	spop (v2sf)  }
0x2b5: {  	(v2sf) =	vpush v1, $0x3;
	s16 =	sor.u32 s16, s2  }
0x2b6: {  	(v2sf) =	vpush v0, $0x3;
	s2 =	sshra.s32 s31, $0x2;
	s16 =	sshrl.u32 s16, $0x3  }
0x2b7: {  	s18 =	sadd.s32 $0x8400, s2;
	s16 =	sadd.s32 s3, s16  }
0x2b8: {  	[tilespmem:s18], [sflag:$0x3] =	stream.linear.gather [hbm4b:s16+s1], $0x80, $0x38;
	[tilespmem:$0x10400] =	vst v63  }
0x2b9: {  	s18 =	spop (v2sf)  }
0x2ba: {  	s20 =	spop (v2sf)  }
0x2bb: {  	(v2sf) =	vpush v1, $0x4;
	s16 =	sor.u32 s20, s18  }
0x2bc: {  	(v2sf) =	vpush v0, $0x4;
	s16 =	sshrl.u32 s16, $0x3  }
0x2bd: {  	s20 =	sadd.s32 $0x8480, s2;
	s18 =	spop (v2sf);
	s16 =	sadd.s32 s3, s16  }
0x2be: {  	[tilespmem:s20], [sflag:$0x3] =	stream.linear.gather [hbm4b:s16+s1], $0x80, $0x38;
	[tilespmem:$0x10400] =	vst v63  }
0x2bf: {  	(v2sf) =	vpush v1, $0x5;
	s20 =	spop (v2sf)  }
0x2c0: {  	s16 =	sor.u32 s20, s18  }
0x2c1: {  	(v2sf) =	vpush v0, $0x5;
	s16 =	sshrl.u32 s16, $0x3  }
0x2c2: {  	s20 =	sadd.s32 $0x8500, s2;
	s16 =	sadd.s32 s3, s16  }
0x2c3: {  	[tilespmem:s20], [sflag:$0x3] =	stream.linear.gather [hbm4b:s16+s1], $0x80, $0x38;
	[tilespmem:$0x10400] =	vst v63  }
0x2c4: {  	s18 =	spop (v2sf)  }
0x2c5: {  	s20 =	spop (v2sf)  }
0x2c6: {  	(v2sf) =	vpush v1, $0x6;
	s16 =	sor.u32 s20, s18  }
0x2c7: {  	(v2sf) =	vpush v0, $0x6;
	s16 =	sshrl.u32 s16, $0x3  }
0x2c8: {  	s20 =	sadd.s32 $0x8580, s2;
	s16 =	sadd.s32 s3, s16  }
0x2c9: {  	[tilespmem:s20], [sflag:$0x3] =	stream.linear.gather [hbm4b:s16+s1], $0x80, $0x38;
	[tilespmem:$0x10400] =	vst v63  }
0x2ca: {  	s18 =	spop (v2sf)  }
0x2cb: {  	s20 =	spop (v2sf)  }
0x2cc: {  	(v2sf) =	vpush v1, $0x7;
	s16 =	sor.u32 s20, s18  }
0x2cd: {  	(v2sf) =	vpush v0, $0x7;
	s16 =	sshrl.u32 s16, $0x3  }
0x2ce: {  	s20 =	sadd.s32 $0x8600, s2;
	s18 =	spop (v2sf);
	s16 =	sadd.s32 s3, s16  }
0x2cf: {  	[tilespmem:s20], [sflag:$0x3] =	stream.linear.gather [hbm4b:s16+s1], $0x80, $0x38;
	[tilespmem:$0x10400] =	vst v63  }
0x2d0: {  	(v2sf) =	vpush v1, $0x8;
	s20 =	spop (v2sf)  }
0x2d1: {  	s16 =	sor.u32 s20, s18  }
0x2d2: {  	(v2sf) =	vpush v0, $0x8;
	s16 =	sshrl.u32 s16, $0x3  }
0x2d3: {  	s20 =	sadd.s32 $0x8680, s2;
	s16 =	sadd.s32 s3, s16  }
0x2d4: {  	[tilespmem:s20], [sflag:$0x3] =	stream.linear.gather [hbm4b:s16+s1], $0x80, $0x38;
	[tilespmem:$0x10400] =	vst v63  }
0x2d5: {  	s18 =	spop (v2sf)  }
0x2d6: {  	s20 =	spop (v2sf)  }
0x2d7: {  	(v2sf) =	vpush v1, $0x9;
	s16 =	sor.u32 s20, s18  }
0x2d8: {  	(v2sf) =	vpush v0, $0x9;
	s16 =	sshrl.u32 s16, $0x3  }
0x2d9: {  	s20 =	sadd.s32 $0x8700, s2;
	s16 =	sadd.s32 s3, s16  }
0x2da: {  	[tilespmem:s20], [sflag:$0x3] =	stream.linear.gather [hbm4b:s16+s1], $0x80, $0x38;
	[tilespmem:$0x10400] =	vst v63  }
0x2db: {  	s18 =	spop (v2sf)  }
0x2dc: {  	s20 =	spop (v2sf)  }
0x2dd: {  	(v2sf) =	vpush v1, $0xA;
	s16 =	sor.u32 s20, s18  }
0x2de: {  	(v2sf) =	vpush v0, $0xA;
	s16 =	sshrl.u32 s16, $0x3  }
0x2df: {  	s20 =	sadd.s32 $0x8780, s2;
	s18 =	spop (v2sf);
	s16 =	sadd.s32 s3, s16  }
0x2e0: {  	[tilespmem:s20], [sflag:$0x3] =	stream.linear.gather [hbm4b:s16+s1], $0x80, $0x38;
	[tilespmem:$0x10400] =	vst v63  }
0x2e1: {  	(v2sf) =	vpush v1, $0xB;
	s20 =	spop (v2sf)  }
0x2e2: {  	s16 =	sor.u32 s20, s18  }
0x2e3: {  	(v2sf) =	vpush v0, $0xB;
	s16 =	sshrl.u32 s16, $0x3  }
0x2e4: {  	s20 =	sadd.s32 $0x8800, s2;
	s16 =	sadd.s32 s3, s16  }
0x2e5: {  	[tilespmem:s20], [sflag:$0x3] =	stream.linear.gather [hbm4b:s16+s1], $0x80, $0x38;
	[tilespmem:$0x10400] =	vst v63  }
0x2e6: {  	s18 =	spop (v2sf)  }
0x2e7: {  	s20 =	spop (v2sf)  }
0x2e8: {  	(v2sf) =	vpush v1, $0xC;
	s16 =	sor.u32 s20, s18  }
0x2e9: {  	(v2sf) =	vpush v0, $0xC;
	s16 =	sshrl.u32 s16, $0x3  }
0x2ea: {  	s20 =	sadd.s32 $0x8880, s2;
	s16 =	sadd.s32 s3, s16  }
0x2eb: {  	[tilespmem:s20], [sflag:$0x3] =	stream.linear.gather [hbm4b:s16+s1], $0x80, $0x38;
	[tilespmem:$0x10400] =	vst v63  }
0x2ec: {  	s18 =	spop (v2sf)  }
0x2ed: {  	s20 =	spop (v2sf)  }
0x2ee: {  	(v2sf) =	vpush v1, $0xD;
	s16 =	sor.u32 s20, s18  }
0x2ef: {  	(v2sf) =	vpush v0, $0xD;
	s16 =	sshrl.u32 s16, $0x3  }
0x2f0: {  	s20 =	sadd.s32 $0x8900, s2;
	s18 =	spop (v2sf);
	s16 =	sadd.s32 s3, s16  }
0x2f1: {  	[tilespmem:s20], [sflag:$0x3] =	stream.linear.gather [hbm4b:s16+s1], $0x80, $0x38;
	[tilespmem:$0x10400] =	vst v63  }
0x2f2: {  	(v2sf) =	vpush v1, $0xE;
	s20 =	spop (v2sf)  }
0x2f3: {  	s16 =	sor.u32 s20, s18  }
0x2f4: {  	(v2sf) =	vpush v0, $0xE;
	s16 =	sshrl.u32 s16, $0x3  }
0x2f5: {  	s20 =	sadd.s32 $0x8980, s2;
	s16 =	sadd.s32 s3, s16  }
0x2f6: {  	[tilespmem:s20], [sflag:$0x3] =	stream.linear.gather [hbm4b:s16+s1], $0x80, $0x38;
	[tilespmem:$0x10400] =	vst v63  }
0x2f7: {  	s18 =	spop (v2sf)  }
0x2f8: {  	s20 =	spop (v2sf)  }
0x2f9: {  	(v2sf) =	vpush v1, $0xF;
	s16 =	sor.u32 s20, s18  }
0x2fa: {  	(v2sf) =	vpush v0, $0xF;
	s16 =	sshrl.u32 s16, $0x3  }
0x2fb: {  	s20 =	sadd.s32 $0x8A00, s2;
	s16 =	sadd.s32 s3, s16  }
0x2fc: {  	[tilespmem:s20], [sflag:$0x3] =	stream.linear.gather [hbm4b:s16+s1], $0x80, $0x38;
	[tilespmem:$0x10400] =	vst v63  }
0x2fd: {  	s18 =	spop (v2sf)  }
0x2fe: {  	s20 =	spop (v2sf)  }
0x2ff: {  	s16 =	sor.u32 s20, s18  }
0x300: {  	s16 =	sshrl.u32 s16, $0x3  }
0x301: {  	s20 =	sadd.s32 $0x8A80, s2;
	s18 =	spop (v2sf);
	s16 =	sadd.s32 s3, s16  }
0x302: {  	[tilespmem:s20], [sflag:$0x3] =	stream.linear.gather [hbm4b:s16+s1], $0x80, $0x38;
	[tilespmem:$0x10400] =	vst v63  }
0x303: {  	s20 =	spop (v2sf)  }
0x304: {  	s16 =	sor.u32 s20, s18  }
0x305: {  	s16 =	sshrl.u32 s16, $0x3  }
0x306: {  	s20 =	sadd.s32 $0x8B00, s2;
	s16 =	sadd.s32 s3, s16  }
0x307: {  	[tilespmem:s20], [sflag:$0x3] =	stream.linear.gather [hbm4b:s16+s1], $0x80, $0x38;
	[tilespmem:$0x10400] =	vst v63  }
0x308: {  	p0 =	sne.s32 s31, $0xE000;
	s18 =	spop (v2sf)  }
.Ltmp6:
0x309: {  	s20 =	spop (v2sf);
	(pc) =	sbr.rel @p0 .LBB2_14-.Ltmp6, $4  }
0x30a: {  	s16 =	sor.u32 s20, s18  }
0x30b: {  	s0 =	sadd.s32 $0x10, s0;
	s16 =	sshrl.u32 s16, $0x3  }
0x30c: {  	s31 =	sadd.s32 $0x2000, s31;
	s2 =	sadd.s32 $0x8B80, s2;
	s16 =	sadd.s32 s3, s16  }
0x30d: {  	[tilespmem:s2], [sflag:$0x3] =	stream.linear.gather [hbm4b:s16+s1], $0x80, $0x38;
	[tilespmem:$0x10400] =	vst v63  }
0x30e: {  	_ =	swait.ge [sflag:s19], $0x4000  }
0x30f: {  	[sflag:s19] =	ssyncset.done $0x0  }
0x310: {  	s31 =	simm.s32 $0x0;
	s0 =	simm.s32 $0x4400;
	[sflag:s19] =	ssyncadd.s32 $0xFFFFC000  }
0x311: {  	[hbm4b:s11+s31] =	stream.linear.scatter [tilespmem:s0], [sflag:$0x6], $0x4000, $0x38;
	[tilespmem:$0x10400] =	vst v63  }
0x312: {  	_ =	swait.ge [sflag:s29], $0x4000  }
0x313: {  	[sflag:s29] =	ssyncset.done $0x0  }
0x314: {  	s0 =	simm.s32 $0x380;
	[sflag:s29] =	ssyncadd.s32 $0xFFFFC000  }
.LBB2_16:
0x315: {  	v0 =	vld [tilespmem:s0+$0x0];
	_ =	sdelay $0x4  }
0x316: {  	v1 =	vshrl.u32 v0, $0x3  }
0x317: {  	v0 =	vand.u32 $0x7, v0;
	v1 =	vshll.u32 v1, $0xA  }
0x318: {  	v0 =	vshll.u32 v0, $0x7;
	(v2sf) =	vpush v1, $0x0  }
0x319: {  	(v2sf) =	vpush v0, $0x0;
	_ =	sdelay $0x4  }
0x31a: {  	(v2sf) =	vpush v1, $0x1  }
0x31b: {  	(v2sf) =	vpush v0, $0x1;
	_ =	sdelay $0x2  }
0x31c: {  	(v2sf) =	vpush v1, $0x2;
	_ =	sdelay $0x1  }
0x31d: {  	(v2sf) =	vpush v0, $0x2;
	_ =	sdelay $0x2  }
0x31e: {  	s2 =	spop (v2sf)  }
0x31f: {  	s16 =	spop (v2sf)  }
0x320: {  	(v2sf) =	vpush v1, $0x3;
	s16 =	sor.u32 s16, s2  }
0x321: {  	(v2sf) =	vpush v0, $0x3;
	s2 =	sshra.s32 s31, $0x2;
	s16 =	sshrl.u32 s16, $0x3  }
0x322: {  	s18 =	sadd.s32 $0xC400, s2;
	s16 =	sadd.s32 s3, s16  }
0x323: {  	[tilespmem:s18], [sflag:$0x4] =	stream.linear.gather [hbm4b:s16+s1], $0x80, $0x38;
	[tilespmem:$0x10400] =	vst v63  }
0x324: {  	s18 =	spop (v2sf)  }
0x325: {  	s20 =	spop (v2sf)  }
0x326: {  	(v2sf) =	vpush v1, $0x4;
	s16 =	sor.u32 s20, s18  }
0x327: {  	(v2sf) =	vpush v0, $0x4;
	s16 =	sshrl.u32 s16, $0x3  }
0x328: {  	s20 =	sadd.s32 $0xC480, s2;
	s18 =	spop (v2sf);
	s16 =	sadd.s32 s3, s16  }
0x329: {  	[tilespmem:s20], [sflag:$0x4] =	stream.linear.gather [hbm4b:s16+s1], $0x80, $0x38;
	[tilespmem:$0x10400] =	vst v63  }
0x32a: {  	(v2sf) =	vpush v1, $0x5;
	s20 =	spop (v2sf)  }
0x32b: {  	s16 =	sor.u32 s20, s18  }
0x32c: {  	(v2sf) =	vpush v0, $0x5;
	s16 =	sshrl.u32 s16, $0x3  }
0x32d: {  	s20 =	sadd.s32 $0xC500, s2;
	s16 =	sadd.s32 s3, s16  }
0x32e: {  	[tilespmem:s20], [sflag:$0x4] =	stream.linear.gather [hbm4b:s16+s1], $0x80, $0x38;
	[tilespmem:$0x10400] =	vst v63  }
0x32f: {  	s18 =	spop (v2sf)  }
0x330: {  	s20 =	spop (v2sf)  }
0x331: {  	(v2sf) =	vpush v1, $0x6;
	s16 =	sor.u32 s20, s18  }
0x332: {  	(v2sf) =	vpush v0, $0x6;
	s16 =	sshrl.u32 s16, $0x3  }
0x333: {  	s20 =	sadd.s32 $0xC580, s2;
	s16 =	sadd.s32 s3, s16  }
0x334: {  	[tilespmem:s20], [sflag:$0x4] =	stream.linear.gather [hbm4b:s16+s1], $0x80, $0x38;
	[tilespmem:$0x10400] =	vst v63  }
0x335: {  	s18 =	spop (v2sf)  }
0x336: {  	s20 =	spop (v2sf)  }
0x337: {  	(v2sf) =	vpush v1, $0x7;
	s16 =	sor.u32 s20, s18  }
0x338: {  	(v2sf) =	vpush v0, $0x7;
	s16 =	sshrl.u32 s16, $0x3  }
0x339: {  	s20 =	sadd.s32 $0xC600, s2;
	s18 =	spop (v2sf);
	s16 =	sadd.s32 s3, s16  }
0x33a: {  	[tilespmem:s20], [sflag:$0x4] =	stream.linear.gather [hbm4b:s16+s1], $0x80, $0x38;
	[tilespmem:$0x10400] =	vst v63  }
0x33b: {  	(v2sf) =	vpush v1, $0x8;
	s20 =	spop (v2sf)  }
0x33c: {  	s16 =	sor.u32 s20, s18  }
0x33d: {  	(v2sf) =	vpush v0, $0x8;
	s16 =	sshrl.u32 s16, $0x3  }
0x33e: {  	s20 =	sadd.s32 $0xC680, s2;
	s16 =	sadd.s32 s3, s16  }
0x33f: {  	[tilespmem:s20], [sflag:$0x4] =	stream.linear.gather [hbm4b:s16+s1], $0x80, $0x38;
	[tilespmem:$0x10400] =	vst v63  }
0x340: {  	s18 =	spop (v2sf)  }
0x341: {  	s20 =	spop (v2sf)  }
0x342: {  	(v2sf) =	vpush v1, $0x9;
	s16 =	sor.u32 s20, s18  }
0x343: {  	(v2sf) =	vpush v0, $0x9;
	s16 =	sshrl.u32 s16, $0x3  }
0x344: {  	s20 =	sadd.s32 $0xC700, s2;
	s16 =	sadd.s32 s3, s16  }
0x345: {  	[tilespmem:s20], [sflag:$0x4] =	stream.linear.gather [hbm4b:s16+s1], $0x80, $0x38;
	[tilespmem:$0x10400] =	vst v63  }
0x346: {  	s18 =	spop (v2sf)  }
0x347: {  	s20 =	spop (v2sf)  }
0x348: {  	(v2sf) =	vpush v1, $0xA;
	s16 =	sor.u32 s20, s18  }
0x349: {  	(v2sf) =	vpush v0, $0xA;
	s16 =	sshrl.u32 s16, $0x3  }
0x34a: {  	s20 =	sadd.s32 $0xC780, s2;
	s18 =	spop (v2sf);
	s16 =	sadd.s32 s3, s16  }
0x34b: {  	[tilespmem:s20], [sflag:$0x4] =	stream.linear.gather [hbm4b:s16+s1], $0x80, $0x38;
	[tilespmem:$0x10400] =	vst v63  }
0x34c: {  	(v2sf) =	vpush v1, $0xB;
	s20 =	spop (v2sf)  }
0x34d: {  	s16 =	sor.u32 s20, s18  }
0x34e: {  	(v2sf) =	vpush v0, $0xB;
	s16 =	sshrl.u32 s16, $0x3  }
0x34f: {  	s20 =	sadd.s32 $0xC800, s2;
	s16 =	sadd.s32 s3, s16  }
0x350: {  	[tilespmem:s20], [sflag:$0x4] =	stream.linear.gather [hbm4b:s16+s1], $0x80, $0x38;
	[tilespmem:$0x10400] =	vst v63  }
0x351: {  	s18 =	spop (v2sf)  }
0x352: {  	s20 =	spop (v2sf)  }
0x353: {  	(v2sf) =	vpush v1, $0xC;
	s16 =	sor.u32 s20, s18  }
0x354: {  	(v2sf) =	vpush v0, $0xC;
	s16 =	sshrl.u32 s16, $0x3  }
0x355: {  	s20 =	sadd.s32 $0xC880, s2;
	s16 =	sadd.s32 s3, s16  }
0x356: {  	[tilespmem:s20], [sflag:$0x4] =	stream.linear.gather [hbm4b:s16+s1], $0x80, $0x38;
	[tilespmem:$0x10400] =	vst v63  }
0x357: {  	s18 =	spop (v2sf)  }
0x358: {  	s20 =	spop (v2sf)  }
0x359: {  	(v2sf) =	vpush v1, $0xD;
	s16 =	sor.u32 s20, s18  }
0x35a: {  	(v2sf) =	vpush v0, $0xD;
	s16 =	sshrl.u32 s16, $0x3  }
0x35b: {  	s20 =	sadd.s32 $0xC900, s2;
	s18 =	spop (v2sf);
	s16 =	sadd.s32 s3, s16  }
0x35c: {  	[tilespmem:s20], [sflag:$0x4] =	stream.linear.gather [hbm4b:s16+s1], $0x80, $0x38;
	[tilespmem:$0x10400] =	vst v63  }
0x35d: {  	(v2sf) =	vpush v1, $0xE;
	s20 =	spop (v2sf)  }
0x35e: {  	s16 =	sor.u32 s20, s18  }
0x35f: {  	(v2sf) =	vpush v0, $0xE;
	s16 =	sshrl.u32 s16, $0x3  }
0x360: {  	s20 =	sadd.s32 $0xC980, s2;
	s16 =	sadd.s32 s3, s16  }
0x361: {  	[tilespmem:s20], [sflag:$0x4] =	stream.linear.gather [hbm4b:s16+s1], $0x80, $0x38;
	[tilespmem:$0x10400] =	vst v63  }
0x362: {  	s18 =	spop (v2sf)  }
0x363: {  	s20 =	spop (v2sf)  }
0x364: {  	(v2sf) =	vpush v1, $0xF;
	s16 =	sor.u32 s20, s18  }
0x365: {  	(v2sf) =	vpush v0, $0xF;
	s16 =	sshrl.u32 s16, $0x3  }
0x366: {  	s20 =	sadd.s32 $0xCA00, s2;
	s16 =	sadd.s32 s3, s16  }
0x367: {  	[tilespmem:s20], [sflag:$0x4] =	stream.linear.gather [hbm4b:s16+s1], $0x80, $0x38;
	[tilespmem:$0x10400] =	vst v63  }
0x368: {  	s18 =	spop (v2sf)  }
0x369: {  	s20 =	spop (v2sf)  }
0x36a: {  	s16 =	sor.u32 s20, s18  }
0x36b: {  	s16 =	sshrl.u32 s16, $0x3  }
0x36c: {  	s20 =	sadd.s32 $0xCA80, s2;
	s18 =	spop (v2sf);
	s16 =	sadd.s32 s3, s16  }
0x36d: {  	[tilespmem:s20], [sflag:$0x4] =	stream.linear.gather [hbm4b:s16+s1], $0x80, $0x38;
	[tilespmem:$0x10400] =	vst v63  }
0x36e: {  	s20 =	spop (v2sf)  }
0x36f: {  	s16 =	sor.u32 s20, s18  }
0x370: {  	s16 =	sshrl.u32 s16, $0x3  }
0x371: {  	s20 =	sadd.s32 $0xCB00, s2;
	s16 =	sadd.s32 s3, s16  }
0x372: {  	[tilespmem:s20], [sflag:$0x4] =	stream.linear.gather [hbm4b:s16+s1], $0x80, $0x38;
	[tilespmem:$0x10400] =	vst v63  }
0x373: {  	p0 =	sne.s32 s31, $0xE000;
	s18 =	spop (v2sf)  }
.Ltmp7:
0x374: {  	s20 =	spop (v2sf);
	(pc) =	sbr.rel @p0 .LBB2_16-.Ltmp7, $4  }
0x375: {  	s16 =	sor.u32 s20, s18  }
0x376: {  	s0 =	sadd.s32 $0x10, s0;
	s16 =	sshrl.u32 s16, $0x3  }
0x377: {  	s31 =	sadd.s32 $0x2000, s31;
	s2 =	sadd.s32 $0xCB80, s2;
	s16 =	sadd.s32 s3, s16  }
0x378: {  	[tilespmem:s2], [sflag:$0x4] =	stream.linear.gather [hbm4b:s16+s1], $0x80, $0x38;
	[tilespmem:$0x10400] =	vst v63  }
0x379: {  	_ =	swait.ge [sflag:s21], $0x4000  }
0x37a: {  	[sflag:s21] =	ssyncset.done $0x0  }
0x37b: {  	[sflag:s21] =	ssyncadd.s32 $0xFFFFC000  }
0x37c: {  	[hbm4b:s12+s1] =	stream.linear.scatter [tilespmem:s22], [sflag:$0x7], $0x4000, $0x38;
	[tilespmem:$0x10400] =	vst v63  }
0x37d: {  	_ =	swait.ge [sflag:s24], $0x4000  }
0x37e: {  	[sflag:s24] =	ssyncset.done $0x0  }
0x37f: {  	[sflag:s24] =	ssyncadd.s32 $0xFFFFC000  }
0x380: {  	[hbm4b:s13+s1] =	stream.linear.scatter [tilespmem:s25], [sflag:$0x8], $0x4000, $0x38;
	[tilespmem:$0x10400] =	vst v63  }
0x381: {  	_ =	swait.ge [sflag:s23], $0x4000  }
0x382: {  	[sflag:s23] =	ssyncset.done $0x0  }
0x383: {  	[sflag:s23] =	ssyncadd.s32 $0xFFFFC000  }
0x384: {  	_ =	swait.ge [sflag:s26], $0x4000  }
0x385: {  	[sflag:s26] =	ssyncset.done $0x0  }
0x386: {  	s30 =	sadd.s32 $0x1, s30;
	[sflag:s26] =	ssyncadd.s32 $0xFFFFC000  }
0x387: {  	p0 =	sne.s32 s30, s14;
	_ =	swait.ge [sflag:s28], $0x4000  }
.Ltmp8:
0x388: {  	[sflag:s28] =	ssyncset.done $0x0;
	(pc) =	sbr.rel @p0 .LBB2_1-.Ltmp8, $4  }
0x389: {  	[sflag:s28] =	ssyncadd.s32 $0xFFFFC000  }
0x38a: {  	_ =	swait.ge [sflag:s29], $0x4000  }
0x38b: {  	[sflag:s29] =	ssyncset.done $0x0  }
0x38c: {  	[sflag:s29] =	ssyncadd.s32 $0xFFFFC000  }
0x38d: {  	_ =	sfence.sel $0x180000  }
0x38e: {  	[bflag:$0x0] =	sbarrier.arrive $0xFFFF  }
0x38f: {  	_ =	strace $0x90000047  }
0x390: {  	s0 =	stileid.u32;
	[bflag:$0x2] =	sbarrier.arrive $0xFFFF  }
0x391: {  	p0 =	sne.s32 s0, $0x0;
	s0 =	rddreg [dreg:$0x3]  }
0x392: {  	s0 =	sadd.s32 @!p0 $0x100000, s0  }
0x393: {  	[sflag:s0] =	ssyncadd.tile.s32 @!p0 $0x1;
	_ =	shalt  }
.Lfunc_end2:
_tile_overlayer_lowered:
.L_overlay_start_2:
0x394: {  	(tag) =	ssettag $0x2  }
0x395: {  	s0 =	rddreg [dreg:$0x0];
	s2 =	stileid.u32  }
0x396: {  	s1 =	rddreg [dreg:$0x1];
	p0 =	sne.s32 s2, $0x0  }
0x397: {  	s3 =	rddreg [dreg:$0x2];
	[bflag:$0x3] =	sbarrier.arrive $0xFFFF;
	s2 =	simm.s32 @!p0 $0x1C09  }
0x398: {  	[timem:s3], [sflag:s2] =	dma.local @!p0 [hbm:s0], s1  }
0x399: {  	s0 =	simm.s32 @!p0 $0x9  }
0x39a: {  	_ =	swait.ge @!p0 [sflag:s0], s1  }
0x39b: {  	s1 =	ssub.s32 @!p0 $0x0, s1;
	[sflag:s0] =	ssyncset.done @!p0 $0x0  }
0x39c: {  	[sflag:s0] =	ssyncadd.s32 @!p0 s1  }
0x39d: {  	[bflag:$0x3] =	sbarrier.arrive $0xFFFF  }
0x39e: {  	_ =	shalt  }

</sc_bundles>
